<compile_context>
chip_gen: v7x
topology: tpu7x:2x2x1
jax: 0.10.2.dev20260603
libtpu: 0.0.44.dev20260713+nightly
codegen_flags: <defaults>
</compile_context>

<pallas_src>
import functools

import jax
import jax.numpy as jnp
from jax import lax
from jax.experimental import pallas as pl
from jax.experimental.pallas import tpu as pltpu
from jax.experimental.pallas import tpu_sc as plsc

_N = 10000
_NPAD = 10240
_E = 320000
_NC = 2
_NS = 16
_CHUNK = 128
_CPW = 160
_EPW = _CPW * _CHUNK
_EPAD = _EPW * _NS
_ROWS_PS = _NPAD // _NS
_NBUF = 8
_BLK = 10240


def _sc_mesh():
    return plsc.VectorSubcoreMesh(core_axis_name="c", subcore_axis_name="s")


@functools.lru_cache(maxsize=None)
def _make_scatter(F):
    HF = F // 2

    def body(g_hbm, src_hbm, dst_hbm, out_hbm,
             src_v, dst_v, bufs, semg, sems, acc, gsp):
        cid = lax.axis_index("c")
        sid = lax.axis_index("s")
        slab = pl.ds(sid * _ROWS_PS, _ROWS_PS)
        cols = pl.ds(cid * HF, HF)

        pltpu.async_copy(g_hbm.at[slab, cols], gsp.at[slab], semg[0])
        pltpu.async_copy(g_hbm.at[slab, cols], acc.at[slab], semg[1])
        pltpu.async_copy(src_hbm.at[sid], src_v, semg[2])
        pltpu.async_copy(dst_hbm.at[sid], dst_v, semg[3])
        pltpu.make_async_copy(g_hbm.at[slab, cols], gsp.at[slab], semg[0]).wait()
        pltpu.make_async_copy(g_hbm.at[slab, cols], acc.at[slab], semg[1]).wait()
        pltpu.make_async_copy(src_hbm.at[sid], src_v, semg[2]).wait()
        pltpu.make_async_copy(dst_hbm.at[sid], dst_v, semg[3]).wait()
        plsc.subcore_barrier()

        for b in range(_NBUF):
            pltpu.async_copy(gsp.at[src_v.at[b]], bufs[b], semg[b])

        def step(p, carry):
            base = p * _NBUF
            for b in range(_NBUF):
                j = base + b
                pltpu.make_async_copy(gsp.at[src_v.at[j]], bufs[b],
                                      semg[b]).wait()
                pltpu.async_copy(bufs[b], acc.at[dst_v.at[j]], sems[b],
                                 add=True)
            for b in range(_NBUF):
                j2 = base + _NBUF + b

                @pl.when(j2 < _CPW)
                def _():
                    pltpu.make_async_copy(bufs[b], acc.at[dst_v.at[base + b]],
                                          sems[b]).wait()
                    pltpu.async_copy(gsp.at[src_v.at[j2]], bufs[b], semg[b])

            return carry

        lax.fori_loop(0, _CPW // _NBUF, step, 0)
        for b in range(_NBUF):
            j = _CPW - _NBUF + b
            pltpu.make_async_copy(bufs[b], acc.at[dst_v.at[j]], sems[b]).wait()
        plsc.subcore_barrier()
        pltpu.sync_copy(acc.at[slab], out_hbm.at[slab, cols])

    return pl.kernel(
        body,
        out_type=jax.ShapeDtypeStruct((_NPAD, F), jnp.float32),
        mesh=_sc_mesh(),
        compiler_params=pltpu.CompilerParams(use_tc_tiling_on_sc=False),
        scratch_types=[
            pltpu.VMEM((_CPW, _CHUNK), jnp.int32),
            pltpu.VMEM((_CPW, _CHUNK), jnp.int32),
            [pltpu.VMEM((_CHUNK, HF), jnp.float32) for _ in range(_NBUF)],
            [pltpu.SemaphoreType.DMA for _ in range(_NBUF)],
            [pltpu.SemaphoreType.DMA for _ in range(_NBUF)],
            pltpu.VMEM_SHARED((_NPAD, HF), jnp.float32),
            pltpu.VMEM_SHARED((_NPAD, HF), jnp.float32),
        ],
    )


_CPWD = 80


def _make_deg():

    def body(ones_hbm, z_hbm, dst_hbm, out_hbm, dst_v, ones_v, sem, sem2,
             sem3, acc):
        cid = lax.axis_index("c")
        sid = lax.axis_index("s")
        wid = cid * _NS + sid
        slab = pl.ds(sid * _ROWS_PS, _ROWS_PS)
        pltpu.async_copy(z_hbm.at[slab], acc.at[slab], sem)
        pltpu.async_copy(dst_hbm.at[wid], dst_v, sem2)
        pltpu.async_copy(ones_hbm, ones_v, sem3)
        pltpu.make_async_copy(z_hbm.at[slab], acc.at[slab], sem).wait()
        pltpu.make_async_copy(dst_hbm.at[wid], dst_v, sem2).wait()
        pltpu.make_async_copy(ones_hbm, ones_v, sem3).wait()
        plsc.subcore_barrier()

        def fire(j, carry):
            pltpu.async_copy(ones_v, acc.at[dst_v.at[j]], sem, add=True)
            return carry

        lax.fori_loop(0, _CPWD, fire, 0)

        def drain(j, carry):
            pltpu.make_async_copy(ones_v, acc.at[dst_v.at[j]], sem).wait()
            return carry

        lax.fori_loop(0, _CPWD, drain, 0)
        plsc.subcore_barrier()
        pltpu.sync_copy(acc.at[slab], out_hbm.at[cid, slab])

    return pl.kernel(
        body,
        out_type=jax.ShapeDtypeStruct((_NC, _NPAD, 16), jnp.float32),
        mesh=_sc_mesh(),
        compiler_params=pltpu.CompilerParams(use_tc_tiling_on_sc=False),
        scratch_types=[
            pltpu.VMEM((_CPWD, _CHUNK), jnp.int32),
            pltpu.VMEM((_CHUNK, 16), jnp.float32),
            pltpu.SemaphoreType.DMA,
            pltpu.SemaphoreType.DMA,
            pltpu.SemaphoreType.DMA,
            pltpu.VMEM_SHARED((_NPAD, 16), jnp.float32),
        ],
    )


def _dinv_from(degp_ref):
    deg = degp_ref[0, :, 0:1] + degp_ref[1, :, 0:1] + 1.0
    return lax.rsqrt(deg)


def _first_body(x_ref, w_ref, degp_ref, g_ref):
    dinv = _dinv_from(degp_ref)
    g_ref[...] = dinv * jnp.dot(x_ref[...], w_ref[...],
                                preferred_element_type=jnp.float32)


def _mid2_body(sa_ref, sb_ref, degp_ref, b_ref, wa_ref, wb_ref, g_ref):
    dinv = _dinv_from(degp_ref)
    hw = b_ref.shape[-1] // 2
    aa = jnp.maximum(dinv * sa_ref[...] + b_ref[0:1, :hw], 0.0)
    ab = jnp.maximum(dinv * sb_ref[...] + b_ref[0:1, hw:], 0.0)
    g_ref[...] = dinv * (
        jnp.dot(aa, wa_ref[...], preferred_element_type=jnp.float32)
        + jnp.dot(ab, wb_ref[...], preferred_element_type=jnp.float32))


def _mid_body(s_ref, degp_ref, b_ref, w_ref, g_ref):
    dinv = _dinv_from(degp_ref)
    a = dinv * s_ref[...] + b_ref[0:1, :]
    a = jnp.maximum(a, 0.0)
    g_ref[...] = dinv * jnp.dot(a, w_ref[...], preferred_element_type=jnp.float32)


def _last_body(s_ref, degp_ref, b_ref, o_ref):
    dinv = _dinv_from(degp_ref)
    o_ref[...] = dinv * s_ref[...] + b_ref[0:1, :]


def _row_spec(F):
    return pl.BlockSpec((_BLK, F), lambda i: (i, 0))


def _partials_spec(F):
    return pl.BlockSpec((_NC, _BLK, F), lambda i: (0, i, 0))


def _full_spec(shape):
    nd = len(shape)
    return pl.BlockSpec(shape, lambda i: (0,) * nd)


def _tc_first(x_pad, W, degp):
    return pl.pallas_call(
        _first_body,
        grid=(_NPAD // _BLK,),
        in_specs=[_row_spec(128), _full_spec(W.shape), _partials_spec(16)],
        out_specs=_row_spec(W.shape[1]),
        out_shape=jax.ShapeDtypeStruct((_NPAD, W.shape[1]), jnp.float32),
    )(x_pad, W, degp)


def _tc_mid(s, degp, b8, W):
    F1, F2 = W.shape
    return pl.pallas_call(
        _mid_body,
        grid=(_NPAD // _BLK,),
        in_specs=[_row_spec(F1), _partials_spec(16), _full_spec(b8.shape),
                  _full_spec(W.shape)],
        out_specs=_row_spec(F2),
        out_shape=jax.ShapeDtypeStruct((_NPAD, F2), jnp.float32),
    )(s, degp, b8, W)


def _tc_mid2(sa, sb, degp, b8, Wa, Wb):
    F2 = Wa.shape[1]
    half = sa.shape[-1]
    return pl.pallas_call(
        _mid2_body,
        grid=(_NPAD // _BLK,),
        in_specs=[_row_spec(half), _row_spec(half), _partials_spec(16),
                  _full_spec(b8.shape), _full_spec(Wa.shape), _full_spec(Wb.shape)],
        out_specs=_row_spec(F2),
        out_shape=jax.ShapeDtypeStruct((_NPAD, F2), jnp.float32),
    )(sa, sb, degp, b8, Wa, Wb)


def _tc_last(s, degp, b8):
    F = s.shape[-1]
    return pl.pallas_call(
        _last_body,
        grid=(_NPAD // _BLK,),
        in_specs=[_row_spec(F), _partials_spec(16), _full_spec(b8.shape)],
        out_specs=_row_spec(F),
        out_shape=jax.ShapeDtypeStruct((_NPAD, F), jnp.float32),
    )(s, degp, b8)


def kernel(x, adj_t, W1, b1, W2, b2, W3, b3):
    src = adj_t[0].astype(jnp.int32)
    dst = adj_t[1].astype(jnp.int32)
    pad = _EPAD - _E
    src_flat = jnp.concatenate([src, jnp.zeros((pad,), jnp.int32)])
    dst_flat = jnp.concatenate([dst, jnp.full((pad,), _N, jnp.int32)])
    srcp = src_flat.reshape(_NS, _CPW, _CHUNK)
    dstp = dst_flat.reshape(_NS, _CPW, _CHUNK)
    dstp_deg = dst_flat.reshape(_NC * _NS, _CPWD, _CHUNK)
    x_pad = jnp.pad(x, ((0, _NPAD - _N), (0, 0)))
    ones16 = jnp.ones((_CHUNK, 16), jnp.float32)

    degp = _make_deg()(ones16, jnp.zeros((_NPAD, 16), jnp.float32), dstp_deg)

    g1 = _tc_first(x_pad, W1, degp)
    scat64 = _make_scatter(64)
    s1a = scat64(g1[:, :64], srcp, dstp)
    s1b = scat64(g1[:, 64:], srcp, dstp)

    b1_8 = jnp.tile(b1[None, :], (8, 1))
    g2 = _tc_mid2(s1a, s1b, degp, b1_8, W2[:64], W2[64:])
    s2 = scat64(g2, srcp, dstp)

    W3p = jnp.pad(W3, ((0, 0), (0, 24)))
    b2_8 = jnp.tile(b2[None, :], (8, 1))
    g3 = _tc_mid(s2, degp, b2_8, W3p)
    s3 = scat64(g3, srcp, dstp)

    b3_8 = jnp.tile(jnp.pad(b3, (0, 24))[None, :], (8, 1))
    out = _tc_last(s3, degp, b3_8)
    return out[:_N, :40]

# --- scband reference (transcript-rebuilt; emitter-appended) ---
"""Pipeline reference for scband-gcn-8340826489039 (READ-ONLY COPY).

The authoritative reference and input builder live on the scoring server;
editing this copy changes nothing except your own understanding.
"""

import jax, jax.numpy as jnp
import numpy as np

N_NODES = 10000
N_EDGES = 320000


def _glorot(key, shape):
    fan_in, fan_out = shape[0], shape[1]
    limit = np.sqrt(6.0 / (fan_in + fan_out))
    return jax.random.uniform(key, shape, dtype=jnp.float32, minval=-limit, maxval=limit)


def setup_inputs(seed: int = 0) -> dict:
    key = jax.random.key(seed)
    ks = jax.random.split(key, 8)
    x = jax.random.normal(ks[0], (N_NODES, 128), dtype=jnp.float32)
    edge_index = jax.random.randint(ks[1], (2, N_EDGES), 0, N_NODES, dtype=jnp.int64)
    W1 = _glorot(ks[2], (128, 128))
    b1 = jnp.zeros((128,), dtype=jnp.float32)
    W2 = _glorot(ks[3], (128, 64))
    b2 = jnp.zeros((64,), dtype=jnp.float32)
    W3 = _glorot(ks[4], (64, 40))
    b3 = jnp.zeros((40,), dtype=jnp.float32)
    return {"x": x, "adj_t": edge_index, "W1": W1, "b1": b1, "W2": W2, "b2": b2, "W3": W3, "b3": b3}


def _gcn_conv(x, edge_index, W, b):
    # GCNConv: x' = D^{-1/2} (A + I) D^{-1/2} (x W) + b
    N = x.shape[0]
    loop = jnp.arange(N, dtype=edge_index.dtype)
    src = jnp.concatenate([edge_index[0], loop])
    dst = jnp.concatenate([edge_index[1], loop])
    h = x @ W
    deg = jnp.zeros((N,), dtype=h.dtype).at[dst].add(1.0)
    deg_inv_sqrt = jnp.where(deg > 0, deg ** -0.5, 0.0)
    norm = deg_inv_sqrt[src] * deg_inv_sqrt[dst]
    msg = h[src] * norm[:, None]
    out = jnp.zeros((N, h.shape[1]), dtype=h.dtype).at[dst].add(msg)
    return out + b


def reference(x, adj_t, W1, b1, W2, b2, W3, b3):
    # eval mode: dropout is identity
    h = _gcn_conv(x, adj_t, W1, b1)
    h = jax.nn.relu(h)
    h = _gcn_conv(h, adj_t, W2, b2)
    h = jax.nn.relu(h)
    h = _gcn_conv(h, adj_t, W3, b3)
    return h

if __name__ == "__main__":
    import jax
    _d = setup_inputs()
    print(jax.jit(kernel)(*tuple(_d.values())))

</pallas_src>

<mosaic_0001>
#map = affine_map<(d0, d1) -> (0, 0)>
#map1 = affine_map<(d0, d1) -> (0, 0, 0)>
module attributes {stable_mosaic.version = 14 : i64} {
  func.func @body(%arg0: i32, %arg1: i32, %arg2: memref<10240x64xf32, #tpu.memory_space<hbm>>, %arg3: memref<16x160x128xi32, #tpu.memory_space<hbm>>, %arg4: memref<16x160x128xi32, #tpu.memory_space<hbm>>, %arg5: memref<10240x64xf32, #tpu.memory_space<hbm>>, %arg6: memref<160x128xi32, #tpu.memory_space<vmem>>, %arg7: memref<160x128xi32, #tpu.memory_space<vmem>>, %arg8: memref<128x32xf32, #tpu.memory_space<vmem>>, %arg9: memref<128x32xf32, #tpu.memory_space<vmem>>, %arg10: memref<128x32xf32, #tpu.memory_space<vmem>>, %arg11: memref<128x32xf32, #tpu.memory_space<vmem>>, %arg12: memref<128x32xf32, #tpu.memory_space<vmem>>, %arg13: memref<128x32xf32, #tpu.memory_space<vmem>>, %arg14: memref<128x32xf32, #tpu.memory_space<vmem>>, %arg15: memref<128x32xf32, #tpu.memory_space<vmem>>, %arg16: memref<!tpu.dma_semaphore, #tpu.memory_space<semaphore_mem>>, %arg17: memref<!tpu.dma_semaphore, #tpu.memory_space<semaphore_mem>>, %arg18: memref<!tpu.dma_semaphore, #tpu.memory_space<semaphore_mem>>, %arg19: memref<!tpu.dma_semaphore, #tpu.memory_space<semaphore_mem>>, %arg20: memref<!tpu.dma_semaphore, #tpu.memory_space<semaphore_mem>>, %arg21: memref<!tpu.dma_semaphore, #tpu.memory_space<semaphore_mem>>, %arg22: memref<!tpu.dma_semaphore, #tpu.memory_space<semaphore_mem>>, %arg23: memref<!tpu.dma_semaphore, #tpu.memory_space<semaphore_mem>>, %arg24: memref<!tpu.dma_semaphore, #tpu.memory_space<semaphore_mem>>, %arg25: memref<!tpu.dma_semaphore, #tpu.memory_space<semaphore_mem>>, %arg26: memref<!tpu.dma_semaphore, #tpu.memory_space<semaphore_mem>>, %arg27: memref<!tpu.dma_semaphore, #tpu.memory_space<semaphore_mem>>, %arg28: memref<!tpu.dma_semaphore, #tpu.memory_space<semaphore_mem>>, %arg29: memref<!tpu.dma_semaphore, #tpu.memory_space<semaphore_mem>>, %arg30: memref<!tpu.dma_semaphore, #tpu.memory_space<semaphore_mem>>, %arg31: memref<!tpu.dma_semaphore, #tpu.memory_space<semaphore_mem>>, %arg32: memref<10240x32xf32, #tpu.memory_space<vmem_shared>>, %arg33: memref<10240x32xf32, #tpu.memory_space<vmem_shared>>) attributes {dimension_semantics = [#tpu.dimension_semantics<core_parallel>, #tpu.dimension_semantics<subcore_parallel>], iteration_bounds = array<i64: 2, 16>, scalar_prefetch = 0 : i64, scratch_operands = 28 : i64, tpu.core_type = #tpu.core_type<sc_vector_subcore>, window_params = [{transform_indices = #map}, {transform_indices = #map1}, {transform_indices = #map1}, {transform_indices = #map}]} {
    %mul3A = arith.constant 640 : i32
    %mul3A_0 = arith.muli %arg1, %mul3A : i32
    %mul3A_1 = arith.constant 32 : i32
    %mul3A_2 = arith.muli %arg0, %mul3A_1 : i32
    %dma_start3A = arith.constant 0 : i32
    %dma_start3A_3 = tpu.memref_slice %arg33[%mul3A_0, %dma_start3A] : memref<10240x32xf32, #tpu.memory_space<vmem_shared>> -> memref<640x32xf32, #tpu.memory_space<vmem_shared>>
    %dma_start3A_4 = tpu.memref_slice %arg2[%mul3A_0, %mul3A_2] : memref<10240x64xf32, #tpu.memory_space<hbm>> -> memref<640x32xf32, #tpu.memory_space<hbm>>
    tpu.enqueue_dma source(%dma_start3A_4 : memref<640x32xf32, #tpu.memory_space<hbm>>) target(%dma_start3A_3 : memref<640x32xf32, #tpu.memory_space<vmem_shared>>) target_semaphore(%arg16 : memref<!tpu.dma_semaphore, #tpu.memory_space<semaphore_mem>>)
    %dma_start3A_5 = arith.constant 0 : i32
    %dma_start3A_6 = tpu.memref_slice %arg32[%mul3A_0, %dma_start3A_5] : memref<10240x32xf32, #tpu.memory_space<vmem_shared>> -> memref<640x32xf32, #tpu.memory_space<vmem_shared>>
    %dma_start3A_7 = tpu.memref_slice %arg2[%mul3A_0, %mul3A_2] : memref<10240x64xf32, #tpu.memory_space<hbm>> -> memref<640x32xf32, #tpu.memory_space<hbm>>
    tpu.enqueue_dma source(%dma_start3A_7 : memref<640x32xf32, #tpu.memory_space<hbm>>) target(%dma_start3A_6 : memref<640x32xf32, #tpu.memory_space<vmem_shared>>) target_semaphore(%arg17 : memref<!tpu.dma_semaphore, #tpu.memory_space<semaphore_mem>>)
    %dma_start3A_8 = arith.constant 0 : i32
    %dma_start3A_9 = arith.constant 0 : i32
    %dma_start3A_10 = tpu.memref_slice %arg3[%arg1, %dma_start3A_8, %dma_start3A_9] : memref<16x160x128xi32, #tpu.memory_space<hbm>> -> memref<1x160x128xi32, #tpu.memory_space<hbm>>
    %dma_start3A_11 = tpu.memref_squeeze %dma_start3A_10 : memref<1x160x128xi32, #tpu.memory_space<hbm>> -> memref<160x128xi32, #tpu.memory_space<hbm>>
    %dma_start3A_12 = arith.constant 0 : i32
    %dma_start3A_13 = arith.constant 0 : i32
    %dma_start3A_14 = tpu.memref_slice %arg3[%arg1, %dma_start3A_12, %dma_start3A_13] : memref<16x160x128xi32, #tpu.memory_space<hbm>> -> memref<1x160x128xi32, #tpu.memory_space<hbm>>
    %dma_start3A_15 = tpu.memref_squeeze %dma_start3A_14 : memref<1x160x128xi32, #tpu.memory_space<hbm>> -> memref<160x128xi32, #tpu.memory_space<hbm>>
    tpu.enqueue_dma source(%dma_start3A_15 : memref<160x128xi32, #tpu.memory_space<hbm>>) target(%arg6 : memref<160x128xi32, #tpu.memory_space<vmem>>) target_semaphore(%arg18 : memref<!tpu.dma_semaphore, #tpu.memory_space<semaphore_mem>>)
    %dma_start3A_16 = arith.constant 0 : i32
    %dma_start3A_17 = arith.constant 0 : i32
    %dma_start3A_18 = tpu.memref_slice %arg4[%arg1, %dma_start3A_16, %dma_start3A_17] : memref<16x160x128xi32, #tpu.memory_space<hbm>> -> memref<1x160x128xi32, #tpu.memory_space<hbm>>
    %dma_start3A_19 = tpu.memref_squeeze %dma_start3A_18 : memref<1x160x128xi32, #tpu.memory_space<hbm>> -> memref<160x128xi32, #tpu.memory_space<hbm>>
    %dma_start3A_20 = arith.constant 0 : i32
    %dma_start3A_21 = arith.constant 0 : i32
    %dma_start3A_22 = tpu.memref_slice %arg4[%arg1, %dma_start3A_20, %dma_start3A_21] : memref<16x160x128xi32, #tpu.memory_space<hbm>> -> memref<1x160x128xi32, #tpu.memory_space<hbm>>
    %dma_start3A_23 = tpu.memref_squeeze %dma_start3A_22 : memref<1x160x128xi32, #tpu.memory_space<hbm>> -> memref<160x128xi32, #tpu.memory_space<hbm>>
    tpu.enqueue_dma source(%dma_start3A_23 : memref<160x128xi32, #tpu.memory_space<hbm>>) target(%arg7 : memref<160x128xi32, #tpu.memory_space<vmem>>) target_semaphore(%arg19 : memref<!tpu.dma_semaphore, #tpu.memory_space<semaphore_mem>>)
    %dma_wait3A = arith.constant 0 : i32
    %dma_wait3A_24 = tpu.memref_slice %arg33[%mul3A_0, %dma_wait3A] : memref<10240x32xf32, #tpu.memory_space<vmem_shared>> -> memref<640x32xf32, #tpu.memory_space<vmem_shared>>
    %dma_wait3A_25 = tpu.memref_slice %arg2[%mul3A_0, %mul3A_2] : memref<10240x64xf32, #tpu.memory_space<hbm>> -> memref<640x32xf32, #tpu.memory_space<hbm>>
    tpu.wait_dma2 semaphore(%arg16 : memref<!tpu.dma_semaphore, #tpu.memory_space<semaphore_mem>>) src(%dma_wait3A_25 : memref<640x32xf32, #tpu.memory_space<hbm>>) dst(%dma_wait3A_24 : memref<640x32xf32, #tpu.memory_space<vmem_shared>>)
    %dma_wait3A_26 = arith.constant 0 : i32
    %dma_wait3A_27 = tpu.memref_slice %arg32[%mul3A_0, %dma_wait3A_26] : memref<10240x32xf32, #tpu.memory_space<vmem_shared>> -> memref<640x32xf32, #tpu.memory_space<vmem_shared>>
    %dma_wait3A_28 = tpu.memref_slice %arg2[%mul3A_0, %mul3A_2] : memref<10240x64xf32, #tpu.memory_space<hbm>> -> memref<640x32xf32, #tpu.memory_space<hbm>>
    tpu.wait_dma2 semaphore(%arg17 : memref<!tpu.dma_semaphore, #tpu.memory_space<semaphore_mem>>) src(%dma_wait3A_28 : memref<640x32xf32, #tpu.memory_space<hbm>>) dst(%dma_wait3A_27 : memref<640x32xf32, #tpu.memory_space<vmem_shared>>)
    %dma_wait3A_29 = arith.constant 0 : i32
    %dma_wait3A_30 = arith.constant 0 : i32
    %dma_wait3A_31 = tpu.memref_slice %arg3[%arg1, %dma_wait3A_29, %dma_wait3A_30] : memref<16x160x128xi32, #tpu.memory_space<hbm>> -> memref<1x160x128xi32, #tpu.memory_space<hbm>>
    %dma_wait3A_32 = tpu.memref_squeeze %dma_wait3A_31 : memref<1x160x128xi32, #tpu.memory_space<hbm>> -> memref<160x128xi32, #tpu.memory_space<hbm>>
    %dma_wait3A_33 = arith.constant 0 : i32
    %dma_wait3A_34 = arith.constant 0 : i32
    %dma_wait3A_35 = tpu.memref_slice %arg3[%arg1, %dma_wait3A_33, %dma_wait3A_34] : memref<16x160x128xi32, #tpu.memory_space<hbm>> -> memref<1x160x128xi32, #tpu.memory_space<hbm>>
    %dma_wait3A_36 = tpu.memref_squeeze %dma_wait3A_35 : memref<1x160x128xi32, #tpu.memory_space<hbm>> -> memref<160x128xi32, #tpu.memory_space<hbm>>
    tpu.wait_dma2 semaphore(%arg18 : memref<!tpu.dma_semaphore, #tpu.memory_space<semaphore_mem>>) src(%dma_wait3A_36 : memref<160x128xi32, #tpu.memory_space<hbm>>) dst(%arg6 : memref<160x128xi32, #tpu.memory_space<vmem>>)
    %dma_wait3A_37 = arith.constant 0 : i32
    %dma_wait3A_38 = arith.constant 0 : i32
    %dma_wait3A_39 = tpu.memref_slice %arg4[%arg1, %dma_wait3A_37, %dma_wait3A_38] : memref<16x160x128xi32, #tpu.memory_space<hbm>> -> memref<1x160x128xi32, #tpu.memory_space<hbm>>
    %dma_wait3A_40 = tpu.memref_squeeze %dma_wait3A_39 : memref<1x160x128xi32, #tpu.memory_space<hbm>> -> memref<160x128xi32, #tpu.memory_space<hbm>>
    %dma_wait3A_41 = arith.constant 0 : i32
    %dma_wait3A_42 = arith.constant 0 : i32
    %dma_wait3A_43 = tpu.memref_slice %arg4[%arg1, %dma_wait3A_41, %dma_wait3A_42] : memref<16x160x128xi32, #tpu.memory_space<hbm>> -> memref<1x160x128xi32, #tpu.memory_space<hbm>>
    %dma_wait3A_44 = tpu.memref_squeeze %dma_wait3A_43 : memref<1x160x128xi32, #tpu.memory_space<hbm>> -> memref<160x128xi32, #tpu.memory_space<hbm>>
    tpu.wait_dma2 semaphore(%arg19 : memref<!tpu.dma_semaphore, #tpu.memory_space<semaphore_mem>>) src(%dma_wait3A_44 : memref<160x128xi32, #tpu.memory_space<hbm>>) dst(%arg7 : memref<160x128xi32, #tpu.memory_space<vmem>>)
    %barrier3A = arith.constant 0 : index
    tpu.barrier barrier_id(%barrier3A)
    %dma_start3A_45 = arith.constant 0 : i32
    %dma_start3A_46 = arith.constant 0 : i32
    %dma_start3A_47 = tpu.memref_slice %arg6[%dma_start3A_45, %dma_start3A_46] : memref<160x128xi32, #tpu.memory_space<vmem>> -> memref<1x128xi32, #tpu.memory_space<vmem>>
    %dma_start3A_48 = tpu.memref_squeeze %dma_start3A_47 : memref<1x128xi32, #tpu.memory_space<vmem>> -> memref<128xi32, #tpu.memory_space<vmem>>
    %dma_start3A_49 = arith.constant 0 : i32
    %dma_start3A_50 = arith.constant 0 : i32
    %dma_start3A_51 = tpu.memref_slice %arg33[%dma_start3A_49, %dma_start3A_50] : memref<10240x32xf32, #tpu.memory_space<vmem_shared>> -> memref<10240x32xf32, #tpu.memory_space<vmem_shared>>
    tpu.enqueue_indirect_dma source(%dma_start3A_51 : memref<10240x32xf32, #tpu.memory_space<vmem_shared>>) target(%arg8 : memref<128x32xf32, #tpu.memory_space<vmem>>) offsets(%dma_start3A_48 : memref<128xi32, #tpu.memory_space<vmem>>) semaphore(%arg16 : memref<!tpu.dma_semaphore, #tpu.memory_space<semaphore_mem>>)
    %dma_start3A_52 = arith.constant 1 : i32
    %dma_start3A_53 = arith.constant 0 : i32
    %dma_start3A_54 = tpu.memref_slice %arg6[%dma_start3A_52, %dma_start3A_53] : memref<160x128xi32, #tpu.memory_space<vmem>> -> memref<1x128xi32, #tpu.memory_space<vmem>>
    %dma_start3A_55 = tpu.memref_squeeze %dma_start3A_54 : memref<1x128xi32, #tpu.memory_space<vmem>> -> memref<128xi32, #tpu.memory_space<vmem>>
    %dma_start3A_56 = arith.constant 0 : i32
    %dma_start3A_57 = arith.constant 0 : i32
    %dma_start3A_58 = tpu.memref_slice %arg33[%dma_start3A_56, %dma_start3A_57] : memref<10240x32xf32, #tpu.memory_space<vmem_shared>> -> memref<10240x32xf32, #tpu.memory_space<vmem_shared>>
    tpu.enqueue_indirect_dma source(%dma_start3A_58 : memref<10240x32xf32, #tpu.memory_space<vmem_shared>>) target(%arg9 : memref<128x32xf32, #tpu.memory_space<vmem>>) offsets(%dma_start3A_55 : memref<128xi32, #tpu.memory_space<vmem>>) semaphore(%arg17 : memref<!tpu.dma_semaphore, #tpu.memory_space<semaphore_mem>>)
    %dma_start3A_59 = arith.constant 2 : i32
    %dma_start3A_60 = arith.constant 0 : i32
    %dma_start3A_61 = tpu.memref_slice %arg6[%dma_start3A_59, %dma_start3A_60] : memref<160x128xi32, #tpu.memory_space<vmem>> -> memref<1x128xi32, #tpu.memory_space<vmem>>
    %dma_start3A_62 = tpu.memref_squeeze %dma_start3A_61 : memref<1x128xi32, #tpu.memory_space<vmem>> -> memref<128xi32, #tpu.memory_space<vmem>>
    %dma_start3A_63 = arith.constant 0 : i32
    %dma_start3A_64 = arith.constant 0 : i32
    %dma_start3A_65 = tpu.memref_slice %arg33[%dma_start3A_63, %dma_start3A_64] : memref<10240x32xf32, #tpu.memory_space<vmem_shared>> -> memref<10240x32xf32, #tpu.memory_space<vmem_shared>>
    tpu.enqueue_indirect_dma source(%dma_start3A_65 : memref<10240x32xf32, #tpu.memory_space<vmem_shared>>) target(%arg10 : memref<128x32xf32, #tpu.memory_space<vmem>>) offsets(%dma_start3A_62 : memref<128xi32, #tpu.memory_space<vmem>>) semaphore(%arg18 : memref<!tpu.dma_semaphore, #tpu.memory_space<semaphore_mem>>)
    %dma_start3A_66 = arith.constant 3 : i32
    %dma_start3A_67 = arith.constant 0 : i32
    %dma_start3A_68 = tpu.memref_slice %arg6[%dma_start3A_66, %dma_start3A_67] : memref<160x128xi32, #tpu.memory_space<vmem>> -> memref<1x128xi32, #tpu.memory_space<vmem>>
    %dma_start3A_69 = tpu.memref_squeeze %dma_start3A_68 : memref<1x128xi32, #tpu.memory_space<vmem>> -> memref<128xi32, #tpu.memory_space<vmem>>
    %dma_start3A_70 = arith.constant 0 : i32
    %dma_start3A_71 = arith.constant 0 : i32
    %dma_start3A_72 = tpu.memref_slice %arg33[%dma_start3A_70, %dma_start3A_71] : memref<10240x32xf32, #tpu.memory_space<vmem_shared>> -> memref<10240x32xf32, #tpu.memory_space<vmem_shared>>
    tpu.enqueue_indirect_dma source(%dma_start3A_72 : memref<10240x32xf32, #tpu.memory_space<vmem_shared>>) target(%arg11 : memref<128x32xf32, #tpu.memory_space<vmem>>) offsets(%dma_start3A_69 : memref<128xi32, #tpu.memory_space<vmem>>) semaphore(%arg19 : memref<!tpu.dma_semaphore, #tpu.memory_space<semaphore_mem>>)
    %dma_start3A_73 = arith.constant 4 : i32
    %dma_start3A_74 = arith.constant 0 : i32
    %dma_start3A_75 = tpu.memref_slice %arg6[%dma_start3A_73, %dma_start3A_74] : memref<160x128xi32, #tpu.memory_space<vmem>> -> memref<1x128xi32, #tpu.memory_space<vmem>>
    %dma_start3A_76 = tpu.memref_squeeze %dma_start3A_75 : memref<1x128xi32, #tpu.memory_space<vmem>> -> memref<128xi32, #tpu.memory_space<vmem>>
    %dma_start3A_77 = arith.constant 0 : i32
    %dma_start3A_78 = arith.constant 0 : i32
    %dma_start3A_79 = tpu.memref_slice %arg33[%dma_start3A_77, %dma_start3A_78] : memref<10240x32xf32, #tpu.memory_space<vmem_shared>> -> memref<10240x32xf32, #tpu.memory_space<vmem_shared>>
    tpu.enqueue_indirect_dma source(%dma_start3A_79 : memref<10240x32xf32, #tpu.memory_space<vmem_shared>>) target(%arg12 : memref<128x32xf32, #tpu.memory_space<vmem>>) offsets(%dma_start3A_76 : memref<128xi32, #tpu.memory_space<vmem>>) semaphore(%arg20 : memref<!tpu.dma_semaphore, #tpu.memory_space<semaphore_mem>>)
    %dma_start3A_80 = arith.constant 5 : i32
    %dma_start3A_81 = arith.constant 0 : i32
    %dma_start3A_82 = tpu.memref_slice %arg6[%dma_start3A_80, %dma_start3A_81] : memref<160x128xi32, #tpu.memory_space<vmem>> -> memref<1x128xi32, #tpu.memory_space<vmem>>
    %dma_start3A_83 = tpu.memref_squeeze %dma_start3A_82 : memref<1x128xi32, #tpu.memory_space<vmem>> -> memref<128xi32, #tpu.memory_space<vmem>>
    %dma_start3A_84 = arith.constant 0 : i32
    %dma_start3A_85 = arith.constant 0 : i32
    %dma_start3A_86 = tpu.memref_slice %arg33[%dma_start3A_84, %dma_start3A_85] : memref<10240x32xf32, #tpu.memory_space<vmem_shared>> -> memref<10240x32xf32, #tpu.memory_space<vmem_shared>>
    tpu.enqueue_indirect_dma source(%dma_start3A_86 : memref<10240x32xf32, #tpu.memory_space<vmem_shared>>) target(%arg13 : memref<128x32xf32, #tpu.memory_space<vmem>>) offsets(%dma_start3A_83 : memref<128xi32, #tpu.memory_space<vmem>>) semaphore(%arg21 : memref<!tpu.dma_semaphore, #tpu.memory_space<semaphore_mem>>)
    %dma_start3A_87 = arith.constant 6 : i32
    %dma_start3A_88 = arith.constant 0 : i32
    %dma_start3A_89 = tpu.memref_slice %arg6[%dma_start3A_87, %dma_start3A_88] : memref<160x128xi32, #tpu.memory_space<vmem>> -> memref<1x128xi32, #tpu.memory_space<vmem>>
    %dma_start3A_90 = tpu.memref_squeeze %dma_start3A_89 : memref<1x128xi32, #tpu.memory_space<vmem>> -> memref<128xi32, #tpu.memory_space<vmem>>
    %dma_start3A_91 = arith.constant 0 : i32
    %dma_start3A_92 = arith.constant 0 : i32
    %dma_start3A_93 = tpu.memref_slice %arg33[%dma_start3A_91, %dma_start3A_92] : memref<10240x32xf32, #tpu.memory_space<vmem_shared>> -> memref<10240x32xf32, #tpu.memory_space<vmem_shared>>
    tpu.enqueue_indirect_dma source(%dma_start3A_93 : memref<10240x32xf32, #tpu.memory_space<vmem_shared>>) target(%arg14 : memref<128x32xf32, #tpu.memory_space<vmem>>) offsets(%dma_start3A_90 : memref<128xi32, #tpu.memory_space<vmem>>) semaphore(%arg22 : memref<!tpu.dma_semaphore, #tpu.memory_space<semaphore_mem>>)
    %dma_start3A_94 = arith.constant 7 : i32
    %dma_start3A_95 = arith.constant 0 : i32
    %dma_start3A_96 = tpu.memref_slice %arg6[%dma_start3A_94, %dma_start3A_95] : memref<160x128xi32, #tpu.memory_space<vmem>> -> memref<1x128xi32, #tpu.memory_space<vmem>>
    %dma_start3A_97 = tpu.memref_squeeze %dma_start3A_96 : memref<1x128xi32, #tpu.memory_space<vmem>> -> memref<128xi32, #tpu.memory_space<vmem>>
    %dma_start3A_98 = arith.constant 0 : i32
    %dma_start3A_99 = arith.constant 0 : i32
    %dma_start3A_100 = tpu.memref_slice %arg33[%dma_start3A_98, %dma_start3A_99] : memref<10240x32xf32, #tpu.memory_space<vmem_shared>> -> memref<10240x32xf32, #tpu.memory_space<vmem_shared>>
    tpu.enqueue_indirect_dma source(%dma_start3A_100 : memref<10240x32xf32, #tpu.memory_space<vmem_shared>>) target(%arg15 : memref<128x32xf32, #tpu.memory_space<vmem>>) offsets(%dma_start3A_97 : memref<128xi32, #tpu.memory_space<vmem>>) semaphore(%arg23 : memref<!tpu.dma_semaphore, #tpu.memory_space<semaphore_mem>>)
    %scan3A = arith.constant 0 : i32
    %scan3A_101 = arith.constant 0 : i32
    %scan3A_102 = arith.constant 20 : i32
    %scan3A_103 = arith.addi %scan3A_101, %scan3A_102 : i32
    %scan3A_104 = arith.constant 1 : i32
    scf.for %scan3A_163 = %scan3A_101 to %scan3A_103 step %scan3A_104  : i32 {
      %mul3A_164 = arith.constant 8 : i32
      %mul3A_165 = arith.muli %scan3A_163, %mul3A_164 : i32
      %add3A = arith.constant 0 : i32
      %add3A_166 = arith.addi %mul3A_165, %add3A : i32
      %dma_wait3A_167 = arith.constant 0 : i32
      %dma_wait3A_168 = tpu.memref_slice %arg6[%add3A_166, %dma_wait3A_167] : memref<160x128xi32, #tpu.memory_space<vmem>> -> memref<1x128xi32, #tpu.memory_space<vmem>>
      %dma_wait3A_169 = tpu.memref_squeeze %dma_wait3A_168 : memref<1x128xi32, #tpu.memory_space<vmem>> -> memref<128xi32, #tpu.memory_space<vmem>>
      %dma_wait3A_170 = arith.constant 0 : i32
      %dma_wait3A_171 = arith.constant 0 : i32
      %dma_wait3A_172 = tpu.memref_slice %arg33[%dma_wait3A_170, %dma_wait3A_171] : memref<10240x32xf32, #tpu.memory_space<vmem_shared>> -> memref<10240x32xf32, #tpu.memory_space<vmem_shared>>
      tpu.wait_indirect_dma semaphore(%arg16 : memref<!tpu.dma_semaphore, #tpu.memory_space<semaphore_mem>>) src(%dma_wait3A_172 : memref<10240x32xf32, #tpu.memory_space<vmem_shared>>) dst(%arg8 : memref<128x32xf32, #tpu.memory_space<vmem>>)
      %dma_start3A_173 = arith.constant 0 : i32
      %dma_start3A_174 = tpu.memref_slice %arg7[%add3A_166, %dma_start3A_173] : memref<160x128xi32, #tpu.memory_space<vmem>> -> memref<1x128xi32, #tpu.memory_space<vmem>>
      %dma_start3A_175 = tpu.memref_squeeze %dma_start3A_174 : memref<1x128xi32, #tpu.memory_space<vmem>> -> memref<128xi32, #tpu.memory_space<vmem>>
      %dma_start3A_176 = arith.constant 0 : i32
      %dma_start3A_177 = arith.constant 0 : i32
      %dma_start3A_178 = tpu.memref_slice %arg32[%dma_start3A_176, %dma_start3A_177] : memref<10240x32xf32, #tpu.memory_space<vmem_shared>> -> memref<10240x32xf32, #tpu.memory_space<vmem_shared>>
      tpu.enqueue_indirect_dma source(%arg8 : memref<128x32xf32, #tpu.memory_space<vmem>>) target(%dma_start3A_178 : memref<10240x32xf32, #tpu.memory_space<vmem_shared>>) offsets(%dma_start3A_175 : memref<128xi32, #tpu.memory_space<vmem>>) semaphore(%arg24 : memref<!tpu.dma_semaphore, #tpu.memory_space<semaphore_mem>>) {add = true}
      %add3A_179 = arith.constant 1 : i32
      %add3A_180 = arith.addi %mul3A_165, %add3A_179 : i32
      %dma_wait3A_181 = arith.constant 0 : i32
      %dma_wait3A_182 = tpu.memref_slice %arg6[%add3A_180, %dma_wait3A_181] : memref<160x128xi32, #tpu.memory_space<vmem>> -> memref<1x128xi32, #tpu.memory_space<vmem>>
      %dma_wait3A_183 = tpu.memref_squeeze %dma_wait3A_182 : memref<1x128xi32, #tpu.memory_space<vmem>> -> memref<128xi32, #tpu.memory_space<vmem>>
      %dma_wait3A_184 = arith.constant 0 : i32
      %dma_wait3A_185 = arith.constant 0 : i32
      %dma_wait3A_186 = tpu.memref_slice %arg33[%dma_wait3A_184, %dma_wait3A_185] : memref<10240x32xf32, #tpu.memory_space<vmem_shared>> -> memref<10240x32xf32, #tpu.memory_space<vmem_shared>>
      tpu.wait_indirect_dma semaphore(%arg17 : memref<!tpu.dma_semaphore, #tpu.memory_space<semaphore_mem>>) src(%dma_wait3A_186 : memref<10240x32xf32, #tpu.memory_space<vmem_shared>>) dst(%arg9 : memref<128x32xf32, #tpu.memory_space<vmem>>)
      %dma_start3A_187 = arith.constant 0 : i32
      %dma_start3A_188 = tpu.memref_slice %arg7[%add3A_180, %dma_start3A_187] : memref<160x128xi32, #tpu.memory_space<vmem>> -> memref<1x128xi32, #tpu.memory_space<vmem>>
      %dma_start3A_189 = tpu.memref_squeeze %dma_start3A_188 : memref<1x128xi32, #tpu.memory_space<vmem>> -> memref<128xi32, #tpu.memory_space<vmem>>
      %dma_start3A_190 = arith.constant 0 : i32
      %dma_start3A_191 = arith.constant 0 : i32
      %dma_start3A_192 = tpu.memref_slice %arg32[%dma_start3A_190, %dma_start3A_191] : memref<10240x32xf32, #tpu.memory_space<vmem_shared>> -> memref<10240x32xf32, #tpu.memory_space<vmem_shared>>
      tpu.enqueue_indirect_dma source(%arg9 : memref<128x32xf32, #tpu.memory_space<vmem>>) target(%dma_start3A_192 : memref<10240x32xf32, #tpu.memory_space<vmem_shared>>) offsets(%dma_start3A_189 : memref<128xi32, #tpu.memory_space<vmem>>) semaphore(%arg25 : memref<!tpu.dma_semaphore, #tpu.memory_space<semaphore_mem>>) {add = true}
      %add3A_193 = arith.constant 2 : i32
      %add3A_194 = arith.addi %mul3A_165, %add3A_193 : i32
      %dma_wait3A_195 = arith.constant 0 : i32
      %dma_wait3A_196 = tpu.memref_slice %arg6[%add3A_194, %dma_wait3A_195] : memref<160x128xi32, #tpu.memory_space<vmem>> -> memref<1x128xi32, #tpu.memory_space<vmem>>
      %dma_wait3A_197 = tpu.memref_squeeze %dma_wait3A_196 : memref<1x128xi32, #tpu.memory_space<vmem>> -> memref<128xi32, #tpu.memory_space<vmem>>
      %dma_wait3A_198 = arith.constant 0 : i32
      %dma_wait3A_199 = arith.constant 0 : i32
      %dma_wait3A_200 = tpu.memref_slice %arg33[%dma_wait3A_198, %dma_wait3A_199] : memref<10240x32xf32, #tpu.memory_space<vmem_shared>> -> memref<10240x32xf32, #tpu.memory_space<vmem_shared>>
      tpu.wait_indirect_dma semaphore(%arg18 : memref<!tpu.dma_semaphore, #tpu.memory_space<semaphore_mem>>) src(%dma_wait3A_200 : memref<10240x32xf32, #tpu.memory_space<vmem_shared>>) dst(%arg10 : memref<128x32xf32, #tpu.memory_space<vmem>>)
      %dma_start3A_201 = arith.constant 0 : i32
      %dma_start3A_202 = tpu.memref_slice %arg7[%add3A_194, %dma_start3A_201] : memref<160x128xi32, #tpu.memory_space<vmem>> -> memref<1x128xi32, #tpu.memory_space<vmem>>
      %dma_start3A_203 = tpu.memref_squeeze %dma_start3A_202 : memref<1x128xi32, #tpu.memory_space<vmem>> -> memref<128xi32, #tpu.memory_space<vmem>>
      %dma_start3A_204 = arith.constant 0 : i32
      %dma_start3A_205 = arith.constant 0 : i32
      %dma_start3A_206 = tpu.memref_slice %arg32[%dma_start3A_204, %dma_start3A_205] : memref<10240x32xf32, #tpu.memory_space<vmem_shared>> -> memref<10240x32xf32, #tpu.memory_space<vmem_shared>>
      tpu.enqueue_indirect_dma source(%arg10 : memref<128x32xf32, #tpu.memory_space<vmem>>) target(%dma_start3A_206 : memref<10240x32xf32, #tpu.memory_space<vmem_shared>>) offsets(%dma_start3A_203 : memref<128xi32, #tpu.memory_space<vmem>>) semaphore(%arg26 : memref<!tpu.dma_semaphore, #tpu.memory_space<semaphore_mem>>) {add = true}
      %add3A_207 = arith.constant 3 : i32
      %add3A_208 = arith.addi %mul3A_165, %add3A_207 : i32
      %dma_wait3A_209 = arith.constant 0 : i32
      %dma_wait3A_210 = tpu.memref_slice %arg6[%add3A_208, %dma_wait3A_209] : memref<160x128xi32, #tpu.memory_space<vmem>> -> memref<1x128xi32, #tpu.memory_space<vmem>>
      %dma_wait3A_211 = tpu.memref_squeeze %dma_wait3A_210 : memref<1x128xi32, #tpu.memory_space<vmem>> -> memref<128xi32, #tpu.memory_space<vmem>>
      %dma_wait3A_212 = arith.constant 0 : i32
      %dma_wait3A_213 = arith.constant 0 : i32
      %dma_wait3A_214 = tpu.memref_slice %arg33[%dma_wait3A_212, %dma_wait3A_213] : memref<10240x32xf32, #tpu.memory_space<vmem_shared>> -> memref<10240x32xf32, #tpu.memory_space<vmem_shared>>
      tpu.wait_indirect_dma semaphore(%arg19 : memref<!tpu.dma_semaphore, #tpu.memory_space<semaphore_mem>>) src(%dma_wait3A_214 : memref<10240x32xf32, #tpu.memory_space<vmem_shared>>) dst(%arg11 : memref<128x32xf32, #tpu.memory_space<vmem>>)
      %dma_start3A_215 = arith.constant 0 : i32
      %dma_start3A_216 = tpu.memref_slice %arg7[%add3A_208, %dma_start3A_215] : memref<160x128xi32, #tpu.memory_space<vmem>> -> memref<1x128xi32, #tpu.memory_space<vmem>>
      %dma_start3A_217 = tpu.memref_squeeze %dma_start3A_216 : memref<1x128xi32, #tpu.memory_space<vmem>> -> memref<128xi32, #tpu.memory_space<vmem>>
      %dma_start3A_218 = arith.constant 0 : i32
      %dma_start3A_219 = arith.constant 0 : i32
      %dma_start3A_220 = tpu.memref_slice %arg32[%dma_start3A_218, %dma_start3A_219] : memref<10240x32xf32, #tpu.memory_space<vmem_shared>> -> memref<10240x32xf32, #tpu.memory_space<vmem_shared>>
      tpu.enqueue_indirect_dma source(%arg11 : memref<128x32xf32, #tpu.memory_space<vmem>>) target(%dma_start3A_220 : memref<10240x32xf32, #tpu.memory_space<vmem_shared>>) offsets(%dma_start3A_217 : memref<128xi32, #tpu.memory_space<vmem>>) semaphore(%arg27 : memref<!tpu.dma_semaphore, #tpu.memory_space<semaphore_mem>>) {add = true}
      %add3A_221 = arith.constant 4 : i32
      %add3A_222 = arith.addi %mul3A_165, %add3A_221 : i32
      %dma_wait3A_223 = arith.constant 0 : i32
      %dma_wait3A_224 = tpu.memref_slice %arg6[%add3A_222, %dma_wait3A_223] : memref<160x128xi32, #tpu.memory_space<vmem>> -> memref<1x128xi32, #tpu.memory_space<vmem>>
      %dma_wait3A_225 = tpu.memref_squeeze %dma_wait3A_224 : memref<1x128xi32, #tpu.memory_space<vmem>> -> memref<128xi32, #tpu.memory_space<vmem>>
      %dma_wait3A_226 = arith.constant 0 : i32
      %dma_wait3A_227 = arith.constant 0 : i32
      %dma_wait3A_228 = tpu.memref_slice %arg33[%dma_wait3A_226, %dma_wait3A_227] : memref<10240x32xf32, #tpu.memory_space<vmem_shared>> -> memref<10240x32xf32, #tpu.memory_space<vmem_shared>>
      tpu.wait_indirect_dma semaphore(%arg20 : memref<!tpu.dma_semaphore, #tpu.memory_space<semaphore_mem>>) src(%dma_wait3A_228 : memref<10240x32xf32, #tpu.memory_space<vmem_shared>>) dst(%arg12 : memref<128x32xf32, #tpu.memory_space<vmem>>)
      %dma_start3A_229 = arith.constant 0 : i32
      %dma_start3A_230 = tpu.memref_slice %arg7[%add3A_222, %dma_start3A_229] : memref<160x128xi32, #tpu.memory_space<vmem>> -> memref<1x128xi32, #tpu.memory_space<vmem>>
      %dma_start3A_231 = tpu.memref_squeeze %dma_start3A_230 : memref<1x128xi32, #tpu.memory_space<vmem>> -> memref<128xi32, #tpu.memory_space<vmem>>
      %dma_start3A_232 = arith.constant 0 : i32
      %dma_start3A_233 = arith.constant 0 : i32
      %dma_start3A_234 = tpu.memref_slice %arg32[%dma_start3A_232, %dma_start3A_233] : memref<10240x32xf32, #tpu.memory_space<vmem_shared>> -> memref<10240x32xf32, #tpu.memory_space<vmem_shared>>
      tpu.enqueue_indirect_dma source(%arg12 : memref<128x32xf32, #tpu.memory_space<vmem>>) target(%dma_start3A_234 : memref<10240x32xf32, #tpu.memory_space<vmem_shared>>) offsets(%dma_start3A_231 : memref<128xi32, #tpu.memory_space<vmem>>) semaphore(%arg28 : memref<!tpu.dma_semaphore, #tpu.memory_space<semaphore_mem>>) {add = true}
      %add3A_235 = arith.constant 5 : i32
      %add3A_236 = arith.addi %mul3A_165, %add3A_235 : i32
      %dma_wait3A_237 = arith.constant 0 : i32
      %dma_wait3A_238 = tpu.memref_slice %arg6[%add3A_236, %dma_wait3A_237] : memref<160x128xi32, #tpu.memory_space<vmem>> -> memref<1x128xi32, #tpu.memory_space<vmem>>
      %dma_wait3A_239 = tpu.memref_squeeze %dma_wait3A_238 : memref<1x128xi32, #tpu.memory_space<vmem>> -> memref<128xi32, #tpu.memory_space<vmem>>
      %dma_wait3A_240 = arith.constant 0 : i32
      %dma_wait3A_241 = arith.constant 0 : i32
      %dma_wait3A_242 = tpu.memref_slice %arg33[%dma_wait3A_240, %dma_wait3A_241] : memref<10240x32xf32, #tpu.memory_space<vmem_shared>> -> memref<10240x32xf32, #tpu.memory_space<vmem_shared>>
      tpu.wait_indirect_dma semaphore(%arg21 : memref<!tpu.dma_semaphore, #tpu.memory_space<semaphore_mem>>) src(%dma_wait3A_242 : memref<10240x32xf32, #tpu.memory_space<vmem_shared>>) dst(%arg13 : memref<128x32xf32, #tpu.memory_space<vmem>>)
      %dma_start3A_243 = arith.constant 0 : i32
      %dma_start3A_244 = tpu.memref_slice %arg7[%add3A_236, %dma_start3A_243] : memref<160x128xi32, #tpu.memory_space<vmem>> -> memref<1x128xi32, #tpu.memory_space<vmem>>
      %dma_start3A_245 = tpu.memref_squeeze %dma_start3A_244 : memref<1x128xi32, #tpu.memory_space<vmem>> -> memref<128xi32, #tpu.memory_space<vmem>>
      %dma_start3A_246 = arith.constant 0 : i32
      %dma_start3A_247 = arith.constant 0 : i32
      %dma_start3A_248 = tpu.memref_slice %arg32[%dma_start3A_246, %dma_start3A_247] : memref<10240x32xf32, #tpu.memory_space<vmem_shared>> -> memref<10240x32xf32, #tpu.memory_space<vmem_shared>>
      tpu.enqueue_indirect_dma source(%arg13 : memref<128x32xf32, #tpu.memory_space<vmem>>) target(%dma_start3A_248 : memref<10240x32xf32, #tpu.memory_space<vmem_shared>>) offsets(%dma_start3A_245 : memref<128xi32, #tpu.memory_space<vmem>>) semaphore(%arg29 : memref<!tpu.dma_semaphore, #tpu.memory_space<semaphore_mem>>) {add = true}
      %add3A_249 = arith.constant 6 : i32
      %add3A_250 = arith.addi %mul3A_165, %add3A_249 : i32
      %dma_wait3A_251 = arith.constant 0 : i32
      %dma_wait3A_252 = tpu.memref_slice %arg6[%add3A_250, %dma_wait3A_251] : memref<160x128xi32, #tpu.memory_space<vmem>> -> memref<1x128xi32, #tpu.memory_space<vmem>>
      %dma_wait3A_253 = tpu.memref_squeeze %dma_wait3A_252 : memref<1x128xi32, #tpu.memory_space<vmem>> -> memref<128xi32, #tpu.memory_space<vmem>>
      %dma_wait3A_254 = arith.constant 0 : i32
      %dma_wait3A_255 = arith.constant 0 : i32
      %dma_wait3A_256 = tpu.memref_slice %arg33[%dma_wait3A_254, %dma_wait3A_255] : memref<10240x32xf32, #tpu.memory_space<vmem_shared>> -> memref<10240x32xf32, #tpu.memory_space<vmem_shared>>
      tpu.wait_indirect_dma semaphore(%arg22 : memref<!tpu.dma_semaphore, #tpu.memory_space<semaphore_mem>>) src(%dma_wait3A_256 : memref<10240x32xf32, #tpu.memory_space<vmem_shared>>) dst(%arg14 : memref<128x32xf32, #tpu.memory_space<vmem>>)
      %dma_start3A_257 = arith.constant 0 : i32
      %dma_start3A_258 = tpu.memref_slice %arg7[%add3A_250, %dma_start3A_257] : memref<160x128xi32, #tpu.memory_space<vmem>> -> memref<1x128xi32, #tpu.memory_space<vmem>>
      %dma_start3A_259 = tpu.memref_squeeze %dma_start3A_258 : memref<1x128xi32, #tpu.memory_space<vmem>> -> memref<128xi32, #tpu.memory_space<vmem>>
      %dma_start3A_260 = arith.constant 0 : i32
      %dma_start3A_261 = arith.constant 0 : i32
      %dma_start3A_262 = tpu.memref_slice %arg32[%dma_start3A_260, %dma_start3A_261] : memref<10240x32xf32, #tpu.memory_space<vmem_shared>> -> memref<10240x32xf32, #tpu.memory_space<vmem_shared>>
      tpu.enqueue_indirect_dma source(%arg14 : memref<128x32xf32, #tpu.memory_space<vmem>>) target(%dma_start3A_262 : memref<10240x32xf32, #tpu.memory_space<vmem_shared>>) offsets(%dma_start3A_259 : memref<128xi32, #tpu.memory_space<vmem>>) semaphore(%arg30 : memref<!tpu.dma_semaphore, #tpu.memory_space<semaphore_mem>>) {add = true}
      %add3A_263 = arith.constant 7 : i32
      %add3A_264 = arith.addi %mul3A_165, %add3A_263 : i32
      %dma_wait3A_265 = arith.constant 0 : i32
      %dma_wait3A_266 = tpu.memref_slice %arg6[%add3A_264, %dma_wait3A_265] : memref<160x128xi32, #tpu.memory_space<vmem>> -> memref<1x128xi32, #tpu.memory_space<vmem>>
      %dma_wait3A_267 = tpu.memref_squeeze %dma_wait3A_266 : memref<1x128xi32, #tpu.memory_space<vmem>> -> memref<128xi32, #tpu.memory_space<vmem>>
      %dma_wait3A_268 = arith.constant 0 : i32
      %dma_wait3A_269 = arith.constant 0 : i32
      %dma_wait3A_270 = tpu.memref_slice %arg33[%dma_wait3A_268, %dma_wait3A_269] : memref<10240x32xf32, #tpu.memory_space<vmem_shared>> -> memref<10240x32xf32, #tpu.memory_space<vmem_shared>>
      tpu.wait_indirect_dma semaphore(%arg23 : memref<!tpu.dma_semaphore, #tpu.memory_space<semaphore_mem>>) src(%dma_wait3A_270 : memref<10240x32xf32, #tpu.memory_space<vmem_shared>>) dst(%arg15 : memref<128x32xf32, #tpu.memory_space<vmem>>)
      %dma_start3A_271 = arith.constant 0 : i32
      %dma_start3A_272 = tpu.memref_slice %arg7[%add3A_264, %dma_start3A_271] : memref<160x128xi32, #tpu.memory_space<vmem>> -> memref<1x128xi32, #tpu.memory_space<vmem>>
      %dma_start3A_273 = tpu.memref_squeeze %dma_start3A_272 : memref<1x128xi32, #tpu.memory_space<vmem>> -> memref<128xi32, #tpu.memory_space<vmem>>
      %dma_start3A_274 = arith.constant 0 : i32
      %dma_start3A_275 = arith.constant 0 : i32
      %dma_start3A_276 = tpu.memref_slice %arg32[%dma_start3A_274, %dma_start3A_275] : memref<10240x32xf32, #tpu.memory_space<vmem_shared>> -> memref<10240x32xf32, #tpu.memory_space<vmem_shared>>
      tpu.enqueue_indirect_dma source(%arg15 : memref<128x32xf32, #tpu.memory_space<vmem>>) target(%dma_start3A_276 : memref<10240x32xf32, #tpu.memory_space<vmem_shared>>) offsets(%dma_start3A_273 : memref<128xi32, #tpu.memory_space<vmem>>) semaphore(%arg31 : memref<!tpu.dma_semaphore, #tpu.memory_space<semaphore_mem>>) {add = true}
      %add3A_277 = arith.constant 8 : i32
      %add3A_278 = arith.addi %mul3A_165, %add3A_277 : i32
      %add3A_279 = arith.constant 0 : i32
      %add3A_280 = arith.addi %add3A_278, %add3A_279 : i32
      %lt3A = arith.constant 160 : i32
      %lt3A_281 = arith.cmpi slt, %add3A_280, %lt3A : i32
      %convert_element_type3A = arith.extui %lt3A_281 : i1 to i32
      %cond3A = arith.constant 0 : i32
      %cond3A_282 = arith.cmpi ne, %convert_element_type3A, %cond3A : i32
      scf.if %cond3A_282 {
        %add3A_346 = arith.constant 0 : i32
        %add3A_347 = arith.addi %mul3A_165, %add3A_346 : i32
        %dma_wait3A_348 = arith.constant 0 : i32
        %dma_wait3A_349 = tpu.memref_slice %arg7[%add3A_347, %dma_wait3A_348] : memref<160x128xi32, #tpu.memory_space<vmem>> -> memref<1x128xi32, #tpu.memory_space<vmem>>
        %dma_wait3A_350 = tpu.memref_squeeze %dma_wait3A_349 : memref<1x128xi32, #tpu.memory_space<vmem>> -> memref<128xi32, #tpu.memory_space<vmem>>
        %dma_wait3A_351 = arith.constant 0 : i32
        %dma_wait3A_352 = arith.constant 0 : i32
        %dma_wait3A_353 = tpu.memref_slice %arg32[%dma_wait3A_351, %dma_wait3A_352] : memref<10240x32xf32, #tpu.memory_space<vmem_shared>> -> memref<10240x32xf32, #tpu.memory_space<vmem_shared>>
        tpu.wait_indirect_dma semaphore(%arg24 : memref<!tpu.dma_semaphore, #tpu.memory_space<semaphore_mem>>) src(%arg8 : memref<128x32xf32, #tpu.memory_space<vmem>>) dst(%dma_wait3A_353 : memref<10240x32xf32, #tpu.memory_space<vmem_shared>>)
        %dma_start3A_354 = arith.constant 0 : i32
        %dma_start3A_355 = tpu.memref_slice %arg6[%add3A_280, %dma_start3A_354] : memref<160x128xi32, #tpu.memory_space<vmem>> -> memref<1x128xi32, #tpu.memory_space<vmem>>
        %dma_start3A_356 = tpu.memref_squeeze %dma_start3A_355 : memref<1x128xi32, #tpu.memory_space<vmem>> -> memref<128xi32, #tpu.memory_space<vmem>>
        %dma_start3A_357 = arith.constant 0 : i32
        %dma_start3A_358 = arith.constant 0 : i32
        %dma_start3A_359 = tpu.memref_slice %arg33[%dma_start3A_357, %dma_start3A_358] : memref<10240x32xf32, #tpu.memory_space<vmem_shared>> -> memref<10240x32xf32, #tpu.memory_space<vmem_shared>>
        tpu.enqueue_indirect_dma source(%dma_start3A_359 : memref<10240x32xf32, #tpu.memory_space<vmem_shared>>) target(%arg8 : memref<128x32xf32, #tpu.memory_space<vmem>>) offsets(%dma_start3A_356 : memref<128xi32, #tpu.memory_space<vmem>>) semaphore(%arg16 : memref<!tpu.dma_semaphore, #tpu.memory_space<semaphore_mem>>)
      } else {
      }
      %add3A_283 = arith.constant 8 : i32
      %add3A_284 = arith.addi %mul3A_165, %add3A_283 : i32
      %add3A_285 = arith.constant 1 : i32
      %add3A_286 = arith.addi %add3A_284, %add3A_285 : i32
      %lt3A_287 = arith.constant 160 : i32
      %lt3A_288 = arith.cmpi slt, %add3A_286, %lt3A_287 : i32
      %convert_element_type3A_289 = arith.extui %lt3A_288 : i1 to i32
      %cond3A_290 = arith.constant 0 : i32
      %cond3A_291 = arith.cmpi ne, %convert_element_type3A_289, %cond3A_290 : i32
      scf.if %cond3A_291 {
        %add3A_346 = arith.constant 1 : i32
        %add3A_347 = arith.addi %mul3A_165, %add3A_346 : i32
        %dma_wait3A_348 = arith.constant 0 : i32
        %dma_wait3A_349 = tpu.memref_slice %arg7[%add3A_347, %dma_wait3A_348] : memref<160x128xi32, #tpu.memory_space<vmem>> -> memref<1x128xi32, #tpu.memory_space<vmem>>
        %dma_wait3A_350 = tpu.memref_squeeze %dma_wait3A_349 : memref<1x128xi32, #tpu.memory_space<vmem>> -> memref<128xi32, #tpu.memory_space<vmem>>
        %dma_wait3A_351 = arith.constant 0 : i32
        %dma_wait3A_352 = arith.constant 0 : i32
        %dma_wait3A_353 = tpu.memref_slice %arg32[%dma_wait3A_351, %dma_wait3A_352] : memref<10240x32xf32, #tpu.memory_space<vmem_shared>> -> memref<10240x32xf32, #tpu.memory_space<vmem_shared>>
        tpu.wait_indirect_dma semaphore(%arg25 : memref<!tpu.dma_semaphore, #tpu.memory_space<semaphore_mem>>) src(%arg9 : memref<128x32xf32, #tpu.memory_space<vmem>>) dst(%dma_wait3A_353 : memref<10240x32xf32, #tpu.memory_space<vmem_shared>>)
        %dma_start3A_354 = arith.constant 0 : i32
        %dma_start3A_355 = tpu.memref_slice %arg6[%add3A_286, %dma_start3A_354] : memref<160x128xi32, #tpu.memory_space<vmem>> -> memref<1x128xi32, #tpu.memory_space<vmem>>
        %dma_start3A_356 = tpu.memref_squeeze %dma_start3A_355 : memref<1x128xi32, #tpu.memory_space<vmem>> -> memref<128xi32, #tpu.memory_space<vmem>>
        %dma_start3A_357 = arith.constant 0 : i32
        %dma_start3A_358 = arith.constant 0 : i32
        %dma_start3A_359 = tpu.memref_slice %arg33[%dma_start3A_357, %dma_start3A_358] : memref<10240x32xf32, #tpu.memory_space<vmem_shared>> -> memref<10240x32xf32, #tpu.memory_space<vmem_shared>>
        tpu.enqueue_indirect_dma source(%dma_start3A_359 : memref<10240x32xf32, #tpu.memory_space<vmem_shared>>) target(%arg9 : memref<128x32xf32, #tpu.memory_space<vmem>>) offsets(%dma_start3A_356 : memref<128xi32, #tpu.memory_space<vmem>>) semaphore(%arg17 : memref<!tpu.dma_semaphore, #tpu.memory_space<semaphore_mem>>)
      } else {
      }
      %add3A_292 = arith.constant 8 : i32
      %add3A_293 = arith.addi %mul3A_165, %add3A_292 : i32
      %add3A_294 = arith.constant 2 : i32
      %add3A_295 = arith.addi %add3A_293, %add3A_294 : i32
      %lt3A_296 = arith.constant 160 : i32
      %lt3A_297 = arith.cmpi slt, %add3A_295, %lt3A_296 : i32
      %convert_element_type3A_298 = arith.extui %lt3A_297 : i1 to i32
      %cond3A_299 = arith.constant 0 : i32
      %cond3A_300 = arith.cmpi ne, %convert_element_type3A_298, %cond3A_299 : i32
      scf.if %cond3A_300 {
        %add3A_346 = arith.constant 2 : i32
        %add3A_347 = arith.addi %mul3A_165, %add3A_346 : i32
        %dma_wait3A_348 = arith.constant 0 : i32
        %dma_wait3A_349 = tpu.memref_slice %arg7[%add3A_347, %dma_wait3A_348] : memref<160x128xi32, #tpu.memory_space<vmem>> -> memref<1x128xi32, #tpu.memory_space<vmem>>
        %dma_wait3A_350 = tpu.memref_squeeze %dma_wait3A_349 : memref<1x128xi32, #tpu.memory_space<vmem>> -> memref<128xi32, #tpu.memory_space<vmem>>
        %dma_wait3A_351 = arith.constant 0 : i32
        %dma_wait3A_352 = arith.constant 0 : i32
        %dma_wait3A_353 = tpu.memref_slice %arg32[%dma_wait3A_351, %dma_wait3A_352] : memref<10240x32xf32, #tpu.memory_space<vmem_shared>> -> memref<10240x32xf32, #tpu.memory_space<vmem_shared>>
        tpu.wait_indirect_dma semaphore(%arg26 : memref<!tpu.dma_semaphore, #tpu.memory_space<semaphore_mem>>) src(%arg10 : memref<128x32xf32, #tpu.memory_space<vmem>>) dst(%dma_wait3A_353 : memref<10240x32xf32, #tpu.memory_space<vmem_shared>>)
        %dma_start3A_354 = arith.constant 0 : i32
        %dma_start3A_355 = tpu.memref_slice %arg6[%add3A_295, %dma_start3A_354] : memref<160x128xi32, #tpu.memory_space<vmem>> -> memref<1x128xi32, #tpu.memory_space<vmem>>
        %dma_start3A_356 = tpu.memref_squeeze %dma_start3A_355 : memref<1x128xi32, #tpu.memory_space<vmem>> -> memref<128xi32, #tpu.memory_space<vmem>>
        %dma_start3A_357 = arith.constant 0 : i32
        %dma_start3A_358 = arith.constant 0 : i32
        %dma_start3A_359 = tpu.memref_slice %arg33[%dma_start3A_357, %dma_start3A_358] : memref<10240x32xf32, #tpu.memory_space<vmem_shared>> -> memref<10240x32xf32, #tpu.memory_space<vmem_shared>>
        tpu.enqueue_indirect_dma source(%dma_start3A_359 : memref<10240x32xf32, #tpu.memory_space<vmem_shared>>) target(%arg10 : memref<128x32xf32, #tpu.memory_space<vmem>>) offsets(%dma_start3A_356 : memref<128xi32, #tpu.memory_space<vmem>>) semaphore(%arg18 : memref<!tpu.dma_semaphore, #tpu.memory_space<semaphore_mem>>)
      } else {
      }
      %add3A_301 = arith.constant 8 : i32
      %add3A_302 = arith.addi %mul3A_165, %add3A_301 : i32
      %add3A_303 = arith.constant 3 : i32
      %add3A_304 = arith.addi %add3A_302, %add3A_303 : i32
      %lt3A_305 = arith.constant 160 : i32
      %lt3A_306 = arith.cmpi slt, %add3A_304, %lt3A_305 : i32
      %convert_element_type3A_307 = arith.extui %lt3A_306 : i1 to i32
      %cond3A_308 = arith.constant 0 : i32
      %cond3A_309 = arith.cmpi ne, %convert_element_type3A_307, %cond3A_308 : i32
      scf.if %cond3A_309 {
        %add3A_346 = arith.constant 3 : i32
        %add3A_347 = arith.addi %mul3A_165, %add3A_346 : i32
        %dma_wait3A_348 = arith.constant 0 : i32
        %dma_wait3A_349 = tpu.memref_slice %arg7[%add3A_347, %dma_wait3A_348] : memref<160x128xi32, #tpu.memory_space<vmem>> -> memref<1x128xi32, #tpu.memory_space<vmem>>
        %dma_wait3A_350 = tpu.memref_squeeze %dma_wait3A_349 : memref<1x128xi32, #tpu.memory_space<vmem>> -> memref<128xi32, #tpu.memory_space<vmem>>
        %dma_wait3A_351 = arith.constant 0 : i32
        %dma_wait3A_352 = arith.constant 0 : i32
        %dma_wait3A_353 = tpu.memref_slice %arg32[%dma_wait3A_351, %dma_wait3A_352] : memref<10240x32xf32, #tpu.memory_space<vmem_shared>> -> memref<10240x32xf32, #tpu.memory_space<vmem_shared>>
        tpu.wait_indirect_dma semaphore(%arg27 : memref<!tpu.dma_semaphore, #tpu.memory_space<semaphore_mem>>) src(%arg11 : memref<128x32xf32, #tpu.memory_space<vmem>>) dst(%dma_wait3A_353 : memref<10240x32xf32, #tpu.memory_space<vmem_shared>>)
        %dma_start3A_354 = arith.constant 0 : i32
        %dma_start3A_355 = tpu.memref_slice %arg6[%add3A_304, %dma_start3A_354] : memref<160x128xi32, #tpu.memory_space<vmem>> -> memref<1x128xi32, #tpu.memory_space<vmem>>
        %dma_start3A_356 = tpu.memref_squeeze %dma_start3A_355 : memref<1x128xi32, #tpu.memory_space<vmem>> -> memref<128xi32, #tpu.memory_space<vmem>>
        %dma_start3A_357 = arith.constant 0 : i32
        %dma_start3A_358 = arith.constant 0 : i32
        %dma_start3A_359 = tpu.memref_slice %arg33[%dma_start3A_357, %dma_start3A_358] : memref<10240x32xf32, #tpu.memory_space<vmem_shared>> -> memref<10240x32xf32, #tpu.memory_space<vmem_shared>>
        tpu.enqueue_indirect_dma source(%dma_start3A_359 : memref<10240x32xf32, #tpu.memory_space<vmem_shared>>) target(%arg11 : memref<128x32xf32, #tpu.memory_space<vmem>>) offsets(%dma_start3A_356 : memref<128xi32, #tpu.memory_space<vmem>>) semaphore(%arg19 : memref<!tpu.dma_semaphore, #tpu.memory_space<semaphore_mem>>)
      } else {
      }
      %add3A_310 = arith.constant 8 : i32
      %add3A_311 = arith.addi %mul3A_165, %add3A_310 : i32
      %add3A_312 = arith.constant 4 : i32
      %add3A_313 = arith.addi %add3A_311, %add3A_312 : i32
      %lt3A_314 = arith.constant 160 : i32
      %lt3A_315 = arith.cmpi slt, %add3A_313, %lt3A_314 : i32
      %convert_element_type3A_316 = arith.extui %lt3A_315 : i1 to i32
      %cond3A_317 = arith.constant 0 : i32
      %cond3A_318 = arith.cmpi ne, %convert_element_type3A_316, %cond3A_317 : i32
      scf.if %cond3A_318 {
        %add3A_346 = arith.constant 4 : i32
        %add3A_347 = arith.addi %mul3A_165, %add3A_346 : i32
        %dma_wait3A_348 = arith.constant 0 : i32
        %dma_wait3A_349 = tpu.memref_slice %arg7[%add3A_347, %dma_wait3A_348] : memref<160x128xi32, #tpu.memory_space<vmem>> -> memref<1x128xi32, #tpu.memory_space<vmem>>
        %dma_wait3A_350 = tpu.memref_squeeze %dma_wait3A_349 : memref<1x128xi32, #tpu.memory_space<vmem>> -> memref<128xi32, #tpu.memory_space<vmem>>
        %dma_wait3A_351 = arith.constant 0 : i32
        %dma_wait3A_352 = arith.constant 0 : i32
        %dma_wait3A_353 = tpu.memref_slice %arg32[%dma_wait3A_351, %dma_wait3A_352] : memref<10240x32xf32, #tpu.memory_space<vmem_shared>> -> memref<10240x32xf32, #tpu.memory_space<vmem_shared>>
        tpu.wait_indirect_dma semaphore(%arg28 : memref<!tpu.dma_semaphore, #tpu.memory_space<semaphore_mem>>) src(%arg12 : memref<128x32xf32, #tpu.memory_space<vmem>>) dst(%dma_wait3A_353 : memref<10240x32xf32, #tpu.memory_space<vmem_shared>>)
        %dma_start3A_354 = arith.constant 0 : i32
        %dma_start3A_355 = tpu.memref_slice %arg6[%add3A_313, %dma_start3A_354] : memref<160x128xi32, #tpu.memory_space<vmem>> -> memref<1x128xi32, #tpu.memory_space<vmem>>
        %dma_start3A_356 = tpu.memref_squeeze %dma_start3A_355 : memref<1x128xi32, #tpu.memory_space<vmem>> -> memref<128xi32, #tpu.memory_space<vmem>>
        %dma_start3A_357 = arith.constant 0 : i32
        %dma_start3A_358 = arith.constant 0 : i32
        %dma_start3A_359 = tpu.memref_slice %arg33[%dma_start3A_357, %dma_start3A_358] : memref<10240x32xf32, #tpu.memory_space<vmem_shared>> -> memref<10240x32xf32, #tpu.memory_space<vmem_shared>>
        tpu.enqueue_indirect_dma source(%dma_start3A_359 : memref<10240x32xf32, #tpu.memory_space<vmem_shared>>) target(%arg12 : memref<128x32xf32, #tpu.memory_space<vmem>>) offsets(%dma_start3A_356 : memref<128xi32, #tpu.memory_space<vmem>>) semaphore(%arg20 : memref<!tpu.dma_semaphore, #tpu.memory_space<semaphore_mem>>)
      } else {
      }
      %add3A_319 = arith.constant 8 : i32
      %add3A_320 = arith.addi %mul3A_165, %add3A_319 : i32
      %add3A_321 = arith.constant 5 : i32
      %add3A_322 = arith.addi %add3A_320, %add3A_321 : i32
      %lt3A_323 = arith.constant 160 : i32
      %lt3A_324 = arith.cmpi slt, %add3A_322, %lt3A_323 : i32
      %convert_element_type3A_325 = arith.extui %lt3A_324 : i1 to i32
      %cond3A_326 = arith.constant 0 : i32
      %cond3A_327 = arith.cmpi ne, %convert_element_type3A_325, %cond3A_326 : i32
      scf.if %cond3A_327 {
        %add3A_346 = arith.constant 5 : i32
        %add3A_347 = arith.addi %mul3A_165, %add3A_346 : i32
        %dma_wait3A_348 = arith.constant 0 : i32
        %dma_wait3A_349 = tpu.memref_slice %arg7[%add3A_347, %dma_wait3A_348] : memref<160x128xi32, #tpu.memory_space<vmem>> -> memref<1x128xi32, #tpu.memory_space<vmem>>
        %dma_wait3A_350 = tpu.memref_squeeze %dma_wait3A_349 : memref<1x128xi32, #tpu.memory_space<vmem>> -> memref<128xi32, #tpu.memory_space<vmem>>
        %dma_wait3A_351 = arith.constant 0 : i32
        %dma_wait3A_352 = arith.constant 0 : i32
        %dma_wait3A_353 = tpu.memref_slice %arg32[%dma_wait3A_351, %dma_wait3A_352] : memref<10240x32xf32, #tpu.memory_space<vmem_shared>> -> memref<10240x32xf32, #tpu.memory_space<vmem_shared>>
        tpu.wait_indirect_dma semaphore(%arg29 : memref<!tpu.dma_semaphore, #tpu.memory_space<semaphore_mem>>) src(%arg13 : memref<128x32xf32, #tpu.memory_space<vmem>>) dst(%dma_wait3A_353 : memref<10240x32xf32, #tpu.memory_space<vmem_shared>>)
        %dma_start3A_354 = arith.constant 0 : i32
        %dma_start3A_355 = tpu.memref_slice %arg6[%add3A_322, %dma_start3A_354] : memref<160x128xi32, #tpu.memory_space<vmem>> -> memref<1x128xi32, #tpu.memory_space<vmem>>
        %dma_start3A_356 = tpu.memref_squeeze %dma_start3A_355 : memref<1x128xi32, #tpu.memory_space<vmem>> -> memref<128xi32, #tpu.memory_space<vmem>>
        %dma_start3A_357 = arith.constant 0 : i32
        %dma_start3A_358 = arith.constant 0 : i32
        %dma_start3A_359 = tpu.memref_slice %arg33[%dma_start3A_357, %dma_start3A_358] : memref<10240x32xf32, #tpu.memory_space<vmem_shared>> -> memref<10240x32xf32, #tpu.memory_space<vmem_shared>>
        tpu.enqueue_indirect_dma source(%dma_start3A_359 : memref<10240x32xf32, #tpu.memory_space<vmem_shared>>) target(%arg13 : memref<128x32xf32, #tpu.memory_space<vmem>>) offsets(%dma_start3A_356 : memref<128xi32, #tpu.memory_space<vmem>>) semaphore(%arg21 : memref<!tpu.dma_semaphore, #tpu.memory_space<semaphore_mem>>)
      } else {
      }
      %add3A_328 = arith.constant 8 : i32
      %add3A_329 = arith.addi %mul3A_165, %add3A_328 : i32
      %add3A_330 = arith.constant 6 : i32
      %add3A_331 = arith.addi %add3A_329, %add3A_330 : i32
      %lt3A_332 = arith.constant 160 : i32
      %lt3A_333 = arith.cmpi slt, %add3A_331, %lt3A_332 : i32
      %convert_element_type3A_334 = arith.extui %lt3A_333 : i1 to i32
      %cond3A_335 = arith.constant 0 : i32
      %cond3A_336 = arith.cmpi ne, %convert_element_type3A_334, %cond3A_335 : i32
      scf.if %cond3A_336 {
        %add3A_346 = arith.constant 6 : i32
        %add3A_347 = arith.addi %mul3A_165, %add3A_346 : i32
        %dma_wait3A_348 = arith.constant 0 : i32
        %dma_wait3A_349 = tpu.memref_slice %arg7[%add3A_347, %dma_wait3A_348] : memref<160x128xi32, #tpu.memory_space<vmem>> -> memref<1x128xi32, #tpu.memory_space<vmem>>
        %dma_wait3A_350 = tpu.memref_squeeze %dma_wait3A_349 : memref<1x128xi32, #tpu.memory_space<vmem>> -> memref<128xi32, #tpu.memory_space<vmem>>
        %dma_wait3A_351 = arith.constant 0 : i32
        %dma_wait3A_352 = arith.constant 0 : i32
        %dma_wait3A_353 = tpu.memref_slice %arg32[%dma_wait3A_351, %dma_wait3A_352] : memref<10240x32xf32, #tpu.memory_space<vmem_shared>> -> memref<10240x32xf32, #tpu.memory_space<vmem_shared>>
        tpu.wait_indirect_dma semaphore(%arg30 : memref<!tpu.dma_semaphore, #tpu.memory_space<semaphore_mem>>) src(%arg14 : memref<128x32xf32, #tpu.memory_space<vmem>>) dst(%dma_wait3A_353 : memref<10240x32xf32, #tpu.memory_space<vmem_shared>>)
        %dma_start3A_354 = arith.constant 0 : i32
        %dma_start3A_355 = tpu.memref_slice %arg6[%add3A_331, %dma_start3A_354] : memref<160x128xi32, #tpu.memory_space<vmem>> -> memref<1x128xi32, #tpu.memory_space<vmem>>
        %dma_start3A_356 = tpu.memref_squeeze %dma_start3A_355 : memref<1x128xi32, #tpu.memory_space<vmem>> -> memref<128xi32, #tpu.memory_space<vmem>>
        %dma_start3A_357 = arith.constant 0 : i32
        %dma_start3A_358 = arith.constant 0 : i32
        %dma_start3A_359 = tpu.memref_slice %arg33[%dma_start3A_357, %dma_start3A_358] : memref<10240x32xf32, #tpu.memory_space<vmem_shared>> -> memref<10240x32xf32, #tpu.memory_space<vmem_shared>>
        tpu.enqueue_indirect_dma source(%dma_start3A_359 : memref<10240x32xf32, #tpu.memory_space<vmem_shared>>) target(%arg14 : memref<128x32xf32, #tpu.memory_space<vmem>>) offsets(%dma_start3A_356 : memref<128xi32, #tpu.memory_space<vmem>>) semaphore(%arg22 : memref<!tpu.dma_semaphore, #tpu.memory_space<semaphore_mem>>)
      } else {
      }
      %add3A_337 = arith.constant 8 : i32
      %add3A_338 = arith.addi %mul3A_165, %add3A_337 : i32
      %add3A_339 = arith.constant 7 : i32
      %add3A_340 = arith.addi %add3A_338, %add3A_339 : i32
      %lt3A_341 = arith.constant 160 : i32
      %lt3A_342 = arith.cmpi slt, %add3A_340, %lt3A_341 : i32
      %convert_element_type3A_343 = arith.extui %lt3A_342 : i1 to i32
      %cond3A_344 = arith.constant 0 : i32
      %cond3A_345 = arith.cmpi ne, %convert_element_type3A_343, %cond3A_344 : i32
      scf.if %cond3A_345 {
        %add3A_346 = arith.constant 7 : i32
        %add3A_347 = arith.addi %mul3A_165, %add3A_346 : i32
        %dma_wait3A_348 = arith.constant 0 : i32
        %dma_wait3A_349 = tpu.memref_slice %arg7[%add3A_347, %dma_wait3A_348] : memref<160x128xi32, #tpu.memory_space<vmem>> -> memref<1x128xi32, #tpu.memory_space<vmem>>
        %dma_wait3A_350 = tpu.memref_squeeze %dma_wait3A_349 : memref<1x128xi32, #tpu.memory_space<vmem>> -> memref<128xi32, #tpu.memory_space<vmem>>
        %dma_wait3A_351 = arith.constant 0 : i32
        %dma_wait3A_352 = arith.constant 0 : i32
        %dma_wait3A_353 = tpu.memref_slice %arg32[%dma_wait3A_351, %dma_wait3A_352] : memref<10240x32xf32, #tpu.memory_space<vmem_shared>> -> memref<10240x32xf32, #tpu.memory_space<vmem_shared>>
        tpu.wait_indirect_dma semaphore(%arg31 : memref<!tpu.dma_semaphore, #tpu.memory_space<semaphore_mem>>) src(%arg15 : memref<128x32xf32, #tpu.memory_space<vmem>>) dst(%dma_wait3A_353 : memref<10240x32xf32, #tpu.memory_space<vmem_shared>>)
        %dma_start3A_354 = arith.constant 0 : i32
        %dma_start3A_355 = tpu.memref_slice %arg6[%add3A_340, %dma_start3A_354] : memref<160x128xi32, #tpu.memory_space<vmem>> -> memref<1x128xi32, #tpu.memory_space<vmem>>
        %dma_start3A_356 = tpu.memref_squeeze %dma_start3A_355 : memref<1x128xi32, #tpu.memory_space<vmem>> -> memref<128xi32, #tpu.memory_space<vmem>>
        %dma_start3A_357 = arith.constant 0 : i32
        %dma_start3A_358 = arith.constant 0 : i32
        %dma_start3A_359 = tpu.memref_slice %arg33[%dma_start3A_357, %dma_start3A_358] : memref<10240x32xf32, #tpu.memory_space<vmem_shared>> -> memref<10240x32xf32, #tpu.memory_space<vmem_shared>>
        tpu.enqueue_indirect_dma source(%dma_start3A_359 : memref<10240x32xf32, #tpu.memory_space<vmem_shared>>) target(%arg15 : memref<128x32xf32, #tpu.memory_space<vmem>>) offsets(%dma_start3A_356 : memref<128xi32, #tpu.memory_space<vmem>>) semaphore(%arg23 : memref<!tpu.dma_semaphore, #tpu.memory_space<semaphore_mem>>)
      } else {
      }
    }
    %scan3A_105 = arith.constant 20 : i32
    %dma_wait3A_106 = arith.constant 152 : i32
    %dma_wait3A_107 = arith.constant 0 : i32
    %dma_wait3A_108 = tpu.memref_slice %arg7[%dma_wait3A_106, %dma_wait3A_107] : memref<160x128xi32, #tpu.memory_space<vmem>> -> memref<1x128xi32, #tpu.memory_space<vmem>>
    %dma_wait3A_109 = tpu.memref_squeeze %dma_wait3A_108 : memref<1x128xi32, #tpu.memory_space<vmem>> -> memref<128xi32, #tpu.memory_space<vmem>>
    %dma_wait3A_110 = arith.constant 0 : i32
    %dma_wait3A_111 = arith.constant 0 : i32
    %dma_wait3A_112 = tpu.memref_slice %arg32[%dma_wait3A_110, %dma_wait3A_111] : memref<10240x32xf32, #tpu.memory_space<vmem_shared>> -> memref<10240x32xf32, #tpu.memory_space<vmem_shared>>
    tpu.wait_indirect_dma semaphore(%arg24 : memref<!tpu.dma_semaphore, #tpu.memory_space<semaphore_mem>>) src(%arg8 : memref<128x32xf32, #tpu.memory_space<vmem>>) dst(%dma_wait3A_112 : memref<10240x32xf32, #tpu.memory_space<vmem_shared>>)
    %dma_wait3A_113 = arith.constant 153 : i32
    %dma_wait3A_114 = arith.constant 0 : i32
    %dma_wait3A_115 = tpu.memref_slice %arg7[%dma_wait3A_113, %dma_wait3A_114] : memref<160x128xi32, #tpu.memory_space<vmem>> -> memref<1x128xi32, #tpu.memory_space<vmem>>
    %dma_wait3A_116 = tpu.memref_squeeze %dma_wait3A_115 : memref<1x128xi32, #tpu.memory_space<vmem>> -> memref<128xi32, #tpu.memory_space<vmem>>
    %dma_wait3A_117 = arith.constant 0 : i32
    %dma_wait3A_118 = arith.constant 0 : i32
    %dma_wait3A_119 = tpu.memref_slice %arg32[%dma_wait3A_117, %dma_wait3A_118] : memref<10240x32xf32, #tpu.memory_space<vmem_shared>> -> memref<10240x32xf32, #tpu.memory_space<vmem_shared>>
    tpu.wait_indirect_dma semaphore(%arg25 : memref<!tpu.dma_semaphore, #tpu.memory_space<semaphore_mem>>) src(%arg9 : memref<128x32xf32, #tpu.memory_space<vmem>>) dst(%dma_wait3A_119 : memref<10240x32xf32, #tpu.memory_space<vmem_shared>>)
    %dma_wait3A_120 = arith.constant 154 : i32
    %dma_wait3A_121 = arith.constant 0 : i32
    %dma_wait3A_122 = tpu.memref_slice %arg7[%dma_wait3A_120, %dma_wait3A_121] : memref<160x128xi32, #tpu.memory_space<vmem>> -> memref<1x128xi32, #tpu.memory_space<vmem>>
    %dma_wait3A_123 = tpu.memref_squeeze %dma_wait3A_122 : memref<1x128xi32, #tpu.memory_space<vmem>> -> memref<128xi32, #tpu.memory_space<vmem>>
    %dma_wait3A_124 = arith.constant 0 : i32
    %dma_wait3A_125 = arith.constant 0 : i32
    %dma_wait3A_126 = tpu.memref_slice %arg32[%dma_wait3A_124, %dma_wait3A_125] : memref<10240x32xf32, #tpu.memory_space<vmem_shared>> -> memref<10240x32xf32, #tpu.memory_space<vmem_shared>>
    tpu.wait_indirect_dma semaphore(%arg26 : memref<!tpu.dma_semaphore, #tpu.memory_space<semaphore_mem>>) src(%arg10 : memref<128x32xf32, #tpu.memory_space<vmem>>) dst(%dma_wait3A_126 : memref<10240x32xf32, #tpu.memory_space<vmem_shared>>)
    %dma_wait3A_127 = arith.constant 155 : i32
    %dma_wait3A_128 = arith.constant 0 : i32
    %dma_wait3A_129 = tpu.memref_slice %arg7[%dma_wait3A_127, %dma_wait3A_128] : memref<160x128xi32, #tpu.memory_space<vmem>> -> memref<1x128xi32, #tpu.memory_space<vmem>>
    %dma_wait3A_130 = tpu.memref_squeeze %dma_wait3A_129 : memref<1x128xi32, #tpu.memory_space<vmem>> -> memref<128xi32, #tpu.memory_space<vmem>>
    %dma_wait3A_131 = arith.constant 0 : i32
    %dma_wait3A_132 = arith.constant 0 : i32
    %dma_wait3A_133 = tpu.memref_slice %arg32[%dma_wait3A_131, %dma_wait3A_132] : memref<10240x32xf32, #tpu.memory_space<vmem_shared>> -> memref<10240x32xf32, #tpu.memory_space<vmem_shared>>
    tpu.wait_indirect_dma semaphore(%arg27 : memref<!tpu.dma_semaphore, #tpu.memory_space<semaphore_mem>>) src(%arg11 : memref<128x32xf32, #tpu.memory_space<vmem>>) dst(%dma_wait3A_133 : memref<10240x32xf32, #tpu.memory_space<vmem_shared>>)
    %dma_wait3A_134 = arith.constant 156 : i32
    %dma_wait3A_135 = arith.constant 0 : i32
    %dma_wait3A_136 = tpu.memref_slice %arg7[%dma_wait3A_134, %dma_wait3A_135] : memref<160x128xi32, #tpu.memory_space<vmem>> -> memref<1x128xi32, #tpu.memory_space<vmem>>
    %dma_wait3A_137 = tpu.memref_squeeze %dma_wait3A_136 : memref<1x128xi32, #tpu.memory_space<vmem>> -> memref<128xi32, #tpu.memory_space<vmem>>
    %dma_wait3A_138 = arith.constant 0 : i32
    %dma_wait3A_139 = arith.constant 0 : i32
    %dma_wait3A_140 = tpu.memref_slice %arg32[%dma_wait3A_138, %dma_wait3A_139] : memref<10240x32xf32, #tpu.memory_space<vmem_shared>> -> memref<10240x32xf32, #tpu.memory_space<vmem_shared>>
    tpu.wait_indirect_dma semaphore(%arg28 : memref<!tpu.dma_semaphore, #tpu.memory_space<semaphore_mem>>) src(%arg12 : memref<128x32xf32, #tpu.memory_space<vmem>>) dst(%dma_wait3A_140 : memref<10240x32xf32, #tpu.memory_space<vmem_shared>>)
    %dma_wait3A_141 = arith.constant 157 : i32
    %dma_wait3A_142 = arith.constant 0 : i32
    %dma_wait3A_143 = tpu.memref_slice %arg7[%dma_wait3A_141, %dma_wait3A_142] : memref<160x128xi32, #tpu.memory_space<vmem>> -> memref<1x128xi32, #tpu.memory_space<vmem>>
    %dma_wait3A_144 = tpu.memref_squeeze %dma_wait3A_143 : memref<1x128xi32, #tpu.memory_space<vmem>> -> memref<128xi32, #tpu.memory_space<vmem>>
    %dma_wait3A_145 = arith.constant 0 : i32
    %dma_wait3A_146 = arith.constant 0 : i32
    %dma_wait3A_147 = tpu.memref_slice %arg32[%dma_wait3A_145, %dma_wait3A_146] : memref<10240x32xf32, #tpu.memory_space<vmem_shared>> -> memref<10240x32xf32, #tpu.memory_space<vmem_shared>>
    tpu.wait_indirect_dma semaphore(%arg29 : memref<!tpu.dma_semaphore, #tpu.memory_space<semaphore_mem>>) src(%arg13 : memref<128x32xf32, #tpu.memory_space<vmem>>) dst(%dma_wait3A_147 : memref<10240x32xf32, #tpu.memory_space<vmem_shared>>)
    %dma_wait3A_148 = arith.constant 158 : i32
    %dma_wait3A_149 = arith.constant 0 : i32
    %dma_wait3A_150 = tpu.memref_slice %arg7[%dma_wait3A_148, %dma_wait3A_149] : memref<160x128xi32, #tpu.memory_space<vmem>> -> memref<1x128xi32, #tpu.memory_space<vmem>>
    %dma_wait3A_151 = tpu.memref_squeeze %dma_wait3A_150 : memref<1x128xi32, #tpu.memory_space<vmem>> -> memref<128xi32, #tpu.memory_space<vmem>>
    %dma_wait3A_152 = arith.constant 0 : i32
    %dma_wait3A_153 = arith.constant 0 : i32
    %dma_wait3A_154 = tpu.memref_slice %arg32[%dma_wait3A_152, %dma_wait3A_153] : memref<10240x32xf32, #tpu.memory_space<vmem_shared>> -> memref<10240x32xf32, #tpu.memory_space<vmem_shared>>
    tpu.wait_indirect_dma semaphore(%arg30 : memref<!tpu.dma_semaphore, #tpu.memory_space<semaphore_mem>>) src(%arg14 : memref<128x32xf32, #tpu.memory_space<vmem>>) dst(%dma_wait3A_154 : memref<10240x32xf32, #tpu.memory_space<vmem_shared>>)
    %dma_wait3A_155 = arith.constant 159 : i32
    %dma_wait3A_156 = arith.constant 0 : i32
    %dma_wait3A_157 = tpu.memref_slice %arg7[%dma_wait3A_155, %dma_wait3A_156] : memref<160x128xi32, #tpu.memory_space<vmem>> -> memref<1x128xi32, #tpu.memory_space<vmem>>
    %dma_wait3A_158 = tpu.memref_squeeze %dma_wait3A_157 : memref<1x128xi32, #tpu.memory_space<vmem>> -> memref<128xi32, #tpu.memory_space<vmem>>
    %dma_wait3A_159 = arith.constant 0 : i32
    %dma_wait3A_160 = arith.constant 0 : i32
    %dma_wait3A_161 = tpu.memref_slice %arg32[%dma_wait3A_159, %dma_wait3A_160] : memref<10240x32xf32, #tpu.memory_space<vmem_shared>> -> memref<10240x32xf32, #tpu.memory_space<vmem_shared>>
    tpu.wait_indirect_dma semaphore(%arg31 : memref<!tpu.dma_semaphore, #tpu.memory_space<semaphore_mem>>) src(%arg15 : memref<128x32xf32, #tpu.memory_space<vmem>>) dst(%dma_wait3A_161 : memref<10240x32xf32, #tpu.memory_space<vmem_shared>>)
    %barrier3A_162 = arith.constant 0 : index
    tpu.barrier barrier_id(%barrier3A_162)
    "tpu.region"() ({
      %run_scoped3A = tpu.sem_alloc : memref<!tpu.dma_semaphore, #tpu.memory_space<semaphore_mem>>
      %dma_start3A_163 = tpu.memref_slice %arg5[%mul3A_0, %mul3A_2] : memref<10240x64xf32, #tpu.memory_space<hbm>> -> memref<640x32xf32, #tpu.memory_space<hbm>>
      %dma_start3A_164 = arith.constant 0 : i32
      %dma_start3A_165 = tpu.memref_slice %arg32[%mul3A_0, %dma_start3A_164] : memref<10240x32xf32, #tpu.memory_space<vmem_shared>> -> memref<640x32xf32, #tpu.memory_space<vmem_shared>>
      tpu.enqueue_dma source(%dma_start3A_165 : memref<640x32xf32, #tpu.memory_space<vmem_shared>>) target(%dma_start3A_163 : memref<640x32xf32, #tpu.memory_space<hbm>>) target_semaphore(%run_scoped3A : memref<!tpu.dma_semaphore, #tpu.memory_space<semaphore_mem>>)
      %dma_wait3A_166 = tpu.memref_slice %arg5[%mul3A_0, %mul3A_2] : memref<10240x64xf32, #tpu.memory_space<hbm>> -> memref<640x32xf32, #tpu.memory_space<hbm>>
      %dma_wait3A_167 = arith.constant 0 : i32
      %dma_wait3A_168 = tpu.memref_slice %arg32[%mul3A_0, %dma_wait3A_167] : memref<10240x32xf32, #tpu.memory_space<vmem_shared>> -> memref<640x32xf32, #tpu.memory_space<vmem_shared>>
      tpu.wait_dma2 semaphore(%run_scoped3A : memref<!tpu.dma_semaphore, #tpu.memory_space<semaphore_mem>>) src(%dma_wait3A_168 : memref<640x32xf32, #tpu.memory_space<vmem_shared>>) dst(%dma_wait3A_166 : memref<640x32xf32, #tpu.memory_space<hbm>>)
      tpu.yield
    }) : () -> ()
    return
  }
}

#map = affine_map<(d0, d1) -> (0, 0)>
#map1 = affine_map<(d0, d1) -> (0, 0, 0)>
module attributes {stable_mosaic.version = 14 : i64} {
  func.func @body(%arg0: i32, %arg1: i32, %arg2: memref<10240x64xf32, #tpu.memory_space<hbm>>, %arg3: memref<16x160x128xi32, #tpu.memory_space<hbm>>, %arg4: memref<16x160x128xi32, #tpu.memory_space<hbm>>, %arg5: memref<10240x64xf32, #tpu.memory_space<hbm>>, %arg6: memref<160x128xi32, #tpu.memory_space<vmem>>, %arg7: memref<160x128xi32, #tpu.memory_space<vmem>>, %arg8: memref<128x32xf32, #tpu.memory_space<vmem>>, %arg9: memref<128x32xf32, #tpu.memory_space<vmem>>, %arg10: memref<128x32xf32, #tpu.memory_space<vmem>>, %arg11: memref<128x32xf32, #tpu.memory_space<vmem>>, %arg12: memref<128x32xf32, #tpu.memory_space<vmem>>, %arg13: memref<128x32xf32, #tpu.memory_space<vmem>>, %arg14: memref<128x32xf32, #tpu.memory_space<vmem>>, %arg15: memref<128x32xf32, #tpu.memory_space<vmem>>, %arg16: memref<!tpu.dma_semaphore, #tpu.memory_space<semaphore_mem>>, %arg17: memref<!tpu.dma_semaphore, #tpu.memory_space<semaphore_mem>>, %arg18: memref<!tpu.dma_semaphore, #tpu.memory_space<semaphore_mem>>, %arg19: memref<!tpu.dma_semaphore, #tpu.memory_space<semaphore_mem>>, %arg20: memref<!tpu.dma_semaphore, #tpu.memory_space<semaphore_mem>>, %arg21: memref<!tpu.dma_semaphore, #tpu.memory_space<semaphore_mem>>, %arg22: memref<!tpu.dma_semaphore, #tpu.memory_space<semaphore_mem>>, %arg23: memref<!tpu.dma_semaphore, #tpu.memory_space<semaphore_mem>>, %arg24: memref<!tpu.dma_semaphore, #tpu.memory_space<semaphore_mem>>, %arg25: memref<!tpu.dma_semaphore, #tpu.memory_space<semaphore_mem>>, %arg26: memref<!tpu.dma_semaphore, #tpu.memory_space<semaphore_mem>>, %arg27: memref<!tpu.dma_semaphore, #tpu.memory_space<semaphore_mem>>, %arg28: memref<!tpu.dma_semaphore, #tpu.memory_space<semaphore_mem>>, %arg29: memref<!tpu.dma_semaphore, #tpu.memory_space<semaphore_mem>>, %arg30: memref<!tpu.dma_semaphore, #tpu.memory_space<semaphore_mem>>, %arg31: memref<!tpu.dma_semaphore, #tpu.memory_space<semaphore_mem>>, %arg32: memref<10240x32xf32, #tpu.memory_space<vmem_shared>>, %arg33: memref<10240x32xf32, #tpu.memory_space<vmem_shared>>) attributes {dimension_semantics = [#tpu.dimension_semantics<core_parallel>, #tpu.dimension_semantics<subcore_parallel>], iteration_bounds = array<i64: 2, 16>, scalar_prefetch = 0 : i64, scratch_operands = 28 : i64, tpu.core_type = #tpu.core_type<sc_vector_subcore>, window_params = [{transform_indices = #map}, {transform_indices = #map1}, {transform_indices = #map1}, {transform_indices = #map}]} {
    %mul3A = arith.constant 640 : i32
    %mul3A_0 = arith.muli %arg1, %mul3A : i32
    %mul3A_1 = arith.constant 32 : i32
    %mul3A_2 = arith.muli %arg0, %mul3A_1 : i32
    %dma_start3A = arith.constant 0 : i32
    %dma_start3A_3 = tpu.memref_slice %arg33[%mul3A_0, %dma_start3A] : memref<10240x32xf32, #tpu.memory_space<vmem_shared>> -> memref<640x32xf32, #tpu.memory_space<vmem_shared>>
    %dma_start3A_4 = tpu.memref_slice %arg2[%mul3A_0, %mul3A_2] : memref<10240x64xf32, #tpu.memory_space<hbm>> -> memref<640x32xf32, #tpu.memory_space<hbm>>
    tpu.enqueue_dma source(%dma_start3A_4 : memref<640x32xf32, #tpu.memory_space<hbm>>) target(%dma_start3A_3 : memref<640x32xf32, #tpu.memory_space<vmem_shared>>) target_semaphore(%arg16 : memref<!tpu.dma_semaphore, #tpu.memory_space<semaphore_mem>>)
    %dma_start3A_5 = arith.constant 0 : i32
    %dma_start3A_6 = tpu.memref_slice %arg32[%mul3A_0, %dma_start3A_5] : memref<10240x32xf32, #tpu.memory_space<vmem_shared>> -> memref<640x32xf32, #tpu.memory_space<vmem_shared>>
    %dma_start3A_7 = tpu.memref_slice %arg2[%mul3A_0, %mul3A_2] : memref<10240x64xf32, #tpu.memory_space<hbm>> -> memref<640x32xf32, #tpu.memory_space<hbm>>
    tpu.enqueue_dma source(%dma_start3A_7 : memref<640x32xf32, #tpu.memory_space<hbm>>) target(%dma_start3A_6 : memref<640x32xf32, #tpu.memory_space<vmem_shared>>) target_semaphore(%arg17 : memref<!tpu.dma_semaphore, #tpu.memory_space<semaphore_mem>>)
    %dma_start3A_8 = arith.constant 0 : i32
    %dma_start3A_9 = arith.constant 0 : i32
    %dma_start3A_10 = tpu.memref_slice %arg3[%arg1, %dma_start3A_8, %dma_start3A_9] : memref<16x160x128xi32, #tpu.memory_space<hbm>> -> memref<1x160x128xi32, #tpu.memory_space<hbm>>
    %dma_start3A_11 = tpu.memref_squeeze %dma_start3A_10 : memref<1x160x128xi32, #tpu.memory_space<hbm>> -> memref<160x128xi32, #tpu.memory_space<hbm>>
    %dma_start3A_12 = arith.constant 0 : i32
    %dma_start3A_13 = arith.constant 0 : i32
    %dma_start3A_14 = tpu.memref_slice %arg3[%arg1, %dma_start3A_12, %dma_start3A_13] : memref<16x160x128xi32, #tpu.memory_space<hbm>> -> memref<1x160x128xi32, #tpu.memory_space<hbm>>
    %dma_start3A_15 = tpu.memref_squeeze %dma_start3A_14 : memref<1x160x128xi32, #tpu.memory_space<hbm>> -> memref<160x128xi32, #tpu.memory_space<hbm>>
    tpu.enqueue_dma source(%dma_start3A_15 : memref<160x128xi32, #tpu.memory_space<hbm>>) target(%arg6 : memref<160x128xi32, #tpu.memory_space<vmem>>) target_semaphore(%arg18 : memref<!tpu.dma_semaphore, #tpu.memory_space<semaphore_mem>>)
    %dma_start3A_16 = arith.constant 0 : i32
    %dma_start3A_17 = arith.constant 0 : i32
    %dma_start3A_18 = tpu.memref_slice %arg4[%arg1, %dma_start3A_16, %dma_start3A_17] : memref<16x160x128xi32, #tpu.memory_space<hbm>> -> memref<1x160x128xi32, #tpu.memory_space<hbm>>
    %dma_start3A_19 = tpu.memref_squeeze %dma_start3A_18 : memref<1x160x128xi32, #tpu.memory_space<hbm>> -> memref<160x128xi32, #tpu.memory_space<hbm>>
    %dma_start3A_20 = arith.constant 0 : i32
    %dma_start3A_21 = arith.constant 0 : i32
    %dma_start3A_22 = tpu.memref_slice %arg4[%arg1, %dma_start3A_20, %dma_start3A_21] : memref<16x160x128xi32, #tpu.memory_space<hbm>> -> memref<1x160x128xi32, #tpu.memory_space<hbm>>
    %dma_start3A_23 = tpu.memref_squeeze %dma_start3A_22 : memref<1x160x128xi32, #tpu.memory_space<hbm>> -> memref<160x128xi32, #tpu.memory_space<hbm>>
    tpu.enqueue_dma source(%dma_start3A_23 : memref<160x128xi32, #tpu.memory_space<hbm>>) target(%arg7 : memref<160x128xi32, #tpu.memory_space<vmem>>) target_semaphore(%arg19 : memref<!tpu.dma_semaphore, #tpu.memory_space<semaphore_mem>>)
    %dma_wait3A = arith.constant 0 : i32
    %dma_wait3A_24 = tpu.memref_slice %arg33[%mul3A_0, %dma_wait3A] : memref<10240x32xf32, #tpu.memory_space<vmem_shared>> -> memref<640x32xf32, #tpu.memory_space<vmem_shared>>
    %dma_wait3A_25 = tpu.memref_slice %arg2[%mul3A_0, %mul3A_2] : memref<10240x64xf32, #tpu.memory_space<hbm>> -> memref<640x32xf32, #tpu.memory_space<hbm>>
    tpu.wait_dma2 semaphore(%arg16 : memref<!tpu.dma_semaphore, #tpu.memory_space<semaphore_mem>>) src(%dma_wait3A_25 : memref<640x32xf32, #tpu.memory_space<hbm>>) dst(%dma_wait3A_24 : memref<640x32xf32, #tpu.memory_space<vmem_shared>>)
    %dma_wait3A_26 = arith.constant 0 : i32
    %dma_wait3A_27 = tpu.memref_slice %arg32[%mul3A_0, %dma_wait3A_26] : memref<10240x32xf32, #tpu.memory_space<vmem_shared>> -> memref<640x32xf32, #tpu.memory_space<vmem_shared>>
    %dma_wait3A_28 = tpu.memref_slice %arg2[%mul3A_0, %mul3A_2] : memref<10240x64xf32, #tpu.memory_space<hbm>> -> memref<640x32xf32, #tpu.memory_space<hbm>>
    tpu.wait_dma2 semaphore(%arg17 : memref<!tpu.dma_semaphore, #tpu.memory_space<semaphore_mem>>) src(%dma_wait3A_28 : memref<640x32xf32, #tpu.memory_space<hbm>>) dst(%dma_wait3A_27 : memref<640x32xf32, #tpu.memory_space<vmem_shared>>)
    %dma_wait3A_29 = arith.constant 0 : i32
    %dma_wait3A_30 = arith.constant 0 : i32
    %dma_wait3A_31 = tpu.memref_slice %arg3[%arg1, %dma_wait3A_29, %dma_wait3A_30] : memref<16x160x128xi32, #tpu.memory_space<hbm>> -> memref<1x160x128xi32, #tpu.memory_space<hbm>>
    %dma_wait3A_32 = tpu.memref_squeeze %dma_wait3A_31 : memref<1x160x128xi32, #tpu.memory_space<hbm>> -> memref<160x128xi32, #tpu.memory_space<hbm>>
    %dma_wait3A_33 = arith.constant 0 : i32
    %dma_wait3A_34 = arith.constant 0 : i32
    %dma_wait3A_35 = tpu.memref_slice %arg3[%arg1, %dma_wait3A_33, %dma_wait3A_34] : memref<16x160x128xi32, #tpu.memory_space<hbm>> -> memref<1x160x128xi32, #tpu.memory_space<hbm>>
    %dma_wait3A_36 = tpu.memref_squeeze %dma_wait3A_35 : memref<1x160x128xi32, #tpu.memory_space<hbm>> -> memref<160x128xi32, #tpu.memory_space<hbm>>
    tpu.wait_dma2 semaphore(%arg18 : memref<!tpu.dma_semaphore, #tpu.memory_space<semaphore_mem>>) src(%dma_wait3A_36 : memref<160x128xi32, #tpu.memory_space<hbm>>) dst(%arg6 : memref<160x128xi32, #tpu.memory_space<vmem>>)
    %dma_wait3A_37 = arith.constant 0 : i32
    %dma_wait3A_38 = arith.constant 0 : i32
    %dma_wait3A_39 = tpu.memref_slice %arg4[%arg1, %dma_wait3A_37, %dma_wait3A_38] : memref<16x160x128xi32, #tpu.memory_space<hbm>> -> memref<1x160x128xi32, #tpu.memory_space<hbm>>
    %dma_wait3A_40 = tpu.memref_squeeze %dma_wait3A_39 : memref<1x160x128xi32, #tpu.memory_space<hbm>> -> memref<160x128xi32, #tpu.memory_space<hbm>>
    %dma_wait3A_41 = arith.constant 0 : i32
    %dma_wait3A_42 = arith.constant 0 : i32
    %dma_wait3A_43 = tpu.memref_slice %arg4[%arg1, %dma_wait3A_41, %dma_wait3A_42] : memref<16x160x128xi32, #tpu.memory_space<hbm>> -> memref<1x160x128xi32, #tpu.memory_space<hbm>>
    %dma_wait3A_44 = tpu.memref_squeeze %dma_wait3A_43 : memref<1x160x128xi32, #tpu.memory_space<hbm>> -> memref<160x128xi32, #tpu.memory_space<hbm>>
    tpu.wait_dma2 semaphore(%arg19 : memref<!tpu.dma_semaphore, #tpu.memory_space<semaphore_mem>>) src(%dma_wait3A_44 : memref<160x128xi32, #tpu.memory_space<hbm>>) dst(%arg7 : memref<160x128xi32, #tpu.memory_space<vmem>>)
    %barrier3A = arith.constant 0 : index
    tpu.barrier barrier_id(%barrier3A)
    %dma_start3A_45 = arith.constant 0 : i32
    %dma_start3A_46 = arith.constant 0 : i32
    %dma_start3A_47 = tpu.memref_slice %arg6[%dma_start3A_45, %dma_start3A_46] : memref<160x128xi32, #tpu.memory_space<vmem>> -> memref<1x128xi32, #tpu.memory_space<vmem>>
    %dma_start3A_48 = tpu.memref_squeeze %dma_start3A_47 : memref<1x128xi32, #tpu.memory_space<vmem>> -> memref<128xi32, #tpu.memory_space<vmem>>
    %dma_start3A_49 = arith.constant 0 : i32
    %dma_start3A_50 = arith.constant 0 : i32
    %dma_start3A_51 = tpu.memref_slice %arg33[%dma_start3A_49, %dma_start3A_50] : memref<10240x32xf32, #tpu.memory_space<vmem_shared>> -> memref<10240x32xf32, #tpu.memory_space<vmem_shared>>
    tpu.enqueue_indirect_dma source(%dma_start3A_51 : memref<10240x32xf32, #tpu.memory_space<vmem_shared>>) target(%arg8 : memref<128x32xf32, #tpu.memory_space<vmem>>) offsets(%dma_start3A_48 : memref<128xi32, #tpu.memory_space<vmem>>) semaphore(%arg16 : memref<!tpu.dma_semaphore, #tpu.memory_space<semaphore_mem>>)
    %dma_start3A_52 = arith.constant 1 : i32
    %dma_start3A_53 = arith.constant 0 : i32
    %dma_start3A_54 = tpu.memref_slice %arg6[%dma_start3A_52, %dma_start3A_53] : memref<160x128xi32, #tpu.memory_space<vmem>> -> memref<1x128xi32, #tpu.memory_space<vmem>>
    %dma_start3A_55 = tpu.memref_squeeze %dma_start3A_54 : memref<1x128xi32, #tpu.memory_space<vmem>> -> memref<128xi32, #tpu.memory_space<vmem>>
    %dma_start3A_56 = arith.constant 0 : i32
    %dma_start3A_57 = arith.constant 0 : i32
    %dma_start3A_58 = tpu.memref_slice %arg33[%dma_start3A_56, %dma_start3A_57] : memref<10240x32xf32, #tpu.memory_space<vmem_shared>> -> memref<10240x32xf32, #tpu.memory_space<vmem_shared>>
    tpu.enqueue_indirect_dma source(%dma_start3A_58 : memref<10240x32xf32, #tpu.memory_space<vmem_shared>>) target(%arg9 : memref<128x32xf32, #tpu.memory_space<vmem>>) offsets(%dma_start3A_55 : memref<128xi32, #tpu.memory_space<vmem>>) semaphore(%arg17 : memref<!tpu.dma_semaphore, #tpu.memory_space<semaphore_mem>>)
    %dma_start3A_59 = arith.constant 2 : i32
    %dma_start3A_60 = arith.constant 0 : i32
    %dma_start3A_61 = tpu.memref_slice %arg6[%dma_start3A_59, %dma_start3A_60] : memref<160x128xi32, #tpu.memory_space<vmem>> -> memref<1x128xi32, #tpu.memory_space<vmem>>
    %dma_start3A_62 = tpu.memref_squeeze %dma_start3A_61 : memref<1x128xi32, #tpu.memory_space<vmem>> -> memref<128xi32, #tpu.memory_space<vmem>>
    %dma_start3A_63 = arith.constant 0 : i32
    %dma_start3A_64 = arith.constant 0 : i32
    %dma_start3A_65 = tpu.memref_slice %arg33[%dma_start3A_63, %dma_start3A_64] : memref<10240x32xf32, #tpu.memory_space<vmem_shared>> -> memref<10240x32xf32, #tpu.memory_space<vmem_shared>>
    tpu.enqueue_indirect_dma source(%dma_start3A_65 : memref<10240x32xf32, #tpu.memory_space<vmem_shared>>) target(%arg10 : memref<128x32xf32, #tpu.memory_space<vmem>>) offsets(%dma_start3A_62 : memref<128xi32, #tpu.memory_space<vmem>>) semaphore(%arg18 : memref<!tpu.dma_semaphore, #tpu.memory_space<semaphore_mem>>)
    %dma_start3A_66 = arith.constant 3 : i32
    %dma_start3A_67 = arith.constant 0 : i32
    %dma_start3A_68 = tpu.memref_slice %arg6[%dma_start3A_66, %dma_start3A_67] : memref<160x128xi32, #tpu.memory_space<vmem>> -> memref<1x128xi32, #tpu.memory_space<vmem>>
    %dma_start3A_69 = tpu.memref_squeeze %dma_start3A_68 : memref<1x128xi32, #tpu.memory_space<vmem>> -> memref<128xi32, #tpu.memory_space<vmem>>
    %dma_start3A_70 = arith.constant 0 : i32
    %dma_start3A_71 = arith.constant 0 : i32
    %dma_start3A_72 = tpu.memref_slice %arg33[%dma_start3A_70, %dma_start3A_71] : memref<10240x32xf32, #tpu.memory_space<vmem_shared>> -> memref<10240x32xf32, #tpu.memory_space<vmem_shared>>
    tpu.enqueue_indirect_dma source(%dma_start3A_72 : memref<10240x32xf32, #tpu.memory_space<vmem_shared>>) target(%arg11 : memref<128x32xf32, #tpu.memory_space<vmem>>) offsets(%dma_start3A_69 : memref<128xi32, #tpu.memory_space<vmem>>) semaphore(%arg19 : memref<!tpu.dma_semaphore, #tpu.memory_space<semaphore_mem>>)
    %dma_start3A_73 = arith.constant 4 : i32
    %dma_start3A_74 = arith.constant 0 : i32
    %dma_start3A_75 = tpu.memref_slice %arg6[%dma_start3A_73, %dma_start3A_74] : memref<160x128xi32, #tpu.memory_space<vmem>> -> memref<1x128xi32, #tpu.memory_space<vmem>>
    %dma_start3A_76 = tpu.memref_squeeze %dma_start3A_75 : memref<1x128xi32, #tpu.memory_space<vmem>> -> memref<128xi32, #tpu.memory_space<vmem>>
    %dma_start3A_77 = arith.constant 0 : i32
    %dma_start3A_78 = arith.constant 0 : i32
    %dma_start3A_79 = tpu.memref_slice %arg33[%dma_start3A_77, %dma_start3A_78] : memref<10240x32xf32, #tpu.memory_space<vmem_shared>> -> memref<10240x32xf32, #tpu.memory_space<vmem_shared>>
    tpu.enqueue_indirect_dma source(%dma_start3A_79 : memref<10240x32xf32, #tpu.memory_space<vmem_shared>>) target(%arg12 : memref<128x32xf32, #tpu.memory_space<vmem>>) offsets(%dma_start3A_76 : memref<128xi32, #tpu.memory_space<vmem>>) semaphore(%arg20 : memref<!tpu.dma_semaphore, #tpu.memory_space<semaphore_mem>>)
    %dma_start3A_80 = arith.constant 5 : i32
    %dma_start3A_81 = arith.constant 0 : i32
    %dma_start3A_82 = tpu.memref_slice %arg6[%dma_start3A_80, %dma_start3A_81] : memref<160x128xi32, #tpu.memory_space<vmem>> -> memref<1x128xi32, #tpu.memory_space<vmem>>
    %dma_start3A_83 = tpu.memref_squeeze %dma_start3A_82 : memref<1x128xi32, #tpu.memory_space<vmem>> -> memref<128xi32, #tpu.memory_space<vmem>>
    %dma_start3A_84 = arith.constant 0 : i32
    %dma_start3A_85 = arith.constant 0 : i32
    %dma_start3A_86 = tpu.memref_slice %arg33[%dma_start3A_84, %dma_start3A_85] : memref<10240x32xf32, #tpu.memory_space<vmem_shared>> -> memref<10240x32xf32, #tpu.memory_space<vmem_shared>>
    tpu.enqueue_indirect_dma source(%dma_start3A_86 : memref<10240x32xf32, #tpu.memory_space<vmem_shared>>) target(%arg13 : memref<128x32xf32, #tpu.memory_space<vmem>>) offsets(%dma_start3A_83 : memref<128xi32, #tpu.memory_space<vmem>>) semaphore(%arg21 : memref<!tpu.dma_semaphore, #tpu.memory_space<semaphore_mem>>)
    %dma_start3A_87 = arith.constant 6 : i32
    %dma_start3A_88 = arith.constant 0 : i32
    %dma_start3A_89 = tpu.memref_slice %arg6[%dma_start3A_87, %dma_start3A_88] : memref<160x128xi32, #tpu.memory_space<vmem>> -> memref<1x128xi32, #tpu.memory_space<vmem>>
    %dma_start3A_90 = tpu.memref_squeeze %dma_start3A_89 : memref<1x128xi32, #tpu.memory_space<vmem>> -> memref<128xi32, #tpu.memory_space<vmem>>
    %dma_start3A_91 = arith.constant 0 : i32
    %dma_start3A_92 = arith.constant 0 : i32
    %dma_start3A_93 = tpu.memref_slice %arg33[%dma_start3A_91, %dma_start3A_92] : memref<10240x32xf32, #tpu.memory_space<vmem_shared>> -> memref<10240x32xf32, #tpu.memory_space<vmem_shared>>
    tpu.enqueue_indirect_dma source(%dma_start3A_93 : memref<10240x32xf32, #tpu.memory_space<vmem_shared>>) target(%arg14 : memref<128x32xf32, #tpu.memory_space<vmem>>) offsets(%dma_start3A_90 : memref<128xi32, #tpu.memory_space<vmem>>) semaphore(%arg22 : memref<!tpu.dma_semaphore, #tpu.memory_space<semaphore_mem>>)
    %dma_start3A_94 = arith.constant 7 : i32
    %dma_start3A_95 = arith.constant 0 : i32
    %dma_start3A_96 = tpu.memref_slice %arg6[%dma_start3A_94, %dma_start3A_95] : memref<160x128xi32, #tpu.memory_space<vmem>> -> memref<1x128xi32, #tpu.memory_space<vmem>>
    %dma_start3A_97 = tpu.memref_squeeze %dma_start3A_96 : memref<1x128xi32, #tpu.memory_space<vmem>> -> memref<128xi32, #tpu.memory_space<vmem>>
    %dma_start3A_98 = arith.constant 0 : i32
    %dma_start3A_99 = arith.constant 0 : i32
    %dma_start3A_100 = tpu.memref_slice %arg33[%dma_start3A_98, %dma_start3A_99] : memref<10240x32xf32, #tpu.memory_space<vmem_shared>> -> memref<10240x32xf32, #tpu.memory_space<vmem_shared>>
    tpu.enqueue_indirect_dma source(%dma_start3A_100 : memref<10240x32xf32, #tpu.memory_space<vmem_shared>>) target(%arg15 : memref<128x32xf32, #tpu.memory_space<vmem>>) offsets(%dma_start3A_97 : memref<128xi32, #tpu.memory_space<vmem>>) semaphore(%arg23 : memref<!tpu.dma_semaphore, #tpu.memory_space<semaphore_mem>>)
    %scan3A = arith.constant 0 : i32
    %scan3A_101 = arith.constant 0 : i32
    %scan3A_102 = arith.constant 20 : i32
    %scan3A_103 = arith.addi %scan3A_101, %scan3A_102 : i32
    %scan3A_104 = arith.constant 1 : i32
    scf.for %scan3A_163 = %scan3A_101 to %scan3A_103 step %scan3A_104  : i32 {
      %mul3A_164 = arith.constant 8 : i32
      %mul3A_165 = arith.muli %scan3A_163, %mul3A_164 : i32
      %add3A = arith.constant 0 : i32
      %add3A_166 = arith.addi %mul3A_165, %add3A : i32
      %dma_wait3A_167 = arith.constant 0 : i32
      %dma_wait3A_168 = tpu.memref_slice %arg6[%add3A_166, %dma_wait3A_167] : memref<160x128xi32, #tpu.memory_space<vmem>> -> memref<1x128xi32, #tpu.memory_space<vmem>>
      %dma_wait3A_169 = tpu.memref_squeeze %dma_wait3A_168 : memref<1x128xi32, #tpu.memory_space<vmem>> -> memref<128xi32, #tpu.memory_space<vmem>>
      %dma_wait3A_170 = arith.constant 0 : i32
      %dma_wait3A_171 = arith.constant 0 : i32
      %dma_wait3A_172 = tpu.memref_slice %arg33[%dma_wait3A_170, %dma_wait3A_171] : memref<10240x32xf32, #tpu.memory_space<vmem_shared>> -> memref<10240x32xf32, #tpu.memory_space<vmem_shared>>
      tpu.wait_indirect_dma semaphore(%arg16 : memref<!tpu.dma_semaphore, #tpu.memory_space<semaphore_mem>>) src(%dma_wait3A_172 : memref<10240x32xf32, #tpu.memory_space<vmem_shared>>) dst(%arg8 : memref<128x32xf32, #tpu.memory_space<vmem>>)
      %dma_start3A_173 = arith.constant 0 : i32
      %dma_start3A_174 = tpu.memref_slice %arg7[%add3A_166, %dma_start3A_173] : memref<160x128xi32, #tpu.memory_space<vmem>> -> memref<1x128xi32, #tpu.memory_space<vmem>>
      %dma_start3A_175 = tpu.memref_squeeze %dma_start3A_174 : memref<1x128xi32, #tpu.memory_space<vmem>> -> memref<128xi32, #tpu.memory_space<vmem>>
      %dma_start3A_176 = arith.constant 0 : i32
      %dma_start3A_177 = arith.constant 0 : i32
      %dma_start3A_178 = tpu.memref_slice %arg32[%dma_start3A_176, %dma_start3A_177] : memref<10240x32xf32, #tpu.memory_space<vmem_shared>> -> memref<10240x32xf32, #tpu.memory_space<vmem_shared>>
      tpu.enqueue_indirect_dma source(%arg8 : memref<128x32xf32, #tpu.memory_space<vmem>>) target(%dma_start3A_178 : memref<10240x32xf32, #tpu.memory_space<vmem_shared>>) offsets(%dma_start3A_175 : memref<128xi32, #tpu.memory_space<vmem>>) semaphore(%arg24 : memref<!tpu.dma_semaphore, #tpu.memory_space<semaphore_mem>>) {add = true}
      %add3A_179 = arith.constant 1 : i32
      %add3A_180 = arith.addi %mul3A_165, %add3A_179 : i32
      %dma_wait3A_181 = arith.constant 0 : i32
      %dma_wait3A_182 = tpu.memref_slice %arg6[%add3A_180, %dma_wait3A_181] : memref<160x128xi32, #tpu.memory_space<vmem>> -> memref<1x128xi32, #tpu.memory_space<vmem>>
      %dma_wait3A_183 = tpu.memref_squeeze %dma_wait3A_182 : memref<1x128xi32, #tpu.memory_space<vmem>> -> memref<128xi32, #tpu.memory_space<vmem>>
      %dma_wait3A_184 = arith.constant 0 : i32
      %dma_wait3A_185 = arith.constant 0 : i32
      %dma_wait3A_186 = tpu.memref_slice %arg33[%dma_wait3A_184, %dma_wait3A_185] : memref<10240x32xf32, #tpu.memory_space<vmem_shared>> -> memref<10240x32xf32, #tpu.memory_space<vmem_shared>>
      tpu.wait_indirect_dma semaphore(%arg17 : memref<!tpu.dma_semaphore, #tpu.memory_space<semaphore_mem>>) src(%dma_wait3A_186 : memref<10240x32xf32, #tpu.memory_space<vmem_shared>>) dst(%arg9 : memref<128x32xf32, #tpu.memory_space<vmem>>)
      %dma_start3A_187 = arith.constant 0 : i32
      %dma_start3A_188 = tpu.memref_slice %arg7[%add3A_180, %dma_start3A_187] : memref<160x128xi32, #tpu.memory_space<vmem>> -> memref<1x128xi32, #tpu.memory_space<vmem>>
      %dma_start3A_189 = tpu.memref_squeeze %dma_start3A_188 : memref<1x128xi32, #tpu.memory_space<vmem>> -> memref<128xi32, #tpu.memory_space<vmem>>
      %dma_start3A_190 = arith.constant 0 : i32
      %dma_start3A_191 = arith.constant 0 : i32
      %dma_start3A_192 = tpu.memref_slice %arg32[%dma_start3A_190, %dma_start3A_191] : memref<10240x32xf32, #tpu.memory_space<vmem_shared>> -> memref<10240x32xf32, #tpu.memory_space<vmem_shared>>
      tpu.enqueue_indirect_dma source(%arg9 : memref<128x32xf32, #tpu.memory_space<vmem>>) target(%dma_start3A_192 : memref<10240x32xf32, #tpu.memory_space<vmem_shared>>) offsets(%dma_start3A_189 : memref<128xi32, #tpu.memory_space<vmem>>) semaphore(%arg25 : memref<!tpu.dma_semaphore, #tpu.memory_space<semaphore_mem>>) {add = true}
      %add3A_193 = arith.constant 2 : i32
      %add3A_194 = arith.addi %mul3A_165, %add3A_193 : i32
      %dma_wait3A_195 = arith.constant 0 : i32
      %dma_wait3A_196 = tpu.memref_slice %arg6[%add3A_194, %dma_wait3A_195] : memref<160x128xi32, #tpu.memory_space<vmem>> -> memref<1x128xi32, #tpu.memory_space<vmem>>
      %dma_wait3A_197 = tpu.memref_squeeze %dma_wait3A_196 : memref<1x128xi32, #tpu.memory_space<vmem>> -> memref<128xi32, #tpu.memory_space<vmem>>
      %dma_wait3A_198 = arith.constant 0 : i32
      %dma_wait3A_199 = arith.constant 0 : i32
      %dma_wait3A_200 = tpu.memref_slice %arg33[%dma_wait3A_198, %dma_wait3A_199] : memref<10240x32xf32, #tpu.memory_space<vmem_shared>> -> memref<10240x32xf32, #tpu.memory_space<vmem_shared>>
      tpu.wait_indirect_dma semaphore(%arg18 : memref<!tpu.dma_semaphore, #tpu.memory_space<semaphore_mem>>) src(%dma_wait3A_200 : memref<10240x32xf32, #tpu.memory_space<vmem_shared>>) dst(%arg10 : memref<128x32xf32, #tpu.memory_space<vmem>>)
      %dma_start3A_201 = arith.constant 0 : i32
      %dma_start3A_202 = tpu.memref_slice %arg7[%add3A_194, %dma_start3A_201] : memref<160x128xi32, #tpu.memory_space<vmem>> -> memref<1x128xi32, #tpu.memory_space<vmem>>
      %dma_start3A_203 = tpu.memref_squeeze %dma_start3A_202 : memref<1x128xi32, #tpu.memory_space<vmem>> -> memref<128xi32, #tpu.memory_space<vmem>>
      %dma_start3A_204 = arith.constant 0 : i32
      %dma_start3A_205 = arith.constant 0 : i32
      %dma_start3A_206 = tpu.memref_slice %arg32[%dma_start3A_204, %dma_start3A_205] : memref<10240x32xf32, #tpu.memory_space<vmem_shared>> -> memref<10240x32xf32, #tpu.memory_space<vmem_shared>>
      tpu.enqueue_indirect_dma source(%arg10 : memref<128x32xf32, #tpu.memory_space<vmem>>) target(%dma_start3A_206 : memref<10240x32xf32, #tpu.memory_space<vmem_shared>>) offsets(%dma_start3A_203 : memref<128xi32, #tpu.memory_space<vmem>>) semaphore(%arg26 : memref<!tpu.dma_semaphore, #tpu.memory_space<semaphore_mem>>) {add = true}
      %add3A_207 = arith.constant 3 : i32
      %add3A_208 = arith.addi %mul3A_165, %add3A_207 : i32
      %dma_wait3A_209 = arith.constant 0 : i32
      %dma_wait3A_210 = tpu.memref_slice %arg6[%add3A_208, %dma_wait3A_209] : memref<160x128xi32, #tpu.memory_space<vmem>> -> memref<1x128xi32, #tpu.memory_space<vmem>>
      %dma_wait3A_211 = tpu.memref_squeeze %dma_wait3A_210 : memref<1x128xi32, #tpu.memory_space<vmem>> -> memref<128xi32, #tpu.memory_space<vmem>>
      %dma_wait3A_212 = arith.constant 0 : i32
      %dma_wait3A_213 = arith.constant 0 : i32
      %dma_wait3A_214 = tpu.memref_slice %arg33[%dma_wait3A_212, %dma_wait3A_213] : memref<10240x32xf32, #tpu.memory_space<vmem_shared>> -> memref<10240x32xf32, #tpu.memory_space<vmem_shared>>
      tpu.wait_indirect_dma semaphore(%arg19 : memref<!tpu.dma_semaphore, #tpu.memory_space<semaphore_mem>>) src(%dma_wait3A_214 : memref<10240x32xf32, #tpu.memory_space<vmem_shared>>) dst(%arg11 : memref<128x32xf32, #tpu.memory_space<vmem>>)
      %dma_start3A_215 = arith.constant 0 : i32
      %dma_start3A_216 = tpu.memref_slice %arg7[%add3A_208, %dma_start3A_215] : memref<160x128xi32, #tpu.memory_space<vmem>> -> memref<1x128xi32, #tpu.memory_space<vmem>>
      %dma_start3A_217 = tpu.memref_squeeze %dma_start3A_216 : memref<1x128xi32, #tpu.memory_space<vmem>> -> memref<128xi32, #tpu.memory_space<vmem>>
      %dma_start3A_218 = arith.constant 0 : i32
      %dma_start3A_219 = arith.constant 0 : i32
      %dma_start3A_220 = tpu.memref_slice %arg32[%dma_start3A_218, %dma_start3A_219] : memref<10240x32xf32, #tpu.memory_space<vmem_shared>> -> memref<10240x32xf32, #tpu.memory_space<vmem_shared>>
      tpu.enqueue_indirect_dma source(%arg11 : memref<128x32xf32, #tpu.memory_space<vmem>>) target(%dma_start3A_220 : memref<10240x32xf32, #tpu.memory_space<vmem_shared>>) offsets(%dma_start3A_217 : memref<128xi32, #tpu.memory_space<vmem>>) semaphore(%arg27 : memref<!tpu.dma_semaphore, #tpu.memory_space<semaphore_mem>>) {add = true}
      %add3A_221 = arith.constant 4 : i32
      %add3A_222 = arith.addi %mul3A_165, %add3A_221 : i32
      %dma_wait3A_223 = arith.constant 0 : i32
      %dma_wait3A_224 = tpu.memref_slice %arg6[%add3A_222, %dma_wait3A_223] : memref<160x128xi32, #tpu.memory_space<vmem>> -> memref<1x128xi32, #tpu.memory_space<vmem>>
      %dma_wait3A_225 = tpu.memref_squeeze %dma_wait3A_224 : memref<1x128xi32, #tpu.memory_space<vmem>> -> memref<128xi32, #tpu.memory_space<vmem>>
      %dma_wait3A_226 = arith.constant 0 : i32
      %dma_wait3A_227 = arith.constant 0 : i32
      %dma_wait3A_228 = tpu.memref_slice %arg33[%dma_wait3A_226, %dma_wait3A_227] : memref<10240x32xf32, #tpu.memory_space<vmem_shared>> -> memref<10240x32xf32, #tpu.memory_space<vmem_shared>>
      tpu.wait_indirect_dma semaphore(%arg20 : memref<!tpu.dma_semaphore, #tpu.memory_space<semaphore_mem>>) src(%dma_wait3A_228 : memref<10240x32xf32, #tpu.memory_space<vmem_shared>>) dst(%arg12 : memref<128x32xf32, #tpu.memory_space<vmem>>)
      %dma_start3A_229 = arith.constant 0 : i32
      %dma_start3A_230 = tpu.memref_slice %arg7[%add3A_222, %dma_start3A_229] : memref<160x128xi32, #tpu.memory_space<vmem>> -> memref<1x128xi32, #tpu.memory_space<vmem>>
      %dma_start3A_231 = tpu.memref_squeeze %dma_start3A_230 : memref<1x128xi32, #tpu.memory_space<vmem>> -> memref<128xi32, #tpu.memory_space<vmem>>
      %dma_start3A_232 = arith.constant 0 : i32
      %dma_start3A_233 = arith.constant 0 : i32
      %dma_start3A_234 = tpu.memref_slice %arg32[%dma_start3A_232, %dma_start3A_233] : memref<10240x32xf32, #tpu.memory_space<vmem_shared>> -> memref<10240x32xf32, #tpu.memory_space<vmem_shared>>
      tpu.enqueue_indirect_dma source(%arg12 : memref<128x32xf32, #tpu.memory_space<vmem>>) target(%dma_start3A_234 : memref<10240x32xf32, #tpu.memory_space<vmem_shared>>) offsets(%dma_start3A_231 : memref<128xi32, #tpu.memory_space<vmem>>) semaphore(%arg28 : memref<!tpu.dma_semaphore, #tpu.memory_space<semaphore_mem>>) {add = true}
      %add3A_235 = arith.constant 5 : i32
      %add3A_236 = arith.addi %mul3A_165, %add3A_235 : i32
      %dma_wait3A_237 = arith.constant 0 : i32
      %dma_wait3A_238 = tpu.memref_slice %arg6[%add3A_236, %dma_wait3A_237] : memref<160x128xi32, #tpu.memory_space<vmem>> -> memref<1x128xi32, #tpu.memory_space<vmem>>
      %dma_wait3A_239 = tpu.memref_squeeze %dma_wait3A_238 : memref<1x128xi32, #tpu.memory_space<vmem>> -> memref<128xi32, #tpu.memory_space<vmem>>
      %dma_wait3A_240 = arith.constant 0 : i32
      %dma_wait3A_241 = arith.constant 0 : i32
      %dma_wait3A_242 = tpu.memref_slice %arg33[%dma_wait3A_240, %dma_wait3A_241] : memref<10240x32xf32, #tpu.memory_space<vmem_shared>> -> memref<10240x32xf32, #tpu.memory_space<vmem_shared>>
      tpu.wait_indirect_dma semaphore(%arg21 : memref<!tpu.dma_semaphore, #tpu.memory_space<semaphore_mem>>) src(%dma_wait3A_242 : memref<10240x32xf32, #tpu.memory_space<vmem_shared>>) dst(%arg13 : memref<128x32xf32, #tpu.memory_space<vmem>>)
      %dma_start3A_243 = arith.constant 0 : i32
      %dma_start3A_244 = tpu.memref_slice %arg7[%add3A_236, %dma_start3A_243] : memref<160x128xi32, #tpu.memory_space<vmem>> -> memref<1x128xi32, #tpu.memory_space<vmem>>
      %dma_start3A_245 = tpu.memref_squeeze %dma_start3A_244 : memref<1x128xi32, #tpu.memory_space<vmem>> -> memref<128xi32, #tpu.memory_space<vmem>>
      %dma_start3A_246 = arith.constant 0 : i32
      %dma_start3A_247 = arith.constant 0 : i32
      %dma_start3A_248 = tpu.memref_slice %arg32[%dma_start3A_246, %dma_start3A_247] : memref<10240x32xf32, #tpu.memory_space<vmem_shared>> -> memref<10240x32xf32, #tpu.memory_space<vmem_shared>>
      tpu.enqueue_indirect_dma source(%arg13 : memref<128x32xf32, #tpu.memory_space<vmem>>) target(%dma_start3A_248 : memref<10240x32xf32, #tpu.memory_space<vmem_shared>>) offsets(%dma_start3A_245 : memref<128xi32, #tpu.memory_space<vmem>>) semaphore(%arg29 : memref<!tpu.dma_semaphore, #tpu.memory_space<semaphore_mem>>) {add = true}
      %add3A_249 = arith.constant 6 : i32
      %add3A_250 = arith.addi %mul3A_165, %add3A_249 : i32
      %dma_wait3A_251 = arith.constant 0 : i32
      %dma_wait3A_252 = tpu.memref_slice %arg6[%add3A_250, %dma_wait3A_251] : memref<160x128xi32, #tpu.memory_space<vmem>> -> memref<1x128xi32, #tpu.memory_space<vmem>>
      %dma_wait3A_253 = tpu.memref_squeeze %dma_wait3A_252 : memref<1x128xi32, #tpu.memory_space<vmem>> -> memref<128xi32, #tpu.memory_space<vmem>>
      %dma_wait3A_254 = arith.constant 0 : i32
      %dma_wait3A_255 = arith.constant 0 : i32
      %dma_wait3A_256 = tpu.memref_slice %arg33[%dma_wait3A_254, %dma_wait3A_255] : memref<10240x32xf32, #tpu.memory_space<vmem_shared>> -> memref<10240x32xf32, #tpu.memory_space<vmem_shared>>
      tpu.wait_indirect_dma semaphore(%arg22 : memref<!tpu.dma_semaphore, #tpu.memory_space<semaphore_mem>>) src(%dma_wait3A_256 : memref<10240x32xf32, #tpu.memory_space<vmem_shared>>) dst(%arg14 : memref<128x32xf32, #tpu.memory_space<vmem>>)
      %dma_start3A_257 = arith.constant 0 : i32
      %dma_start3A_258 = tpu.memref_slice %arg7[%add3A_250, %dma_start3A_257] : memref<160x128xi32, #tpu.memory_space<vmem>> -> memref<1x128xi32, #tpu.memory_space<vmem>>
      %dma_start3A_259 = tpu.memref_squeeze %dma_start3A_258 : memref<1x128xi32, #tpu.memory_space<vmem>> -> memref<128xi32, #tpu.memory_space<vmem>>
      %dma_start3A_260 = arith.constant 0 : i32
      %dma_start3A_261 = arith.constant 0 : i32
      %dma_start3A_262 = tpu.memref_slice %arg32[%dma_start3A_260, %dma_start3A_261] : memref<10240x32xf32, #tpu.memory_space<vmem_shared>> -> memref<10240x32xf32, #tpu.memory_space<vmem_shared>>
      tpu.enqueue_indirect_dma source(%arg14 : memref<128x32xf32, #tpu.memory_space<vmem>>) target(%dma_start3A_262 : memref<10240x32xf32, #tpu.memory_space<vmem_shared>>) offsets(%dma_start3A_259 : memref<128xi32, #tpu.memory_space<vmem>>) semaphore(%arg30 : memref<!tpu.dma_semaphore, #tpu.memory_space<semaphore_mem>>) {add = true}
      %add3A_263 = arith.constant 7 : i32
      %add3A_264 = arith.addi %mul3A_165, %add3A_263 : i32
      %dma_wait3A_265 = arith.constant 0 : i32
      %dma_wait3A_266 = tpu.memref_slice %arg6[%add3A_264, %dma_wait3A_265] : memref<160x128xi32, #tpu.memory_space<vmem>> -> memref<1x128xi32, #tpu.memory_space<vmem>>
      %dma_wait3A_267 = tpu.memref_squeeze %dma_wait3A_266 : memref<1x128xi32, #tpu.memory_space<vmem>> -> memref<128xi32, #tpu.memory_space<vmem>>
      %dma_wait3A_268 = arith.constant 0 : i32
      %dma_wait3A_269 = arith.constant 0 : i32
      %dma_wait3A_270 = tpu.memref_slice %arg33[%dma_wait3A_268, %dma_wait3A_269] : memref<10240x32xf32, #tpu.memory_space<vmem_shared>> -> memref<10240x32xf32, #tpu.memory_space<vmem_shared>>
      tpu.wait_indirect_dma semaphore(%arg23 : memref<!tpu.dma_semaphore, #tpu.memory_space<semaphore_mem>>) src(%dma_wait3A_270 : memref<10240x32xf32, #tpu.memory_space<vmem_shared>>) dst(%arg15 : memref<128x32xf32, #tpu.memory_space<vmem>>)
      %dma_start3A_271 = arith.constant 0 : i32
      %dma_start3A_272 = tpu.memref_slice %arg7[%add3A_264, %dma_start3A_271] : memref<160x128xi32, #tpu.memory_space<vmem>> -> memref<1x128xi32, #tpu.memory_space<vmem>>
      %dma_start3A_273 = tpu.memref_squeeze %dma_start3A_272 : memref<1x128xi32, #tpu.memory_space<vmem>> -> memref<128xi32, #tpu.memory_space<vmem>>
      %dma_start3A_274 = arith.constant 0 : i32
      %dma_start3A_275 = arith.constant 0 : i32
      %dma_start3A_276 = tpu.memref_slice %arg32[%dma_start3A_274, %dma_start3A_275] : memref<10240x32xf32, #tpu.memory_space<vmem_shared>> -> memref<10240x32xf32, #tpu.memory_space<vmem_shared>>
      tpu.enqueue_indirect_dma source(%arg15 : memref<128x32xf32, #tpu.memory_space<vmem>>) target(%dma_start3A_276 : memref<10240x32xf32, #tpu.memory_space<vmem_shared>>) offsets(%dma_start3A_273 : memref<128xi32, #tpu.memory_space<vmem>>) semaphore(%arg31 : memref<!tpu.dma_semaphore, #tpu.memory_space<semaphore_mem>>) {add = true}
      %add3A_277 = arith.constant 8 : i32
      %add3A_278 = arith.addi %mul3A_165, %add3A_277 : i32
      %add3A_279 = arith.constant 0 : i32
      %add3A_280 = arith.addi %add3A_278, %add3A_279 : i32
      %lt3A = arith.constant 160 : i32
      %lt3A_281 = arith.cmpi slt, %add3A_280, %lt3A : i32
      %convert_element_type3A = arith.extui %lt3A_281 : i1 to i32
      %cond3A = arith.constant 0 : i32
      %cond3A_282 = arith.cmpi ne, %convert_element_type3A, %cond3A : i32
      scf.if %cond3A_282 {
        %add3A_346 = arith.constant 0 : i32
        %add3A_347 = arith.addi %mul3A_165, %add3A_346 : i32
        %dma_wait3A_348 = arith.constant 0 : i32
        %dma_wait3A_349 = tpu.memref_slice %arg7[%add3A_347, %dma_wait3A_348] : memref<160x128xi32, #tpu.memory_space<vmem>> -> memref<1x128xi32, #tpu.memory_space<vmem>>
        %dma_wait3A_350 = tpu.memref_squeeze %dma_wait3A_349 : memref<1x128xi32, #tpu.memory_space<vmem>> -> memref<128xi32, #tpu.memory_space<vmem>>
        %dma_wait3A_351 = arith.constant 0 : i32
        %dma_wait3A_352 = arith.constant 0 : i32
        %dma_wait3A_353 = tpu.memref_slice %arg32[%dma_wait3A_351, %dma_wait3A_352] : memref<10240x32xf32, #tpu.memory_space<vmem_shared>> -> memref<10240x32xf32, #tpu.memory_space<vmem_shared>>
        tpu.wait_indirect_dma semaphore(%arg24 : memref<!tpu.dma_semaphore, #tpu.memory_space<semaphore_mem>>) src(%arg8 : memref<128x32xf32, #tpu.memory_space<vmem>>) dst(%dma_wait3A_353 : memref<10240x32xf32, #tpu.memory_space<vmem_shared>>)
        %dma_start3A_354 = arith.constant 0 : i32
        %dma_start3A_355 = tpu.memref_slice %arg6[%add3A_280, %dma_start3A_354] : memref<160x128xi32, #tpu.memory_space<vmem>> -> memref<1x128xi32, #tpu.memory_space<vmem>>
        %dma_start3A_356 = tpu.memref_squeeze %dma_start3A_355 : memref<1x128xi32, #tpu.memory_space<vmem>> -> memref<128xi32, #tpu.memory_space<vmem>>
        %dma_start3A_357 = arith.constant 0 : i32
        %dma_start3A_358 = arith.constant 0 : i32
        %dma_start3A_359 = tpu.memref_slice %arg33[%dma_start3A_357, %dma_start3A_358] : memref<10240x32xf32, #tpu.memory_space<vmem_shared>> -> memref<10240x32xf32, #tpu.memory_space<vmem_shared>>
        tpu.enqueue_indirect_dma source(%dma_start3A_359 : memref<10240x32xf32, #tpu.memory_space<vmem_shared>>) target(%arg8 : memref<128x32xf32, #tpu.memory_space<vmem>>) offsets(%dma_start3A_356 : memref<128xi32, #tpu.memory_space<vmem>>) semaphore(%arg16 : memref<!tpu.dma_semaphore, #tpu.memory_space<semaphore_mem>>)
      } else {
      }
      %add3A_283 = arith.constant 8 : i32
      %add3A_284 = arith.addi %mul3A_165, %add3A_283 : i32
      %add3A_285 = arith.constant 1 : i32
      %add3A_286 = arith.addi %add3A_284, %add3A_285 : i32
      %lt3A_287 = arith.constant 160 : i32
      %lt3A_288 = arith.cmpi slt, %add3A_286, %lt3A_287 : i32
      %convert_element_type3A_289 = arith.extui %lt3A_288 : i1 to i32
      %cond3A_290 = arith.constant 0 : i32
      %cond3A_291 = arith.cmpi ne, %convert_element_type3A_289, %cond3A_290 : i32
      scf.if %cond3A_291 {
        %add3A_346 = arith.constant 1 : i32
        %add3A_347 = arith.addi %mul3A_165, %add3A_346 : i32
        %dma_wait3A_348 = arith.constant 0 : i32
        %dma_wait3A_349 = tpu.memref_slice %arg7[%add3A_347, %dma_wait3A_348] : memref<160x128xi32, #tpu.memory_space<vmem>> -> memref<1x128xi32, #tpu.memory_space<vmem>>
        %dma_wait3A_350 = tpu.memref_squeeze %dma_wait3A_349 : memref<1x128xi32, #tpu.memory_space<vmem>> -> memref<128xi32, #tpu.memory_space<vmem>>
        %dma_wait3A_351 = arith.constant 0 : i32
        %dma_wait3A_352 = arith.constant 0 : i32
        %dma_wait3A_353 = tpu.memref_slice %arg32[%dma_wait3A_351, %dma_wait3A_352] : memref<10240x32xf32, #tpu.memory_space<vmem_shared>> -> memref<10240x32xf32, #tpu.memory_space<vmem_shared>>
        tpu.wait_indirect_dma semaphore(%arg25 : memref<!tpu.dma_semaphore, #tpu.memory_space<semaphore_mem>>) src(%arg9 : memref<128x32xf32, #tpu.memory_space<vmem>>) dst(%dma_wait3A_353 : memref<10240x32xf32, #tpu.memory_space<vmem_shared>>)
        %dma_start3A_354 = arith.constant 0 : i32
        %dma_start3A_355 = tpu.memref_slice %arg6[%add3A_286, %dma_start3A_354] : memref<160x128xi32, #tpu.memory_space<vmem>> -> memref<1x128xi32, #tpu.memory_space<vmem>>
        %dma_start3A_356 = tpu.memref_squeeze %dma_start3A_355 : memref<1x128xi32, #tpu.memory_space<vmem>> -> memref<128xi32, #tpu.memory_space<vmem>>
        %dma_start3A_357 = arith.constant 0 : i32
        %dma_start3A_358 = arith.constant 0 : i32
        %dma_start3A_359 = tpu.memref_slice %arg33[%dma_start3A_357, %dma_start3A_358] : memref<10240x32xf32, #tpu.memory_space<vmem_shared>> -> memref<10240x32xf32, #tpu.memory_space<vmem_shared>>
        tpu.enqueue_indirect_dma source(%dma_start3A_359 : memref<10240x32xf32, #tpu.memory_space<vmem_shared>>) target(%arg9 : memref<128x32xf32, #tpu.memory_space<vmem>>) offsets(%dma_start3A_356 : memref<128xi32, #tpu.memory_space<vmem>>) semaphore(%arg17 : memref<!tpu.dma_semaphore, #tpu.memory_space<semaphore_mem>>)
      } else {
      }
      %add3A_292 = arith.constant 8 : i32
      %add3A_293 = arith.addi %mul3A_165, %add3A_292 : i32
      %add3A_294 = arith.constant 2 : i32
      %add3A_295 = arith.addi %add3A_293, %add3A_294 : i32
      %lt3A_296 = arith.constant 160 : i32
      %lt3A_297 = arith.cmpi slt, %add3A_295, %lt3A_296 : i32
      %convert_element_type3A_298 = arith.extui %lt3A_297 : i1 to i32
      %cond3A_299 = arith.constant 0 : i32
      %cond3A_300 = arith.cmpi ne, %convert_element_type3A_298, %cond3A_299 : i32
      scf.if %cond3A_300 {
        %add3A_346 = arith.constant 2 : i32
        %add3A_347 = arith.addi %mul3A_165, %add3A_346 : i32
        %dma_wait3A_348 = arith.constant 0 : i32
        %dma_wait3A_349 = tpu.memref_slice %arg7[%add3A_347, %dma_wait3A_348] : memref<160x128xi32, #tpu.memory_space<vmem>> -> memref<1x128xi32, #tpu.memory_space<vmem>>
        %dma_wait3A_350 = tpu.memref_squeeze %dma_wait3A_349 : memref<1x128xi32, #tpu.memory_space<vmem>> -> memref<128xi32, #tpu.memory_space<vmem>>
        %dma_wait3A_351 = arith.constant 0 : i32
        %dma_wait3A_352 = arith.constant 0 : i32
        %dma_wait3A_353 = tpu.memref_slice %arg32[%dma_wait3A_351, %dma_wait3A_352] : memref<10240x32xf32, #tpu.memory_space<vmem_shared>> -> memref<10240x32xf32, #tpu.memory_space<vmem_shared>>
        tpu.wait_indirect_dma semaphore(%arg26 : memref<!tpu.dma_semaphore, #tpu.memory_space<semaphore_mem>>) src(%arg10 : memref<128x32xf32, #tpu.memory_space<vmem>>) dst(%dma_wait3A_353 : memref<10240x32xf32, #tpu.memory_space<vmem_shared>>)
        %dma_start3A_354 = arith.constant 0 : i32
        %dma_start3A_355 = tpu.memref_slice %arg6[%add3A_295, %dma_start3A_354] : memref<160x128xi32, #tpu.memory_space<vmem>> -> memref<1x128xi32, #tpu.memory_space<vmem>>
        %dma_start3A_356 = tpu.memref_squeeze %dma_start3A_355 : memref<1x128xi32, #tpu.memory_space<vmem>> -> memref<128xi32, #tpu.memory_space<vmem>>
        %dma_start3A_357 = arith.constant 0 : i32
        %dma_start3A_358 = arith.constant 0 : i32
        %dma_start3A_359 = tpu.memref_slice %arg33[%dma_start3A_357, %dma_start3A_358] : memref<10240x32xf32, #tpu.memory_space<vmem_shared>> -> memref<10240x32xf32, #tpu.memory_space<vmem_shared>>
        tpu.enqueue_indirect_dma source(%dma_start3A_359 : memref<10240x32xf32, #tpu.memory_space<vmem_shared>>) target(%arg10 : memref<128x32xf32, #tpu.memory_space<vmem>>) offsets(%dma_start3A_356 : memref<128xi32, #tpu.memory_space<vmem>>) semaphore(%arg18 : memref<!tpu.dma_semaphore, #tpu.memory_space<semaphore_mem>>)
      } else {
      }
      %add3A_301 = arith.constant 8 : i32
      %add3A_302 = arith.addi %mul3A_165, %add3A_301 : i32
      %add3A_303 = arith.constant 3 : i32
      %add3A_304 = arith.addi %add3A_302, %add3A_303 : i32
      %lt3A_305 = arith.constant 160 : i32
      %lt3A_306 = arith.cmpi slt, %add3A_304, %lt3A_305 : i32
      %convert_element_type3A_307 = arith.extui %lt3A_306 : i1 to i32
      %cond3A_308 = arith.constant 0 : i32
      %cond3A_309 = arith.cmpi ne, %convert_element_type3A_307, %cond3A_308 : i32
      scf.if %cond3A_309 {
        %add3A_346 = arith.constant 3 : i32
        %add3A_347 = arith.addi %mul3A_165, %add3A_346 : i32
        %dma_wait3A_348 = arith.constant 0 : i32
        %dma_wait3A_349 = tpu.memref_slice %arg7[%add3A_347, %dma_wait3A_348] : memref<160x128xi32, #tpu.memory_space<vmem>> -> memref<1x128xi32, #tpu.memory_space<vmem>>
        %dma_wait3A_350 = tpu.memref_squeeze %dma_wait3A_349 : memref<1x128xi32, #tpu.memory_space<vmem>> -> memref<128xi32, #tpu.memory_space<vmem>>
        %dma_wait3A_351 = arith.constant 0 : i32
        %dma_wait3A_352 = arith.constant 0 : i32
        %dma_wait3A_353 = tpu.memref_slice %arg32[%dma_wait3A_351, %dma_wait3A_352] : memref<10240x32xf32, #tpu.memory_space<vmem_shared>> -> memref<10240x32xf32, #tpu.memory_space<vmem_shared>>
        tpu.wait_indirect_dma semaphore(%arg27 : memref<!tpu.dma_semaphore, #tpu.memory_space<semaphore_mem>>) src(%arg11 : memref<128x32xf32, #tpu.memory_space<vmem>>) dst(%dma_wait3A_353 : memref<10240x32xf32, #tpu.memory_space<vmem_shared>>)
        %dma_start3A_354 = arith.constant 0 : i32
        %dma_start3A_355 = tpu.memref_slice %arg6[%add3A_304, %dma_start3A_354] : memref<160x128xi32, #tpu.memory_space<vmem>> -> memref<1x128xi32, #tpu.memory_space<vmem>>
        %dma_start3A_356 = tpu.memref_squeeze %dma_start3A_355 : memref<1x128xi32, #tpu.memory_space<vmem>> -> memref<128xi32, #tpu.memory_space<vmem>>
        %dma_start3A_357 = arith.constant 0 : i32
        %dma_start3A_358 = arith.constant 0 : i32
        %dma_start3A_359 = tpu.memref_slice %arg33[%dma_start3A_357, %dma_start3A_358] : memref<10240x32xf32, #tpu.memory_space<vmem_shared>> -> memref<10240x32xf32, #tpu.memory_space<vmem_shared>>
        tpu.enqueue_indirect_dma source(%dma_start3A_359 : memref<10240x32xf32, #tpu.memory_space<vmem_shared>>) target(%arg11 : memref<128x32xf32, #tpu.memory_space<vmem>>) offsets(%dma_start3A_356 : memref<128xi32, #tpu.memory_space<vmem>>) semaphore(%arg19 : memref<!tpu.dma_semaphore, #tpu.memory_space<semaphore_mem>>)
      } else {
      }
      %add3A_310 = arith.constant 8 : i32
      %add3A_311 = arith.addi %mul3A_165, %add3A_310 : i32
      %add3A_312 = arith.constant 4 : i32
      %add3A_313 = arith.addi %add3A_311, %add3A_312 : i32
      %lt3A_314 = arith.constant 160 : i32
      %lt3A_315 = arith.cmpi slt, %add3A_313, %lt3A_314 : i32
      %convert_element_type3A_316 = arith.extui %lt3A_315 : i1 to i32
      %cond3A_317 = arith.constant 0 : i32
      %cond3A_318 = arith.cmpi ne, %convert_element_type3A_316, %cond3A_317 : i32
      scf.if %cond3A_318 {
        %add3A_346 = arith.constant 4 : i32
        %add3A_347 = arith.addi %mul3A_165, %add3A_346 : i32
        %dma_wait3A_348 = arith.constant 0 : i32
        %dma_wait3A_349 = tpu.memref_slice %arg7[%add3A_347, %dma_wait3A_348] : memref<160x128xi32, #tpu.memory_space<vmem>> -> memref<1x128xi32, #tpu.memory_space<vmem>>
        %dma_wait3A_350 = tpu.memref_squeeze %dma_wait3A_349 : memref<1x128xi32, #tpu.memory_space<vmem>> -> memref<128xi32, #tpu.memory_space<vmem>>
        %dma_wait3A_351 = arith.constant 0 : i32
        %dma_wait3A_352 = arith.constant 0 : i32
        %dma_wait3A_353 = tpu.memref_slice %arg32[%dma_wait3A_351, %dma_wait3A_352] : memref<10240x32xf32, #tpu.memory_space<vmem_shared>> -> memref<10240x32xf32, #tpu.memory_space<vmem_shared>>
        tpu.wait_indirect_dma semaphore(%arg28 : memref<!tpu.dma_semaphore, #tpu.memory_space<semaphore_mem>>) src(%arg12 : memref<128x32xf32, #tpu.memory_space<vmem>>) dst(%dma_wait3A_353 : memref<10240x32xf32, #tpu.memory_space<vmem_shared>>)
        %dma_start3A_354 = arith.constant 0 : i32
        %dma_start3A_355 = tpu.memref_slice %arg6[%add3A_313, %dma_start3A_354] : memref<160x128xi32, #tpu.memory_space<vmem>> -> memref<1x128xi32, #tpu.memory_space<vmem>>
        %dma_start3A_356 = tpu.memref_squeeze %dma_start3A_355 : memref<1x128xi32, #tpu.memory_space<vmem>> -> memref<128xi32, #tpu.memory_space<vmem>>
        %dma_start3A_357 = arith.constant 0 : i32
        %dma_start3A_358 = arith.constant 0 : i32
        %dma_start3A_359 = tpu.memref_slice %arg33[%dma_start3A_357, %dma_start3A_358] : memref<10240x32xf32, #tpu.memory_space<vmem_shared>> -> memref<10240x32xf32, #tpu.memory_space<vmem_shared>>
        tpu.enqueue_indirect_dma source(%dma_start3A_359 : memref<10240x32xf32, #tpu.memory_space<vmem_shared>>) target(%arg12 : memref<128x32xf32, #tpu.memory_space<vmem>>) offsets(%dma_start3A_356 : memref<128xi32, #tpu.memory_space<vmem>>) semaphore(%arg20 : memref<!tpu.dma_semaphore, #tpu.memory_space<semaphore_mem>>)
      } else {
      }
      %add3A_319 = arith.constant 8 : i32
      %add3A_320 = arith.addi %mul3A_165, %add3A_319 : i32
      %add3A_321 = arith.constant 5 : i32
      %add3A_322 = arith.addi %add3A_320, %add3A_321 : i32
      %lt3A_323 = arith.constant 160 : i32
      %lt3A_324 = arith.cmpi slt, %add3A_322, %lt3A_323 : i32
      %convert_element_type3A_325 = arith.extui %lt3A_324 : i1 to i32
      %cond3A_326 = arith.constant 0 : i32
      %cond3A_327 = arith.cmpi ne, %convert_element_type3A_325, %cond3A_326 : i32
      scf.if %cond3A_327 {
        %add3A_346 = arith.constant 5 : i32
        %add3A_347 = arith.addi %mul3A_165, %add3A_346 : i32
        %dma_wait3A_348 = arith.constant 0 : i32
        %dma_wait3A_349 = tpu.memref_slice %arg7[%add3A_347, %dma_wait3A_348] : memref<160x128xi32, #tpu.memory_space<vmem>> -> memref<1x128xi32, #tpu.memory_space<vmem>>
        %dma_wait3A_350 = tpu.memref_squeeze %dma_wait3A_349 : memref<1x128xi32, #tpu.memory_space<vmem>> -> memref<128xi32, #tpu.memory_space<vmem>>
        %dma_wait3A_351 = arith.constant 0 : i32
        %dma_wait3A_352 = arith.constant 0 : i32
        %dma_wait3A_353 = tpu.memref_slice %arg32[%dma_wait3A_351, %dma_wait3A_352] : memref<10240x32xf32, #tpu.memory_space<vmem_shared>> -> memref<10240x32xf32, #tpu.memory_space<vmem_shared>>
        tpu.wait_indirect_dma semaphore(%arg29 : memref<!tpu.dma_semaphore, #tpu.memory_space<semaphore_mem>>) src(%arg13 : memref<128x32xf32, #tpu.memory_space<vmem>>) dst(%dma_wait3A_353 : memref<10240x32xf32, #tpu.memory_space<vmem_shared>>)
        %dma_start3A_354 = arith.constant 0 : i32
        %dma_start3A_355 = tpu.memref_slice %arg6[%add3A_322, %dma_start3A_354] : memref<160x128xi32, #tpu.memory_space<vmem>> -> memref<1x128xi32, #tpu.memory_space<vmem>>
        %dma_start3A_356 = tpu.memref_squeeze %dma_start3A_355 : memref<1x128xi32, #tpu.memory_space<vmem>> -> memref<128xi32, #tpu.memory_space<vmem>>
        %dma_start3A_357 = arith.constant 0 : i32
        %dma_start3A_358 = arith.constant 0 : i32
        %dma_start3A_359 = tpu.memref_slice %arg33[%dma_start3A_357, %dma_start3A_358] : memref<10240x32xf32, #tpu.memory_space<vmem_shared>> -> memref<10240x32xf32, #tpu.memory_space<vmem_shared>>
        tpu.enqueue_indirect_dma source(%dma_start3A_359 : memref<10240x32xf32, #tpu.memory_space<vmem_shared>>) target(%arg13 : memref<128x32xf32, #tpu.memory_space<vmem>>) offsets(%dma_start3A_356 : memref<128xi32, #tpu.memory_space<vmem>>) semaphore(%arg21 : memref<!tpu.dma_semaphore, #tpu.memory_space<semaphore_mem>>)
      } else {
      }
      %add3A_328 = arith.constant 8 : i32
      %add3A_329 = arith.addi %mul3A_165, %add3A_328 : i32
      %add3A_330 = arith.constant 6 : i32
      %add3A_331 = arith.addi %add3A_329, %add3A_330 : i32
      %lt3A_332 = arith.constant 160 : i32
      %lt3A_333 = arith.cmpi slt, %add3A_331, %lt3A_332 : i32
      %convert_element_type3A_334 = arith.extui %lt3A_333 : i1 to i32
      %cond3A_335 = arith.constant 0 : i32
      %cond3A_336 = arith.cmpi ne, %convert_element_type3A_334, %cond3A_335 : i32
      scf.if %cond3A_336 {
        %add3A_346 = arith.constant 6 : i32
        %add3A_347 = arith.addi %mul3A_165, %add3A_346 : i32
        %dma_wait3A_348 = arith.constant 0 : i32
        %dma_wait3A_349 = tpu.memref_slice %arg7[%add3A_347, %dma_wait3A_348] : memref<160x128xi32, #tpu.memory_space<vmem>> -> memref<1x128xi32, #tpu.memory_space<vmem>>
        %dma_wait3A_350 = tpu.memref_squeeze %dma_wait3A_349 : memref<1x128xi32, #tpu.memory_space<vmem>> -> memref<128xi32, #tpu.memory_space<vmem>>
        %dma_wait3A_351 = arith.constant 0 : i32
        %dma_wait3A_352 = arith.constant 0 : i32
        %dma_wait3A_353 = tpu.memref_slice %arg32[%dma_wait3A_351, %dma_wait3A_352] : memref<10240x32xf32, #tpu.memory_space<vmem_shared>> -> memref<10240x32xf32, #tpu.memory_space<vmem_shared>>
        tpu.wait_indirect_dma semaphore(%arg30 : memref<!tpu.dma_semaphore, #tpu.memory_space<semaphore_mem>>) src(%arg14 : memref<128x32xf32, #tpu.memory_space<vmem>>) dst(%dma_wait3A_353 : memref<10240x32xf32, #tpu.memory_space<vmem_shared>>)
        %dma_start3A_354 = arith.constant 0 : i32
        %dma_start3A_355 = tpu.memref_slice %arg6[%add3A_331, %dma_start3A_354] : memref<160x128xi32, #tpu.memory_space<vmem>> -> memref<1x128xi32, #tpu.memory_space<vmem>>
        %dma_start3A_356 = tpu.memref_squeeze %dma_start3A_355 : memref<1x128xi32, #tpu.memory_space<vmem>> -> memref<128xi32, #tpu.memory_space<vmem>>
        %dma_start3A_357 = arith.constant 0 : i32
        %dma_start3A_358 = arith.constant 0 : i32
        %dma_start3A_359 = tpu.memref_slice %arg33[%dma_start3A_357, %dma_start3A_358] : memref<10240x32xf32, #tpu.memory_space<vmem_shared>> -> memref<10240x32xf32, #tpu.memory_space<vmem_shared>>
        tpu.enqueue_indirect_dma source(%dma_start3A_359 : memref<10240x32xf32, #tpu.memory_space<vmem_shared>>) target(%arg14 : memref<128x32xf32, #tpu.memory_space<vmem>>) offsets(%dma_start3A_356 : memref<128xi32, #tpu.memory_space<vmem>>) semaphore(%arg22 : memref<!tpu.dma_semaphore, #tpu.memory_space<semaphore_mem>>)
      } else {
      }
      %add3A_337 = arith.constant 8 : i32
      %add3A_338 = arith.addi %mul3A_165, %add3A_337 : i32
      %add3A_339 = arith.constant 7 : i32
      %add3A_340 = arith.addi %add3A_338, %add3A_339 : i32
      %lt3A_341 = arith.constant 160 : i32
      %lt3A_342 = arith.cmpi slt, %add3A_340, %lt3A_341 : i32
      %convert_element_type3A_343 = arith.extui %lt3A_342 : i1 to i32
      %cond3A_344 = arith.constant 0 : i32
      %cond3A_345 = arith.cmpi ne, %convert_element_type3A_343, %cond3A_344 : i32
      scf.if %cond3A_345 {
        %add3A_346 = arith.constant 7 : i32
        %add3A_347 = arith.addi %mul3A_165, %add3A_346 : i32
        %dma_wait3A_348 = arith.constant 0 : i32
        %dma_wait3A_349 = tpu.memref_slice %arg7[%add3A_347, %dma_wait3A_348] : memref<160x128xi32, #tpu.memory_space<vmem>> -> memref<1x128xi32, #tpu.memory_space<vmem>>
        %dma_wait3A_350 = tpu.memref_squeeze %dma_wait3A_349 : memref<1x128xi32, #tpu.memory_space<vmem>> -> memref<128xi32, #tpu.memory_space<vmem>>
        %dma_wait3A_351 = arith.constant 0 : i32
        %dma_wait3A_352 = arith.constant 0 : i32
        %dma_wait3A_353 = tpu.memref_slice %arg32[%dma_wait3A_351, %dma_wait3A_352] : memref<10240x32xf32, #tpu.memory_space<vmem_shared>> -> memref<10240x32xf32, #tpu.memory_space<vmem_shared>>
        tpu.wait_indirect_dma semaphore(%arg31 : memref<!tpu.dma_semaphore, #tpu.memory_space<semaphore_mem>>) src(%arg15 : memref<128x32xf32, #tpu.memory_space<vmem>>) dst(%dma_wait3A_353 : memref<10240x32xf32, #tpu.memory_space<vmem_shared>>)
        %dma_start3A_354 = arith.constant 0 : i32
        %dma_start3A_355 = tpu.memref_slice %arg6[%add3A_340, %dma_start3A_354] : memref<160x128xi32, #tpu.memory_space<vmem>> -> memref<1x128xi32, #tpu.memory_space<vmem>>
        %dma_start3A_356 = tpu.memref_squeeze %dma_start3A_355 : memref<1x128xi32, #tpu.memory_space<vmem>> -> memref<128xi32, #tpu.memory_space<vmem>>
        %dma_start3A_357 = arith.constant 0 : i32
        %dma_start3A_358 = arith.constant 0 : i32
        %dma_start3A_359 = tpu.memref_slice %arg33[%dma_start3A_357, %dma_start3A_358] : memref<10240x32xf32, #tpu.memory_space<vmem_shared>> -> memref<10240x32xf32, #tpu.memory_space<vmem_shared>>
        tpu.enqueue_indirect_dma source(%dma_start3A_359 : memref<10240x32xf32, #tpu.memory_space<vmem_shared>>) target(%arg15 : memref<128x32xf32, #tpu.memory_space<vmem>>) offsets(%dma_start3A_356 : memref<128xi32, #tpu.memory_space<vmem>>) semaphore(%arg23 : memref<!tpu.dma_semaphore, #tpu.memory_space<semaphore_mem>>)
      } else {
      }
    }
    %scan3A_105 = arith.constant 20 : i32
    %dma_wait3A_106 = arith.constant 152 : i32
    %dma_wait3A_107 = arith.constant 0 : i32
    %dma_wait3A_108 = tpu.memref_slice %arg7[%dma_wait3A_106, %dma_wait3A_107] : memref<160x128xi32, #tpu.memory_space<vmem>> -> memref<1x128xi32, #tpu.memory_space<vmem>>
    %dma_wait3A_109 = tpu.memref_squeeze %dma_wait3A_108 : memref<1x128xi32, #tpu.memory_space<vmem>> -> memref<128xi32, #tpu.memory_space<vmem>>
    %dma_wait3A_110 = arith.constant 0 : i32
    %dma_wait3A_111 = arith.constant 0 : i32
    %dma_wait3A_112 = tpu.memref_slice %arg32[%dma_wait3A_110, %dma_wait3A_111] : memref<10240x32xf32, #tpu.memory_space<vmem_shared>> -> memref<10240x32xf32, #tpu.memory_space<vmem_shared>>
    tpu.wait_indirect_dma semaphore(%arg24 : memref<!tpu.dma_semaphore, #tpu.memory_space<semaphore_mem>>) src(%arg8 : memref<128x32xf32, #tpu.memory_space<vmem>>) dst(%dma_wait3A_112 : memref<10240x32xf32, #tpu.memory_space<vmem_shared>>)
    %dma_wait3A_113 = arith.constant 153 : i32
    %dma_wait3A_114 = arith.constant 0 : i32
    %dma_wait3A_115 = tpu.memref_slice %arg7[%dma_wait3A_113, %dma_wait3A_114] : memref<160x128xi32, #tpu.memory_space<vmem>> -> memref<1x128xi32, #tpu.memory_space<vmem>>
    %dma_wait3A_116 = tpu.memref_squeeze %dma_wait3A_115 : memref<1x128xi32, #tpu.memory_space<vmem>> -> memref<128xi32, #tpu.memory_space<vmem>>
    %dma_wait3A_117 = arith.constant 0 : i32
    %dma_wait3A_118 = arith.constant 0 : i32
    %dma_wait3A_119 = tpu.memref_slice %arg32[%dma_wait3A_117, %dma_wait3A_118] : memref<10240x32xf32, #tpu.memory_space<vmem_shared>> -> memref<10240x32xf32, #tpu.memory_space<vmem_shared>>
    tpu.wait_indirect_dma semaphore(%arg25 : memref<!tpu.dma_semaphore, #tpu.memory_space<semaphore_mem>>) src(%arg9 : memref<128x32xf32, #tpu.memory_space<vmem>>) dst(%dma_wait3A_119 : memref<10240x32xf32, #tpu.memory_space<vmem_shared>>)
    %dma_wait3A_120 = arith.constant 154 : i32
    %dma_wait3A_121 = arith.constant 0 : i32
    %dma_wait3A_122 = tpu.memref_slice %arg7[%dma_wait3A_120, %dma_wait3A_121] : memref<160x128xi32, #tpu.memory_space<vmem>> -> memref<1x128xi32, #tpu.memory_space<vmem>>
    %dma_wait3A_123 = tpu.memref_squeeze %dma_wait3A_122 : memref<1x128xi32, #tpu.memory_space<vmem>> -> memref<128xi32, #tpu.memory_space<vmem>>
    %dma_wait3A_124 = arith.constant 0 : i32
    %dma_wait3A_125 = arith.constant 0 : i32
    %dma_wait3A_126 = tpu.memref_slice %arg32[%dma_wait3A_124, %dma_wait3A_125] : memref<10240x32xf32, #tpu.memory_space<vmem_shared>> -> memref<10240x32xf32, #tpu.memory_space<vmem_shared>>
    tpu.wait_indirect_dma semaphore(%arg26 : memref<!tpu.dma_semaphore, #tpu.memory_space<semaphore_mem>>) src(%arg10 : memref<128x32xf32, #tpu.memory_space<vmem>>) dst(%dma_wait3A_126 : memref<10240x32xf32, #tpu.memory_space<vmem_shared>>)
    %dma_wait3A_127 = arith.constant 155 : i32
    %dma_wait3A_128 = arith.constant 0 : i32
    %dma_wait3A_129 = tpu.memref_slice %arg7[%dma_wait3A_127, %dma_wait3A_128] : memref<160x128xi32, #tpu.memory_space<vmem>> -> memref<1x128xi32, #tpu.memory_space<vmem>>
    %dma_wait3A_130 = tpu.memref_squeeze %dma_wait3A_129 : memref<1x128xi32, #tpu.memory_space<vmem>> -> memref<128xi32, #tpu.memory_space<vmem>>
    %dma_wait3A_131 = arith.constant 0 : i32
    %dma_wait3A_132 = arith.constant 0 : i32
    %dma_wait3A_133 = tpu.memref_slice %arg32[%dma_wait3A_131, %dma_wait3A_132] : memref<10240x32xf32, #tpu.memory_space<vmem_shared>> -> memref<10240x32xf32, #tpu.memory_space<vmem_shared>>
    tpu.wait_indirect_dma semaphore(%arg27 : memref<!tpu.dma_semaphore, #tpu.memory_space<semaphore_mem>>) src(%arg11 : memref<128x32xf32, #tpu.memory_space<vmem>>) dst(%dma_wait3A_133 : memref<10240x32xf32, #tpu.memory_space<vmem_shared>>)
    %dma_wait3A_134 = arith.constant 156 : i32
    %dma_wait3A_135 = arith.constant 0 : i32
    %dma_wait3A_136 = tpu.memref_slice %arg7[%dma_wait3A_134, %dma_wait3A_135] : memref<160x128xi32, #tpu.memory_space<vmem>> -> memref<1x128xi32, #tpu.memory_space<vmem>>
    %dma_wait3A_137 = tpu.memref_squeeze %dma_wait3A_136 : memref<1x128xi32, #tpu.memory_space<vmem>> -> memref<128xi32, #tpu.memory_space<vmem>>
    %dma_wait3A_138 = arith.constant 0 : i32
    %dma_wait3A_139 = arith.constant 0 : i32
    %dma_wait3A_140 = tpu.memref_slice %arg32[%dma_wait3A_138, %dma_wait3A_139] : memref<10240x32xf32, #tpu.memory_space<vmem_shared>> -> memref<10240x32xf32, #tpu.memory_space<vmem_shared>>
    tpu.wait_indirect_dma semaphore(%arg28 : memref<!tpu.dma_semaphore, #tpu.memory_space<semaphore_mem>>) src(%arg12 : memref<128x32xf32, #tpu.memory_space<vmem>>) dst(%dma_wait3A_140 : memref<10240x32xf32, #tpu.memory_space<vmem_shared>>)
    %dma_wait3A_141 = arith.constant 157 : i32
    %dma_wait3A_142 = arith.constant 0 : i32
    %dma_wait3A_143 = tpu.memref_slice %arg7[%dma_wait3A_141, %dma_wait3A_142] : memref<160x128xi32, #tpu.memory_space<vmem>> -> memref<1x128xi32, #tpu.memory_space<vmem>>
    %dma_wait3A_144 = tpu.memref_squeeze %dma_wait3A_143 : memref<1x128xi32, #tpu.memory_space<vmem>> -> memref<128xi32, #tpu.memory_space<vmem>>
    %dma_wait3A_145 = arith.constant 0 : i32
    %dma_wait3A_146 = arith.constant 0 : i32
    %dma_wait3A_147 = tpu.memref_slice %arg32[%dma_wait3A_145, %dma_wait3A_146] : memref<10240x32xf32, #tpu.memory_space<vmem_shared>> -> memref<10240x32xf32, #tpu.memory_space<vmem_shared>>
    tpu.wait_indirect_dma semaphore(%arg29 : memref<!tpu.dma_semaphore, #tpu.memory_space<semaphore_mem>>) src(%arg13 : memref<128x32xf32, #tpu.memory_space<vmem>>) dst(%dma_wait3A_147 : memref<10240x32xf32, #tpu.memory_space<vmem_shared>>)
    %dma_wait3A_148 = arith.constant 158 : i32
    %dma_wait3A_149 = arith.constant 0 : i32
    %dma_wait3A_150 = tpu.memref_slice %arg7[%dma_wait3A_148, %dma_wait3A_149] : memref<160x128xi32, #tpu.memory_space<vmem>> -> memref<1x128xi32, #tpu.memory_space<vmem>>
    %dma_wait3A_151 = tpu.memref_squeeze %dma_wait3A_150 : memref<1x128xi32, #tpu.memory_space<vmem>> -> memref<128xi32, #tpu.memory_space<vmem>>
    %dma_wait3A_152 = arith.constant 0 : i32
    %dma_wait3A_153 = arith.constant 0 : i32
    %dma_wait3A_154 = tpu.memref_slice %arg32[%dma_wait3A_152, %dma_wait3A_153] : memref<10240x32xf32, #tpu.memory_space<vmem_shared>> -> memref<10240x32xf32, #tpu.memory_space<vmem_shared>>
    tpu.wait_indirect_dma semaphore(%arg30 : memref<!tpu.dma_semaphore, #tpu.memory_space<semaphore_mem>>) src(%arg14 : memref<128x32xf32, #tpu.memory_space<vmem>>) dst(%dma_wait3A_154 : memref<10240x32xf32, #tpu.memory_space<vmem_shared>>)
    %dma_wait3A_155 = arith.constant 159 : i32
    %dma_wait3A_156 = arith.constant 0 : i32
    %dma_wait3A_157 = tpu.memref_slice %arg7[%dma_wait3A_155, %dma_wait3A_156] : memref<160x128xi32, #tpu.memory_space<vmem>> -> memref<1x128xi32, #tpu.memory_space<vmem>>
    %dma_wait3A_158 = tpu.memref_squeeze %dma_wait3A_157 : memref<1x128xi32, #tpu.memory_space<vmem>> -> memref<128xi32, #tpu.memory_space<vmem>>
    %dma_wait3A_159 = arith.constant 0 : i32
    %dma_wait3A_160 = arith.constant 0 : i32
    %dma_wait3A_161 = tpu.memref_slice %arg32[%dma_wait3A_159, %dma_wait3A_160] : memref<10240x32xf32, #tpu.memory_space<vmem_shared>> -> memref<10240x32xf32, #tpu.memory_space<vmem_shared>>
    tpu.wait_indirect_dma semaphore(%arg31 : memref<!tpu.dma_semaphore, #tpu.memory_space<semaphore_mem>>) src(%arg15 : memref<128x32xf32, #tpu.memory_space<vmem>>) dst(%dma_wait3A_161 : memref<10240x32xf32, #tpu.memory_space<vmem_shared>>)
    %barrier3A_162 = arith.constant 0 : index
    tpu.barrier barrier_id(%barrier3A_162)
    "tpu.region"() ({
      %run_scoped3A = tpu.sem_alloc : memref<!tpu.dma_semaphore, #tpu.memory_space<semaphore_mem>>
      %dma_start3A_163 = tpu.memref_slice %arg5[%mul3A_0, %mul3A_2] : memref<10240x64xf32, #tpu.memory_space<hbm>> -> memref<640x32xf32, #tpu.memory_space<hbm>>
      %dma_start3A_164 = arith.constant 0 : i32
      %dma_start3A_165 = tpu.memref_slice %arg32[%mul3A_0, %dma_start3A_164] : memref<10240x32xf32, #tpu.memory_space<vmem_shared>> -> memref<640x32xf32, #tpu.memory_space<vmem_shared>>
      tpu.enqueue_dma source(%dma_start3A_165 : memref<640x32xf32, #tpu.memory_space<vmem_shared>>) target(%dma_start3A_163 : memref<640x32xf32, #tpu.memory_space<hbm>>) target_semaphore(%run_scoped3A : memref<!tpu.dma_semaphore, #tpu.memory_space<semaphore_mem>>)
      %dma_wait3A_166 = tpu.memref_slice %arg5[%mul3A_0, %mul3A_2] : memref<10240x64xf32, #tpu.memory_space<hbm>> -> memref<640x32xf32, #tpu.memory_space<hbm>>
      %dma_wait3A_167 = arith.constant 0 : i32
      %dma_wait3A_168 = tpu.memref_slice %arg32[%mul3A_0, %dma_wait3A_167] : memref<10240x32xf32, #tpu.memory_space<vmem_shared>> -> memref<640x32xf32, #tpu.memory_space<vmem_shared>>
      tpu.wait_dma2 semaphore(%run_scoped3A : memref<!tpu.dma_semaphore, #tpu.memory_space<semaphore_mem>>) src(%dma_wait3A_168 : memref<640x32xf32, #tpu.memory_space<vmem_shared>>) dst(%dma_wait3A_166 : memref<640x32xf32, #tpu.memory_space<hbm>>)
      tpu.yield
    }) : () -> ()
    return
  }
}

#map = affine_map<(d0, d1) -> (0, 0)>
#map1 = affine_map<(d0, d1) -> (0, 0, 0)>
module attributes {stable_mosaic.version = 14 : i64} {
  func.func @body(%arg0: i32, %arg1: i32, %arg2: memref<128x16xf32, #tpu.memory_space<hbm>>, %arg3: memref<10240x16xf32, #tpu.memory_space<hbm>>, %arg4: memref<32x80x128xi32, #tpu.memory_space<hbm>>, %arg5: memref<2x10240x16xf32, #tpu.memory_space<hbm>>, %arg6: memref<80x128xi32, #tpu.memory_space<vmem>>, %arg7: memref<128x16xf32, #tpu.memory_space<vmem>>, %arg8: memref<!tpu.dma_semaphore, #tpu.memory_space<semaphore_mem>>, %arg9: memref<!tpu.dma_semaphore, #tpu.memory_space<semaphore_mem>>, %arg10: memref<!tpu.dma_semaphore, #tpu.memory_space<semaphore_mem>>, %arg11: memref<10240x16xf32, #tpu.memory_space<vmem_shared>>) attributes {dimension_semantics = [#tpu.dimension_semantics<core_parallel>, #tpu.dimension_semantics<subcore_parallel>], iteration_bounds = array<i64: 2, 16>, scalar_prefetch = 0 : i64, scratch_operands = 6 : i64, tpu.core_type = #tpu.core_type<sc_vector_subcore>, window_params = [{transform_indices = #map}, {transform_indices = #map}, {transform_indices = #map1}, {transform_indices = #map1}]} {
    %mul3A = arith.constant 16 : i32
    %mul3A_0 = arith.muli %arg0, %mul3A : i32
    %add3A = arith.addi %mul3A_0, %arg1 : i32
    %mul3A_1 = arith.constant 640 : i32
    %mul3A_2 = arith.muli %arg1, %mul3A_1 : i32
    %dma_start3A = arith.constant 0 : i32
    %dma_start3A_3 = tpu.memref_slice %arg11[%mul3A_2, %dma_start3A] : memref<10240x16xf32, #tpu.memory_space<vmem_shared>> -> memref<640x16xf32, #tpu.memory_space<vmem_shared>>
    %dma_start3A_4 = arith.constant 0 : i32
    %dma_start3A_5 = tpu.memref_slice %arg3[%mul3A_2, %dma_start3A_4] : memref<10240x16xf32, #tpu.memory_space<hbm>> -> memref<640x16xf32, #tpu.memory_space<hbm>>
    tpu.enqueue_dma source(%dma_start3A_5 : memref<640x16xf32, #tpu.memory_space<hbm>>) target(%dma_start3A_3 : memref<640x16xf32, #tpu.memory_space<vmem_shared>>) target_semaphore(%arg8 : memref<!tpu.dma_semaphore, #tpu.memory_space<semaphore_mem>>)
    %dma_start3A_6 = arith.constant 0 : i32
    %dma_start3A_7 = arith.constant 0 : i32
    %dma_start3A_8 = tpu.memref_slice %arg4[%add3A, %dma_start3A_6, %dma_start3A_7] : memref<32x80x128xi32, #tpu.memory_space<hbm>> -> memref<1x80x128xi32, #tpu.memory_space<hbm>>
    %dma_start3A_9 = tpu.memref_squeeze %dma_start3A_8 : memref<1x80x128xi32, #tpu.memory_space<hbm>> -> memref<80x128xi32, #tpu.memory_space<hbm>>
    %dma_start3A_10 = arith.constant 0 : i32
    %dma_start3A_11 = arith.constant 0 : i32
    %dma_start3A_12 = tpu.memref_slice %arg4[%add3A, %dma_start3A_10, %dma_start3A_11] : memref<32x80x128xi32, #tpu.memory_space<hbm>> -> memref<1x80x128xi32, #tpu.memory_space<hbm>>
    %dma_start3A_13 = tpu.memref_squeeze %dma_start3A_12 : memref<1x80x128xi32, #tpu.memory_space<hbm>> -> memref<80x128xi32, #tpu.memory_space<hbm>>
    tpu.enqueue_dma source(%dma_start3A_13 : memref<80x128xi32, #tpu.memory_space<hbm>>) target(%arg6 : memref<80x128xi32, #tpu.memory_space<vmem>>) target_semaphore(%arg9 : memref<!tpu.dma_semaphore, #tpu.memory_space<semaphore_mem>>)
    tpu.enqueue_dma source(%arg2 : memref<128x16xf32, #tpu.memory_space<hbm>>) target(%arg7 : memref<128x16xf32, #tpu.memory_space<vmem>>) target_semaphore(%arg10 : memref<!tpu.dma_semaphore, #tpu.memory_space<semaphore_mem>>)
    %dma_wait3A = arith.constant 0 : i32
    %dma_wait3A_14 = tpu.memref_slice %arg11[%mul3A_2, %dma_wait3A] : memref<10240x16xf32, #tpu.memory_space<vmem_shared>> -> memref<640x16xf32, #tpu.memory_space<vmem_shared>>
    %dma_wait3A_15 = arith.constant 0 : i32
    %dma_wait3A_16 = tpu.memref_slice %arg3[%mul3A_2, %dma_wait3A_15] : memref<10240x16xf32, #tpu.memory_space<hbm>> -> memref<640x16xf32, #tpu.memory_space<hbm>>
    tpu.wait_dma2 semaphore(%arg8 : memref<!tpu.dma_semaphore, #tpu.memory_space<semaphore_mem>>) src(%dma_wait3A_16 : memref<640x16xf32, #tpu.memory_space<hbm>>) dst(%dma_wait3A_14 : memref<640x16xf32, #tpu.memory_space<vmem_shared>>)
    %dma_wait3A_17 = arith.constant 0 : i32
    %dma_wait3A_18 = arith.constant 0 : i32
    %dma_wait3A_19 = tpu.memref_slice %arg4[%add3A, %dma_wait3A_17, %dma_wait3A_18] : memref<32x80x128xi32, #tpu.memory_space<hbm>> -> memref<1x80x128xi32, #tpu.memory_space<hbm>>
    %dma_wait3A_20 = tpu.memref_squeeze %dma_wait3A_19 : memref<1x80x128xi32, #tpu.memory_space<hbm>> -> memref<80x128xi32, #tpu.memory_space<hbm>>
    %dma_wait3A_21 = arith.constant 0 : i32
    %dma_wait3A_22 = arith.constant 0 : i32
    %dma_wait3A_23 = tpu.memref_slice %arg4[%add3A, %dma_wait3A_21, %dma_wait3A_22] : memref<32x80x128xi32, #tpu.memory_space<hbm>> -> memref<1x80x128xi32, #tpu.memory_space<hbm>>
    %dma_wait3A_24 = tpu.memref_squeeze %dma_wait3A_23 : memref<1x80x128xi32, #tpu.memory_space<hbm>> -> memref<80x128xi32, #tpu.memory_space<hbm>>
    tpu.wait_dma2 semaphore(%arg9 : memref<!tpu.dma_semaphore, #tpu.memory_space<semaphore_mem>>) src(%dma_wait3A_24 : memref<80x128xi32, #tpu.memory_space<hbm>>) dst(%arg6 : memref<80x128xi32, #tpu.memory_space<vmem>>)
    tpu.wait_dma2 semaphore(%arg10 : memref<!tpu.dma_semaphore, #tpu.memory_space<semaphore_mem>>) src(%arg2 : memref<128x16xf32, #tpu.memory_space<hbm>>) dst(%arg7 : memref<128x16xf32, #tpu.memory_space<vmem>>)
    %barrier3A = arith.constant 0 : index
    tpu.barrier barrier_id(%barrier3A)
    %scan3A = arith.constant 0 : i32
    %scan3A_25 = arith.constant 0 : i32
    %scan3A_26 = arith.constant 80 : i32
    %scan3A_27 = arith.addi %scan3A_25, %scan3A_26 : i32
    %scan3A_28 = arith.constant 1 : i32
    scf.for %scan3A_37 = %scan3A_25 to %scan3A_27 step %scan3A_28  : i32 {
      %dma_start3A_38 = arith.constant 0 : i32
      %dma_start3A_39 = tpu.memref_slice %arg6[%scan3A_37, %dma_start3A_38] : memref<80x128xi32, #tpu.memory_space<vmem>> -> memref<1x128xi32, #tpu.memory_space<vmem>>
      %dma_start3A_40 = tpu.memref_squeeze %dma_start3A_39 : memref<1x128xi32, #tpu.memory_space<vmem>> -> memref<128xi32, #tpu.memory_space<vmem>>
      %dma_start3A_41 = arith.constant 0 : i32
      %dma_start3A_42 = arith.constant 0 : i32
      %dma_start3A_43 = tpu.memref_slice %arg11[%dma_start3A_41, %dma_start3A_42] : memref<10240x16xf32, #tpu.memory_space<vmem_shared>> -> memref<10240x16xf32, #tpu.memory_space<vmem_shared>>
      tpu.enqueue_indirect_dma source(%arg7 : memref<128x16xf32, #tpu.memory_space<vmem>>) target(%dma_start3A_43 : memref<10240x16xf32, #tpu.memory_space<vmem_shared>>) offsets(%dma_start3A_40 : memref<128xi32, #tpu.memory_space<vmem>>) semaphore(%arg8 : memref<!tpu.dma_semaphore, #tpu.memory_space<semaphore_mem>>) {add = true}
    }
    %scan3A_29 = arith.constant 80 : i32
    %scan3A_30 = arith.constant 0 : i32
    %scan3A_31 = arith.constant 0 : i32
    %scan3A_32 = arith.constant 80 : i32
    %scan3A_33 = arith.addi %scan3A_31, %scan3A_32 : i32
    %scan3A_34 = arith.constant 1 : i32
    scf.for %scan3A_37 = %scan3A_31 to %scan3A_33 step %scan3A_34  : i32 {
      %dma_wait3A_38 = arith.constant 0 : i32
      %dma_wait3A_39 = tpu.memref_slice %arg6[%scan3A_37, %dma_wait3A_38] : memref<80x128xi32, #tpu.memory_space<vmem>> -> memref<1x128xi32, #tpu.memory_space<vmem>>
      %dma_wait3A_40 = tpu.memref_squeeze %dma_wait3A_39 : memref<1x128xi32, #tpu.memory_space<vmem>> -> memref<128xi32, #tpu.memory_space<vmem>>
      %dma_wait3A_41 = arith.constant 0 : i32
      %dma_wait3A_42 = arith.constant 0 : i32
      %dma_wait3A_43 = tpu.memref_slice %arg11[%dma_wait3A_41, %dma_wait3A_42] : memref<10240x16xf32, #tpu.memory_space<vmem_shared>> -> memref<10240x16xf32, #tpu.memory_space<vmem_shared>>
      tpu.wait_indirect_dma semaphore(%arg8 : memref<!tpu.dma_semaphore, #tpu.memory_space<semaphore_mem>>) src(%arg7 : memref<128x16xf32, #tpu.memory_space<vmem>>) dst(%dma_wait3A_43 : memref<10240x16xf32, #tpu.memory_space<vmem_shared>>)
    }
    %scan3A_35 = arith.constant 80 : i32
    %barrier3A_36 = arith.constant 0 : index
    tpu.barrier barrier_id(%barrier3A_36)
    "tpu.region"() ({
      %run_scoped3A = tpu.sem_alloc : memref<!tpu.dma_semaphore, #tpu.memory_space<semaphore_mem>>
      %dma_start3A_37 = arith.constant 0 : i32
      %dma_start3A_38 = tpu.memref_slice %arg5[%arg0, %mul3A_2, %dma_start3A_37] : memref<2x10240x16xf32, #tpu.memory_space<hbm>> -> memref<1x640x16xf32, #tpu.memory_space<hbm>>
      %dma_start3A_39 = tpu.memref_squeeze %dma_start3A_38 : memref<1x640x16xf32, #tpu.memory_space<hbm>> -> memref<640x16xf32, #tpu.memory_space<hbm>>
      %dma_start3A_40 = arith.constant 0 : i32
      %dma_start3A_41 = tpu.memref_slice %arg11[%mul3A_2, %dma_start3A_40] : memref<10240x16xf32, #tpu.memory_space<vmem_shared>> -> memref<640x16xf32, #tpu.memory_space<vmem_shared>>
      tpu.enqueue_dma source(%dma_start3A_41 : memref<640x16xf32, #tpu.memory_space<vmem_shared>>) target(%dma_start3A_39 : memref<640x16xf32, #tpu.memory_space<hbm>>) target_semaphore(%run_scoped3A : memref<!tpu.dma_semaphore, #tpu.memory_space<semaphore_mem>>)
      %dma_wait3A_42 = arith.constant 0 : i32
      %dma_wait3A_43 = tpu.memref_slice %arg5[%arg0, %mul3A_2, %dma_wait3A_42] : memref<2x10240x16xf32, #tpu.memory_space<hbm>> -> memref<1x640x16xf32, #tpu.memory_space<hbm>>
      %dma_wait3A_44 = tpu.memref_squeeze %dma_wait3A_43 : memref<1x640x16xf32, #tpu.memory_space<hbm>> -> memref<640x16xf32, #tpu.memory_space<hbm>>
      %dma_wait3A_45 = arith.constant 0 : i32
      %dma_wait3A_46 = tpu.memref_slice %arg11[%mul3A_2, %dma_wait3A_45] : memref<10240x16xf32, #tpu.memory_space<vmem_shared>> -> memref<640x16xf32, #tpu.memory_space<vmem_shared>>
      tpu.wait_dma2 semaphore(%run_scoped3A : memref<!tpu.dma_semaphore, #tpu.memory_space<semaphore_mem>>) src(%dma_wait3A_46 : memref<640x16xf32, #tpu.memory_space<vmem_shared>>) dst(%dma_wait3A_44 : memref<640x16xf32, #tpu.memory_space<hbm>>)
      tpu.yield
    }) : () -> ()
    return
  }
}

#map = affine_map<(d0, d1) -> (0, 0)>
#map1 = affine_map<(d0, d1) -> (0, 0, 0)>
module attributes {stable_mosaic.version = 14 : i64} {
  func.func @body(%arg0: i32, %arg1: i32, %arg2: memref<10240x64xf32, #tpu.memory_space<hbm>>, %arg3: memref<16x160x128xi32, #tpu.memory_space<hbm>>, %arg4: memref<16x160x128xi32, #tpu.memory_space<hbm>>, %arg5: memref<10240x64xf32, #tpu.memory_space<hbm>>, %arg6: memref<160x128xi32, #tpu.memory_space<vmem>>, %arg7: memref<160x128xi32, #tpu.memory_space<vmem>>, %arg8: memref<128x32xf32, #tpu.memory_space<vmem>>, %arg9: memref<128x32xf32, #tpu.memory_space<vmem>>, %arg10: memref<128x32xf32, #tpu.memory_space<vmem>>, %arg11: memref<128x32xf32, #tpu.memory_space<vmem>>, %arg12: memref<128x32xf32, #tpu.memory_space<vmem>>, %arg13: memref<128x32xf32, #tpu.memory_space<vmem>>, %arg14: memref<128x32xf32, #tpu.memory_space<vmem>>, %arg15: memref<128x32xf32, #tpu.memory_space<vmem>>, %arg16: memref<!tpu.dma_semaphore, #tpu.memory_space<semaphore_mem>>, %arg17: memref<!tpu.dma_semaphore, #tpu.memory_space<semaphore_mem>>, %arg18: memref<!tpu.dma_semaphore, #tpu.memory_space<semaphore_mem>>, %arg19: memref<!tpu.dma_semaphore, #tpu.memory_space<semaphore_mem>>, %arg20: memref<!tpu.dma_semaphore, #tpu.memory_space<semaphore_mem>>, %arg21: memref<!tpu.dma_semaphore, #tpu.memory_space<semaphore_mem>>, %arg22: memref<!tpu.dma_semaphore, #tpu.memory_space<semaphore_mem>>, %arg23: memref<!tpu.dma_semaphore, #tpu.memory_space<semaphore_mem>>, %arg24: memref<!tpu.dma_semaphore, #tpu.memory_space<semaphore_mem>>, %arg25: memref<!tpu.dma_semaphore, #tpu.memory_space<semaphore_mem>>, %arg26: memref<!tpu.dma_semaphore, #tpu.memory_space<semaphore_mem>>, %arg27: memref<!tpu.dma_semaphore, #tpu.memory_space<semaphore_mem>>, %arg28: memref<!tpu.dma_semaphore, #tpu.memory_space<semaphore_mem>>, %arg29: memref<!tpu.dma_semaphore, #tpu.memory_space<semaphore_mem>>, %arg30: memref<!tpu.dma_semaphore, #tpu.memory_space<semaphore_mem>>, %arg31: memref<!tpu.dma_semaphore, #tpu.memory_space<semaphore_mem>>, %arg32: memref<10240x32xf32, #tpu.memory_space<vmem_shared>>, %arg33: memref<10240x32xf32, #tpu.memory_space<vmem_shared>>) attributes {dimension_semantics = [#tpu.dimension_semantics<core_parallel>, #tpu.dimension_semantics<subcore_parallel>], iteration_bounds = array<i64: 2, 16>, scalar_prefetch = 0 : i64, scratch_operands = 28 : i64, tpu.core_type = #tpu.core_type<sc_vector_subcore>, window_params = [{transform_indices = #map}, {transform_indices = #map1}, {transform_indices = #map1}, {transform_indices = #map}]} {
    %mul3A = arith.constant 640 : i32
    %mul3A_0 = arith.muli %arg1, %mul3A : i32
    %mul3A_1 = arith.constant 32 : i32
    %mul3A_2 = arith.muli %arg0, %mul3A_1 : i32
    %dma_start3A = arith.constant 0 : i32
    %dma_start3A_3 = tpu.memref_slice %arg33[%mul3A_0, %dma_start3A] : memref<10240x32xf32, #tpu.memory_space<vmem_shared>> -> memref<640x32xf32, #tpu.memory_space<vmem_shared>>
    %dma_start3A_4 = tpu.memref_slice %arg2[%mul3A_0, %mul3A_2] : memref<10240x64xf32, #tpu.memory_space<hbm>> -> memref<640x32xf32, #tpu.memory_space<hbm>>
    tpu.enqueue_dma source(%dma_start3A_4 : memref<640x32xf32, #tpu.memory_space<hbm>>) target(%dma_start3A_3 : memref<640x32xf32, #tpu.memory_space<vmem_shared>>) target_semaphore(%arg16 : memref<!tpu.dma_semaphore, #tpu.memory_space<semaphore_mem>>)
    %dma_start3A_5 = arith.constant 0 : i32
    %dma_start3A_6 = tpu.memref_slice %arg32[%mul3A_0, %dma_start3A_5] : memref<10240x32xf32, #tpu.memory_space<vmem_shared>> -> memref<640x32xf32, #tpu.memory_space<vmem_shared>>
    %dma_start3A_7 = tpu.memref_slice %arg2[%mul3A_0, %mul3A_2] : memref<10240x64xf32, #tpu.memory_space<hbm>> -> memref<640x32xf32, #tpu.memory_space<hbm>>
    tpu.enqueue_dma source(%dma_start3A_7 : memref<640x32xf32, #tpu.memory_space<hbm>>) target(%dma_start3A_6 : memref<640x32xf32, #tpu.memory_space<vmem_shared>>) target_semaphore(%arg17 : memref<!tpu.dma_semaphore, #tpu.memory_space<semaphore_mem>>)
    %dma_start3A_8 = arith.constant 0 : i32
    %dma_start3A_9 = arith.constant 0 : i32
    %dma_start3A_10 = tpu.memref_slice %arg3[%arg1, %dma_start3A_8, %dma_start3A_9] : memref<16x160x128xi32, #tpu.memory_space<hbm>> -> memref<1x160x128xi32, #tpu.memory_space<hbm>>
    %dma_start3A_11 = tpu.memref_squeeze %dma_start3A_10 : memref<1x160x128xi32, #tpu.memory_space<hbm>> -> memref<160x128xi32, #tpu.memory_space<hbm>>
    %dma_start3A_12 = arith.constant 0 : i32
    %dma_start3A_13 = arith.constant 0 : i32
    %dma_start3A_14 = tpu.memref_slice %arg3[%arg1, %dma_start3A_12, %dma_start3A_13] : memref<16x160x128xi32, #tpu.memory_space<hbm>> -> memref<1x160x128xi32, #tpu.memory_space<hbm>>
    %dma_start3A_15 = tpu.memref_squeeze %dma_start3A_14 : memref<1x160x128xi32, #tpu.memory_space<hbm>> -> memref<160x128xi32, #tpu.memory_space<hbm>>
    tpu.enqueue_dma source(%dma_start3A_15 : memref<160x128xi32, #tpu.memory_space<hbm>>) target(%arg6 : memref<160x128xi32, #tpu.memory_space<vmem>>) target_semaphore(%arg18 : memref<!tpu.dma_semaphore, #tpu.memory_space<semaphore_mem>>)
    %dma_start3A_16 = arith.constant 0 : i32
    %dma_start3A_17 = arith.constant 0 : i32
    %dma_start3A_18 = tpu.memref_slice %arg4[%arg1, %dma_start3A_16, %dma_start3A_17] : memref<16x160x128xi32, #tpu.memory_space<hbm>> -> memref<1x160x128xi32, #tpu.memory_space<hbm>>
    %dma_start3A_19 = tpu.memref_squeeze %dma_start3A_18 : memref<1x160x128xi32, #tpu.memory_space<hbm>> -> memref<160x128xi32, #tpu.memory_space<hbm>>
    %dma_start3A_20 = arith.constant 0 : i32
    %dma_start3A_21 = arith.constant 0 : i32
    %dma_start3A_22 = tpu.memref_slice %arg4[%arg1, %dma_start3A_20, %dma_start3A_21] : memref<16x160x128xi32, #tpu.memory_space<hbm>> -> memref<1x160x128xi32, #tpu.memory_space<hbm>>
    %dma_start3A_23 = tpu.memref_squeeze %dma_start3A_22 : memref<1x160x128xi32, #tpu.memory_space<hbm>> -> memref<160x128xi32, #tpu.memory_space<hbm>>
    tpu.enqueue_dma source(%dma_start3A_23 : memref<160x128xi32, #tpu.memory_space<hbm>>) target(%arg7 : memref<160x128xi32, #tpu.memory_space<vmem>>) target_semaphore(%arg19 : memref<!tpu.dma_semaphore, #tpu.memory_space<semaphore_mem>>)
    %dma_wait3A = arith.constant 0 : i32
    %dma_wait3A_24 = tpu.memref_slice %arg33[%mul3A_0, %dma_wait3A] : memref<10240x32xf32, #tpu.memory_space<vmem_shared>> -> memref<640x32xf32, #tpu.memory_space<vmem_shared>>
    %dma_wait3A_25 = tpu.memref_slice %arg2[%mul3A_0, %mul3A_2] : memref<10240x64xf32, #tpu.memory_space<hbm>> -> memref<640x32xf32, #tpu.memory_space<hbm>>
    tpu.wait_dma2 semaphore(%arg16 : memref<!tpu.dma_semaphore, #tpu.memory_space<semaphore_mem>>) src(%dma_wait3A_25 : memref<640x32xf32, #tpu.memory_space<hbm>>) dst(%dma_wait3A_24 : memref<640x32xf32, #tpu.memory_space<vmem_shared>>)
    %dma_wait3A_26 = arith.constant 0 : i32
    %dma_wait3A_27 = tpu.memref_slice %arg32[%mul3A_0, %dma_wait3A_26] : memref<10240x32xf32, #tpu.memory_space<vmem_shared>> -> memref<640x32xf32, #tpu.memory_space<vmem_shared>>
    %dma_wait3A_28 = tpu.memref_slice %arg2[%mul3A_0, %mul3A_2] : memref<10240x64xf32, #tpu.memory_space<hbm>> -> memref<640x32xf32, #tpu.memory_space<hbm>>
    tpu.wait_dma2 semaphore(%arg17 : memref<!tpu.dma_semaphore, #tpu.memory_space<semaphore_mem>>) src(%dma_wait3A_28 : memref<640x32xf32, #tpu.memory_space<hbm>>) dst(%dma_wait3A_27 : memref<640x32xf32, #tpu.memory_space<vmem_shared>>)
    %dma_wait3A_29 = arith.constant 0 : i32
    %dma_wait3A_30 = arith.constant 0 : i32
    %dma_wait3A_31 = tpu.memref_slice %arg3[%arg1, %dma_wait3A_29, %dma_wait3A_30] : memref<16x160x128xi32, #tpu.memory_space<hbm>> -> memref<1x160x128xi32, #tpu.memory_space<hbm>>
    %dma_wait3A_32 = tpu.memref_squeeze %dma_wait3A_31 : memref<1x160x128xi32, #tpu.memory_space<hbm>> -> memref<160x128xi32, #tpu.memory_space<hbm>>
    %dma_wait3A_33 = arith.constant 0 : i32
    %dma_wait3A_34 = arith.constant 0 : i32
    %dma_wait3A_35 = tpu.memref_slice %arg3[%arg1, %dma_wait3A_33, %dma_wait3A_34] : memref<16x160x128xi32, #tpu.memory_space<hbm>> -> memref<1x160x128xi32, #tpu.memory_space<hbm>>
    %dma_wait3A_36 = tpu.memref_squeeze %dma_wait3A_35 : memref<1x160x128xi32, #tpu.memory_space<hbm>> -> memref<160x128xi32, #tpu.memory_space<hbm>>
    tpu.wait_dma2 semaphore(%arg18 : memref<!tpu.dma_semaphore, #tpu.memory_space<semaphore_mem>>) src(%dma_wait3A_36 : memref<160x128xi32, #tpu.memory_space<hbm>>) dst(%arg6 : memref<160x128xi32, #tpu.memory_space<vmem>>)
    %dma_wait3A_37 = arith.constant 0 : i32
    %dma_wait3A_38 = arith.constant 0 : i32
    %dma_wait3A_39 = tpu.memref_slice %arg4[%arg1, %dma_wait3A_37, %dma_wait3A_38] : memref<16x160x128xi32, #tpu.memory_space<hbm>> -> memref<1x160x128xi32, #tpu.memory_space<hbm>>
    %dma_wait3A_40 = tpu.memref_squeeze %dma_wait3A_39 : memref<1x160x128xi32, #tpu.memory_space<hbm>> -> memref<160x128xi32, #tpu.memory_space<hbm>>
    %dma_wait3A_41 = arith.constant 0 : i32
    %dma_wait3A_42 = arith.constant 0 : i32
    %dma_wait3A_43 = tpu.memref_slice %arg4[%arg1, %dma_wait3A_41, %dma_wait3A_42] : memref<16x160x128xi32, #tpu.memory_space<hbm>> -> memref<1x160x128xi32, #tpu.memory_space<hbm>>
    %dma_wait3A_44 = tpu.memref_squeeze %dma_wait3A_43 : memref<1x160x128xi32, #tpu.memory_space<hbm>> -> memref<160x128xi32, #tpu.memory_space<hbm>>
    tpu.wait_dma2 semaphore(%arg19 : memref<!tpu.dma_semaphore, #tpu.memory_space<semaphore_mem>>) src(%dma_wait3A_44 : memref<160x128xi32, #tpu.memory_space<hbm>>) dst(%arg7 : memref<160x128xi32, #tpu.memory_space<vmem>>)
    %barrier3A = arith.constant 0 : index
    tpu.barrier barrier_id(%barrier3A)
    %dma_start3A_45 = arith.constant 0 : i32
    %dma_start3A_46 = arith.constant 0 : i32
    %dma_start3A_47 = tpu.memref_slice %arg6[%dma_start3A_45, %dma_start3A_46] : memref<160x128xi32, #tpu.memory_space<vmem>> -> memref<1x128xi32, #tpu.memory_space<vmem>>
    %dma_start3A_48 = tpu.memref_squeeze %dma_start3A_47 : memref<1x128xi32, #tpu.memory_space<vmem>> -> memref<128xi32, #tpu.memory_space<vmem>>
    %dma_start3A_49 = arith.constant 0 : i32
    %dma_start3A_50 = arith.constant 0 : i32
    %dma_start3A_51 = tpu.memref_slice %arg33[%dma_start3A_49, %dma_start3A_50] : memref<10240x32xf32, #tpu.memory_space<vmem_shared>> -> memref<10240x32xf32, #tpu.memory_space<vmem_shared>>
    tpu.enqueue_indirect_dma source(%dma_start3A_51 : memref<10240x32xf32, #tpu.memory_space<vmem_shared>>) target(%arg8 : memref<128x32xf32, #tpu.memory_space<vmem>>) offsets(%dma_start3A_48 : memref<128xi32, #tpu.memory_space<vmem>>) semaphore(%arg16 : memref<!tpu.dma_semaphore, #tpu.memory_space<semaphore_mem>>)
    %dma_start3A_52 = arith.constant 1 : i32
    %dma_start3A_53 = arith.constant 0 : i32
    %dma_start3A_54 = tpu.memref_slice %arg6[%dma_start3A_52, %dma_start3A_53] : memref<160x128xi32, #tpu.memory_space<vmem>> -> memref<1x128xi32, #tpu.memory_space<vmem>>
    %dma_start3A_55 = tpu.memref_squeeze %dma_start3A_54 : memref<1x128xi32, #tpu.memory_space<vmem>> -> memref<128xi32, #tpu.memory_space<vmem>>
    %dma_start3A_56 = arith.constant 0 : i32
    %dma_start3A_57 = arith.constant 0 : i32
    %dma_start3A_58 = tpu.memref_slice %arg33[%dma_start3A_56, %dma_start3A_57] : memref<10240x32xf32, #tpu.memory_space<vmem_shared>> -> memref<10240x32xf32, #tpu.memory_space<vmem_shared>>
    tpu.enqueue_indirect_dma source(%dma_start3A_58 : memref<10240x32xf32, #tpu.memory_space<vmem_shared>>) target(%arg9 : memref<128x32xf32, #tpu.memory_space<vmem>>) offsets(%dma_start3A_55 : memref<128xi32, #tpu.memory_space<vmem>>) semaphore(%arg17 : memref<!tpu.dma_semaphore, #tpu.memory_space<semaphore_mem>>)
    %dma_start3A_59 = arith.constant 2 : i32
    %dma_start3A_60 = arith.constant 0 : i32
    %dma_start3A_61 = tpu.memref_slice %arg6[%dma_start3A_59, %dma_start3A_60] : memref<160x128xi32, #tpu.memory_space<vmem>> -> memref<1x128xi32, #tpu.memory_space<vmem>>
    %dma_start3A_62 = tpu.memref_squeeze %dma_start3A_61 : memref<1x128xi32, #tpu.memory_space<vmem>> -> memref<128xi32, #tpu.memory_space<vmem>>
    %dma_start3A_63 = arith.constant 0 : i32
    %dma_start3A_64 = arith.constant 0 : i32
    %dma_start3A_65 = tpu.memref_slice %arg33[%dma_start3A_63, %dma_start3A_64] : memref<10240x32xf32, #tpu.memory_space<vmem_shared>> -> memref<10240x32xf32, #tpu.memory_space<vmem_shared>>
    tpu.enqueue_indirect_dma source(%dma_start3A_65 : memref<10240x32xf32, #tpu.memory_space<vmem_shared>>) target(%arg10 : memref<128x32xf32, #tpu.memory_space<vmem>>) offsets(%dma_start3A_62 : memref<128xi32, #tpu.memory_space<vmem>>) semaphore(%arg18 : memref<!tpu.dma_semaphore, #tpu.memory_space<semaphore_mem>>)
    %dma_start3A_66 = arith.constant 3 : i32
    %dma_start3A_67 = arith.constant 0 : i32
    %dma_start3A_68 = tpu.memref_slice %arg6[%dma_start3A_66, %dma_start3A_67] : memref<160x128xi32, #tpu.memory_space<vmem>> -> memref<1x128xi32, #tpu.memory_space<vmem>>
    %dma_start3A_69 = tpu.memref_squeeze %dma_start3A_68 : memref<1x128xi32, #tpu.memory_space<vmem>> -> memref<128xi32, #tpu.memory_space<vmem>>
    %dma_start3A_70 = arith.constant 0 : i32
    %dma_start3A_71 = arith.constant 0 : i32
    %dma_start3A_72 = tpu.memref_slice %arg33[%dma_start3A_70, %dma_start3A_71] : memref<10240x32xf32, #tpu.memory_space<vmem_shared>> -> memref<10240x32xf32, #tpu.memory_space<vmem_shared>>
    tpu.enqueue_indirect_dma source(%dma_start3A_72 : memref<10240x32xf32, #tpu.memory_space<vmem_shared>>) target(%arg11 : memref<128x32xf32, #tpu.memory_space<vmem>>) offsets(%dma_start3A_69 : memref<128xi32, #tpu.memory_space<vmem>>) semaphore(%arg19 : memref<!tpu.dma_semaphore, #tpu.memory_space<semaphore_mem>>)
    %dma_start3A_73 = arith.constant 4 : i32
    %dma_start3A_74 = arith.constant 0 : i32
    %dma_start3A_75 = tpu.memref_slice %arg6[%dma_start3A_73, %dma_start3A_74] : memref<160x128xi32, #tpu.memory_space<vmem>> -> memref<1x128xi32, #tpu.memory_space<vmem>>
    %dma_start3A_76 = tpu.memref_squeeze %dma_start3A_75 : memref<1x128xi32, #tpu.memory_space<vmem>> -> memref<128xi32, #tpu.memory_space<vmem>>
    %dma_start3A_77 = arith.constant 0 : i32
    %dma_start3A_78 = arith.constant 0 : i32
    %dma_start3A_79 = tpu.memref_slice %arg33[%dma_start3A_77, %dma_start3A_78] : memref<10240x32xf32, #tpu.memory_space<vmem_shared>> -> memref<10240x32xf32, #tpu.memory_space<vmem_shared>>
    tpu.enqueue_indirect_dma source(%dma_start3A_79 : memref<10240x32xf32, #tpu.memory_space<vmem_shared>>) target(%arg12 : memref<128x32xf32, #tpu.memory_space<vmem>>) offsets(%dma_start3A_76 : memref<128xi32, #tpu.memory_space<vmem>>) semaphore(%arg20 : memref<!tpu.dma_semaphore, #tpu.memory_space<semaphore_mem>>)
    %dma_start3A_80 = arith.constant 5 : i32
    %dma_start3A_81 = arith.constant 0 : i32
    %dma_start3A_82 = tpu.memref_slice %arg6[%dma_start3A_80, %dma_start3A_81] : memref<160x128xi32, #tpu.memory_space<vmem>> -> memref<1x128xi32, #tpu.memory_space<vmem>>
    %dma_start3A_83 = tpu.memref_squeeze %dma_start3A_82 : memref<1x128xi32, #tpu.memory_space<vmem>> -> memref<128xi32, #tpu.memory_space<vmem>>
    %dma_start3A_84 = arith.constant 0 : i32
    %dma_start3A_85 = arith.constant 0 : i32
    %dma_start3A_86 = tpu.memref_slice %arg33[%dma_start3A_84, %dma_start3A_85] : memref<10240x32xf32, #tpu.memory_space<vmem_shared>> -> memref<10240x32xf32, #tpu.memory_space<vmem_shared>>
    tpu.enqueue_indirect_dma source(%dma_start3A_86 : memref<10240x32xf32, #tpu.memory_space<vmem_shared>>) target(%arg13 : memref<128x32xf32, #tpu.memory_space<vmem>>) offsets(%dma_start3A_83 : memref<128xi32, #tpu.memory_space<vmem>>) semaphore(%arg21 : memref<!tpu.dma_semaphore, #tpu.memory_space<semaphore_mem>>)
    %dma_start3A_87 = arith.constant 6 : i32
    %dma_start3A_88 = arith.constant 0 : i32
    %dma_start3A_89 = tpu.memref_slice %arg6[%dma_start3A_87, %dma_start3A_88] : memref<160x128xi32, #tpu.memory_space<vmem>> -> memref<1x128xi32, #tpu.memory_space<vmem>>
    %dma_start3A_90 = tpu.memref_squeeze %dma_start3A_89 : memref<1x128xi32, #tpu.memory_space<vmem>> -> memref<128xi32, #tpu.memory_space<vmem>>
    %dma_start3A_91 = arith.constant 0 : i32
    %dma_start3A_92 = arith.constant 0 : i32
    %dma_start3A_93 = tpu.memref_slice %arg33[%dma_start3A_91, %dma_start3A_92] : memref<10240x32xf32, #tpu.memory_space<vmem_shared>> -> memref<10240x32xf32, #tpu.memory_space<vmem_shared>>
    tpu.enqueue_indirect_dma source(%dma_start3A_93 : memref<10240x32xf32, #tpu.memory_space<vmem_shared>>) target(%arg14 : memref<128x32xf32, #tpu.memory_space<vmem>>) offsets(%dma_start3A_90 : memref<128xi32, #tpu.memory_space<vmem>>) semaphore(%arg22 : memref<!tpu.dma_semaphore, #tpu.memory_space<semaphore_mem>>)
    %dma_start3A_94 = arith.constant 7 : i32
    %dma_start3A_95 = arith.constant 0 : i32
    %dma_start3A_96 = tpu.memref_slice %arg6[%dma_start3A_94, %dma_start3A_95] : memref<160x128xi32, #tpu.memory_space<vmem>> -> memref<1x128xi32, #tpu.memory_space<vmem>>
    %dma_start3A_97 = tpu.memref_squeeze %dma_start3A_96 : memref<1x128xi32, #tpu.memory_space<vmem>> -> memref<128xi32, #tpu.memory_space<vmem>>
    %dma_start3A_98 = arith.constant 0 : i32
    %dma_start3A_99 = arith.constant 0 : i32
    %dma_start3A_100 = tpu.memref_slice %arg33[%dma_start3A_98, %dma_start3A_99] : memref<10240x32xf32, #tpu.memory_space<vmem_shared>> -> memref<10240x32xf32, #tpu.memory_space<vmem_shared>>
    tpu.enqueue_indirect_dma source(%dma_start3A_100 : memref<10240x32xf32, #tpu.memory_space<vmem_shared>>) target(%arg15 : memref<128x32xf32, #tpu.memory_space<vmem>>) offsets(%dma_start3A_97 : memref<128xi32, #tpu.memory_space<vmem>>) semaphore(%arg23 : memref<!tpu.dma_semaphore, #tpu.memory_space<semaphore_mem>>)
    %scan3A = arith.constant 0 : i32
    %scan3A_101 = arith.constant 0 : i32
    %scan3A_102 = arith.constant 20 : i32
    %scan3A_103 = arith.addi %scan3A_101, %scan3A_102 : i32
    %scan3A_104 = arith.constant 1 : i32
    scf.for %scan3A_163 = %scan3A_101 to %scan3A_103 step %scan3A_104  : i32 {
      %mul3A_164 = arith.constant 8 : i32
      %mul3A_165 = arith.muli %scan3A_163, %mul3A_164 : i32
      %add3A = arith.constant 0 : i32
      %add3A_166 = arith.addi %mul3A_165, %add3A : i32
      %dma_wait3A_167 = arith.constant 0 : i32
      %dma_wait3A_168 = tpu.memref_slice %arg6[%add3A_166, %dma_wait3A_167] : memref<160x128xi32, #tpu.memory_space<vmem>> -> memref<1x128xi32, #tpu.memory_space<vmem>>
      %dma_wait3A_169 = tpu.memref_squeeze %dma_wait3A_168 : memref<1x128xi32, #tpu.memory_space<vmem>> -> memref<128xi32, #tpu.memory_space<vmem>>
      %dma_wait3A_170 = arith.constant 0 : i32
      %dma_wait3A_171 = arith.constant 0 : i32
      %dma_wait3A_172 = tpu.memref_slice %arg33[%dma_wait3A_170, %dma_wait3A_171] : memref<10240x32xf32, #tpu.memory_space<vmem_shared>> -> memref<10240x32xf32, #tpu.memory_space<vmem_shared>>
      tpu.wait_indirect_dma semaphore(%arg16 : memref<!tpu.dma_semaphore, #tpu.memory_space<semaphore_mem>>) src(%dma_wait3A_172 : memref<10240x32xf32, #tpu.memory_space<vmem_shared>>) dst(%arg8 : memref<128x32xf32, #tpu.memory_space<vmem>>)
      %dma_start3A_173 = arith.constant 0 : i32
      %dma_start3A_174 = tpu.memref_slice %arg7[%add3A_166, %dma_start3A_173] : memref<160x128xi32, #tpu.memory_space<vmem>> -> memref<1x128xi32, #tpu.memory_space<vmem>>
      %dma_start3A_175 = tpu.memref_squeeze %dma_start3A_174 : memref<1x128xi32, #tpu.memory_space<vmem>> -> memref<128xi32, #tpu.memory_space<vmem>>
      %dma_start3A_176 = arith.constant 0 : i32
      %dma_start3A_177 = arith.constant 0 : i32
      %dma_start3A_178 = tpu.memref_slice %arg32[%dma_start3A_176, %dma_start3A_177] : memref<10240x32xf32, #tpu.memory_space<vmem_shared>> -> memref<10240x32xf32, #tpu.memory_space<vmem_shared>>
      tpu.enqueue_indirect_dma source(%arg8 : memref<128x32xf32, #tpu.memory_space<vmem>>) target(%dma_start3A_178 : memref<10240x32xf32, #tpu.memory_space<vmem_shared>>) offsets(%dma_start3A_175 : memref<128xi32, #tpu.memory_space<vmem>>) semaphore(%arg24 : memref<!tpu.dma_semaphore, #tpu.memory_space<semaphore_mem>>) {add = true}
      %add3A_179 = arith.constant 1 : i32
      %add3A_180 = arith.addi %mul3A_165, %add3A_179 : i32
      %dma_wait3A_181 = arith.constant 0 : i32
      %dma_wait3A_182 = tpu.memref_slice %arg6[%add3A_180, %dma_wait3A_181] : memref<160x128xi32, #tpu.memory_space<vmem>> -> memref<1x128xi32, #tpu.memory_space<vmem>>
      %dma_wait3A_183 = tpu.memref_squeeze %dma_wait3A_182 : memref<1x128xi32, #tpu.memory_space<vmem>> -> memref<128xi32, #tpu.memory_space<vmem>>
      %dma_wait3A_184 = arith.constant 0 : i32
      %dma_wait3A_185 = arith.constant 0 : i32
      %dma_wait3A_186 = tpu.memref_slice %arg33[%dma_wait3A_184, %dma_wait3A_185] : memref<10240x32xf32, #tpu.memory_space<vmem_shared>> -> memref<10240x32xf32, #tpu.memory_space<vmem_shared>>
      tpu.wait_indirect_dma semaphore(%arg17 : memref<!tpu.dma_semaphore, #tpu.memory_space<semaphore_mem>>) src(%dma_wait3A_186 : memref<10240x32xf32, #tpu.memory_space<vmem_shared>>) dst(%arg9 : memref<128x32xf32, #tpu.memory_space<vmem>>)
      %dma_start3A_187 = arith.constant 0 : i32
      %dma_start3A_188 = tpu.memref_slice %arg7[%add3A_180, %dma_start3A_187] : memref<160x128xi32, #tpu.memory_space<vmem>> -> memref<1x128xi32, #tpu.memory_space<vmem>>
      %dma_start3A_189 = tpu.memref_squeeze %dma_start3A_188 : memref<1x128xi32, #tpu.memory_space<vmem>> -> memref<128xi32, #tpu.memory_space<vmem>>
      %dma_start3A_190 = arith.constant 0 : i32
      %dma_start3A_191 = arith.constant 0 : i32
      %dma_start3A_192 = tpu.memref_slice %arg32[%dma_start3A_190, %dma_start3A_191] : memref<10240x32xf32, #tpu.memory_space<vmem_shared>> -> memref<10240x32xf32, #tpu.memory_space<vmem_shared>>
      tpu.enqueue_indirect_dma source(%arg9 : memref<128x32xf32, #tpu.memory_space<vmem>>) target(%dma_start3A_192 : memref<10240x32xf32, #tpu.memory_space<vmem_shared>>) offsets(%dma_start3A_189 : memref<128xi32, #tpu.memory_space<vmem>>) semaphore(%arg25 : memref<!tpu.dma_semaphore, #tpu.memory_space<semaphore_mem>>) {add = true}
      %add3A_193 = arith.constant 2 : i32
      %add3A_194 = arith.addi %mul3A_165, %add3A_193 : i32
      %dma_wait3A_195 = arith.constant 0 : i32
      %dma_wait3A_196 = tpu.memref_slice %arg6[%add3A_194, %dma_wait3A_195] : memref<160x128xi32, #tpu.memory_space<vmem>> -> memref<1x128xi32, #tpu.memory_space<vmem>>
      %dma_wait3A_197 = tpu.memref_squeeze %dma_wait3A_196 : memref<1x128xi32, #tpu.memory_space<vmem>> -> memref<128xi32, #tpu.memory_space<vmem>>
      %dma_wait3A_198 = arith.constant 0 : i32
      %dma_wait3A_199 = arith.constant 0 : i32
      %dma_wait3A_200 = tpu.memref_slice %arg33[%dma_wait3A_198, %dma_wait3A_199] : memref<10240x32xf32, #tpu.memory_space<vmem_shared>> -> memref<10240x32xf32, #tpu.memory_space<vmem_shared>>
      tpu.wait_indirect_dma semaphore(%arg18 : memref<!tpu.dma_semaphore, #tpu.memory_space<semaphore_mem>>) src(%dma_wait3A_200 : memref<10240x32xf32, #tpu.memory_space<vmem_shared>>) dst(%arg10 : memref<128x32xf32, #tpu.memory_space<vmem>>)
      %dma_start3A_201 = arith.constant 0 : i32
      %dma_start3A_202 = tpu.memref_slice %arg7[%add3A_194, %dma_start3A_201] : memref<160x128xi32, #tpu.memory_space<vmem>> -> memref<1x128xi32, #tpu.memory_space<vmem>>
      %dma_start3A_203 = tpu.memref_squeeze %dma_start3A_202 : memref<1x128xi32, #tpu.memory_space<vmem>> -> memref<128xi32, #tpu.memory_space<vmem>>
      %dma_start3A_204 = arith.constant 0 : i32
      %dma_start3A_205 = arith.constant 0 : i32
      %dma_start3A_206 = tpu.memref_slice %arg32[%dma_start3A_204, %dma_start3A_205] : memref<10240x32xf32, #tpu.memory_space<vmem_shared>> -> memref<10240x32xf32, #tpu.memory_space<vmem_shared>>
      tpu.enqueue_indirect_dma source(%arg10 : memref<128x32xf32, #tpu.memory_space<vmem>>) target(%dma_start3A_206 : memref<10240x32xf32, #tpu.memory_space<vmem_shared>>) offsets(%dma_start3A_203 : memref<128xi32, #tpu.memory_space<vmem>>) semaphore(%arg26 : memref<!tpu.dma_semaphore, #tpu.memory_space<semaphore_mem>>) {add = true}
      %add3A_207 = arith.constant 3 : i32
      %add3A_208 = arith.addi %mul3A_165, %add3A_207 : i32
      %dma_wait3A_209 = arith.constant 0 : i32
      %dma_wait3A_210 = tpu.memref_slice %arg6[%add3A_208, %dma_wait3A_209] : memref<160x128xi32, #tpu.memory_space<vmem>> -> memref<1x128xi32, #tpu.memory_space<vmem>>
      %dma_wait3A_211 = tpu.memref_squeeze %dma_wait3A_210 : memref<1x128xi32, #tpu.memory_space<vmem>> -> memref<128xi32, #tpu.memory_space<vmem>>
      %dma_wait3A_212 = arith.constant 0 : i32
      %dma_wait3A_213 = arith.constant 0 : i32
      %dma_wait3A_214 = tpu.memref_slice %arg33[%dma_wait3A_212, %dma_wait3A_213] : memref<10240x32xf32, #tpu.memory_space<vmem_shared>> -> memref<10240x32xf32, #tpu.memory_space<vmem_shared>>
      tpu.wait_indirect_dma semaphore(%arg19 : memref<!tpu.dma_semaphore, #tpu.memory_space<semaphore_mem>>) src(%dma_wait3A_214 : memref<10240x32xf32, #tpu.memory_space<vmem_shared>>) dst(%arg11 : memref<128x32xf32, #tpu.memory_space<vmem>>)
      %dma_start3A_215 = arith.constant 0 : i32
      %dma_start3A_216 = tpu.memref_slice %arg7[%add3A_208, %dma_start3A_215] : memref<160x128xi32, #tpu.memory_space<vmem>> -> memref<1x128xi32, #tpu.memory_space<vmem>>
      %dma_start3A_217 = tpu.memref_squeeze %dma_start3A_216 : memref<1x128xi32, #tpu.memory_space<vmem>> -> memref<128xi32, #tpu.memory_space<vmem>>
      %dma_start3A_218 = arith.constant 0 : i32
      %dma_start3A_219 = arith.constant 0 : i32
      %dma_start3A_220 = tpu.memref_slice %arg32[%dma_start3A_218, %dma_start3A_219] : memref<10240x32xf32, #tpu.memory_space<vmem_shared>> -> memref<10240x32xf32, #tpu.memory_space<vmem_shared>>
      tpu.enqueue_indirect_dma source(%arg11 : memref<128x32xf32, #tpu.memory_space<vmem>>) target(%dma_start3A_220 : memref<10240x32xf32, #tpu.memory_space<vmem_shared>>) offsets(%dma_start3A_217 : memref<128xi32, #tpu.memory_space<vmem>>) semaphore(%arg27 : memref<!tpu.dma_semaphore, #tpu.memory_space<semaphore_mem>>) {add = true}
      %add3A_221 = arith.constant 4 : i32
      %add3A_222 = arith.addi %mul3A_165, %add3A_221 : i32
      %dma_wait3A_223 = arith.constant 0 : i32
      %dma_wait3A_224 = tpu.memref_slice %arg6[%add3A_222, %dma_wait3A_223] : memref<160x128xi32, #tpu.memory_space<vmem>> -> memref<1x128xi32, #tpu.memory_space<vmem>>
      %dma_wait3A_225 = tpu.memref_squeeze %dma_wait3A_224 : memref<1x128xi32, #tpu.memory_space<vmem>> -> memref<128xi32, #tpu.memory_space<vmem>>
      %dma_wait3A_226 = arith.constant 0 : i32
      %dma_wait3A_227 = arith.constant 0 : i32
      %dma_wait3A_228 = tpu.memref_slice %arg33[%dma_wait3A_226, %dma_wait3A_227] : memref<10240x32xf32, #tpu.memory_space<vmem_shared>> -> memref<10240x32xf32, #tpu.memory_space<vmem_shared>>
      tpu.wait_indirect_dma semaphore(%arg20 : memref<!tpu.dma_semaphore, #tpu.memory_space<semaphore_mem>>) src(%dma_wait3A_228 : memref<10240x32xf32, #tpu.memory_space<vmem_shared>>) dst(%arg12 : memref<128x32xf32, #tpu.memory_space<vmem>>)
      %dma_start3A_229 = arith.constant 0 : i32
      %dma_start3A_230 = tpu.memref_slice %arg7[%add3A_222, %dma_start3A_229] : memref<160x128xi32, #tpu.memory_space<vmem>> -> memref<1x128xi32, #tpu.memory_space<vmem>>
      %dma_start3A_231 = tpu.memref_squeeze %dma_start3A_230 : memref<1x128xi32, #tpu.memory_space<vmem>> -> memref<128xi32, #tpu.memory_space<vmem>>
      %dma_start3A_232 = arith.constant 0 : i32
      %dma_start3A_233 = arith.constant 0 : i32
      %dma_start3A_234 = tpu.memref_slice %arg32[%dma_start3A_232, %dma_start3A_233] : memref<10240x32xf32, #tpu.memory_space<vmem_shared>> -> memref<10240x32xf32, #tpu.memory_space<vmem_shared>>
      tpu.enqueue_indirect_dma source(%arg12 : memref<128x32xf32, #tpu.memory_space<vmem>>) target(%dma_start3A_234 : memref<10240x32xf32, #tpu.memory_space<vmem_shared>>) offsets(%dma_start3A_231 : memref<128xi32, #tpu.memory_space<vmem>>) semaphore(%arg28 : memref<!tpu.dma_semaphore, #tpu.memory_space<semaphore_mem>>) {add = true}
      %add3A_235 = arith.constant 5 : i32
      %add3A_236 = arith.addi %mul3A_165, %add3A_235 : i32
      %dma_wait3A_237 = arith.constant 0 : i32
      %dma_wait3A_238 = tpu.memref_slice %arg6[%add3A_236, %dma_wait3A_237] : memref<160x128xi32, #tpu.memory_space<vmem>> -> memref<1x128xi32, #tpu.memory_space<vmem>>
      %dma_wait3A_239 = tpu.memref_squeeze %dma_wait3A_238 : memref<1x128xi32, #tpu.memory_space<vmem>> -> memref<128xi32, #tpu.memory_space<vmem>>
      %dma_wait3A_240 = arith.constant 0 : i32
      %dma_wait3A_241 = arith.constant 0 : i32
      %dma_wait3A_242 = tpu.memref_slice %arg33[%dma_wait3A_240, %dma_wait3A_241] : memref<10240x32xf32, #tpu.memory_space<vmem_shared>> -> memref<10240x32xf32, #tpu.memory_space<vmem_shared>>
      tpu.wait_indirect_dma semaphore(%arg21 : memref<!tpu.dma_semaphore, #tpu.memory_space<semaphore_mem>>) src(%dma_wait3A_242 : memref<10240x32xf32, #tpu.memory_space<vmem_shared>>) dst(%arg13 : memref<128x32xf32, #tpu.memory_space<vmem>>)
      %dma_start3A_243 = arith.constant 0 : i32
      %dma_start3A_244 = tpu.memref_slice %arg7[%add3A_236, %dma_start3A_243] : memref<160x128xi32, #tpu.memory_space<vmem>> -> memref<1x128xi32, #tpu.memory_space<vmem>>
      %dma_start3A_245 = tpu.memref_squeeze %dma_start3A_244 : memref<1x128xi32, #tpu.memory_space<vmem>> -> memref<128xi32, #tpu.memory_space<vmem>>
      %dma_start3A_246 = arith.constant 0 : i32
      %dma_start3A_247 = arith.constant 0 : i32
      %dma_start3A_248 = tpu.memref_slice %arg32[%dma_start3A_246, %dma_start3A_247] : memref<10240x32xf32, #tpu.memory_space<vmem_shared>> -> memref<10240x32xf32, #tpu.memory_space<vmem_shared>>
      tpu.enqueue_indirect_dma source(%arg13 : memref<128x32xf32, #tpu.memory_space<vmem>>) target(%dma_start3A_248 : memref<10240x32xf32, #tpu.memory_space<vmem_shared>>) offsets(%dma_start3A_245 : memref<128xi32, #tpu.memory_space<vmem>>) semaphore(%arg29 : memref<!tpu.dma_semaphore, #tpu.memory_space<semaphore_mem>>) {add = true}
      %add3A_249 = arith.constant 6 : i32
      %add3A_250 = arith.addi %mul3A_165, %add3A_249 : i32
      %dma_wait3A_251 = arith.constant 0 : i32
      %dma_wait3A_252 = tpu.memref_slice %arg6[%add3A_250, %dma_wait3A_251] : memref<160x128xi32, #tpu.memory_space<vmem>> -> memref<1x128xi32, #tpu.memory_space<vmem>>
      %dma_wait3A_253 = tpu.memref_squeeze %dma_wait3A_252 : memref<1x128xi32, #tpu.memory_space<vmem>> -> memref<128xi32, #tpu.memory_space<vmem>>
      %dma_wait3A_254 = arith.constant 0 : i32
      %dma_wait3A_255 = arith.constant 0 : i32
      %dma_wait3A_256 = tpu.memref_slice %arg33[%dma_wait3A_254, %dma_wait3A_255] : memref<10240x32xf32, #tpu.memory_space<vmem_shared>> -> memref<10240x32xf32, #tpu.memory_space<vmem_shared>>
      tpu.wait_indirect_dma semaphore(%arg22 : memref<!tpu.dma_semaphore, #tpu.memory_space<semaphore_mem>>) src(%dma_wait3A_256 : memref<10240x32xf32, #tpu.memory_space<vmem_shared>>) dst(%arg14 : memref<128x32xf32, #tpu.memory_space<vmem>>)
      %dma_start3A_257 = arith.constant 0 : i32
      %dma_start3A_258 = tpu.memref_slice %arg7[%add3A_250, %dma_start3A_257] : memref<160x128xi32, #tpu.memory_space<vmem>> -> memref<1x128xi32, #tpu.memory_space<vmem>>
      %dma_start3A_259 = tpu.memref_squeeze %dma_start3A_258 : memref<1x128xi32, #tpu.memory_space<vmem>> -> memref<128xi32, #tpu.memory_space<vmem>>
      %dma_start3A_260 = arith.constant 0 : i32
      %dma_start3A_261 = arith.constant 0 : i32
      %dma_start3A_262 = tpu.memref_slice %arg32[%dma_start3A_260, %dma_start3A_261] : memref<10240x32xf32, #tpu.memory_space<vmem_shared>> -> memref<10240x32xf32, #tpu.memory_space<vmem_shared>>
      tpu.enqueue_indirect_dma source(%arg14 : memref<128x32xf32, #tpu.memory_space<vmem>>) target(%dma_start3A_262 : memref<10240x32xf32, #tpu.memory_space<vmem_shared>>) offsets(%dma_start3A_259 : memref<128xi32, #tpu.memory_space<vmem>>) semaphore(%arg30 : memref<!tpu.dma_semaphore, #tpu.memory_space<semaphore_mem>>) {add = true}
      %add3A_263 = arith.constant 7 : i32
      %add3A_264 = arith.addi %mul3A_165, %add3A_263 : i32
      %dma_wait3A_265 = arith.constant 0 : i32
      %dma_wait3A_266 = tpu.memref_slice %arg6[%add3A_264, %dma_wait3A_265] : memref<160x128xi32, #tpu.memory_space<vmem>> -> memref<1x128xi32, #tpu.memory_space<vmem>>
      %dma_wait3A_267 = tpu.memref_squeeze %dma_wait3A_266 : memref<1x128xi32, #tpu.memory_space<vmem>> -> memref<128xi32, #tpu.memory_space<vmem>>
      %dma_wait3A_268 = arith.constant 0 : i32
      %dma_wait3A_269 = arith.constant 0 : i32
      %dma_wait3A_270 = tpu.memref_slice %arg33[%dma_wait3A_268, %dma_wait3A_269] : memref<10240x32xf32, #tpu.memory_space<vmem_shared>> -> memref<10240x32xf32, #tpu.memory_space<vmem_shared>>
      tpu.wait_indirect_dma semaphore(%arg23 : memref<!tpu.dma_semaphore, #tpu.memory_space<semaphore_mem>>) src(%dma_wait3A_270 : memref<10240x32xf32, #tpu.memory_space<vmem_shared>>) dst(%arg15 : memref<128x32xf32, #tpu.memory_space<vmem>>)
      %dma_start3A_271 = arith.constant 0 : i32
      %dma_start3A_272 = tpu.memref_slice %arg7[%add3A_264, %dma_start3A_271] : memref<160x128xi32, #tpu.memory_space<vmem>> -> memref<1x128xi32, #tpu.memory_space<vmem>>
      %dma_start3A_273 = tpu.memref_squeeze %dma_start3A_272 : memref<1x128xi32, #tpu.memory_space<vmem>> -> memref<128xi32, #tpu.memory_space<vmem>>
      %dma_start3A_274 = arith.constant 0 : i32
      %dma_start3A_275 = arith.constant 0 : i32
      %dma_start3A_276 = tpu.memref_slice %arg32[%dma_start3A_274, %dma_start3A_275] : memref<10240x32xf32, #tpu.memory_space<vmem_shared>> -> memref<10240x32xf32, #tpu.memory_space<vmem_shared>>
      tpu.enqueue_indirect_dma source(%arg15 : memref<128x32xf32, #tpu.memory_space<vmem>>) target(%dma_start3A_276 : memref<10240x32xf32, #tpu.memory_space<vmem_shared>>) offsets(%dma_start3A_273 : memref<128xi32, #tpu.memory_space<vmem>>) semaphore(%arg31 : memref<!tpu.dma_semaphore, #tpu.memory_space<semaphore_mem>>) {add = true}
      %add3A_277 = arith.constant 8 : i32
      %add3A_278 = arith.addi %mul3A_165, %add3A_277 : i32
      %add3A_279 = arith.constant 0 : i32
      %add3A_280 = arith.addi %add3A_278, %add3A_279 : i32
      %lt3A = arith.constant 160 : i32
      %lt3A_281 = arith.cmpi slt, %add3A_280, %lt3A : i32
      %convert_element_type3A = arith.extui %lt3A_281 : i1 to i32
      %cond3A = arith.constant 0 : i32
      %cond3A_282 = arith.cmpi ne, %convert_element_type3A, %cond3A : i32
      scf.if %cond3A_282 {
        %add3A_346 = arith.constant 0 : i32
        %add3A_347 = arith.addi %mul3A_165, %add3A_346 : i32
        %dma_wait3A_348 = arith.constant 0 : i32
        %dma_wait3A_349 = tpu.memref_slice %arg7[%add3A_347, %dma_wait3A_348] : memref<160x128xi32, #tpu.memory_space<vmem>> -> memref<1x128xi32, #tpu.memory_space<vmem>>
        %dma_wait3A_350 = tpu.memref_squeeze %dma_wait3A_349 : memref<1x128xi32, #tpu.memory_space<vmem>> -> memref<128xi32, #tpu.memory_space<vmem>>
        %dma_wait3A_351 = arith.constant 0 : i32
        %dma_wait3A_352 = arith.constant 0 : i32
        %dma_wait3A_353 = tpu.memref_slice %arg32[%dma_wait3A_351, %dma_wait3A_352] : memref<10240x32xf32, #tpu.memory_space<vmem_shared>> -> memref<10240x32xf32, #tpu.memory_space<vmem_shared>>
        tpu.wait_indirect_dma semaphore(%arg24 : memref<!tpu.dma_semaphore, #tpu.memory_space<semaphore_mem>>) src(%arg8 : memref<128x32xf32, #tpu.memory_space<vmem>>) dst(%dma_wait3A_353 : memref<10240x32xf32, #tpu.memory_space<vmem_shared>>)
        %dma_start3A_354 = arith.constant 0 : i32
        %dma_start3A_355 = tpu.memref_slice %arg6[%add3A_280, %dma_start3A_354] : memref<160x128xi32, #tpu.memory_space<vmem>> -> memref<1x128xi32, #tpu.memory_space<vmem>>
        %dma_start3A_356 = tpu.memref_squeeze %dma_start3A_355 : memref<1x128xi32, #tpu.memory_space<vmem>> -> memref<128xi32, #tpu.memory_space<vmem>>
        %dma_start3A_357 = arith.constant 0 : i32
        %dma_start3A_358 = arith.constant 0 : i32
        %dma_start3A_359 = tpu.memref_slice %arg33[%dma_start3A_357, %dma_start3A_358] : memref<10240x32xf32, #tpu.memory_space<vmem_shared>> -> memref<10240x32xf32, #tpu.memory_space<vmem_shared>>
        tpu.enqueue_indirect_dma source(%dma_start3A_359 : memref<10240x32xf32, #tpu.memory_space<vmem_shared>>) target(%arg8 : memref<128x32xf32, #tpu.memory_space<vmem>>) offsets(%dma_start3A_356 : memref<128xi32, #tpu.memory_space<vmem>>) semaphore(%arg16 : memref<!tpu.dma_semaphore, #tpu.memory_space<semaphore_mem>>)
      } else {
      }
      %add3A_283 = arith.constant 8 : i32
      %add3A_284 = arith.addi %mul3A_165, %add3A_283 : i32
      %add3A_285 = arith.constant 1 : i32
      %add3A_286 = arith.addi %add3A_284, %add3A_285 : i32
      %lt3A_287 = arith.constant 160 : i32
      %lt3A_288 = arith.cmpi slt, %add3A_286, %lt3A_287 : i32
      %convert_element_type3A_289 = arith.extui %lt3A_288 : i1 to i32
      %cond3A_290 = arith.constant 0 : i32
      %cond3A_291 = arith.cmpi ne, %convert_element_type3A_289, %cond3A_290 : i32
      scf.if %cond3A_291 {
        %add3A_346 = arith.constant 1 : i32
        %add3A_347 = arith.addi %mul3A_165, %add3A_346 : i32
        %dma_wait3A_348 = arith.constant 0 : i32
        %dma_wait3A_349 = tpu.memref_slice %arg7[%add3A_347, %dma_wait3A_348] : memref<160x128xi32, #tpu.memory_space<vmem>> -> memref<1x128xi32, #tpu.memory_space<vmem>>
        %dma_wait3A_350 = tpu.memref_squeeze %dma_wait3A_349 : memref<1x128xi32, #tpu.memory_space<vmem>> -> memref<128xi32, #tpu.memory_space<vmem>>
        %dma_wait3A_351 = arith.constant 0 : i32
        %dma_wait3A_352 = arith.constant 0 : i32
        %dma_wait3A_353 = tpu.memref_slice %arg32[%dma_wait3A_351, %dma_wait3A_352] : memref<10240x32xf32, #tpu.memory_space<vmem_shared>> -> memref<10240x32xf32, #tpu.memory_space<vmem_shared>>
        tpu.wait_indirect_dma semaphore(%arg25 : memref<!tpu.dma_semaphore, #tpu.memory_space<semaphore_mem>>) src(%arg9 : memref<128x32xf32, #tpu.memory_space<vmem>>) dst(%dma_wait3A_353 : memref<10240x32xf32, #tpu.memory_space<vmem_shared>>)
        %dma_start3A_354 = arith.constant 0 : i32
        %dma_start3A_355 = tpu.memref_slice %arg6[%add3A_286, %dma_start3A_354] : memref<160x128xi32, #tpu.memory_space<vmem>> -> memref<1x128xi32, #tpu.memory_space<vmem>>
        %dma_start3A_356 = tpu.memref_squeeze %dma_start3A_355 : memref<1x128xi32, #tpu.memory_space<vmem>> -> memref<128xi32, #tpu.memory_space<vmem>>
        %dma_start3A_357 = arith.constant 0 : i32
        %dma_start3A_358 = arith.constant 0 : i32
        %dma_start3A_359 = tpu.memref_slice %arg33[%dma_start3A_357, %dma_start3A_358] : memref<10240x32xf32, #tpu.memory_space<vmem_shared>> -> memref<10240x32xf32, #tpu.memory_space<vmem_shared>>
        tpu.enqueue_indirect_dma source(%dma_start3A_359 : memref<10240x32xf32, #tpu.memory_space<vmem_shared>>) target(%arg9 : memref<128x32xf32, #tpu.memory_space<vmem>>) offsets(%dma_start3A_356 : memref<128xi32, #tpu.memory_space<vmem>>) semaphore(%arg17 : memref<!tpu.dma_semaphore, #tpu.memory_space<semaphore_mem>>)
      } else {
      }
      %add3A_292 = arith.constant 8 : i32
      %add3A_293 = arith.addi %mul3A_165, %add3A_292 : i32
      %add3A_294 = arith.constant 2 : i32
      %add3A_295 = arith.addi %add3A_293, %add3A_294 : i32
      %lt3A_296 = arith.constant 160 : i32
      %lt3A_297 = arith.cmpi slt, %add3A_295, %lt3A_296 : i32
      %convert_element_type3A_298 = arith.extui %lt3A_297 : i1 to i32
      %cond3A_299 = arith.constant 0 : i32
      %cond3A_300 = arith.cmpi ne, %convert_element_type3A_298, %cond3A_299 : i32
      scf.if %cond3A_300 {
        %add3A_346 = arith.constant 2 : i32
        %add3A_347 = arith.addi %mul3A_165, %add3A_346 : i32
        %dma_wait3A_348 = arith.constant 0 : i32
        %dma_wait3A_349 = tpu.memref_slice %arg7[%add3A_347, %dma_wait3A_348] : memref<160x128xi32, #tpu.memory_space<vmem>> -> memref<1x128xi32, #tpu.memory_space<vmem>>
        %dma_wait3A_350 = tpu.memref_squeeze %dma_wait3A_349 : memref<1x128xi32, #tpu.memory_space<vmem>> -> memref<128xi32, #tpu.memory_space<vmem>>
        %dma_wait3A_351 = arith.constant 0 : i32
        %dma_wait3A_352 = arith.constant 0 : i32
        %dma_wait3A_353 = tpu.memref_slice %arg32[%dma_wait3A_351, %dma_wait3A_352] : memref<10240x32xf32, #tpu.memory_space<vmem_shared>> -> memref<10240x32xf32, #tpu.memory_space<vmem_shared>>
        tpu.wait_indirect_dma semaphore(%arg26 : memref<!tpu.dma_semaphore, #tpu.memory_space<semaphore_mem>>) src(%arg10 : memref<128x32xf32, #tpu.memory_space<vmem>>) dst(%dma_wait3A_353 : memref<10240x32xf32, #tpu.memory_space<vmem_shared>>)
        %dma_start3A_354 = arith.constant 0 : i32
        %dma_start3A_355 = tpu.memref_slice %arg6[%add3A_295, %dma_start3A_354] : memref<160x128xi32, #tpu.memory_space<vmem>> -> memref<1x128xi32, #tpu.memory_space<vmem>>
        %dma_start3A_356 = tpu.memref_squeeze %dma_start3A_355 : memref<1x128xi32, #tpu.memory_space<vmem>> -> memref<128xi32, #tpu.memory_space<vmem>>
        %dma_start3A_357 = arith.constant 0 : i32
        %dma_start3A_358 = arith.constant 0 : i32
        %dma_start3A_359 = tpu.memref_slice %arg33[%dma_start3A_357, %dma_start3A_358] : memref<10240x32xf32, #tpu.memory_space<vmem_shared>> -> memref<10240x32xf32, #tpu.memory_space<vmem_shared>>
        tpu.enqueue_indirect_dma source(%dma_start3A_359 : memref<10240x32xf32, #tpu.memory_space<vmem_shared>>) target(%arg10 : memref<128x32xf32, #tpu.memory_space<vmem>>) offsets(%dma_start3A_356 : memref<128xi32, #tpu.memory_space<vmem>>) semaphore(%arg18 : memref<!tpu.dma_semaphore, #tpu.memory_space<semaphore_mem>>)
      } else {
      }
      %add3A_301 = arith.constant 8 : i32
      %add3A_302 = arith.addi %mul3A_165, %add3A_301 : i32
      %add3A_303 = arith.constant 3 : i32
      %add3A_304 = arith.addi %add3A_302, %add3A_303 : i32
      %lt3A_305 = arith.constant 160 : i32
      %lt3A_306 = arith.cmpi slt, %add3A_304, %lt3A_305 : i32
      %convert_element_type3A_307 = arith.extui %lt3A_306 : i1 to i32
      %cond3A_308 = arith.constant 0 : i32
      %cond3A_309 = arith.cmpi ne, %convert_element_type3A_307, %cond3A_308 : i32
      scf.if %cond3A_309 {
        %add3A_346 = arith.constant 3 : i32
        %add3A_347 = arith.addi %mul3A_165, %add3A_346 : i32
        %dma_wait3A_348 = arith.constant 0 : i32
        %dma_wait3A_349 = tpu.memref_slice %arg7[%add3A_347, %dma_wait3A_348] : memref<160x128xi32, #tpu.memory_space<vmem>> -> memref<1x128xi32, #tpu.memory_space<vmem>>
        %dma_wait3A_350 = tpu.memref_squeeze %dma_wait3A_349 : memref<1x128xi32, #tpu.memory_space<vmem>> -> memref<128xi32, #tpu.memory_space<vmem>>
        %dma_wait3A_351 = arith.constant 0 : i32
        %dma_wait3A_352 = arith.constant 0 : i32
        %dma_wait3A_353 = tpu.memref_slice %arg32[%dma_wait3A_351, %dma_wait3A_352] : memref<10240x32xf32, #tpu.memory_space<vmem_shared>> -> memref<10240x32xf32, #tpu.memory_space<vmem_shared>>
        tpu.wait_indirect_dma semaphore(%arg27 : memref<!tpu.dma_semaphore, #tpu.memory_space<semaphore_mem>>) src(%arg11 : memref<128x32xf32, #tpu.memory_space<vmem>>) dst(%dma_wait3A_353 : memref<10240x32xf32, #tpu.memory_space<vmem_shared>>)
        %dma_start3A_354 = arith.constant 0 : i32
        %dma_start3A_355 = tpu.memref_slice %arg6[%add3A_304, %dma_start3A_354] : memref<160x128xi32, #tpu.memory_space<vmem>> -> memref<1x128xi32, #tpu.memory_space<vmem>>
        %dma_start3A_356 = tpu.memref_squeeze %dma_start3A_355 : memref<1x128xi32, #tpu.memory_space<vmem>> -> memref<128xi32, #tpu.memory_space<vmem>>
        %dma_start3A_357 = arith.constant 0 : i32
        %dma_start3A_358 = arith.constant 0 : i32
        %dma_start3A_359 = tpu.memref_slice %arg33[%dma_start3A_357, %dma_start3A_358] : memref<10240x32xf32, #tpu.memory_space<vmem_shared>> -> memref<10240x32xf32, #tpu.memory_space<vmem_shared>>
        tpu.enqueue_indirect_dma source(%dma_start3A_359 : memref<10240x32xf32, #tpu.memory_space<vmem_shared>>) target(%arg11 : memref<128x32xf32, #tpu.memory_space<vmem>>) offsets(%dma_start3A_356 : memref<128xi32, #tpu.memory_space<vmem>>) semaphore(%arg19 : memref<!tpu.dma_semaphore, #tpu.memory_space<semaphore_mem>>)
      } else {
      }
      %add3A_310 = arith.constant 8 : i32
      %add3A_311 = arith.addi %mul3A_165, %add3A_310 : i32
      %add3A_312 = arith.constant 4 : i32
      %add3A_313 = arith.addi %add3A_311, %add3A_312 : i32
      %lt3A_314 = arith.constant 160 : i32
      %lt3A_315 = arith.cmpi slt, %add3A_313, %lt3A_314 : i32
      %convert_element_type3A_316 = arith.extui %lt3A_315 : i1 to i32
      %cond3A_317 = arith.constant 0 : i32
      %cond3A_318 = arith.cmpi ne, %convert_element_type3A_316, %cond3A_317 : i32
      scf.if %cond3A_318 {
        %add3A_346 = arith.constant 4 : i32
        %add3A_347 = arith.addi %mul3A_165, %add3A_346 : i32
        %dma_wait3A_348 = arith.constant 0 : i32
        %dma_wait3A_349 = tpu.memref_slice %arg7[%add3A_347, %dma_wait3A_348] : memref<160x128xi32, #tpu.memory_space<vmem>> -> memref<1x128xi32, #tpu.memory_space<vmem>>
        %dma_wait3A_350 = tpu.memref_squeeze %dma_wait3A_349 : memref<1x128xi32, #tpu.memory_space<vmem>> -> memref<128xi32, #tpu.memory_space<vmem>>
        %dma_wait3A_351 = arith.constant 0 : i32
        %dma_wait3A_352 = arith.constant 0 : i32
        %dma_wait3A_353 = tpu.memref_slice %arg32[%dma_wait3A_351, %dma_wait3A_352] : memref<10240x32xf32, #tpu.memory_space<vmem_shared>> -> memref<10240x32xf32, #tpu.memory_space<vmem_shared>>
        tpu.wait_indirect_dma semaphore(%arg28 : memref<!tpu.dma_semaphore, #tpu.memory_space<semaphore_mem>>) src(%arg12 : memref<128x32xf32, #tpu.memory_space<vmem>>) dst(%dma_wait3A_353 : memref<10240x32xf32, #tpu.memory_space<vmem_shared>>)
        %dma_start3A_354 = arith.constant 0 : i32
        %dma_start3A_355 = tpu.memref_slice %arg6[%add3A_313, %dma_start3A_354] : memref<160x128xi32, #tpu.memory_space<vmem>> -> memref<1x128xi32, #tpu.memory_space<vmem>>
        %dma_start3A_356 = tpu.memref_squeeze %dma_start3A_355 : memref<1x128xi32, #tpu.memory_space<vmem>> -> memref<128xi32, #tpu.memory_space<vmem>>
        %dma_start3A_357 = arith.constant 0 : i32
        %dma_start3A_358 = arith.constant 0 : i32
        %dma_start3A_359 = tpu.memref_slice %arg33[%dma_start3A_357, %dma_start3A_358] : memref<10240x32xf32, #tpu.memory_space<vmem_shared>> -> memref<10240x32xf32, #tpu.memory_space<vmem_shared>>
        tpu.enqueue_indirect_dma source(%dma_start3A_359 : memref<10240x32xf32, #tpu.memory_space<vmem_shared>>) target(%arg12 : memref<128x32xf32, #tpu.memory_space<vmem>>) offsets(%dma_start3A_356 : memref<128xi32, #tpu.memory_space<vmem>>) semaphore(%arg20 : memref<!tpu.dma_semaphore, #tpu.memory_space<semaphore_mem>>)
      } else {
      }
      %add3A_319 = arith.constant 8 : i32
      %add3A_320 = arith.addi %mul3A_165, %add3A_319 : i32
      %add3A_321 = arith.constant 5 : i32
      %add3A_322 = arith.addi %add3A_320, %add3A_321 : i32
      %lt3A_323 = arith.constant 160 : i32
      %lt3A_324 = arith.cmpi slt, %add3A_322, %lt3A_323 : i32
      %convert_element_type3A_325 = arith.extui %lt3A_324 : i1 to i32
      %cond3A_326 = arith.constant 0 : i32
      %cond3A_327 = arith.cmpi ne, %convert_element_type3A_325, %cond3A_326 : i32
      scf.if %cond3A_327 {
        %add3A_346 = arith.constant 5 : i32
        %add3A_347 = arith.addi %mul3A_165, %add3A_346 : i32
        %dma_wait3A_348 = arith.constant 0 : i32
        %dma_wait3A_349 = tpu.memref_slice %arg7[%add3A_347, %dma_wait3A_348] : memref<160x128xi32, #tpu.memory_space<vmem>> -> memref<1x128xi32, #tpu.memory_space<vmem>>
        %dma_wait3A_350 = tpu.memref_squeeze %dma_wait3A_349 : memref<1x128xi32, #tpu.memory_space<vmem>> -> memref<128xi32, #tpu.memory_space<vmem>>
        %dma_wait3A_351 = arith.constant 0 : i32
        %dma_wait3A_352 = arith.constant 0 : i32
        %dma_wait3A_353 = tpu.memref_slice %arg32[%dma_wait3A_351, %dma_wait3A_352] : memref<10240x32xf32, #tpu.memory_space<vmem_shared>> -> memref<10240x32xf32, #tpu.memory_space<vmem_shared>>
        tpu.wait_indirect_dma semaphore(%arg29 : memref<!tpu.dma_semaphore, #tpu.memory_space<semaphore_mem>>) src(%arg13 : memref<128x32xf32, #tpu.memory_space<vmem>>) dst(%dma_wait3A_353 : memref<10240x32xf32, #tpu.memory_space<vmem_shared>>)
        %dma_start3A_354 = arith.constant 0 : i32
        %dma_start3A_355 = tpu.memref_slice %arg6[%add3A_322, %dma_start3A_354] : memref<160x128xi32, #tpu.memory_space<vmem>> -> memref<1x128xi32, #tpu.memory_space<vmem>>
        %dma_start3A_356 = tpu.memref_squeeze %dma_start3A_355 : memref<1x128xi32, #tpu.memory_space<vmem>> -> memref<128xi32, #tpu.memory_space<vmem>>
        %dma_start3A_357 = arith.constant 0 : i32
        %dma_start3A_358 = arith.constant 0 : i32
        %dma_start3A_359 = tpu.memref_slice %arg33[%dma_start3A_357, %dma_start3A_358] : memref<10240x32xf32, #tpu.memory_space<vmem_shared>> -> memref<10240x32xf32, #tpu.memory_space<vmem_shared>>
        tpu.enqueue_indirect_dma source(%dma_start3A_359 : memref<10240x32xf32, #tpu.memory_space<vmem_shared>>) target(%arg13 : memref<128x32xf32, #tpu.memory_space<vmem>>) offsets(%dma_start3A_356 : memref<128xi32, #tpu.memory_space<vmem>>) semaphore(%arg21 : memref<!tpu.dma_semaphore, #tpu.memory_space<semaphore_mem>>)
      } else {
      }
      %add3A_328 = arith.constant 8 : i32
      %add3A_329 = arith.addi %mul3A_165, %add3A_328 : i32
      %add3A_330 = arith.constant 6 : i32
      %add3A_331 = arith.addi %add3A_329, %add3A_330 : i32
      %lt3A_332 = arith.constant 160 : i32
      %lt3A_333 = arith.cmpi slt, %add3A_331, %lt3A_332 : i32
      %convert_element_type3A_334 = arith.extui %lt3A_333 : i1 to i32
      %cond3A_335 = arith.constant 0 : i32
      %cond3A_336 = arith.cmpi ne, %convert_element_type3A_334, %cond3A_335 : i32
      scf.if %cond3A_336 {
        %add3A_346 = arith.constant 6 : i32
        %add3A_347 = arith.addi %mul3A_165, %add3A_346 : i32
        %dma_wait3A_348 = arith.constant 0 : i32
        %dma_wait3A_349 = tpu.memref_slice %arg7[%add3A_347, %dma_wait3A_348] : memref<160x128xi32, #tpu.memory_space<vmem>> -> memref<1x128xi32, #tpu.memory_space<vmem>>
        %dma_wait3A_350 = tpu.memref_squeeze %dma_wait3A_349 : memref<1x128xi32, #tpu.memory_space<vmem>> -> memref<128xi32, #tpu.memory_space<vmem>>
        %dma_wait3A_351 = arith.constant 0 : i32
        %dma_wait3A_352 = arith.constant 0 : i32
        %dma_wait3A_353 = tpu.memref_slice %arg32[%dma_wait3A_351, %dma_wait3A_352] : memref<10240x32xf32, #tpu.memory_space<vmem_shared>> -> memref<10240x32xf32, #tpu.memory_space<vmem_shared>>
        tpu.wait_indirect_dma semaphore(%arg30 : memref<!tpu.dma_semaphore, #tpu.memory_space<semaphore_mem>>) src(%arg14 : memref<128x32xf32, #tpu.memory_space<vmem>>) dst(%dma_wait3A_353 : memref<10240x32xf32, #tpu.memory_space<vmem_shared>>)
        %dma_start3A_354 = arith.constant 0 : i32
        %dma_start3A_355 = tpu.memref_slice %arg6[%add3A_331, %dma_start3A_354] : memref<160x128xi32, #tpu.memory_space<vmem>> -> memref<1x128xi32, #tpu.memory_space<vmem>>
        %dma_start3A_356 = tpu.memref_squeeze %dma_start3A_355 : memref<1x128xi32, #tpu.memory_space<vmem>> -> memref<128xi32, #tpu.memory_space<vmem>>
        %dma_start3A_357 = arith.constant 0 : i32
        %dma_start3A_358 = arith.constant 0 : i32
        %dma_start3A_359 = tpu.memref_slice %arg33[%dma_start3A_357, %dma_start3A_358] : memref<10240x32xf32, #tpu.memory_space<vmem_shared>> -> memref<10240x32xf32, #tpu.memory_space<vmem_shared>>
        tpu.enqueue_indirect_dma source(%dma_start3A_359 : memref<10240x32xf32, #tpu.memory_space<vmem_shared>>) target(%arg14 : memref<128x32xf32, #tpu.memory_space<vmem>>) offsets(%dma_start3A_356 : memref<128xi32, #tpu.memory_space<vmem>>) semaphore(%arg22 : memref<!tpu.dma_semaphore, #tpu.memory_space<semaphore_mem>>)
      } else {
      }
      %add3A_337 = arith.constant 8 : i32
      %add3A_338 = arith.addi %mul3A_165, %add3A_337 : i32
      %add3A_339 = arith.constant 7 : i32
      %add3A_340 = arith.addi %add3A_338, %add3A_339 : i32
      %lt3A_341 = arith.constant 160 : i32
      %lt3A_342 = arith.cmpi slt, %add3A_340, %lt3A_341 : i32
      %convert_element_type3A_343 = arith.extui %lt3A_342 : i1 to i32
      %cond3A_344 = arith.constant 0 : i32
      %cond3A_345 = arith.cmpi ne, %convert_element_type3A_343, %cond3A_344 : i32
      scf.if %cond3A_345 {
        %add3A_346 = arith.constant 7 : i32
        %add3A_347 = arith.addi %mul3A_165, %add3A_346 : i32
        %dma_wait3A_348 = arith.constant 0 : i32
        %dma_wait3A_349 = tpu.memref_slice %arg7[%add3A_347, %dma_wait3A_348] : memref<160x128xi32, #tpu.memory_space<vmem>> -> memref<1x128xi32, #tpu.memory_space<vmem>>
        %dma_wait3A_350 = tpu.memref_squeeze %dma_wait3A_349 : memref<1x128xi32, #tpu.memory_space<vmem>> -> memref<128xi32, #tpu.memory_space<vmem>>
        %dma_wait3A_351 = arith.constant 0 : i32
        %dma_wait3A_352 = arith.constant 0 : i32
        %dma_wait3A_353 = tpu.memref_slice %arg32[%dma_wait3A_351, %dma_wait3A_352] : memref<10240x32xf32, #tpu.memory_space<vmem_shared>> -> memref<10240x32xf32, #tpu.memory_space<vmem_shared>>
        tpu.wait_indirect_dma semaphore(%arg31 : memref<!tpu.dma_semaphore, #tpu.memory_space<semaphore_mem>>) src(%arg15 : memref<128x32xf32, #tpu.memory_space<vmem>>) dst(%dma_wait3A_353 : memref<10240x32xf32, #tpu.memory_space<vmem_shared>>)
        %dma_start3A_354 = arith.constant 0 : i32
        %dma_start3A_355 = tpu.memref_slice %arg6[%add3A_340, %dma_start3A_354] : memref<160x128xi32, #tpu.memory_space<vmem>> -> memref<1x128xi32, #tpu.memory_space<vmem>>
        %dma_start3A_356 = tpu.memref_squeeze %dma_start3A_355 : memref<1x128xi32, #tpu.memory_space<vmem>> -> memref<128xi32, #tpu.memory_space<vmem>>
        %dma_start3A_357 = arith.constant 0 : i32
        %dma_start3A_358 = arith.constant 0 : i32
        %dma_start3A_359 = tpu.memref_slice %arg33[%dma_start3A_357, %dma_start3A_358] : memref<10240x32xf32, #tpu.memory_space<vmem_shared>> -> memref<10240x32xf32, #tpu.memory_space<vmem_shared>>
        tpu.enqueue_indirect_dma source(%dma_start3A_359 : memref<10240x32xf32, #tpu.memory_space<vmem_shared>>) target(%arg15 : memref<128x32xf32, #tpu.memory_space<vmem>>) offsets(%dma_start3A_356 : memref<128xi32, #tpu.memory_space<vmem>>) semaphore(%arg23 : memref<!tpu.dma_semaphore, #tpu.memory_space<semaphore_mem>>)
      } else {
      }
    }
    %scan3A_105 = arith.constant 20 : i32
    %dma_wait3A_106 = arith.constant 152 : i32
    %dma_wait3A_107 = arith.constant 0 : i32
    %dma_wait3A_108 = tpu.memref_slice %arg7[%dma_wait3A_106, %dma_wait3A_107] : memref<160x128xi32, #tpu.memory_space<vmem>> -> memref<1x128xi32, #tpu.memory_space<vmem>>
    %dma_wait3A_109 = tpu.memref_squeeze %dma_wait3A_108 : memref<1x128xi32, #tpu.memory_space<vmem>> -> memref<128xi32, #tpu.memory_space<vmem>>
    %dma_wait3A_110 = arith.constant 0 : i32
    %dma_wait3A_111 = arith.constant 0 : i32
    %dma_wait3A_112 = tpu.memref_slice %arg32[%dma_wait3A_110, %dma_wait3A_111] : memref<10240x32xf32, #tpu.memory_space<vmem_shared>> -> memref<10240x32xf32, #tpu.memory_space<vmem_shared>>
    tpu.wait_indirect_dma semaphore(%arg24 : memref<!tpu.dma_semaphore, #tpu.memory_space<semaphore_mem>>) src(%arg8 : memref<128x32xf32, #tpu.memory_space<vmem>>) dst(%dma_wait3A_112 : memref<10240x32xf32, #tpu.memory_space<vmem_shared>>)
    %dma_wait3A_113 = arith.constant 153 : i32
    %dma_wait3A_114 = arith.constant 0 : i32
    %dma_wait3A_115 = tpu.memref_slice %arg7[%dma_wait3A_113, %dma_wait3A_114] : memref<160x128xi32, #tpu.memory_space<vmem>> -> memref<1x128xi32, #tpu.memory_space<vmem>>
    %dma_wait3A_116 = tpu.memref_squeeze %dma_wait3A_115 : memref<1x128xi32, #tpu.memory_space<vmem>> -> memref<128xi32, #tpu.memory_space<vmem>>
    %dma_wait3A_117 = arith.constant 0 : i32
    %dma_wait3A_118 = arith.constant 0 : i32
    %dma_wait3A_119 = tpu.memref_slice %arg32[%dma_wait3A_117, %dma_wait3A_118] : memref<10240x32xf32, #tpu.memory_space<vmem_shared>> -> memref<10240x32xf32, #tpu.memory_space<vmem_shared>>
    tpu.wait_indirect_dma semaphore(%arg25 : memref<!tpu.dma_semaphore, #tpu.memory_space<semaphore_mem>>) src(%arg9 : memref<128x32xf32, #tpu.memory_space<vmem>>) dst(%dma_wait3A_119 : memref<10240x32xf32, #tpu.memory_space<vmem_shared>>)
    %dma_wait3A_120 = arith.constant 154 : i32
    %dma_wait3A_121 = arith.constant 0 : i32
    %dma_wait3A_122 = tpu.memref_slice %arg7[%dma_wait3A_120, %dma_wait3A_121] : memref<160x128xi32, #tpu.memory_space<vmem>> -> memref<1x128xi32, #tpu.memory_space<vmem>>
    %dma_wait3A_123 = tpu.memref_squeeze %dma_wait3A_122 : memref<1x128xi32, #tpu.memory_space<vmem>> -> memref<128xi32, #tpu.memory_space<vmem>>
    %dma_wait3A_124 = arith.constant 0 : i32
    %dma_wait3A_125 = arith.constant 0 : i32
    %dma_wait3A_126 = tpu.memref_slice %arg32[%dma_wait3A_124, %dma_wait3A_125] : memref<10240x32xf32, #tpu.memory_space<vmem_shared>> -> memref<10240x32xf32, #tpu.memory_space<vmem_shared>>
    tpu.wait_indirect_dma semaphore(%arg26 : memref<!tpu.dma_semaphore, #tpu.memory_space<semaphore_mem>>) src(%arg10 : memref<128x32xf32, #tpu.memory_space<vmem>>) dst(%dma_wait3A_126 : memref<10240x32xf32, #tpu.memory_space<vmem_shared>>)
    %dma_wait3A_127 = arith.constant 155 : i32
    %dma_wait3A_128 = arith.constant 0 : i32
    %dma_wait3A_129 = tpu.memref_slice %arg7[%dma_wait3A_127, %dma_wait3A_128] : memref<160x128xi32, #tpu.memory_space<vmem>> -> memref<1x128xi32, #tpu.memory_space<vmem>>
    %dma_wait3A_130 = tpu.memref_squeeze %dma_wait3A_129 : memref<1x128xi32, #tpu.memory_space<vmem>> -> memref<128xi32, #tpu.memory_space<vmem>>
    %dma_wait3A_131 = arith.constant 0 : i32
    %dma_wait3A_132 = arith.constant 0 : i32
    %dma_wait3A_133 = tpu.memref_slice %arg32[%dma_wait3A_131, %dma_wait3A_132] : memref<10240x32xf32, #tpu.memory_space<vmem_shared>> -> memref<10240x32xf32, #tpu.memory_space<vmem_shared>>
    tpu.wait_indirect_dma semaphore(%arg27 : memref<!tpu.dma_semaphore, #tpu.memory_space<semaphore_mem>>) src(%arg11 : memref<128x32xf32, #tpu.memory_space<vmem>>) dst(%dma_wait3A_133 : memref<10240x32xf32, #tpu.memory_space<vmem_shared>>)
    %dma_wait3A_134 = arith.constant 156 : i32
    %dma_wait3A_135 = arith.constant 0 : i32
    %dma_wait3A_136 = tpu.memref_slice %arg7[%dma_wait3A_134, %dma_wait3A_135] : memref<160x128xi32, #tpu.memory_space<vmem>> -> memref<1x128xi32, #tpu.memory_space<vmem>>
    %dma_wait3A_137 = tpu.memref_squeeze %dma_wait3A_136 : memref<1x128xi32, #tpu.memory_space<vmem>> -> memref<128xi32, #tpu.memory_space<vmem>>
    %dma_wait3A_138 = arith.constant 0 : i32
    %dma_wait3A_139 = arith.constant 0 : i32
    %dma_wait3A_140 = tpu.memref_slice %arg32[%dma_wait3A_138, %dma_wait3A_139] : memref<10240x32xf32, #tpu.memory_space<vmem_shared>> -> memref<10240x32xf32, #tpu.memory_space<vmem_shared>>
    tpu.wait_indirect_dma semaphore(%arg28 : memref<!tpu.dma_semaphore, #tpu.memory_space<semaphore_mem>>) src(%arg12 : memref<128x32xf32, #tpu.memory_space<vmem>>) dst(%dma_wait3A_140 : memref<10240x32xf32, #tpu.memory_space<vmem_shared>>)
    %dma_wait3A_141 = arith.constant 157 : i32
    %dma_wait3A_142 = arith.constant 0 : i32
    %dma_wait3A_143 = tpu.memref_slice %arg7[%dma_wait3A_141, %dma_wait3A_142] : memref<160x128xi32, #tpu.memory_space<vmem>> -> memref<1x128xi32, #tpu.memory_space<vmem>>
    %dma_wait3A_144 = tpu.memref_squeeze %dma_wait3A_143 : memref<1x128xi32, #tpu.memory_space<vmem>> -> memref<128xi32, #tpu.memory_space<vmem>>
    %dma_wait3A_145 = arith.constant 0 : i32
    %dma_wait3A_146 = arith.constant 0 : i32
    %dma_wait3A_147 = tpu.memref_slice %arg32[%dma_wait3A_145, %dma_wait3A_146] : memref<10240x32xf32, #tpu.memory_space<vmem_shared>> -> memref<10240x32xf32, #tpu.memory_space<vmem_shared>>
    tpu.wait_indirect_dma semaphore(%arg29 : memref<!tpu.dma_semaphore, #tpu.memory_space<semaphore_mem>>) src(%arg13 : memref<128x32xf32, #tpu.memory_space<vmem>>) dst(%dma_wait3A_147 : memref<10240x32xf32, #tpu.memory_space<vmem_shared>>)
    %dma_wait3A_148 = arith.constant 158 : i32
    %dma_wait3A_149 = arith.constant 0 : i32
    %dma_wait3A_150 = tpu.memref_slice %arg7[%dma_wait3A_148, %dma_wait3A_149] : memref<160x128xi32, #tpu.memory_space<vmem>> -> memref<1x128xi32, #tpu.memory_space<vmem>>
    %dma_wait3A_151 = tpu.memref_squeeze %dma_wait3A_150 : memref<1x128xi32, #tpu.memory_space<vmem>> -> memref<128xi32, #tpu.memory_space<vmem>>
    %dma_wait3A_152 = arith.constant 0 : i32
    %dma_wait3A_153 = arith.constant 0 : i32
    %dma_wait3A_154 = tpu.memref_slice %arg32[%dma_wait3A_152, %dma_wait3A_153] : memref<10240x32xf32, #tpu.memory_space<vmem_shared>> -> memref<10240x32xf32, #tpu.memory_space<vmem_shared>>
    tpu.wait_indirect_dma semaphore(%arg30 : memref<!tpu.dma_semaphore, #tpu.memory_space<semaphore_mem>>) src(%arg14 : memref<128x32xf32, #tpu.memory_space<vmem>>) dst(%dma_wait3A_154 : memref<10240x32xf32, #tpu.memory_space<vmem_shared>>)
    %dma_wait3A_155 = arith.constant 159 : i32
    %dma_wait3A_156 = arith.constant 0 : i32
    %dma_wait3A_157 = tpu.memref_slice %arg7[%dma_wait3A_155, %dma_wait3A_156] : memref<160x128xi32, #tpu.memory_space<vmem>> -> memref<1x128xi32, #tpu.memory_space<vmem>>
    %dma_wait3A_158 = tpu.memref_squeeze %dma_wait3A_157 : memref<1x128xi32, #tpu.memory_space<vmem>> -> memref<128xi32, #tpu.memory_space<vmem>>
    %dma_wait3A_159 = arith.constant 0 : i32
    %dma_wait3A_160 = arith.constant 0 : i32
    %dma_wait3A_161 = tpu.memref_slice %arg32[%dma_wait3A_159, %dma_wait3A_160] : memref<10240x32xf32, #tpu.memory_space<vmem_shared>> -> memref<10240x32xf32, #tpu.memory_space<vmem_shared>>
    tpu.wait_indirect_dma semaphore(%arg31 : memref<!tpu.dma_semaphore, #tpu.memory_space<semaphore_mem>>) src(%arg15 : memref<128x32xf32, #tpu.memory_space<vmem>>) dst(%dma_wait3A_161 : memref<10240x32xf32, #tpu.memory_space<vmem_shared>>)
    %barrier3A_162 = arith.constant 0 : index
    tpu.barrier barrier_id(%barrier3A_162)
    "tpu.region"() ({
      %run_scoped3A = tpu.sem_alloc : memref<!tpu.dma_semaphore, #tpu.memory_space<semaphore_mem>>
      %dma_start3A_163 = tpu.memref_slice %arg5[%mul3A_0, %mul3A_2] : memref<10240x64xf32, #tpu.memory_space<hbm>> -> memref<640x32xf32, #tpu.memory_space<hbm>>
      %dma_start3A_164 = arith.constant 0 : i32
      %dma_start3A_165 = tpu.memref_slice %arg32[%mul3A_0, %dma_start3A_164] : memref<10240x32xf32, #tpu.memory_space<vmem_shared>> -> memref<640x32xf32, #tpu.memory_space<vmem_shared>>
      tpu.enqueue_dma source(%dma_start3A_165 : memref<640x32xf32, #tpu.memory_space<vmem_shared>>) target(%dma_start3A_163 : memref<640x32xf32, #tpu.memory_space<hbm>>) target_semaphore(%run_scoped3A : memref<!tpu.dma_semaphore, #tpu.memory_space<semaphore_mem>>)
      %dma_wait3A_166 = tpu.memref_slice %arg5[%mul3A_0, %mul3A_2] : memref<10240x64xf32, #tpu.memory_space<hbm>> -> memref<640x32xf32, #tpu.memory_space<hbm>>
      %dma_wait3A_167 = arith.constant 0 : i32
      %dma_wait3A_168 = tpu.memref_slice %arg32[%mul3A_0, %dma_wait3A_167] : memref<10240x32xf32, #tpu.memory_space<vmem_shared>> -> memref<640x32xf32, #tpu.memory_space<vmem_shared>>
      tpu.wait_dma2 semaphore(%run_scoped3A : memref<!tpu.dma_semaphore, #tpu.memory_space<semaphore_mem>>) src(%dma_wait3A_168 : memref<640x32xf32, #tpu.memory_space<vmem_shared>>) dst(%dma_wait3A_166 : memref<640x32xf32, #tpu.memory_space<hbm>>)
      tpu.yield
    }) : () -> ()
    return
  }
}

#map = affine_map<(d0, d1) -> (0, 0)>
#map1 = affine_map<(d0, d1) -> (0, 0, 0)>
module attributes {stable_mosaic.version = 14 : i64} {
  func.func @body(%arg0: i32, %arg1: i32, %arg2: memref<10240x64xf32, #tpu.memory_space<hbm>>, %arg3: memref<16x160x128xi32, #tpu.memory_space<hbm>>, %arg4: memref<16x160x128xi32, #tpu.memory_space<hbm>>, %arg5: memref<10240x64xf32, #tpu.memory_space<hbm>>, %arg6: memref<160x128xi32, #tpu.memory_space<vmem>>, %arg7: memref<160x128xi32, #tpu.memory_space<vmem>>, %arg8: memref<128x32xf32, #tpu.memory_space<vmem>>, %arg9: memref<128x32xf32, #tpu.memory_space<vmem>>, %arg10: memref<128x32xf32, #tpu.memory_space<vmem>>, %arg11: memref<128x32xf32, #tpu.memory_space<vmem>>, %arg12: memref<128x32xf32, #tpu.memory_space<vmem>>, %arg13: memref<128x32xf32, #tpu.memory_space<vmem>>, %arg14: memref<128x32xf32, #tpu.memory_space<vmem>>, %arg15: memref<128x32xf32, #tpu.memory_space<vmem>>, %arg16: memref<!tpu.dma_semaphore, #tpu.memory_space<semaphore_mem>>, %arg17: memref<!tpu.dma_semaphore, #tpu.memory_space<semaphore_mem>>, %arg18: memref<!tpu.dma_semaphore, #tpu.memory_space<semaphore_mem>>, %arg19: memref<!tpu.dma_semaphore, #tpu.memory_space<semaphore_mem>>, %arg20: memref<!tpu.dma_semaphore, #tpu.memory_space<semaphore_mem>>, %arg21: memref<!tpu.dma_semaphore, #tpu.memory_space<semaphore_mem>>, %arg22: memref<!tpu.dma_semaphore, #tpu.memory_space<semaphore_mem>>, %arg23: memref<!tpu.dma_semaphore, #tpu.memory_space<semaphore_mem>>, %arg24: memref<!tpu.dma_semaphore, #tpu.memory_space<semaphore_mem>>, %arg25: memref<!tpu.dma_semaphore, #tpu.memory_space<semaphore_mem>>, %arg26: memref<!tpu.dma_semaphore, #tpu.memory_space<semaphore_mem>>, %arg27: memref<!tpu.dma_semaphore, #tpu.memory_space<semaphore_mem>>, %arg28: memref<!tpu.dma_semaphore, #tpu.memory_space<semaphore_mem>>, %arg29: memref<!tpu.dma_semaphore, #tpu.memory_space<semaphore_mem>>, %arg30: memref<!tpu.dma_semaphore, #tpu.memory_space<semaphore_mem>>, %arg31: memref<!tpu.dma_semaphore, #tpu.memory_space<semaphore_mem>>, %arg32: memref<10240x32xf32, #tpu.memory_space<vmem_shared>>, %arg33: memref<10240x32xf32, #tpu.memory_space<vmem_shared>>) attributes {dimension_semantics = [#tpu.dimension_semantics<core_parallel>, #tpu.dimension_semantics<subcore_parallel>], iteration_bounds = array<i64: 2, 16>, scalar_prefetch = 0 : i64, scratch_operands = 28 : i64, tpu.core_type = #tpu.core_type<sc_vector_subcore>, window_params = [{transform_indices = #map}, {transform_indices = #map1}, {transform_indices = #map1}, {transform_indices = #map}]} {
    %mul3A = arith.constant 640 : i32
    %mul3A_0 = arith.muli %arg1, %mul3A : i32
    %mul3A_1 = arith.constant 32 : i32
    %mul3A_2 = arith.muli %arg0, %mul3A_1 : i32
    %dma_start3A = arith.constant 0 : i32
    %dma_start3A_3 = tpu.memref_slice %arg33[%mul3A_0, %dma_start3A] : memref<10240x32xf32, #tpu.memory_space<vmem_shared>> -> memref<640x32xf32, #tpu.memory_space<vmem_shared>>
    %dma_start3A_4 = tpu.memref_slice %arg2[%mul3A_0, %mul3A_2] : memref<10240x64xf32, #tpu.memory_space<hbm>> -> memref<640x32xf32, #tpu.memory_space<hbm>>
    tpu.enqueue_dma source(%dma_start3A_4 : memref<640x32xf32, #tpu.memory_space<hbm>>) target(%dma_start3A_3 : memref<640x32xf32, #tpu.memory_space<vmem_shared>>) target_semaphore(%arg16 : memref<!tpu.dma_semaphore, #tpu.memory_space<semaphore_mem>>)
    %dma_start3A_5 = arith.constant 0 : i32
    %dma_start3A_6 = tpu.memref_slice %arg32[%mul3A_0, %dma_start3A_5] : memref<10240x32xf32, #tpu.memory_space<vmem_shared>> -> memref<640x32xf32, #tpu.memory_space<vmem_shared>>
    %dma_start3A_7 = tpu.memref_slice %arg2[%mul3A_0, %mul3A_2] : memref<10240x64xf32, #tpu.memory_space<hbm>> -> memref<640x32xf32, #tpu.memory_space<hbm>>
    tpu.enqueue_dma source(%dma_start3A_7 : memref<640x32xf32, #tpu.memory_space<hbm>>) target(%dma_start3A_6 : memref<640x32xf32, #tpu.memory_space<vmem_shared>>) target_semaphore(%arg17 : memref<!tpu.dma_semaphore, #tpu.memory_space<semaphore_mem>>)
    %dma_start3A_8 = arith.constant 0 : i32
    %dma_start3A_9 = arith.constant 0 : i32
    %dma_start3A_10 = tpu.memref_slice %arg3[%arg1, %dma_start3A_8, %dma_start3A_9] : memref<16x160x128xi32, #tpu.memory_space<hbm>> -> memref<1x160x128xi32, #tpu.memory_space<hbm>>
    %dma_start3A_11 = tpu.memref_squeeze %dma_start3A_10 : memref<1x160x128xi32, #tpu.memory_space<hbm>> -> memref<160x128xi32, #tpu.memory_space<hbm>>
    %dma_start3A_12 = arith.constant 0 : i32
    %dma_start3A_13 = arith.constant 0 : i32
    %dma_start3A_14 = tpu.memref_slice %arg3[%arg1, %dma_start3A_12, %dma_start3A_13] : memref<16x160x128xi32, #tpu.memory_space<hbm>> -> memref<1x160x128xi32, #tpu.memory_space<hbm>>
    %dma_start3A_15 = tpu.memref_squeeze %dma_start3A_14 : memref<1x160x128xi32, #tpu.memory_space<hbm>> -> memref<160x128xi32, #tpu.memory_space<hbm>>
    tpu.enqueue_dma source(%dma_start3A_15 : memref<160x128xi32, #tpu.memory_space<hbm>>) target(%arg6 : memref<160x128xi32, #tpu.memory_space<vmem>>) target_semaphore(%arg18 : memref<!tpu.dma_semaphore, #tpu.memory_space<semaphore_mem>>)
    %dma_start3A_16 = arith.constant 0 : i32
    %dma_start3A_17 = arith.constant 0 : i32
    %dma_start3A_18 = tpu.memref_slice %arg4[%arg1, %dma_start3A_16, %dma_start3A_17] : memref<16x160x128xi32, #tpu.memory_space<hbm>> -> memref<1x160x128xi32, #tpu.memory_space<hbm>>
    %dma_start3A_19 = tpu.memref_squeeze %dma_start3A_18 : memref<1x160x128xi32, #tpu.memory_space<hbm>> -> memref<160x128xi32, #tpu.memory_space<hbm>>
    %dma_start3A_20 = arith.constant 0 : i32
    %dma_start3A_21 = arith.constant 0 : i32
    %dma_start3A_22 = tpu.memref_slice %arg4[%arg1, %dma_start3A_20, %dma_start3A_21] : memref<16x160x128xi32, #tpu.memory_space<hbm>> -> memref<1x160x128xi32, #tpu.memory_space<hbm>>
    %dma_start3A_23 = tpu.memref_squeeze %dma_start3A_22 : memref<1x160x128xi32, #tpu.memory_space<hbm>> -> memref<160x128xi32, #tpu.memory_space<hbm>>
    tpu.enqueue_dma source(%dma_start3A_23 : memref<160x128xi32, #tpu.memory_space<hbm>>) target(%arg7 : memref<160x128xi32, #tpu.memory_space<vmem>>) target_semaphore(%arg19 : memref<!tpu.dma_semaphore, #tpu.memory_space<semaphore_mem>>)
    %dma_wait3A = arith.constant 0 : i32
    %dma_wait3A_24 = tpu.memref_slice %arg33[%mul3A_0, %dma_wait3A] : memref<10240x32xf32, #tpu.memory_space<vmem_shared>> -> memref<640x32xf32, #tpu.memory_space<vmem_shared>>
    %dma_wait3A_25 = tpu.memref_slice %arg2[%mul3A_0, %mul3A_2] : memref<10240x64xf32, #tpu.memory_space<hbm>> -> memref<640x32xf32, #tpu.memory_space<hbm>>
    tpu.wait_dma2 semaphore(%arg16 : memref<!tpu.dma_semaphore, #tpu.memory_space<semaphore_mem>>) src(%dma_wait3A_25 : memref<640x32xf32, #tpu.memory_space<hbm>>) dst(%dma_wait3A_24 : memref<640x32xf32, #tpu.memory_space<vmem_shared>>)
    %dma_wait3A_26 = arith.constant 0 : i32
    %dma_wait3A_27 = tpu.memref_slice %arg32[%mul3A_0, %dma_wait3A_26] : memref<10240x32xf32, #tpu.memory_space<vmem_shared>> -> memref<640x32xf32, #tpu.memory_space<vmem_shared>>
    %dma_wait3A_28 = tpu.memref_slice %arg2[%mul3A_0, %mul3A_2] : memref<10240x64xf32, #tpu.memory_space<hbm>> -> memref<640x32xf32, #tpu.memory_space<hbm>>
    tpu.wait_dma2 semaphore(%arg17 : memref<!tpu.dma_semaphore, #tpu.memory_space<semaphore_mem>>) src(%dma_wait3A_28 : memref<640x32xf32, #tpu.memory_space<hbm>>) dst(%dma_wait3A_27 : memref<640x32xf32, #tpu.memory_space<vmem_shared>>)
    %dma_wait3A_29 = arith.constant 0 : i32
    %dma_wait3A_30 = arith.constant 0 : i32
    %dma_wait3A_31 = tpu.memref_slice %arg3[%arg1, %dma_wait3A_29, %dma_wait3A_30] : memref<16x160x128xi32, #tpu.memory_space<hbm>> -> memref<1x160x128xi32, #tpu.memory_space<hbm>>
    %dma_wait3A_32 = tpu.memref_squeeze %dma_wait3A_31 : memref<1x160x128xi32, #tpu.memory_space<hbm>> -> memref<160x128xi32, #tpu.memory_space<hbm>>
    %dma_wait3A_33 = arith.constant 0 : i32
    %dma_wait3A_34 = arith.constant 0 : i32
    %dma_wait3A_35 = tpu.memref_slice %arg3[%arg1, %dma_wait3A_33, %dma_wait3A_34] : memref<16x160x128xi32, #tpu.memory_space<hbm>> -> memref<1x160x128xi32, #tpu.memory_space<hbm>>
    %dma_wait3A_36 = tpu.memref_squeeze %dma_wait3A_35 : memref<1x160x128xi32, #tpu.memory_space<hbm>> -> memref<160x128xi32, #tpu.memory_space<hbm>>
    tpu.wait_dma2 semaphore(%arg18 : memref<!tpu.dma_semaphore, #tpu.memory_space<semaphore_mem>>) src(%dma_wait3A_36 : memref<160x128xi32, #tpu.memory_space<hbm>>) dst(%arg6 : memref<160x128xi32, #tpu.memory_space<vmem>>)
    %dma_wait3A_37 = arith.constant 0 : i32
    %dma_wait3A_38 = arith.constant 0 : i32
    %dma_wait3A_39 = tpu.memref_slice %arg4[%arg1, %dma_wait3A_37, %dma_wait3A_38] : memref<16x160x128xi32, #tpu.memory_space<hbm>> -> memref<1x160x128xi32, #tpu.memory_space<hbm>>
    %dma_wait3A_40 = tpu.memref_squeeze %dma_wait3A_39 : memref<1x160x128xi32, #tpu.memory_space<hbm>> -> memref<160x128xi32, #tpu.memory_space<hbm>>
    %dma_wait3A_41 = arith.constant 0 : i32
    %dma_wait3A_42 = arith.constant 0 : i32
    %dma_wait3A_43 = tpu.memref_slice %arg4[%arg1, %dma_wait3A_41, %dma_wait3A_42] : memref<16x160x128xi32, #tpu.memory_space<hbm>> -> memref<1x160x128xi32, #tpu.memory_space<hbm>>
    %dma_wait3A_44 = tpu.memref_squeeze %dma_wait3A_43 : memref<1x160x128xi32, #tpu.memory_space<hbm>> -> memref<160x128xi32, #tpu.memory_space<hbm>>
    tpu.wait_dma2 semaphore(%arg19 : memref<!tpu.dma_semaphore, #tpu.memory_space<semaphore_mem>>) src(%dma_wait3A_44 : memref<160x128xi32, #tpu.memory_space<hbm>>) dst(%arg7 : memref<160x128xi32, #tpu.memory_space<vmem>>)
    %barrier3A = arith.constant 0 : index
    tpu.barrier barrier_id(%barrier3A)
    %dma_start3A_45 = arith.constant 0 : i32
    %dma_start3A_46 = arith.constant 0 : i32
    %dma_start3A_47 = tpu.memref_slice %arg6[%dma_start3A_45, %dma_start3A_46] : memref<160x128xi32, #tpu.memory_space<vmem>> -> memref<1x128xi32, #tpu.memory_space<vmem>>
    %dma_start3A_48 = tpu.memref_squeeze %dma_start3A_47 : memref<1x128xi32, #tpu.memory_space<vmem>> -> memref<128xi32, #tpu.memory_space<vmem>>
    %dma_start3A_49 = arith.constant 0 : i32
    %dma_start3A_50 = arith.constant 0 : i32
    %dma_start3A_51 = tpu.memref_slice %arg33[%dma_start3A_49, %dma_start3A_50] : memref<10240x32xf32, #tpu.memory_space<vmem_shared>> -> memref<10240x32xf32, #tpu.memory_space<vmem_shared>>
    tpu.enqueue_indirect_dma source(%dma_start3A_51 : memref<10240x32xf32, #tpu.memory_space<vmem_shared>>) target(%arg8 : memref<128x32xf32, #tpu.memory_space<vmem>>) offsets(%dma_start3A_48 : memref<128xi32, #tpu.memory_space<vmem>>) semaphore(%arg16 : memref<!tpu.dma_semaphore, #tpu.memory_space<semaphore_mem>>)
    %dma_start3A_52 = arith.constant 1 : i32
    %dma_start3A_53 = arith.constant 0 : i32
    %dma_start3A_54 = tpu.memref_slice %arg6[%dma_start3A_52, %dma_start3A_53] : memref<160x128xi32, #tpu.memory_space<vmem>> -> memref<1x128xi32, #tpu.memory_space<vmem>>
    %dma_start3A_55 = tpu.memref_squeeze %dma_start3A_54 : memref<1x128xi32, #tpu.memory_space<vmem>> -> memref<128xi32, #tpu.memory_space<vmem>>
    %dma_start3A_56 = arith.constant 0 : i32
    %dma_start3A_57 = arith.constant 0 : i32
    %dma_start3A_58 = tpu.memref_slice %arg33[%dma_start3A_56, %dma_start3A_57] : memref<10240x32xf32, #tpu.memory_space<vmem_shared>> -> memref<10240x32xf32, #tpu.memory_space<vmem_shared>>
    tpu.enqueue_indirect_dma source(%dma_start3A_58 : memref<10240x32xf32, #tpu.memory_space<vmem_shared>>) target(%arg9 : memref<128x32xf32, #tpu.memory_space<vmem>>) offsets(%dma_start3A_55 : memref<128xi32, #tpu.memory_space<vmem>>) semaphore(%arg17 : memref<!tpu.dma_semaphore, #tpu.memory_space<semaphore_mem>>)
    %dma_start3A_59 = arith.constant 2 : i32
    %dma_start3A_60 = arith.constant 0 : i32
    %dma_start3A_61 = tpu.memref_slice %arg6[%dma_start3A_59, %dma_start3A_60] : memref<160x128xi32, #tpu.memory_space<vmem>> -> memref<1x128xi32, #tpu.memory_space<vmem>>
    %dma_start3A_62 = tpu.memref_squeeze %dma_start3A_61 : memref<1x128xi32, #tpu.memory_space<vmem>> -> memref<128xi32, #tpu.memory_space<vmem>>
    %dma_start3A_63 = arith.constant 0 : i32
    %dma_start3A_64 = arith.constant 0 : i32
    %dma_start3A_65 = tpu.memref_slice %arg33[%dma_start3A_63, %dma_start3A_64] : memref<10240x32xf32, #tpu.memory_space<vmem_shared>> -> memref<10240x32xf32, #tpu.memory_space<vmem_shared>>
    tpu.enqueue_indirect_dma source(%dma_start3A_65 : memref<10240x32xf32, #tpu.memory_space<vmem_shared>>) target(%arg10 : memref<128x32xf32, #tpu.memory_space<vmem>>) offsets(%dma_start3A_62 : memref<128xi32, #tpu.memory_space<vmem>>) semaphore(%arg18 : memref<!tpu.dma_semaphore, #tpu.memory_space<semaphore_mem>>)
    %dma_start3A_66 = arith.constant 3 : i32
    %dma_start3A_67 = arith.constant 0 : i32
    %dma_start3A_68 = tpu.memref_slice %arg6[%dma_start3A_66, %dma_start3A_67] : memref<160x128xi32, #tpu.memory_space<vmem>> -> memref<1x128xi32, #tpu.memory_space<vmem>>
    %dma_start3A_69 = tpu.memref_squeeze %dma_start3A_68 : memref<1x128xi32, #tpu.memory_space<vmem>> -> memref<128xi32, #tpu.memory_space<vmem>>
    %dma_start3A_70 = arith.constant 0 : i32
    %dma_start3A_71 = arith.constant 0 : i32
    %dma_start3A_72 = tpu.memref_slice %arg33[%dma_start3A_70, %dma_start3A_71] : memref<10240x32xf32, #tpu.memory_space<vmem_shared>> -> memref<10240x32xf32, #tpu.memory_space<vmem_shared>>
    tpu.enqueue_indirect_dma source(%dma_start3A_72 : memref<10240x32xf32, #tpu.memory_space<vmem_shared>>) target(%arg11 : memref<128x32xf32, #tpu.memory_space<vmem>>) offsets(%dma_start3A_69 : memref<128xi32, #tpu.memory_space<vmem>>) semaphore(%arg19 : memref<!tpu.dma_semaphore, #tpu.memory_space<semaphore_mem>>)
    %dma_start3A_73 = arith.constant 4 : i32
    %dma_start3A_74 = arith.constant 0 : i32
    %dma_start3A_75 = tpu.memref_slice %arg6[%dma_start3A_73, %dma_start3A_74] : memref<160x128xi32, #tpu.memory_space<vmem>> -> memref<1x128xi32, #tpu.memory_space<vmem>>
    %dma_start3A_76 = tpu.memref_squeeze %dma_start3A_75 : memref<1x128xi32, #tpu.memory_space<vmem>> -> memref<128xi32, #tpu.memory_space<vmem>>
    %dma_start3A_77 = arith.constant 0 : i32
    %dma_start3A_78 = arith.constant 0 : i32
    %dma_start3A_79 = tpu.memref_slice %arg33[%dma_start3A_77, %dma_start3A_78] : memref<10240x32xf32, #tpu.memory_space<vmem_shared>> -> memref<10240x32xf32, #tpu.memory_space<vmem_shared>>
    tpu.enqueue_indirect_dma source(%dma_start3A_79 : memref<10240x32xf32, #tpu.memory_space<vmem_shared>>) target(%arg12 : memref<128x32xf32, #tpu.memory_space<vmem>>) offsets(%dma_start3A_76 : memref<128xi32, #tpu.memory_space<vmem>>) semaphore(%arg20 : memref<!tpu.dma_semaphore, #tpu.memory_space<semaphore_mem>>)
    %dma_start3A_80 = arith.constant 5 : i32
    %dma_start3A_81 = arith.constant 0 : i32
    %dma_start3A_82 = tpu.memref_slice %arg6[%dma_start3A_80, %dma_start3A_81] : memref<160x128xi32, #tpu.memory_space<vmem>> -> memref<1x128xi32, #tpu.memory_space<vmem>>
    %dma_start3A_83 = tpu.memref_squeeze %dma_start3A_82 : memref<1x128xi32, #tpu.memory_space<vmem>> -> memref<128xi32, #tpu.memory_space<vmem>>
    %dma_start3A_84 = arith.constant 0 : i32
    %dma_start3A_85 = arith.constant 0 : i32
    %dma_start3A_86 = tpu.memref_slice %arg33[%dma_start3A_84, %dma_start3A_85] : memref<10240x32xf32, #tpu.memory_space<vmem_shared>> -> memref<10240x32xf32, #tpu.memory_space<vmem_shared>>
    tpu.enqueue_indirect_dma source(%dma_start3A_86 : memref<10240x32xf32, #tpu.memory_space<vmem_shared>>) target(%arg13 : memref<128x32xf32, #tpu.memory_space<vmem>>) offsets(%dma_start3A_83 : memref<128xi32, #tpu.memory_space<vmem>>) semaphore(%arg21 : memref<!tpu.dma_semaphore, #tpu.memory_space<semaphore_mem>>)
    %dma_start3A_87 = arith.constant 6 : i32
    %dma_start3A_88 = arith.constant 0 : i32
    %dma_start3A_89 = tpu.memref_slice %arg6[%dma_start3A_87, %dma_start3A_88] : memref<160x128xi32, #tpu.memory_space<vmem>> -> memref<1x128xi32, #tpu.memory_space<vmem>>
    %dma_start3A_90 = tpu.memref_squeeze %dma_start3A_89 : memref<1x128xi32, #tpu.memory_space<vmem>> -> memref<128xi32, #tpu.memory_space<vmem>>
    %dma_start3A_91 = arith.constant 0 : i32
    %dma_start3A_92 = arith.constant 0 : i32
    %dma_start3A_93 = tpu.memref_slice %arg33[%dma_start3A_91, %dma_start3A_92] : memref<10240x32xf32, #tpu.memory_space<vmem_shared>> -> memref<10240x32xf32, #tpu.memory_space<vmem_shared>>
    tpu.enqueue_indirect_dma source(%dma_start3A_93 : memref<10240x32xf32, #tpu.memory_space<vmem_shared>>) target(%arg14 : memref<128x32xf32, #tpu.memory_space<vmem>>) offsets(%dma_start3A_90 : memref<128xi32, #tpu.memory_space<vmem>>) semaphore(%arg22 : memref<!tpu.dma_semaphore, #tpu.memory_space<semaphore_mem>>)
    %dma_start3A_94 = arith.constant 7 : i32
    %dma_start3A_95 = arith.constant 0 : i32
    %dma_start3A_96 = tpu.memref_slice %arg6[%dma_start3A_94, %dma_start3A_95] : memref<160x128xi32, #tpu.memory_space<vmem>> -> memref<1x128xi32, #tpu.memory_space<vmem>>
    %dma_start3A_97 = tpu.memref_squeeze %dma_start3A_96 : memref<1x128xi32, #tpu.memory_space<vmem>> -> memref<128xi32, #tpu.memory_space<vmem>>
    %dma_start3A_98 = arith.constant 0 : i32
    %dma_start3A_99 = arith.constant 0 : i32
    %dma_start3A_100 = tpu.memref_slice %arg33[%dma_start3A_98, %dma_start3A_99] : memref<10240x32xf32, #tpu.memory_space<vmem_shared>> -> memref<10240x32xf32, #tpu.memory_space<vmem_shared>>
    tpu.enqueue_indirect_dma source(%dma_start3A_100 : memref<10240x32xf32, #tpu.memory_space<vmem_shared>>) target(%arg15 : memref<128x32xf32, #tpu.memory_space<vmem>>) offsets(%dma_start3A_97 : memref<128xi32, #tpu.memory_space<vmem>>) semaphore(%arg23 : memref<!tpu.dma_semaphore, #tpu.memory_space<semaphore_mem>>)
    %scan3A = arith.constant 0 : i32
    %scan3A_101 = arith.constant 0 : i32
    %scan3A_102 = arith.constant 20 : i32
    %scan3A_103 = arith.addi %scan3A_101, %scan3A_102 : i32
    %scan3A_104 = arith.constant 1 : i32
    scf.for %scan3A_163 = %scan3A_101 to %scan3A_103 step %scan3A_104  : i32 {
      %mul3A_164 = arith.constant 8 : i32
      %mul3A_165 = arith.muli %scan3A_163, %mul3A_164 : i32
      %add3A = arith.constant 0 : i32
      %add3A_166 = arith.addi %mul3A_165, %add3A : i32
      %dma_wait3A_167 = arith.constant 0 : i32
      %dma_wait3A_168 = tpu.memref_slice %arg6[%add3A_166, %dma_wait3A_167] : memref<160x128xi32, #tpu.memory_space<vmem>> -> memref<1x128xi32, #tpu.memory_space<vmem>>
      %dma_wait3A_169 = tpu.memref_squeeze %dma_wait3A_168 : memref<1x128xi32, #tpu.memory_space<vmem>> -> memref<128xi32, #tpu.memory_space<vmem>>
      %dma_wait3A_170 = arith.constant 0 : i32
      %dma_wait3A_171 = arith.constant 0 : i32
      %dma_wait3A_172 = tpu.memref_slice %arg33[%dma_wait3A_170, %dma_wait3A_171] : memref<10240x32xf32, #tpu.memory_space<vmem_shared>> -> memref<10240x32xf32, #tpu.memory_space<vmem_shared>>
      tpu.wait_indirect_dma semaphore(%arg16 : memref<!tpu.dma_semaphore, #tpu.memory_space<semaphore_mem>>) src(%dma_wait3A_172 : memref<10240x32xf32, #tpu.memory_space<vmem_shared>>) dst(%arg8 : memref<128x32xf32, #tpu.memory_space<vmem>>)
      %dma_start3A_173 = arith.constant 0 : i32
      %dma_start3A_174 = tpu.memref_slice %arg7[%add3A_166, %dma_start3A_173] : memref<160x128xi32, #tpu.memory_space<vmem>> -> memref<1x128xi32, #tpu.memory_space<vmem>>
      %dma_start3A_175 = tpu.memref_squeeze %dma_start3A_174 : memref<1x128xi32, #tpu.memory_space<vmem>> -> memref<128xi32, #tpu.memory_space<vmem>>
      %dma_start3A_176 = arith.constant 0 : i32
      %dma_start3A_177 = arith.constant 0 : i32
      %dma_start3A_178 = tpu.memref_slice %arg32[%dma_start3A_176, %dma_start3A_177] : memref<10240x32xf32, #tpu.memory_space<vmem_shared>> -> memref<10240x32xf32, #tpu.memory_space<vmem_shared>>
      tpu.enqueue_indirect_dma source(%arg8 : memref<128x32xf32, #tpu.memory_space<vmem>>) target(%dma_start3A_178 : memref<10240x32xf32, #tpu.memory_space<vmem_shared>>) offsets(%dma_start3A_175 : memref<128xi32, #tpu.memory_space<vmem>>) semaphore(%arg24 : memref<!tpu.dma_semaphore, #tpu.memory_space<semaphore_mem>>) {add = true}
      %add3A_179 = arith.constant 1 : i32
      %add3A_180 = arith.addi %mul3A_165, %add3A_179 : i32
      %dma_wait3A_181 = arith.constant 0 : i32
      %dma_wait3A_182 = tpu.memref_slice %arg6[%add3A_180, %dma_wait3A_181] : memref<160x128xi32, #tpu.memory_space<vmem>> -> memref<1x128xi32, #tpu.memory_space<vmem>>
      %dma_wait3A_183 = tpu.memref_squeeze %dma_wait3A_182 : memref<1x128xi32, #tpu.memory_space<vmem>> -> memref<128xi32, #tpu.memory_space<vmem>>
      %dma_wait3A_184 = arith.constant 0 : i32
      %dma_wait3A_185 = arith.constant 0 : i32
      %dma_wait3A_186 = tpu.memref_slice %arg33[%dma_wait3A_184, %dma_wait3A_185] : memref<10240x32xf32, #tpu.memory_space<vmem_shared>> -> memref<10240x32xf32, #tpu.memory_space<vmem_shared>>
      tpu.wait_indirect_dma semaphore(%arg17 : memref<!tpu.dma_semaphore, #tpu.memory_space<semaphore_mem>>) src(%dma_wait3A_186 : memref<10240x32xf32, #tpu.memory_space<vmem_shared>>) dst(%arg9 : memref<128x32xf32, #tpu.memory_space<vmem>>)
      %dma_start3A_187 = arith.constant 0 : i32
      %dma_start3A_188 = tpu.memref_slice %arg7[%add3A_180, %dma_start3A_187] : memref<160x128xi32, #tpu.memory_space<vmem>> -> memref<1x128xi32, #tpu.memory_space<vmem>>
      %dma_start3A_189 = tpu.memref_squeeze %dma_start3A_188 : memref<1x128xi32, #tpu.memory_space<vmem>> -> memref<128xi32, #tpu.memory_space<vmem>>
      %dma_start3A_190 = arith.constant 0 : i32
      %dma_start3A_191 = arith.constant 0 : i32
      %dma_start3A_192 = tpu.memref_slice %arg32[%dma_start3A_190, %dma_start3A_191] : memref<10240x32xf32, #tpu.memory_space<vmem_shared>> -> memref<10240x32xf32, #tpu.memory_space<vmem_shared>>
      tpu.enqueue_indirect_dma source(%arg9 : memref<128x32xf32, #tpu.memory_space<vmem>>) target(%dma_start3A_192 : memref<10240x32xf32, #tpu.memory_space<vmem_shared>>) offsets(%dma_start3A_189 : memref<128xi32, #tpu.memory_space<vmem>>) semaphore(%arg25 : memref<!tpu.dma_semaphore, #tpu.memory_space<semaphore_mem>>) {add = true}
      %add3A_193 = arith.constant 2 : i32
      %add3A_194 = arith.addi %mul3A_165, %add3A_193 : i32
      %dma_wait3A_195 = arith.constant 0 : i32
      %dma_wait3A_196 = tpu.memref_slice %arg6[%add3A_194, %dma_wait3A_195] : memref<160x128xi32, #tpu.memory_space<vmem>> -> memref<1x128xi32, #tpu.memory_space<vmem>>
      %dma_wait3A_197 = tpu.memref_squeeze %dma_wait3A_196 : memref<1x128xi32, #tpu.memory_space<vmem>> -> memref<128xi32, #tpu.memory_space<vmem>>
      %dma_wait3A_198 = arith.constant 0 : i32
      %dma_wait3A_199 = arith.constant 0 : i32
      %dma_wait3A_200 = tpu.memref_slice %arg33[%dma_wait3A_198, %dma_wait3A_199] : memref<10240x32xf32, #tpu.memory_space<vmem_shared>> -> memref<10240x32xf32, #tpu.memory_space<vmem_shared>>
      tpu.wait_indirect_dma semaphore(%arg18 : memref<!tpu.dma_semaphore, #tpu.memory_space<semaphore_mem>>) src(%dma_wait3A_200 : memref<10240x32xf32, #tpu.memory_space<vmem_shared>>) dst(%arg10 : memref<128x32xf32, #tpu.memory_space<vmem>>)
      %dma_start3A_201 = arith.constant 0 : i32
      %dma_start3A_202 = tpu.memref_slice %arg7[%add3A_194, %dma_start3A_201] : memref<160x128xi32, #tpu.memory_space<vmem>> -> memref<1x128xi32, #tpu.memory_space<vmem>>
      %dma_start3A_203 = tpu.memref_squeeze %dma_start3A_202 : memref<1x128xi32, #tpu.memory_space<vmem>> -> memref<128xi32, #tpu.memory_space<vmem>>
      %dma_start3A_204 = arith.constant 0 : i32
      %dma_start3A_205 = arith.constant 0 : i32
      %dma_start3A_206 = tpu.memref_slice %arg32[%dma_start3A_204, %dma_start3A_205] : memref<10240x32xf32, #tpu.memory_space<vmem_shared>> -> memref<10240x32xf32, #tpu.memory_space<vmem_shared>>
      tpu.enqueue_indirect_dma source(%arg10 : memref<128x32xf32, #tpu.memory_space<vmem>>) target(%dma_start3A_206 : memref<10240x32xf32, #tpu.memory_space<vmem_shared>>) offsets(%dma_start3A_203 : memref<128xi32, #tpu.memory_space<vmem>>) semaphore(%arg26 : memref<!tpu.dma_semaphore, #tpu.memory_space<semaphore_mem>>) {add = true}
      %add3A_207 = arith.constant 3 : i32
      %add3A_208 = arith.addi %mul3A_165, %add3A_207 : i32
      %dma_wait3A_209 = arith.constant 0 : i32
      %dma_wait3A_210 = tpu.memref_slice %arg6[%add3A_208, %dma_wait3A_209] : memref<160x128xi32, #tpu.memory_space<vmem>> -> memref<1x128xi32, #tpu.memory_space<vmem>>
      %dma_wait3A_211 = tpu.memref_squeeze %dma_wait3A_210 : memref<1x128xi32, #tpu.memory_space<vmem>> -> memref<128xi32, #tpu.memory_space<vmem>>
      %dma_wait3A_212 = arith.constant 0 : i32
      %dma_wait3A_213 = arith.constant 0 : i32
      %dma_wait3A_214 = tpu.memref_slice %arg33[%dma_wait3A_212, %dma_wait3A_213] : memref<10240x32xf32, #tpu.memory_space<vmem_shared>> -> memref<10240x32xf32, #tpu.memory_space<vmem_shared>>
      tpu.wait_indirect_dma semaphore(%arg19 : memref<!tpu.dma_semaphore, #tpu.memory_space<semaphore_mem>>) src(%dma_wait3A_214 : memref<10240x32xf32, #tpu.memory_space<vmem_shared>>) dst(%arg11 : memref<128x32xf32, #tpu.memory_space<vmem>>)
      %dma_start3A_215 = arith.constant 0 : i32
      %dma_start3A_216 = tpu.memref_slice %arg7[%add3A_208, %dma_start3A_215] : memref<160x128xi32, #tpu.memory_space<vmem>> -> memref<1x128xi32, #tpu.memory_space<vmem>>
      %dma_start3A_217 = tpu.memref_squeeze %dma_start3A_216 : memref<1x128xi32, #tpu.memory_space<vmem>> -> memref<128xi32, #tpu.memory_space<vmem>>
      %dma_start3A_218 = arith.constant 0 : i32
      %dma_start3A_219 = arith.constant 0 : i32
      %dma_start3A_220 = tpu.memref_slice %arg32[%dma_start3A_218, %dma_start3A_219] : memref<10240x32xf32, #tpu.memory_space<vmem_shared>> -> memref<10240x32xf32, #tpu.memory_space<vmem_shared>>
      tpu.enqueue_indirect_dma source(%arg11 : memref<128x32xf32, #tpu.memory_space<vmem>>) target(%dma_start3A_220 : memref<10240x32xf32, #tpu.memory_space<vmem_shared>>) offsets(%dma_start3A_217 : memref<128xi32, #tpu.memory_space<vmem>>) semaphore(%arg27 : memref<!tpu.dma_semaphore, #tpu.memory_space<semaphore_mem>>) {add = true}
      %add3A_221 = arith.constant 4 : i32
      %add3A_222 = arith.addi %mul3A_165, %add3A_221 : i32
      %dma_wait3A_223 = arith.constant 0 : i32
      %dma_wait3A_224 = tpu.memref_slice %arg6[%add3A_222, %dma_wait3A_223] : memref<160x128xi32, #tpu.memory_space<vmem>> -> memref<1x128xi32, #tpu.memory_space<vmem>>
      %dma_wait3A_225 = tpu.memref_squeeze %dma_wait3A_224 : memref<1x128xi32, #tpu.memory_space<vmem>> -> memref<128xi32, #tpu.memory_space<vmem>>
      %dma_wait3A_226 = arith.constant 0 : i32
      %dma_wait3A_227 = arith.constant 0 : i32
      %dma_wait3A_228 = tpu.memref_slice %arg33[%dma_wait3A_226, %dma_wait3A_227] : memref<10240x32xf32, #tpu.memory_space<vmem_shared>> -> memref<10240x32xf32, #tpu.memory_space<vmem_shared>>
      tpu.wait_indirect_dma semaphore(%arg20 : memref<!tpu.dma_semaphore, #tpu.memory_space<semaphore_mem>>) src(%dma_wait3A_228 : memref<10240x32xf32, #tpu.memory_space<vmem_shared>>) dst(%arg12 : memref<128x32xf32, #tpu.memory_space<vmem>>)
      %dma_start3A_229 = arith.constant 0 : i32
      %dma_start3A_230 = tpu.memref_slice %arg7[%add3A_222, %dma_start3A_229] : memref<160x128xi32, #tpu.memory_space<vmem>> -> memref<1x128xi32, #tpu.memory_space<vmem>>
      %dma_start3A_231 = tpu.memref_squeeze %dma_start3A_230 : memref<1x128xi32, #tpu.memory_space<vmem>> -> memref<128xi32, #tpu.memory_space<vmem>>
      %dma_start3A_232 = arith.constant 0 : i32
      %dma_start3A_233 = arith.constant 0 : i32
      %dma_start3A_234 = tpu.memref_slice %arg32[%dma_start3A_232, %dma_start3A_233] : memref<10240x32xf32, #tpu.memory_space<vmem_shared>> -> memref<10240x32xf32, #tpu.memory_space<vmem_shared>>
      tpu.enqueue_indirect_dma source(%arg12 : memref<128x32xf32, #tpu.memory_space<vmem>>) target(%dma_start3A_234 : memref<10240x32xf32, #tpu.memory_space<vmem_shared>>) offsets(%dma_start3A_231 : memref<128xi32, #tpu.memory_space<vmem>>) semaphore(%arg28 : memref<!tpu.dma_semaphore, #tpu.memory_space<semaphore_mem>>) {add = true}
      %add3A_235 = arith.constant 5 : i32
      %add3A_236 = arith.addi %mul3A_165, %add3A_235 : i32
      %dma_wait3A_237 = arith.constant 0 : i32
      %dma_wait3A_238 = tpu.memref_slice %arg6[%add3A_236, %dma_wait3A_237] : memref<160x128xi32, #tpu.memory_space<vmem>> -> memref<1x128xi32, #tpu.memory_space<vmem>>
      %dma_wait3A_239 = tpu.memref_squeeze %dma_wait3A_238 : memref<1x128xi32, #tpu.memory_space<vmem>> -> memref<128xi32, #tpu.memory_space<vmem>>
      %dma_wait3A_240 = arith.constant 0 : i32
      %dma_wait3A_241 = arith.constant 0 : i32
      %dma_wait3A_242 = tpu.memref_slice %arg33[%dma_wait3A_240, %dma_wait3A_241] : memref<10240x32xf32, #tpu.memory_space<vmem_shared>> -> memref<10240x32xf32, #tpu.memory_space<vmem_shared>>
      tpu.wait_indirect_dma semaphore(%arg21 : memref<!tpu.dma_semaphore, #tpu.memory_space<semaphore_mem>>) src(%dma_wait3A_242 : memref<10240x32xf32, #tpu.memory_space<vmem_shared>>) dst(%arg13 : memref<128x32xf32, #tpu.memory_space<vmem>>)
      %dma_start3A_243 = arith.constant 0 : i32
      %dma_start3A_244 = tpu.memref_slice %arg7[%add3A_236, %dma_start3A_243] : memref<160x128xi32, #tpu.memory_space<vmem>> -> memref<1x128xi32, #tpu.memory_space<vmem>>
      %dma_start3A_245 = tpu.memref_squeeze %dma_start3A_244 : memref<1x128xi32, #tpu.memory_space<vmem>> -> memref<128xi32, #tpu.memory_space<vmem>>
      %dma_start3A_246 = arith.constant 0 : i32
      %dma_start3A_247 = arith.constant 0 : i32
      %dma_start3A_248 = tpu.memref_slice %arg32[%dma_start3A_246, %dma_start3A_247] : memref<10240x32xf32, #tpu.memory_space<vmem_shared>> -> memref<10240x32xf32, #tpu.memory_space<vmem_shared>>
      tpu.enqueue_indirect_dma source(%arg13 : memref<128x32xf32, #tpu.memory_space<vmem>>) target(%dma_start3A_248 : memref<10240x32xf32, #tpu.memory_space<vmem_shared>>) offsets(%dma_start3A_245 : memref<128xi32, #tpu.memory_space<vmem>>) semaphore(%arg29 : memref<!tpu.dma_semaphore, #tpu.memory_space<semaphore_mem>>) {add = true}
      %add3A_249 = arith.constant 6 : i32
      %add3A_250 = arith.addi %mul3A_165, %add3A_249 : i32
      %dma_wait3A_251 = arith.constant 0 : i32
      %dma_wait3A_252 = tpu.memref_slice %arg6[%add3A_250, %dma_wait3A_251] : memref<160x128xi32, #tpu.memory_space<vmem>> -> memref<1x128xi32, #tpu.memory_space<vmem>>
      %dma_wait3A_253 = tpu.memref_squeeze %dma_wait3A_252 : memref<1x128xi32, #tpu.memory_space<vmem>> -> memref<128xi32, #tpu.memory_space<vmem>>
      %dma_wait3A_254 = arith.constant 0 : i32
      %dma_wait3A_255 = arith.constant 0 : i32
      %dma_wait3A_256 = tpu.memref_slice %arg33[%dma_wait3A_254, %dma_wait3A_255] : memref<10240x32xf32, #tpu.memory_space<vmem_shared>> -> memref<10240x32xf32, #tpu.memory_space<vmem_shared>>
      tpu.wait_indirect_dma semaphore(%arg22 : memref<!tpu.dma_semaphore, #tpu.memory_space<semaphore_mem>>) src(%dma_wait3A_256 : memref<10240x32xf32, #tpu.memory_space<vmem_shared>>) dst(%arg14 : memref<128x32xf32, #tpu.memory_space<vmem>>)
      %dma_start3A_257 = arith.constant 0 : i32
      %dma_start3A_258 = tpu.memref_slice %arg7[%add3A_250, %dma_start3A_257] : memref<160x128xi32, #tpu.memory_space<vmem>> -> memref<1x128xi32, #tpu.memory_space<vmem>>
      %dma_start3A_259 = tpu.memref_squeeze %dma_start3A_258 : memref<1x128xi32, #tpu.memory_space<vmem>> -> memref<128xi32, #tpu.memory_space<vmem>>
      %dma_start3A_260 = arith.constant 0 : i32
      %dma_start3A_261 = arith.constant 0 : i32
      %dma_start3A_262 = tpu.memref_slice %arg32[%dma_start3A_260, %dma_start3A_261] : memref<10240x32xf32, #tpu.memory_space<vmem_shared>> -> memref<10240x32xf32, #tpu.memory_space<vmem_shared>>
      tpu.enqueue_indirect_dma source(%arg14 : memref<128x32xf32, #tpu.memory_space<vmem>>) target(%dma_start3A_262 : memref<10240x32xf32, #tpu.memory_space<vmem_shared>>) offsets(%dma_start3A_259 : memref<128xi32, #tpu.memory_space<vmem>>) semaphore(%arg30 : memref<!tpu.dma_semaphore, #tpu.memory_space<semaphore_mem>>) {add = true}
      %add3A_263 = arith.constant 7 : i32
      %add3A_264 = arith.addi %mul3A_165, %add3A_263 : i32
      %dma_wait3A_265 = arith.constant 0 : i32
      %dma_wait3A_266 = tpu.memref_slice %arg6[%add3A_264, %dma_wait3A_265] : memref<160x128xi32, #tpu.memory_space<vmem>> -> memref<1x128xi32, #tpu.memory_space<vmem>>
      %dma_wait3A_267 = tpu.memref_squeeze %dma_wait3A_266 : memref<1x128xi32, #tpu.memory_space<vmem>> -> memref<128xi32, #tpu.memory_space<vmem>>
      %dma_wait3A_268 = arith.constant 0 : i32
      %dma_wait3A_269 = arith.constant 0 : i32
      %dma_wait3A_270 = tpu.memref_slice %arg33[%dma_wait3A_268, %dma_wait3A_269] : memref<10240x32xf32, #tpu.memory_space<vmem_shared>> -> memref<10240x32xf32, #tpu.memory_space<vmem_shared>>
      tpu.wait_indirect_dma semaphore(%arg23 : memref<!tpu.dma_semaphore, #tpu.memory_space<semaphore_mem>>) src(%dma_wait3A_270 : memref<10240x32xf32, #tpu.memory_space<vmem_shared>>) dst(%arg15 : memref<128x32xf32, #tpu.memory_space<vmem>>)
      %dma_start3A_271 = arith.constant 0 : i32
      %dma_start3A_272 = tpu.memref_slice %arg7[%add3A_264, %dma_start3A_271] : memref<160x128xi32, #tpu.memory_space<vmem>> -> memref<1x128xi32, #tpu.memory_space<vmem>>
      %dma_start3A_273 = tpu.memref_squeeze %dma_start3A_272 : memref<1x128xi32, #tpu.memory_space<vmem>> -> memref<128xi32, #tpu.memory_space<vmem>>
      %dma_start3A_274 = arith.constant 0 : i32
      %dma_start3A_275 = arith.constant 0 : i32
      %dma_start3A_276 = tpu.memref_slice %arg32[%dma_start3A_274, %dma_start3A_275] : memref<10240x32xf32, #tpu.memory_space<vmem_shared>> -> memref<10240x32xf32, #tpu.memory_space<vmem_shared>>
      tpu.enqueue_indirect_dma source(%arg15 : memref<128x32xf32, #tpu.memory_space<vmem>>) target(%dma_start3A_276 : memref<10240x32xf32, #tpu.memory_space<vmem_shared>>) offsets(%dma_start3A_273 : memref<128xi32, #tpu.memory_space<vmem>>) semaphore(%arg31 : memref<!tpu.dma_semaphore, #tpu.memory_space<semaphore_mem>>) {add = true}
      %add3A_277 = arith.constant 8 : i32
      %add3A_278 = arith.addi %mul3A_165, %add3A_277 : i32
      %add3A_279 = arith.constant 0 : i32
      %add3A_280 = arith.addi %add3A_278, %add3A_279 : i32
      %lt3A = arith.constant 160 : i32
      %lt3A_281 = arith.cmpi slt, %add3A_280, %lt3A : i32
      %convert_element_type3A = arith.extui %lt3A_281 : i1 to i32
      %cond3A = arith.constant 0 : i32
      %cond3A_282 = arith.cmpi ne, %convert_element_type3A, %cond3A : i32
      scf.if %cond3A_282 {
        %add3A_346 = arith.constant 0 : i32
        %add3A_347 = arith.addi %mul3A_165, %add3A_346 : i32
        %dma_wait3A_348 = arith.constant 0 : i32
        %dma_wait3A_349 = tpu.memref_slice %arg7[%add3A_347, %dma_wait3A_348] : memref<160x128xi32, #tpu.memory_space<vmem>> -> memref<1x128xi32, #tpu.memory_space<vmem>>
        %dma_wait3A_350 = tpu.memref_squeeze %dma_wait3A_349 : memref<1x128xi32, #tpu.memory_space<vmem>> -> memref<128xi32, #tpu.memory_space<vmem>>
        %dma_wait3A_351 = arith.constant 0 : i32
        %dma_wait3A_352 = arith.constant 0 : i32
        %dma_wait3A_353 = tpu.memref_slice %arg32[%dma_wait3A_351, %dma_wait3A_352] : memref<10240x32xf32, #tpu.memory_space<vmem_shared>> -> memref<10240x32xf32, #tpu.memory_space<vmem_shared>>
        tpu.wait_indirect_dma semaphore(%arg24 : memref<!tpu.dma_semaphore, #tpu.memory_space<semaphore_mem>>) src(%arg8 : memref<128x32xf32, #tpu.memory_space<vmem>>) dst(%dma_wait3A_353 : memref<10240x32xf32, #tpu.memory_space<vmem_shared>>)
        %dma_start3A_354 = arith.constant 0 : i32
        %dma_start3A_355 = tpu.memref_slice %arg6[%add3A_280, %dma_start3A_354] : memref<160x128xi32, #tpu.memory_space<vmem>> -> memref<1x128xi32, #tpu.memory_space<vmem>>
        %dma_start3A_356 = tpu.memref_squeeze %dma_start3A_355 : memref<1x128xi32, #tpu.memory_space<vmem>> -> memref<128xi32, #tpu.memory_space<vmem>>
        %dma_start3A_357 = arith.constant 0 : i32
        %dma_start3A_358 = arith.constant 0 : i32
        %dma_start3A_359 = tpu.memref_slice %arg33[%dma_start3A_357, %dma_start3A_358] : memref<10240x32xf32, #tpu.memory_space<vmem_shared>> -> memref<10240x32xf32, #tpu.memory_space<vmem_shared>>
        tpu.enqueue_indirect_dma source(%dma_start3A_359 : memref<10240x32xf32, #tpu.memory_space<vmem_shared>>) target(%arg8 : memref<128x32xf32, #tpu.memory_space<vmem>>) offsets(%dma_start3A_356 : memref<128xi32, #tpu.memory_space<vmem>>) semaphore(%arg16 : memref<!tpu.dma_semaphore, #tpu.memory_space<semaphore_mem>>)
      } else {
      }
      %add3A_283 = arith.constant 8 : i32
      %add3A_284 = arith.addi %mul3A_165, %add3A_283 : i32
      %add3A_285 = arith.constant 1 : i32
      %add3A_286 = arith.addi %add3A_284, %add3A_285 : i32
      %lt3A_287 = arith.constant 160 : i32
      %lt3A_288 = arith.cmpi slt, %add3A_286, %lt3A_287 : i32
      %convert_element_type3A_289 = arith.extui %lt3A_288 : i1 to i32
      %cond3A_290 = arith.constant 0 : i32
      %cond3A_291 = arith.cmpi ne, %convert_element_type3A_289, %cond3A_290 : i32
      scf.if %cond3A_291 {
        %add3A_346 = arith.constant 1 : i32
        %add3A_347 = arith.addi %mul3A_165, %add3A_346 : i32
        %dma_wait3A_348 = arith.constant 0 : i32
        %dma_wait3A_349 = tpu.memref_slice %arg7[%add3A_347, %dma_wait3A_348] : memref<160x128xi32, #tpu.memory_space<vmem>> -> memref<1x128xi32, #tpu.memory_space<vmem>>
        %dma_wait3A_350 = tpu.memref_squeeze %dma_wait3A_349 : memref<1x128xi32, #tpu.memory_space<vmem>> -> memref<128xi32, #tpu.memory_space<vmem>>
        %dma_wait3A_351 = arith.constant 0 : i32
        %dma_wait3A_352 = arith.constant 0 : i32
        %dma_wait3A_353 = tpu.memref_slice %arg32[%dma_wait3A_351, %dma_wait3A_352] : memref<10240x32xf32, #tpu.memory_space<vmem_shared>> -> memref<10240x32xf32, #tpu.memory_space<vmem_shared>>
        tpu.wait_indirect_dma semaphore(%arg25 : memref<!tpu.dma_semaphore, #tpu.memory_space<semaphore_mem>>) src(%arg9 : memref<128x32xf32, #tpu.memory_space<vmem>>) dst(%dma_wait3A_353 : memref<10240x32xf32, #tpu.memory_space<vmem_shared>>)
        %dma_start3A_354 = arith.constant 0 : i32
        %dma_start3A_355 = tpu.memref_slice %arg6[%add3A_286, %dma_start3A_354] : memref<160x128xi32, #tpu.memory_space<vmem>> -> memref<1x128xi32, #tpu.memory_space<vmem>>
        %dma_start3A_356 = tpu.memref_squeeze %dma_start3A_355 : memref<1x128xi32, #tpu.memory_space<vmem>> -> memref<128xi32, #tpu.memory_space<vmem>>
        %dma_start3A_357 = arith.constant 0 : i32
        %dma_start3A_358 = arith.constant 0 : i32
        %dma_start3A_359 = tpu.memref_slice %arg33[%dma_start3A_357, %dma_start3A_358] : memref<10240x32xf32, #tpu.memory_space<vmem_shared>> -> memref<10240x32xf32, #tpu.memory_space<vmem_shared>>
        tpu.enqueue_indirect_dma source(%dma_start3A_359 : memref<10240x32xf32, #tpu.memory_space<vmem_shared>>) target(%arg9 : memref<128x32xf32, #tpu.memory_space<vmem>>) offsets(%dma_start3A_356 : memref<128xi32, #tpu.memory_space<vmem>>) semaphore(%arg17 : memref<!tpu.dma_semaphore, #tpu.memory_space<semaphore_mem>>)
      } else {
      }
      %add3A_292 = arith.constant 8 : i32
      %add3A_293 = arith.addi %mul3A_165, %add3A_292 : i32
      %add3A_294 = arith.constant 2 : i32
      %add3A_295 = arith.addi %add3A_293, %add3A_294 : i32
      %lt3A_296 = arith.constant 160 : i32
      %lt3A_297 = arith.cmpi slt, %add3A_295, %lt3A_296 : i32
      %convert_element_type3A_298 = arith.extui %lt3A_297 : i1 to i32
      %cond3A_299 = arith.constant 0 : i32
      %cond3A_300 = arith.cmpi ne, %convert_element_type3A_298, %cond3A_299 : i32
      scf.if %cond3A_300 {
        %add3A_346 = arith.constant 2 : i32
        %add3A_347 = arith.addi %mul3A_165, %add3A_346 : i32
        %dma_wait3A_348 = arith.constant 0 : i32
        %dma_wait3A_349 = tpu.memref_slice %arg7[%add3A_347, %dma_wait3A_348] : memref<160x128xi32, #tpu.memory_space<vmem>> -> memref<1x128xi32, #tpu.memory_space<vmem>>
        %dma_wait3A_350 = tpu.memref_squeeze %dma_wait3A_349 : memref<1x128xi32, #tpu.memory_space<vmem>> -> memref<128xi32, #tpu.memory_space<vmem>>
        %dma_wait3A_351 = arith.constant 0 : i32
        %dma_wait3A_352 = arith.constant 0 : i32
        %dma_wait3A_353 = tpu.memref_slice %arg32[%dma_wait3A_351, %dma_wait3A_352] : memref<10240x32xf32, #tpu.memory_space<vmem_shared>> -> memref<10240x32xf32, #tpu.memory_space<vmem_shared>>
        tpu.wait_indirect_dma semaphore(%arg26 : memref<!tpu.dma_semaphore, #tpu.memory_space<semaphore_mem>>) src(%arg10 : memref<128x32xf32, #tpu.memory_space<vmem>>) dst(%dma_wait3A_353 : memref<10240x32xf32, #tpu.memory_space<vmem_shared>>)
        %dma_start3A_354 = arith.constant 0 : i32
        %dma_start3A_355 = tpu.memref_slice %arg6[%add3A_295, %dma_start3A_354] : memref<160x128xi32, #tpu.memory_space<vmem>> -> memref<1x128xi32, #tpu.memory_space<vmem>>
        %dma_start3A_356 = tpu.memref_squeeze %dma_start3A_355 : memref<1x128xi32, #tpu.memory_space<vmem>> -> memref<128xi32, #tpu.memory_space<vmem>>
        %dma_start3A_357 = arith.constant 0 : i32
        %dma_start3A_358 = arith.constant 0 : i32
        %dma_start3A_359 = tpu.memref_slice %arg33[%dma_start3A_357, %dma_start3A_358] : memref<10240x32xf32, #tpu.memory_space<vmem_shared>> -> memref<10240x32xf32, #tpu.memory_space<vmem_shared>>
        tpu.enqueue_indirect_dma source(%dma_start3A_359 : memref<10240x32xf32, #tpu.memory_space<vmem_shared>>) target(%arg10 : memref<128x32xf32, #tpu.memory_space<vmem>>) offsets(%dma_start3A_356 : memref<128xi32, #tpu.memory_space<vmem>>) semaphore(%arg18 : memref<!tpu.dma_semaphore, #tpu.memory_space<semaphore_mem>>)
      } else {
      }
      %add3A_301 = arith.constant 8 : i32
      %add3A_302 = arith.addi %mul3A_165, %add3A_301 : i32
      %add3A_303 = arith.constant 3 : i32
      %add3A_304 = arith.addi %add3A_302, %add3A_303 : i32
      %lt3A_305 = arith.constant 160 : i32
      %lt3A_306 = arith.cmpi slt, %add3A_304, %lt3A_305 : i32
      %convert_element_type3A_307 = arith.extui %lt3A_306 : i1 to i32
      %cond3A_308 = arith.constant 0 : i32
      %cond3A_309 = arith.cmpi ne, %convert_element_type3A_307, %cond3A_308 : i32
      scf.if %cond3A_309 {
        %add3A_346 = arith.constant 3 : i32
        %add3A_347 = arith.addi %mul3A_165, %add3A_346 : i32
        %dma_wait3A_348 = arith.constant 0 : i32
        %dma_wait3A_349 = tpu.memref_slice %arg7[%add3A_347, %dma_wait3A_348] : memref<160x128xi32, #tpu.memory_space<vmem>> -> memref<1x128xi32, #tpu.memory_space<vmem>>
        %dma_wait3A_350 = tpu.memref_squeeze %dma_wait3A_349 : memref<1x128xi32, #tpu.memory_space<vmem>> -> memref<128xi32, #tpu.memory_space<vmem>>
        %dma_wait3A_351 = arith.constant 0 : i32
        %dma_wait3A_352 = arith.constant 0 : i32
        %dma_wait3A_353 = tpu.memref_slice %arg32[%dma_wait3A_351, %dma_wait3A_352] : memref<10240x32xf32, #tpu.memory_space<vmem_shared>> -> memref<10240x32xf32, #tpu.memory_space<vmem_shared>>
        tpu.wait_indirect_dma semaphore(%arg27 : memref<!tpu.dma_semaphore, #tpu.memory_space<semaphore_mem>>) src(%arg11 : memref<128x32xf32, #tpu.memory_space<vmem>>) dst(%dma_wait3A_353 : memref<10240x32xf32, #tpu.memory_space<vmem_shared>>)
        %dma_start3A_354 = arith.constant 0 : i32
        %dma_start3A_355 = tpu.memref_slice %arg6[%add3A_304, %dma_start3A_354] : memref<160x128xi32, #tpu.memory_space<vmem>> -> memref<1x128xi32, #tpu.memory_space<vmem>>
        %dma_start3A_356 = tpu.memref_squeeze %dma_start3A_355 : memref<1x128xi32, #tpu.memory_space<vmem>> -> memref<128xi32, #tpu.memory_space<vmem>>
        %dma_start3A_357 = arith.constant 0 : i32
        %dma_start3A_358 = arith.constant 0 : i32
        %dma_start3A_359 = tpu.memref_slice %arg33[%dma_start3A_357, %dma_start3A_358] : memref<10240x32xf32, #tpu.memory_space<vmem_shared>> -> memref<10240x32xf32, #tpu.memory_space<vmem_shared>>
        tpu.enqueue_indirect_dma source(%dma_start3A_359 : memref<10240x32xf32, #tpu.memory_space<vmem_shared>>) target(%arg11 : memref<128x32xf32, #tpu.memory_space<vmem>>) offsets(%dma_start3A_356 : memref<128xi32, #tpu.memory_space<vmem>>) semaphore(%arg19 : memref<!tpu.dma_semaphore, #tpu.memory_space<semaphore_mem>>)
      } else {
      }
      %add3A_310 = arith.constant 8 : i32
      %add3A_311 = arith.addi %mul3A_165, %add3A_310 : i32
      %add3A_312 = arith.constant 4 : i32
      %add3A_313 = arith.addi %add3A_311, %add3A_312 : i32
      %lt3A_314 = arith.constant 160 : i32
      %lt3A_315 = arith.cmpi slt, %add3A_313, %lt3A_314 : i32
      %convert_element_type3A_316 = arith.extui %lt3A_315 : i1 to i32
      %cond3A_317 = arith.constant 0 : i32
      %cond3A_318 = arith.cmpi ne, %convert_element_type3A_316, %cond3A_317 : i32
      scf.if %cond3A_318 {
        %add3A_346 = arith.constant 4 : i32
        %add3A_347 = arith.addi %mul3A_165, %add3A_346 : i32
        %dma_wait3A_348 = arith.constant 0 : i32
        %dma_wait3A_349 = tpu.memref_slice %arg7[%add3A_347, %dma_wait3A_348] : memref<160x128xi32, #tpu.memory_space<vmem>> -> memref<1x128xi32, #tpu.memory_space<vmem>>
        %dma_wait3A_350 = tpu.memref_squeeze %dma_wait3A_349 : memref<1x128xi32, #tpu.memory_space<vmem>> -> memref<128xi32, #tpu.memory_space<vmem>>
        %dma_wait3A_351 = arith.constant 0 : i32
        %dma_wait3A_352 = arith.constant 0 : i32
        %dma_wait3A_353 = tpu.memref_slice %arg32[%dma_wait3A_351, %dma_wait3A_352] : memref<10240x32xf32, #tpu.memory_space<vmem_shared>> -> memref<10240x32xf32, #tpu.memory_space<vmem_shared>>
        tpu.wait_indirect_dma semaphore(%arg28 : memref<!tpu.dma_semaphore, #tpu.memory_space<semaphore_mem>>) src(%arg12 : memref<128x32xf32, #tpu.memory_space<vmem>>) dst(%dma_wait3A_353 : memref<10240x32xf32, #tpu.memory_space<vmem_shared>>)
        %dma_start3A_354 = arith.constant 0 : i32
        %dma_start3A_355 = tpu.memref_slice %arg6[%add3A_313, %dma_start3A_354] : memref<160x128xi32, #tpu.memory_space<vmem>> -> memref<1x128xi32, #tpu.memory_space<vmem>>
        %dma_start3A_356 = tpu.memref_squeeze %dma_start3A_355 : memref<1x128xi32, #tpu.memory_space<vmem>> -> memref<128xi32, #tpu.memory_space<vmem>>
        %dma_start3A_357 = arith.constant 0 : i32
        %dma_start3A_358 = arith.constant 0 : i32
        %dma_start3A_359 = tpu.memref_slice %arg33[%dma_start3A_357, %dma_start3A_358] : memref<10240x32xf32, #tpu.memory_space<vmem_shared>> -> memref<10240x32xf32, #tpu.memory_space<vmem_shared>>
        tpu.enqueue_indirect_dma source(%dma_start3A_359 : memref<10240x32xf32, #tpu.memory_space<vmem_shared>>) target(%arg12 : memref<128x32xf32, #tpu.memory_space<vmem>>) offsets(%dma_start3A_356 : memref<128xi32, #tpu.memory_space<vmem>>) semaphore(%arg20 : memref<!tpu.dma_semaphore, #tpu.memory_space<semaphore_mem>>)
      } else {
      }
      %add3A_319 = arith.constant 8 : i32
      %add3A_320 = arith.addi %mul3A_165, %add3A_319 : i32
      %add3A_321 = arith.constant 5 : i32
      %add3A_322 = arith.addi %add3A_320, %add3A_321 : i32
      %lt3A_323 = arith.constant 160 : i32
      %lt3A_324 = arith.cmpi slt, %add3A_322, %lt3A_323 : i32
      %convert_element_type3A_325 = arith.extui %lt3A_324 : i1 to i32
      %cond3A_326 = arith.constant 0 : i32
      %cond3A_327 = arith.cmpi ne, %convert_element_type3A_325, %cond3A_326 : i32
      scf.if %cond3A_327 {
        %add3A_346 = arith.constant 5 : i32
        %add3A_347 = arith.addi %mul3A_165, %add3A_346 : i32
        %dma_wait3A_348 = arith.constant 0 : i32
        %dma_wait3A_349 = tpu.memref_slice %arg7[%add3A_347, %dma_wait3A_348] : memref<160x128xi32, #tpu.memory_space<vmem>> -> memref<1x128xi32, #tpu.memory_space<vmem>>
        %dma_wait3A_350 = tpu.memref_squeeze %dma_wait3A_349 : memref<1x128xi32, #tpu.memory_space<vmem>> -> memref<128xi32, #tpu.memory_space<vmem>>
        %dma_wait3A_351 = arith.constant 0 : i32
        %dma_wait3A_352 = arith.constant 0 : i32
        %dma_wait3A_353 = tpu.memref_slice %arg32[%dma_wait3A_351, %dma_wait3A_352] : memref<10240x32xf32, #tpu.memory_space<vmem_shared>> -> memref<10240x32xf32, #tpu.memory_space<vmem_shared>>
        tpu.wait_indirect_dma semaphore(%arg29 : memref<!tpu.dma_semaphore, #tpu.memory_space<semaphore_mem>>) src(%arg13 : memref<128x32xf32, #tpu.memory_space<vmem>>) dst(%dma_wait3A_353 : memref<10240x32xf32, #tpu.memory_space<vmem_shared>>)
        %dma_start3A_354 = arith.constant 0 : i32
        %dma_start3A_355 = tpu.memref_slice %arg6[%add3A_322, %dma_start3A_354] : memref<160x128xi32, #tpu.memory_space<vmem>> -> memref<1x128xi32, #tpu.memory_space<vmem>>
        %dma_start3A_356 = tpu.memref_squeeze %dma_start3A_355 : memref<1x128xi32, #tpu.memory_space<vmem>> -> memref<128xi32, #tpu.memory_space<vmem>>
        %dma_start3A_357 = arith.constant 0 : i32
        %dma_start3A_358 = arith.constant 0 : i32
        %dma_start3A_359 = tpu.memref_slice %arg33[%dma_start3A_357, %dma_start3A_358] : memref<10240x32xf32, #tpu.memory_space<vmem_shared>> -> memref<10240x32xf32, #tpu.memory_space<vmem_shared>>
        tpu.enqueue_indirect_dma source(%dma_start3A_359 : memref<10240x32xf32, #tpu.memory_space<vmem_shared>>) target(%arg13 : memref<128x32xf32, #tpu.memory_space<vmem>>) offsets(%dma_start3A_356 : memref<128xi32, #tpu.memory_space<vmem>>) semaphore(%arg21 : memref<!tpu.dma_semaphore, #tpu.memory_space<semaphore_mem>>)
      } else {
      }
      %add3A_328 = arith.constant 8 : i32
      %add3A_329 = arith.addi %mul3A_165, %add3A_328 : i32
      %add3A_330 = arith.constant 6 : i32
      %add3A_331 = arith.addi %add3A_329, %add3A_330 : i32
      %lt3A_332 = arith.constant 160 : i32
      %lt3A_333 = arith.cmpi slt, %add3A_331, %lt3A_332 : i32
      %convert_element_type3A_334 = arith.extui %lt3A_333 : i1 to i32
      %cond3A_335 = arith.constant 0 : i32
      %cond3A_336 = arith.cmpi ne, %convert_element_type3A_334, %cond3A_335 : i32
      scf.if %cond3A_336 {
        %add3A_346 = arith.constant 6 : i32
        %add3A_347 = arith.addi %mul3A_165, %add3A_346 : i32
        %dma_wait3A_348 = arith.constant 0 : i32
        %dma_wait3A_349 = tpu.memref_slice %arg7[%add3A_347, %dma_wait3A_348] : memref<160x128xi32, #tpu.memory_space<vmem>> -> memref<1x128xi32, #tpu.memory_space<vmem>>
        %dma_wait3A_350 = tpu.memref_squeeze %dma_wait3A_349 : memref<1x128xi32, #tpu.memory_space<vmem>> -> memref<128xi32, #tpu.memory_space<vmem>>
        %dma_wait3A_351 = arith.constant 0 : i32
        %dma_wait3A_352 = arith.constant 0 : i32
        %dma_wait3A_353 = tpu.memref_slice %arg32[%dma_wait3A_351, %dma_wait3A_352] : memref<10240x32xf32, #tpu.memory_space<vmem_shared>> -> memref<10240x32xf32, #tpu.memory_space<vmem_shared>>
        tpu.wait_indirect_dma semaphore(%arg30 : memref<!tpu.dma_semaphore, #tpu.memory_space<semaphore_mem>>) src(%arg14 : memref<128x32xf32, #tpu.memory_space<vmem>>) dst(%dma_wait3A_353 : memref<10240x32xf32, #tpu.memory_space<vmem_shared>>)
        %dma_start3A_354 = arith.constant 0 : i32
        %dma_start3A_355 = tpu.memref_slice %arg6[%add3A_331, %dma_start3A_354] : memref<160x128xi32, #tpu.memory_space<vmem>> -> memref<1x128xi32, #tpu.memory_space<vmem>>
        %dma_start3A_356 = tpu.memref_squeeze %dma_start3A_355 : memref<1x128xi32, #tpu.memory_space<vmem>> -> memref<128xi32, #tpu.memory_space<vmem>>
        %dma_start3A_357 = arith.constant 0 : i32
        %dma_start3A_358 = arith.constant 0 : i32
        %dma_start3A_359 = tpu.memref_slice %arg33[%dma_start3A_357, %dma_start3A_358] : memref<10240x32xf32, #tpu.memory_space<vmem_shared>> -> memref<10240x32xf32, #tpu.memory_space<vmem_shared>>
        tpu.enqueue_indirect_dma source(%dma_start3A_359 : memref<10240x32xf32, #tpu.memory_space<vmem_shared>>) target(%arg14 : memref<128x32xf32, #tpu.memory_space<vmem>>) offsets(%dma_start3A_356 : memref<128xi32, #tpu.memory_space<vmem>>) semaphore(%arg22 : memref<!tpu.dma_semaphore, #tpu.memory_space<semaphore_mem>>)
      } else {
      }
      %add3A_337 = arith.constant 8 : i32
      %add3A_338 = arith.addi %mul3A_165, %add3A_337 : i32
      %add3A_339 = arith.constant 7 : i32
      %add3A_340 = arith.addi %add3A_338, %add3A_339 : i32
      %lt3A_341 = arith.constant 160 : i32
      %lt3A_342 = arith.cmpi slt, %add3A_340, %lt3A_341 : i32
      %convert_element_type3A_343 = arith.extui %lt3A_342 : i1 to i32
      %cond3A_344 = arith.constant 0 : i32
      %cond3A_345 = arith.cmpi ne, %convert_element_type3A_343, %cond3A_344 : i32
      scf.if %cond3A_345 {
        %add3A_346 = arith.constant 7 : i32
        %add3A_347 = arith.addi %mul3A_165, %add3A_346 : i32
        %dma_wait3A_348 = arith.constant 0 : i32
        %dma_wait3A_349 = tpu.memref_slice %arg7[%add3A_347, %dma_wait3A_348] : memref<160x128xi32, #tpu.memory_space<vmem>> -> memref<1x128xi32, #tpu.memory_space<vmem>>
        %dma_wait3A_350 = tpu.memref_squeeze %dma_wait3A_349 : memref<1x128xi32, #tpu.memory_space<vmem>> -> memref<128xi32, #tpu.memory_space<vmem>>
        %dma_wait3A_351 = arith.constant 0 : i32
        %dma_wait3A_352 = arith.constant 0 : i32
        %dma_wait3A_353 = tpu.memref_slice %arg32[%dma_wait3A_351, %dma_wait3A_352] : memref<10240x32xf32, #tpu.memory_space<vmem_shared>> -> memref<10240x32xf32, #tpu.memory_space<vmem_shared>>
        tpu.wait_indirect_dma semaphore(%arg31 : memref<!tpu.dma_semaphore, #tpu.memory_space<semaphore_mem>>) src(%arg15 : memref<128x32xf32, #tpu.memory_space<vmem>>) dst(%dma_wait3A_353 : memref<10240x32xf32, #tpu.memory_space<vmem_shared>>)
        %dma_start3A_354 = arith.constant 0 : i32
        %dma_start3A_355 = tpu.memref_slice %arg6[%add3A_340, %dma_start3A_354] : memref<160x128xi32, #tpu.memory_space<vmem>> -> memref<1x128xi32, #tpu.memory_space<vmem>>
        %dma_start3A_356 = tpu.memref_squeeze %dma_start3A_355 : memref<1x128xi32, #tpu.memory_space<vmem>> -> memref<128xi32, #tpu.memory_space<vmem>>
        %dma_start3A_357 = arith.constant 0 : i32
        %dma_start3A_358 = arith.constant 0 : i32
        %dma_start3A_359 = tpu.memref_slice %arg33[%dma_start3A_357, %dma_start3A_358] : memref<10240x32xf32, #tpu.memory_space<vmem_shared>> -> memref<10240x32xf32, #tpu.memory_space<vmem_shared>>
        tpu.enqueue_indirect_dma source(%dma_start3A_359 : memref<10240x32xf32, #tpu.memory_space<vmem_shared>>) target(%arg15 : memref<128x32xf32, #tpu.memory_space<vmem>>) offsets(%dma_start3A_356 : memref<128xi32, #tpu.memory_space<vmem>>) semaphore(%arg23 : memref<!tpu.dma_semaphore, #tpu.memory_space<semaphore_mem>>)
      } else {
      }
    }
    %scan3A_105 = arith.constant 20 : i32
    %dma_wait3A_106 = arith.constant 152 : i32
    %dma_wait3A_107 = arith.constant 0 : i32
    %dma_wait3A_108 = tpu.memref_slice %arg7[%dma_wait3A_106, %dma_wait3A_107] : memref<160x128xi32, #tpu.memory_space<vmem>> -> memref<1x128xi32, #tpu.memory_space<vmem>>
    %dma_wait3A_109 = tpu.memref_squeeze %dma_wait3A_108 : memref<1x128xi32, #tpu.memory_space<vmem>> -> memref<128xi32, #tpu.memory_space<vmem>>
    %dma_wait3A_110 = arith.constant 0 : i32
    %dma_wait3A_111 = arith.constant 0 : i32
    %dma_wait3A_112 = tpu.memref_slice %arg32[%dma_wait3A_110, %dma_wait3A_111] : memref<10240x32xf32, #tpu.memory_space<vmem_shared>> -> memref<10240x32xf32, #tpu.memory_space<vmem_shared>>
    tpu.wait_indirect_dma semaphore(%arg24 : memref<!tpu.dma_semaphore, #tpu.memory_space<semaphore_mem>>) src(%arg8 : memref<128x32xf32, #tpu.memory_space<vmem>>) dst(%dma_wait3A_112 : memref<10240x32xf32, #tpu.memory_space<vmem_shared>>)
    %dma_wait3A_113 = arith.constant 153 : i32
    %dma_wait3A_114 = arith.constant 0 : i32
    %dma_wait3A_115 = tpu.memref_slice %arg7[%dma_wait3A_113, %dma_wait3A_114] : memref<160x128xi32, #tpu.memory_space<vmem>> -> memref<1x128xi32, #tpu.memory_space<vmem>>
    %dma_wait3A_116 = tpu.memref_squeeze %dma_wait3A_115 : memref<1x128xi32, #tpu.memory_space<vmem>> -> memref<128xi32, #tpu.memory_space<vmem>>
    %dma_wait3A_117 = arith.constant 0 : i32
    %dma_wait3A_118 = arith.constant 0 : i32
    %dma_wait3A_119 = tpu.memref_slice %arg32[%dma_wait3A_117, %dma_wait3A_118] : memref<10240x32xf32, #tpu.memory_space<vmem_shared>> -> memref<10240x32xf32, #tpu.memory_space<vmem_shared>>
    tpu.wait_indirect_dma semaphore(%arg25 : memref<!tpu.dma_semaphore, #tpu.memory_space<semaphore_mem>>) src(%arg9 : memref<128x32xf32, #tpu.memory_space<vmem>>) dst(%dma_wait3A_119 : memref<10240x32xf32, #tpu.memory_space<vmem_shared>>)
    %dma_wait3A_120 = arith.constant 154 : i32
    %dma_wait3A_121 = arith.constant 0 : i32
    %dma_wait3A_122 = tpu.memref_slice %arg7[%dma_wait3A_120, %dma_wait3A_121] : memref<160x128xi32, #tpu.memory_space<vmem>> -> memref<1x128xi32, #tpu.memory_space<vmem>>
    %dma_wait3A_123 = tpu.memref_squeeze %dma_wait3A_122 : memref<1x128xi32, #tpu.memory_space<vmem>> -> memref<128xi32, #tpu.memory_space<vmem>>
    %dma_wait3A_124 = arith.constant 0 : i32
    %dma_wait3A_125 = arith.constant 0 : i32
    %dma_wait3A_126 = tpu.memref_slice %arg32[%dma_wait3A_124, %dma_wait3A_125] : memref<10240x32xf32, #tpu.memory_space<vmem_shared>> -> memref<10240x32xf32, #tpu.memory_space<vmem_shared>>
    tpu.wait_indirect_dma semaphore(%arg26 : memref<!tpu.dma_semaphore, #tpu.memory_space<semaphore_mem>>) src(%arg10 : memref<128x32xf32, #tpu.memory_space<vmem>>) dst(%dma_wait3A_126 : memref<10240x32xf32, #tpu.memory_space<vmem_shared>>)
    %dma_wait3A_127 = arith.constant 155 : i32
    %dma_wait3A_128 = arith.constant 0 : i32
    %dma_wait3A_129 = tpu.memref_slice %arg7[%dma_wait3A_127, %dma_wait3A_128] : memref<160x128xi32, #tpu.memory_space<vmem>> -> memref<1x128xi32, #tpu.memory_space<vmem>>
    %dma_wait3A_130 = tpu.memref_squeeze %dma_wait3A_129 : memref<1x128xi32, #tpu.memory_space<vmem>> -> memref<128xi32, #tpu.memory_space<vmem>>
    %dma_wait3A_131 = arith.constant 0 : i32
    %dma_wait3A_132 = arith.constant 0 : i32
    %dma_wait3A_133 = tpu.memref_slice %arg32[%dma_wait3A_131, %dma_wait3A_132] : memref<10240x32xf32, #tpu.memory_space<vmem_shared>> -> memref<10240x32xf32, #tpu.memory_space<vmem_shared>>
    tpu.wait_indirect_dma semaphore(%arg27 : memref<!tpu.dma_semaphore, #tpu.memory_space<semaphore_mem>>) src(%arg11 : memref<128x32xf32, #tpu.memory_space<vmem>>) dst(%dma_wait3A_133 : memref<10240x32xf32, #tpu.memory_space<vmem_shared>>)
    %dma_wait3A_134 = arith.constant 156 : i32
    %dma_wait3A_135 = arith.constant 0 : i32
    %dma_wait3A_136 = tpu.memref_slice %arg7[%dma_wait3A_134, %dma_wait3A_135] : memref<160x128xi32, #tpu.memory_space<vmem>> -> memref<1x128xi32, #tpu.memory_space<vmem>>
    %dma_wait3A_137 = tpu.memref_squeeze %dma_wait3A_136 : memref<1x128xi32, #tpu.memory_space<vmem>> -> memref<128xi32, #tpu.memory_space<vmem>>
    %dma_wait3A_138 = arith.constant 0 : i32
    %dma_wait3A_139 = arith.constant 0 : i32
    %dma_wait3A_140 = tpu.memref_slice %arg32[%dma_wait3A_138, %dma_wait3A_139] : memref<10240x32xf32, #tpu.memory_space<vmem_shared>> -> memref<10240x32xf32, #tpu.memory_space<vmem_shared>>
    tpu.wait_indirect_dma semaphore(%arg28 : memref<!tpu.dma_semaphore, #tpu.memory_space<semaphore_mem>>) src(%arg12 : memref<128x32xf32, #tpu.memory_space<vmem>>) dst(%dma_wait3A_140 : memref<10240x32xf32, #tpu.memory_space<vmem_shared>>)
    %dma_wait3A_141 = arith.constant 157 : i32
    %dma_wait3A_142 = arith.constant 0 : i32
    %dma_wait3A_143 = tpu.memref_slice %arg7[%dma_wait3A_141, %dma_wait3A_142] : memref<160x128xi32, #tpu.memory_space<vmem>> -> memref<1x128xi32, #tpu.memory_space<vmem>>
    %dma_wait3A_144 = tpu.memref_squeeze %dma_wait3A_143 : memref<1x128xi32, #tpu.memory_space<vmem>> -> memref<128xi32, #tpu.memory_space<vmem>>
    %dma_wait3A_145 = arith.constant 0 : i32
    %dma_wait3A_146 = arith.constant 0 : i32
    %dma_wait3A_147 = tpu.memref_slice %arg32[%dma_wait3A_145, %dma_wait3A_146] : memref<10240x32xf32, #tpu.memory_space<vmem_shared>> -> memref<10240x32xf32, #tpu.memory_space<vmem_shared>>
    tpu.wait_indirect_dma semaphore(%arg29 : memref<!tpu.dma_semaphore, #tpu.memory_space<semaphore_mem>>) src(%arg13 : memref<128x32xf32, #tpu.memory_space<vmem>>) dst(%dma_wait3A_147 : memref<10240x32xf32, #tpu.memory_space<vmem_shared>>)
    %dma_wait3A_148 = arith.constant 158 : i32
    %dma_wait3A_149 = arith.constant 0 : i32
    %dma_wait3A_150 = tpu.memref_slice %arg7[%dma_wait3A_148, %dma_wait3A_149] : memref<160x128xi32, #tpu.memory_space<vmem>> -> memref<1x128xi32, #tpu.memory_space<vmem>>
    %dma_wait3A_151 = tpu.memref_squeeze %dma_wait3A_150 : memref<1x128xi32, #tpu.memory_space<vmem>> -> memref<128xi32, #tpu.memory_space<vmem>>
    %dma_wait3A_152 = arith.constant 0 : i32
    %dma_wait3A_153 = arith.constant 0 : i32
    %dma_wait3A_154 = tpu.memref_slice %arg32[%dma_wait3A_152, %dma_wait3A_153] : memref<10240x32xf32, #tpu.memory_space<vmem_shared>> -> memref<10240x32xf32, #tpu.memory_space<vmem_shared>>
    tpu.wait_indirect_dma semaphore(%arg30 : memref<!tpu.dma_semaphore, #tpu.memory_space<semaphore_mem>>) src(%arg14 : memref<128x32xf32, #tpu.memory_space<vmem>>) dst(%dma_wait3A_154 : memref<10240x32xf32, #tpu.memory_space<vmem_shared>>)
    %dma_wait3A_155 = arith.constant 159 : i32
    %dma_wait3A_156 = arith.constant 0 : i32
    %dma_wait3A_157 = tpu.memref_slice %arg7[%dma_wait3A_155, %dma_wait3A_156] : memref<160x128xi32, #tpu.memory_space<vmem>> -> memref<1x128xi32, #tpu.memory_space<vmem>>
    %dma_wait3A_158 = tpu.memref_squeeze %dma_wait3A_157 : memref<1x128xi32, #tpu.memory_space<vmem>> -> memref<128xi32, #tpu.memory_space<vmem>>
    %dma_wait3A_159 = arith.constant 0 : i32
    %dma_wait3A_160 = arith.constant 0 : i32
    %dma_wait3A_161 = tpu.memref_slice %arg32[%dma_wait3A_159, %dma_wait3A_160] : memref<10240x32xf32, #tpu.memory_space<vmem_shared>> -> memref<10240x32xf32, #tpu.memory_space<vmem_shared>>
    tpu.wait_indirect_dma semaphore(%arg31 : memref<!tpu.dma_semaphore, #tpu.memory_space<semaphore_mem>>) src(%arg15 : memref<128x32xf32, #tpu.memory_space<vmem>>) dst(%dma_wait3A_161 : memref<10240x32xf32, #tpu.memory_space<vmem_shared>>)
    %barrier3A_162 = arith.constant 0 : index
    tpu.barrier barrier_id(%barrier3A_162)
    "tpu.region"() ({
      %run_scoped3A = tpu.sem_alloc : memref<!tpu.dma_semaphore, #tpu.memory_space<semaphore_mem>>
      %dma_start3A_163 = tpu.memref_slice %arg5[%mul3A_0, %mul3A_2] : memref<10240x64xf32, #tpu.memory_space<hbm>> -> memref<640x32xf32, #tpu.memory_space<hbm>>
      %dma_start3A_164 = arith.constant 0 : i32
      %dma_start3A_165 = tpu.memref_slice %arg32[%mul3A_0, %dma_start3A_164] : memref<10240x32xf32, #tpu.memory_space<vmem_shared>> -> memref<640x32xf32, #tpu.memory_space<vmem_shared>>
      tpu.enqueue_dma source(%dma_start3A_165 : memref<640x32xf32, #tpu.memory_space<vmem_shared>>) target(%dma_start3A_163 : memref<640x32xf32, #tpu.memory_space<hbm>>) target_semaphore(%run_scoped3A : memref<!tpu.dma_semaphore, #tpu.memory_space<semaphore_mem>>)
      %dma_wait3A_166 = tpu.memref_slice %arg5[%mul3A_0, %mul3A_2] : memref<10240x64xf32, #tpu.memory_space<hbm>> -> memref<640x32xf32, #tpu.memory_space<hbm>>
      %dma_wait3A_167 = arith.constant 0 : i32
      %dma_wait3A_168 = tpu.memref_slice %arg32[%mul3A_0, %dma_wait3A_167] : memref<10240x32xf32, #tpu.memory_space<vmem_shared>> -> memref<640x32xf32, #tpu.memory_space<vmem_shared>>
      tpu.wait_dma2 semaphore(%run_scoped3A : memref<!tpu.dma_semaphore, #tpu.memory_space<semaphore_mem>>) src(%dma_wait3A_168 : memref<640x32xf32, #tpu.memory_space<vmem_shared>>) dst(%dma_wait3A_166 : memref<640x32xf32, #tpu.memory_space<hbm>>)
      tpu.yield
    }) : () -> ()
    return
  }
}

module attributes {stable_mosaic.version = 14 : i64} {
  func.func @_first_body(%arg0: i32, %arg1: memref<10240x128xf32, #tpu.memory_space<vmem>>, %arg2: memref<128x128xf32, #tpu.memory_space<vmem>>, %arg3: memref<2x10240x16xf32, #tpu.memory_space<vmem>>, %arg4: memref<10240x128xf32, #tpu.memory_space<vmem>>) attributes {dimension_semantics = [#tpu.dimension_semantics<arbitrary>], iteration_bounds = array<i64: 1>, scalar_prefetch = 0 : i64, scratch_operands = 0 : i64, tpu.core_type = #tpu.core_type<tc>, window_params = [{transform_indices = @transform_0, window_bounds = array<i64: 10240, 128>}, {pipeline_mode = #tpu.pipeline_mode<synchronous>, transform_indices = @transform_1, window_bounds = array<i64: 128, 128>}, {transform_indices = @transform_2, window_bounds = array<i64: 2, 10240, 16>}, {transform_indices = @transform_3, window_bounds = array<i64: 10240, 128>}]} {
    %get3A = arith.constant 0 : index
    %get3A_0 = arith.constant 0 : index
    %get3A_1 = arith.constant 0 : index
    %get3A_2 = vector.load %arg3[%get3A, %get3A_0, %get3A_1] : memref<2x10240x16xf32, #tpu.memory_space<vmem>>, vector<1x10240x1xf32>
    %get3A_3 = vector.shape_cast %get3A_2 : vector<1x10240x1xf32> to vector<10240x1xf32>
    %get3A_4 = arith.constant 1 : index
    %get3A_5 = arith.constant 0 : index
    %get3A_6 = arith.constant 0 : index
    %get3A_7 = vector.load %arg3[%get3A_4, %get3A_5, %get3A_6] : memref<2x10240x16xf32, #tpu.memory_space<vmem>>, vector<1x10240x1xf32>
    %get3A_8 = vector.shape_cast %get3A_7 : vector<1x10240x1xf32> to vector<10240x1xf32>
    %add3A = arith.addf %get3A_3, %get3A_8 : vector<10240x1xf32>
    %add3A_9 = arith.constant 1.000000e+00 : f32
    %add3A_10 = vector.broadcast %add3A_9 : f32 to vector<10240x1xf32>
    %add3A_11 = arith.addf %add3A, %add3A_10 : vector<10240x1xf32>
    %rsqrt3A = math.rsqrt %add3A_11 : vector<10240x1xf32>
    %get3A_12 = arith.constant 0 : index
    %get3A_13 = arith.constant 0 : index
    %get3A_14 = vector.load %arg1[%get3A_12, %get3A_13] : memref<10240x128xf32, #tpu.memory_space<vmem>>, vector<10240x128xf32>
    %get3A_15 = arith.constant 0 : index
    %get3A_16 = arith.constant 0 : index
    %get3A_17 = vector.load %arg2[%get3A_15, %get3A_16] : memref<128x128xf32, #tpu.memory_space<vmem>>, vector<128x128xf32>
    %dot_general3A = arith.constant dense<0.000000e+00> : vector<10240x128xf32>
    %dot_general3A_18 = tpu.matmul %get3A_14, %get3A_17, %dot_general3A {dimension_numbers = #tpu.dot_dimension_numbers<[1], [0], [0], [1], [0, 0, 1, 1], [], []>, transpose_lhs_hint = false} : vector<10240x128xf32>, vector<128x128xf32>, vector<10240x128xf32> -> vector<10240x128xf32>
    %mul3A = vector.broadcast %rsqrt3A : vector<10240x1xf32> to vector<10240x128xf32>
    %mul3A_19 = arith.mulf %mul3A, %dot_general3A_18 : vector<10240x128xf32>
    %swap3A = arith.constant 0 : index
    %swap3A_20 = arith.constant 0 : index
    %swap3A_21 = vector.load %arg4[%swap3A, %swap3A_20] : memref<10240x128xf32, #tpu.memory_space<vmem>>, vector<10240x128xf32>
    tpu.vector_store %arg4[%swap3A, %swap3A_20], %mul3A_19 {strides = array<i32>} : memref<10240x128xf32, #tpu.memory_space<vmem>>, vector<10240x128xf32>,
    return
  }
  func.func @transform_0(%arg0: i32) -> (i32, i32) {
    %c0_i32 = arith.constant 0 : i32
    %c0_i32_0 = arith.constant 0 : i32
    return %arg0, %c0_i32 : i32, i32
  }
  func.func @transform_1(%arg0: i32) -> (i32, i32) {
    %c0_i32 = arith.constant 0 : i32
    %c0_i32_0 = arith.constant 0 : i32
    %c0_i32_1 = arith.constant 0 : i32
    return %c0_i32, %c0_i32_0 : i32, i32
  }
  func.func @transform_2(%arg0: i32) -> (i32, i32, i32) {
    %c0_i32 = arith.constant 0 : i32
    %c0_i32_0 = arith.constant 0 : i32
    %c0_i32_1 = arith.constant 0 : i32
    return %c0_i32, %arg0, %c0_i32_0 : i32, i32, i32
  }
  func.func @transform_3(%arg0: i32) -> (i32, i32) {
    %c0_i32 = arith.constant 0 : i32
    %c0_i32_0 = arith.constant 0 : i32
    return %arg0, %c0_i32 : i32, i32
  }
}

module attributes {stable_mosaic.version = 14 : i64} {
  func.func @_mid2_body(%arg0: i32, %arg1: memref<10240x64xf32, #tpu.memory_space<vmem>>, %arg2: memref<10240x64xf32, #tpu.memory_space<vmem>>, %arg3: memref<2x10240x16xf32, #tpu.memory_space<vmem>>, %arg4: memref<8x128xf32, #tpu.memory_space<vmem>>, %arg5: memref<64x64xf32, #tpu.memory_space<vmem>>, %arg6: memref<64x64xf32, #tpu.memory_space<vmem>>, %arg7: memref<10240x64xf32, #tpu.memory_space<vmem>>) attributes {dimension_semantics = [#tpu.dimension_semantics<arbitrary>], iteration_bounds = array<i64: 1>, scalar_prefetch = 0 : i64, scratch_operands = 0 : i64, tpu.core_type = #tpu.core_type<tc>, window_params = [{transform_indices = @transform_0, window_bounds = array<i64: 10240, 64>}, {transform_indices = @transform_1, window_bounds = array<i64: 10240, 64>}, {transform_indices = @transform_2, window_bounds = array<i64: 2, 10240, 16>}, {pipeline_mode = #tpu.pipeline_mode<synchronous>, transform_indices = @transform_3, window_bounds = array<i64: 8, 128>}, {pipeline_mode = #tpu.pipeline_mode<synchronous>, transform_indices = @transform_4, window_bounds = array<i64: 64, 64>}, {pipeline_mode = #tpu.pipeline_mode<synchronous>, transform_indices = @transform_5, window_bounds = array<i64: 64, 64>}, {transform_indices = @transform_6, window_bounds = array<i64: 10240, 64>}]} {
    %get3A = arith.constant 0 : index
    %get3A_0 = arith.constant 0 : index
    %get3A_1 = arith.constant 0 : index
    %get3A_2 = vector.load %arg3[%get3A, %get3A_0, %get3A_1] : memref<2x10240x16xf32, #tpu.memory_space<vmem>>, vector<1x10240x1xf32>
    %get3A_3 = vector.shape_cast %get3A_2 : vector<1x10240x1xf32> to vector<10240x1xf32>
    %get3A_4 = arith.constant 1 : index
    %get3A_5 = arith.constant 0 : index
    %get3A_6 = arith.constant 0 : index
    %get3A_7 = vector.load %arg3[%get3A_4, %get3A_5, %get3A_6] : memref<2x10240x16xf32, #tpu.memory_space<vmem>>, vector<1x10240x1xf32>
    %get3A_8 = vector.shape_cast %get3A_7 : vector<1x10240x1xf32> to vector<10240x1xf32>
    %add3A = arith.addf %get3A_3, %get3A_8 : vector<10240x1xf32>
    %add3A_9 = arith.constant 1.000000e+00 : f32
    %add3A_10 = vector.broadcast %add3A_9 : f32 to vector<10240x1xf32>
    %add3A_11 = arith.addf %add3A, %add3A_10 : vector<10240x1xf32>
    %rsqrt3A = math.rsqrt %add3A_11 : vector<10240x1xf32>
    %get3A_12 = arith.constant 0 : index
    %get3A_13 = arith.constant 0 : index
    %get3A_14 = vector.load %arg1[%get3A_12, %get3A_13] : memref<10240x64xf32, #tpu.memory_space<vmem>>, vector<10240x64xf32>
    %mul3A = vector.broadcast %rsqrt3A : vector<10240x1xf32> to vector<10240x64xf32>
    %mul3A_15 = arith.mulf %mul3A, %get3A_14 : vector<10240x64xf32>
    %get3A_16 = arith.constant 0 : index
    %get3A_17 = arith.constant 0 : index
    %get3A_18 = vector.load %arg4[%get3A_16, %get3A_17] : memref<8x128xf32, #tpu.memory_space<vmem>>, vector<1x64xf32>
    %add3A_19 = vector.broadcast %get3A_18 : vector<1x64xf32> to vector<10240x64xf32>
    %add3A_20 = arith.addf %mul3A_15, %add3A_19 : vector<10240x64xf32>
    %max3A = arith.constant 0.000000e+00 : f32
    %max3A_21 = vector.broadcast %max3A : f32 to vector<10240x64xf32>
    %max3A_22 = arith.maximumf %add3A_20, %max3A_21 : vector<10240x64xf32>
    %get3A_23 = arith.constant 0 : index
    %get3A_24 = arith.constant 0 : index
    %get3A_25 = vector.load %arg2[%get3A_23, %get3A_24] : memref<10240x64xf32, #tpu.memory_space<vmem>>, vector<10240x64xf32>
    %mul3A_26 = vector.broadcast %rsqrt3A : vector<10240x1xf32> to vector<10240x64xf32>
    %mul3A_27 = arith.mulf %mul3A_26, %get3A_25 : vector<10240x64xf32>
    %get3A_28 = arith.constant 0 : index
    %get3A_29 = arith.constant 64 : index
    %get3A_30 = vector.load %arg4[%get3A_28, %get3A_29] : memref<8x128xf32, #tpu.memory_space<vmem>>, vector<1x64xf32>
    %add3A_31 = vector.broadcast %get3A_30 : vector<1x64xf32> to vector<10240x64xf32>
    %add3A_32 = arith.addf %mul3A_27, %add3A_31 : vector<10240x64xf32>
    %max3A_33 = arith.constant 0.000000e+00 : f32
    %max3A_34 = vector.broadcast %max3A_33 : f32 to vector<10240x64xf32>
    %max3A_35 = arith.maximumf %add3A_32, %max3A_34 : vector<10240x64xf32>
    %get3A_36 = arith.constant 0 : index
    %get3A_37 = arith.constant 0 : index
    %get3A_38 = vector.load %arg5[%get3A_36, %get3A_37] : memref<64x64xf32, #tpu.memory_space<vmem>>, vector<64x64xf32>
    %dot_general3A = arith.constant dense<0.000000e+00> : vector<10240x64xf32>
    %dot_general3A_39 = tpu.matmul %max3A_22, %get3A_38, %dot_general3A {dimension_numbers = #tpu.dot_dimension_numbers<[1], [0], [0], [1], [0, 0, 1, 1], [], []>, transpose_lhs_hint = false} : vector<10240x64xf32>, vector<64x64xf32>, vector<10240x64xf32> -> vector<10240x64xf32>
    %get3A_40 = arith.constant 0 : index
    %get3A_41 = arith.constant 0 : index
    %get3A_42 = vector.load %arg6[%get3A_40, %get3A_41] : memref<64x64xf32, #tpu.memory_space<vmem>>, vector<64x64xf32>
    %dot_general3A_43 = arith.constant dense<0.000000e+00> : vector<10240x64xf32>
    %dot_general3A_44 = tpu.matmul %max3A_35, %get3A_42, %dot_general3A_43 {dimension_numbers = #tpu.dot_dimension_numbers<[1], [0], [0], [1], [0, 0, 1, 1], [], []>, transpose_lhs_hint = false} : vector<10240x64xf32>, vector<64x64xf32>, vector<10240x64xf32> -> vector<10240x64xf32>
    %add3A_45 = arith.addf %dot_general3A_39, %dot_general3A_44 : vector<10240x64xf32>
    %mul3A_46 = vector.broadcast %rsqrt3A : vector<10240x1xf32> to vector<10240x64xf32>
    %mul3A_47 = arith.mulf %mul3A_46, %add3A_45 : vector<10240x64xf32>
    %swap3A = arith.constant 0 : index
    %swap3A_48 = arith.constant 0 : index
    %swap3A_49 = vector.load %arg7[%swap3A, %swap3A_48] : memref<10240x64xf32, #tpu.memory_space<vmem>>, vector<10240x64xf32>
    tpu.vector_store %arg7[%swap3A, %swap3A_48], %mul3A_47 {strides = array<i32>} : memref<10240x64xf32, #tpu.memory_space<vmem>>, vector<10240x64xf32>,
    return
  }
  func.func @transform_0(%arg0: i32) -> (i32, i32) {
    %c0_i32 = arith.constant 0 : i32
    %c0_i32_0 = arith.constant 0 : i32
    return %arg0, %c0_i32 : i32, i32
  }
  func.func @transform_1(%arg0: i32) -> (i32, i32) {
    %c0_i32 = arith.constant 0 : i32
    %c0_i32_0 = arith.constant 0 : i32
    return %arg0, %c0_i32 : i32, i32
  }
  func.func @transform_2(%arg0: i32) -> (i32, i32, i32) {
    %c0_i32 = arith.constant 0 : i32
    %c0_i32_0 = arith.constant 0 : i32
    %c0_i32_1 = arith.constant 0 : i32
    return %c0_i32, %arg0, %c0_i32_0 : i32, i32, i32
  }
  func.func @transform_3(%arg0: i32) -> (i32, i32) {
    %c0_i32 = arith.constant 0 : i32
    %c0_i32_0 = arith.constant 0 : i32
    %c0_i32_1 = arith.constant 0 : i32
    return %c0_i32, %c0_i32_0 : i32, i32
  }
  func.func @transform_4(%arg0: i32) -> (i32, i32) {
    %c0_i32 = arith.constant 0 : i32
    %c0_i32_0 = arith.constant 0 : i32
    %c0_i32_1 = arith.constant 0 : i32
    return %c0_i32, %c0_i32_0 : i32, i32
  }
  func.func @transform_5(%arg0: i32) -> (i32, i32) {
    %c0_i32 = arith.constant 0 : i32
    %c0_i32_0 = arith.constant 0 : i32
    %c0_i32_1 = arith.constant 0 : i32
    return %c0_i32, %c0_i32_0 : i32, i32
  }
  func.func @transform_6(%arg0: i32) -> (i32, i32) {
    %c0_i32 = arith.constant 0 : i32
    %c0_i32_0 = arith.constant 0 : i32
    return %arg0, %c0_i32 : i32, i32
  }
}

module attributes {stable_mosaic.version = 14 : i64} {
  func.func @_mid_body(%arg0: i32, %arg1: memref<10240x64xf32, #tpu.memory_space<vmem>>, %arg2: memref<2x10240x16xf32, #tpu.memory_space<vmem>>, %arg3: memref<8x64xf32, #tpu.memory_space<vmem>>, %arg4: memref<64x64xf32, #tpu.memory_space<vmem>>, %arg5: memref<10240x64xf32, #tpu.memory_space<vmem>>) attributes {dimension_semantics = [#tpu.dimension_semantics<arbitrary>], iteration_bounds = array<i64: 1>, scalar_prefetch = 0 : i64, scratch_operands = 0 : i64, tpu.core_type = #tpu.core_type<tc>, window_params = [{transform_indices = @transform_0, window_bounds = array<i64: 10240, 64>}, {transform_indices = @transform_1, window_bounds = array<i64: 2, 10240, 16>}, {pipeline_mode = #tpu.pipeline_mode<synchronous>, transform_indices = @transform_2, window_bounds = array<i64: 8, 64>}, {pipeline_mode = #tpu.pipeline_mode<synchronous>, transform_indices = @transform_3, window_bounds = array<i64: 64, 64>}, {transform_indices = @transform_4, window_bounds = array<i64: 10240, 64>}]} {
    %get3A = arith.constant 0 : index
    %get3A_0 = arith.constant 0 : index
    %get3A_1 = arith.constant 0 : index
    %get3A_2 = vector.load %arg2[%get3A, %get3A_0, %get3A_1] : memref<2x10240x16xf32, #tpu.memory_space<vmem>>, vector<1x10240x1xf32>
    %get3A_3 = vector.shape_cast %get3A_2 : vector<1x10240x1xf32> to vector<10240x1xf32>
    %get3A_4 = arith.constant 1 : index
    %get3A_5 = arith.constant 0 : index
    %get3A_6 = arith.constant 0 : index
    %get3A_7 = vector.load %arg2[%get3A_4, %get3A_5, %get3A_6] : memref<2x10240x16xf32, #tpu.memory_space<vmem>>, vector<1x10240x1xf32>
    %get3A_8 = vector.shape_cast %get3A_7 : vector<1x10240x1xf32> to vector<10240x1xf32>
    %add3A = arith.addf %get3A_3, %get3A_8 : vector<10240x1xf32>
    %add3A_9 = arith.constant 1.000000e+00 : f32
    %add3A_10 = vector.broadcast %add3A_9 : f32 to vector<10240x1xf32>
    %add3A_11 = arith.addf %add3A, %add3A_10 : vector<10240x1xf32>
    %rsqrt3A = math.rsqrt %add3A_11 : vector<10240x1xf32>
    %get3A_12 = arith.constant 0 : index
    %get3A_13 = arith.constant 0 : index
    %get3A_14 = vector.load %arg1[%get3A_12, %get3A_13] : memref<10240x64xf32, #tpu.memory_space<vmem>>, vector<10240x64xf32>
    %mul3A = vector.broadcast %rsqrt3A : vector<10240x1xf32> to vector<10240x64xf32>
    %mul3A_15 = arith.mulf %mul3A, %get3A_14 : vector<10240x64xf32>
    %get3A_16 = arith.constant 0 : index
    %get3A_17 = arith.constant 0 : index
    %get3A_18 = vector.load %arg3[%get3A_16, %get3A_17] : memref<8x64xf32, #tpu.memory_space<vmem>>, vector<1x64xf32>
    %add3A_19 = vector.broadcast %get3A_18 : vector<1x64xf32> to vector<10240x64xf32>
    %add3A_20 = arith.addf %mul3A_15, %add3A_19 : vector<10240x64xf32>
    %max3A = arith.constant 0.000000e+00 : f32
    %max3A_21 = vector.broadcast %max3A : f32 to vector<10240x64xf32>
    %max3A_22 = arith.maximumf %add3A_20, %max3A_21 : vector<10240x64xf32>
    %get3A_23 = arith.constant 0 : index
    %get3A_24 = arith.constant 0 : index
    %get3A_25 = vector.load %arg4[%get3A_23, %get3A_24] : memref<64x64xf32, #tpu.memory_space<vmem>>, vector<64x64xf32>
    %dot_general3A = arith.constant dense<0.000000e+00> : vector<10240x64xf32>
    %dot_general3A_26 = tpu.matmul %max3A_22, %get3A_25, %dot_general3A {dimension_numbers = #tpu.dot_dimension_numbers<[1], [0], [0], [1], [0, 0, 1, 1], [], []>, transpose_lhs_hint = false} : vector<10240x64xf32>, vector<64x64xf32>, vector<10240x64xf32> -> vector<10240x64xf32>
    %mul3A_27 = vector.broadcast %rsqrt3A : vector<10240x1xf32> to vector<10240x64xf32>
    %mul3A_28 = arith.mulf %mul3A_27, %dot_general3A_26 : vector<10240x64xf32>
    %swap3A = arith.constant 0 : index
    %swap3A_29 = arith.constant 0 : index
    %swap3A_30 = vector.load %arg5[%swap3A, %swap3A_29] : memref<10240x64xf32, #tpu.memory_space<vmem>>, vector<10240x64xf32>
    tpu.vector_store %arg5[%swap3A, %swap3A_29], %mul3A_28 {strides = array<i32>} : memref<10240x64xf32, #tpu.memory_space<vmem>>, vector<10240x64xf32>,
    return
  }
  func.func @transform_0(%arg0: i32) -> (i32, i32) {
    %c0_i32 = arith.constant 0 : i32
    %c0_i32_0 = arith.constant 0 : i32
    return %arg0, %c0_i32 : i32, i32
  }
  func.func @transform_1(%arg0: i32) -> (i32, i32, i32) {
    %c0_i32 = arith.constant 0 : i32
    %c0_i32_0 = arith.constant 0 : i32
    %c0_i32_1 = arith.constant 0 : i32
    return %c0_i32, %arg0, %c0_i32_0 : i32, i32, i32
  }
  func.func @transform_2(%arg0: i32) -> (i32, i32) {
    %c0_i32 = arith.constant 0 : i32
    %c0_i32_0 = arith.constant 0 : i32
    %c0_i32_1 = arith.constant 0 : i32
    return %c0_i32, %c0_i32_0 : i32, i32
  }
  func.func @transform_3(%arg0: i32) -> (i32, i32) {
    %c0_i32 = arith.constant 0 : i32
    %c0_i32_0 = arith.constant 0 : i32
    %c0_i32_1 = arith.constant 0 : i32
    return %c0_i32, %c0_i32_0 : i32, i32
  }
  func.func @transform_4(%arg0: i32) -> (i32, i32) {
    %c0_i32 = arith.constant 0 : i32
    %c0_i32_0 = arith.constant 0 : i32
    return %arg0, %c0_i32 : i32, i32
  }
}

module attributes {stable_mosaic.version = 14 : i64} {
  func.func @_last_body(%arg0: i32, %arg1: memref<10240x64xf32, #tpu.memory_space<vmem>>, %arg2: memref<2x10240x16xf32, #tpu.memory_space<vmem>>, %arg3: memref<8x64xf32, #tpu.memory_space<vmem>>, %arg4: memref<10240x64xf32, #tpu.memory_space<vmem>>) attributes {dimension_semantics = [#tpu.dimension_semantics<arbitrary>], iteration_bounds = array<i64: 1>, scalar_prefetch = 0 : i64, scratch_operands = 0 : i64, tpu.core_type = #tpu.core_type<tc>, window_params = [{transform_indices = @transform_0, window_bounds = array<i64: 10240, 64>}, {transform_indices = @transform_1, window_bounds = array<i64: 2, 10240, 16>}, {pipeline_mode = #tpu.pipeline_mode<synchronous>, transform_indices = @transform_2, window_bounds = array<i64: 8, 64>}, {transform_indices = @transform_3, window_bounds = array<i64: 10240, 64>}]} {
    %get3A = arith.constant 0 : index
    %get3A_0 = arith.constant 0 : index
    %get3A_1 = arith.constant 0 : index
    %get3A_2 = vector.load %arg2[%get3A, %get3A_0, %get3A_1] : memref<2x10240x16xf32, #tpu.memory_space<vmem>>, vector<1x10240x1xf32>
    %get3A_3 = vector.shape_cast %get3A_2 : vector<1x10240x1xf32> to vector<10240x1xf32>
    %get3A_4 = arith.constant 1 : index
    %get3A_5 = arith.constant 0 : index
    %get3A_6 = arith.constant 0 : index
    %get3A_7 = vector.load %arg2[%get3A_4, %get3A_5, %get3A_6] : memref<2x10240x16xf32, #tpu.memory_space<vmem>>, vector<1x10240x1xf32>
    %get3A_8 = vector.shape_cast %get3A_7 : vector<1x10240x1xf32> to vector<10240x1xf32>
    %add3A = arith.addf %get3A_3, %get3A_8 : vector<10240x1xf32>
    %add3A_9 = arith.constant 1.000000e+00 : f32
    %add3A_10 = vector.broadcast %add3A_9 : f32 to vector<10240x1xf32>
    %add3A_11 = arith.addf %add3A, %add3A_10 : vector<10240x1xf32>
    %rsqrt3A = math.rsqrt %add3A_11 : vector<10240x1xf32>
    %get3A_12 = arith.constant 0 : index
    %get3A_13 = arith.constant 0 : index
    %get3A_14 = vector.load %arg1[%get3A_12, %get3A_13] : memref<10240x64xf32, #tpu.memory_space<vmem>>, vector<10240x64xf32>
    %mul3A = vector.broadcast %rsqrt3A : vector<10240x1xf32> to vector<10240x64xf32>
    %mul3A_15 = arith.mulf %mul3A, %get3A_14 : vector<10240x64xf32>
    %get3A_16 = arith.constant 0 : index
    %get3A_17 = arith.constant 0 : index
    %get3A_18 = vector.load %arg3[%get3A_16, %get3A_17] : memref<8x64xf32, #tpu.memory_space<vmem>>, vector<1x64xf32>
    %add3A_19 = vector.broadcast %get3A_18 : vector<1x64xf32> to vector<10240x64xf32>
    %add3A_20 = arith.addf %mul3A_15, %add3A_19 : vector<10240x64xf32>
    %swap3A = arith.constant 0 : index
    %swap3A_21 = arith.constant 0 : index
    %swap3A_22 = vector.load %arg4[%swap3A, %swap3A_21] : memref<10240x64xf32, #tpu.memory_space<vmem>>, vector<10240x64xf32>
    tpu.vector_store %arg4[%swap3A, %swap3A_21], %add3A_20 {strides = array<i32>} : memref<10240x64xf32, #tpu.memory_space<vmem>>, vector<10240x64xf32>,
    return
  }
  func.func @transform_0(%arg0: i32) -> (i32, i32) {
    %c0_i32 = arith.constant 0 : i32
    %c0_i32_0 = arith.constant 0 : i32
    return %arg0, %c0_i32 : i32, i32
  }
  func.func @transform_1(%arg0: i32) -> (i32, i32, i32) {
    %c0_i32 = arith.constant 0 : i32
    %c0_i32_0 = arith.constant 0 : i32
    %c0_i32_1 = arith.constant 0 : i32
    return %c0_i32, %arg0, %c0_i32_0 : i32, i32, i32
  }
  func.func @transform_2(%arg0: i32) -> (i32, i32) {
    %c0_i32 = arith.constant 0 : i32
    %c0_i32_0 = arith.constant 0 : i32
    %c0_i32_1 = arith.constant 0 : i32
    return %c0_i32, %c0_i32_0 : i32, i32
  }
  func.func @transform_3(%arg0: i32) -> (i32, i32) {
    %c0_i32 = arith.constant 0 : i32
    %c0_i32_0 = arith.constant 0 : i32
    return %arg0, %c0_i32 : i32, i32
  }
}

</mosaic_0001>

<sc_bundles>
// kernel: kernel.11.cloned.1.call-start
scs
__scs_entry_jumppad:
0x0: {  	(pc) =	sbr.rel $0x88, $3  }
0x1: {  	(tag) =	ssettag $0x0;
	lr =	simm.s32 $0x1  }
0x2: {  	[smem:$0x3F99] =	sst lr;
	_ =	strace $0xD0000000  }
0x3: {  	_ = 	snop  }
0x4: {  	_ = 	snop  }
0x5: {  	_ = 	snop  }
0x6: {  	_ = 	snop  }
0x7: {  	_ = 	snop  }
__scs_overlays_trampoline_lowered:
0x8: {  	[smem:$0x3FA8] =	sst s0  }
0x9: {  	[smem:$0x3FA9] =	sst s1  }
0xa: {  	[smem:$0x3FAA] =	sst s2  }
0xb: {  	[smem:$0x3FAB] =	sst s3  }
0xc: {  	[smem:$0x3FAC] =	sst s4  }
0xd: {  	[smem:$0x3FAD] =	sst s5  }
0xe: {  	[smem:$0x3FAE] =	sst s6  }
0xf: {  	[smem:$0x3FAF] =	sst s7  }
0x10: {  	[smem:$0x3FB0] =	sst s8  }
0x11: {  	[smem:$0x3FB1] =	sst s9;
	s0 =	simm.s32 @!p0 $0x0  }
0x12: {  	s1 =	sld [smem:$0x3F97];
	s0 =	simm.s32 @p0 $0x1  }
0x13: {  	[smem:$0x3FB2] =	sst s0;
	s0 =	simm.s32 @!p1 $0x0  }
0x14: {  	s2 =	sld [smem:$0x3F96];
	s0 =	simm.s32 @p1 $0x1  }
0x15: {  	[smem:$0x3FB3] =	sst s0;
	s0 =	simm.s32 @!p2 $0x0  }
0x16: {  	s3 =	sld [smem:$0x3FDB];
	s0 =	simm.s32 @p2 $0x1  }
0x17: {  	s4 =	simm.s32 $0x1BF5;
	[smem:$0x3FB5] =	sst s0  }
0x18: {  	s0 =	sld [smem:$0x3F98];
	_ =	swait.ge [sflag:s4], $0x0  }
0x19: {  	s7 =	sld [smem:$0x3F99]  }
0x1a: {  	s8 =	sadd.s32 $0xFFFFE003, lr  }
0x1b: {  	s9 =	sadd.s32 $0xFFFFFEF7, lr;
	s5 =	simm.s32 $0xFFFFFFFF;
	p2 =	slt.u32 s8, $0xFFFFF086  }
0x1c: {  	p1 =	slt.u32 s9, $0xF7A;
	s5 =	simm.s32 @!p2 $0x0  }
0x1d: {  	s5 =	simm.s32 @p1 $0x1;
	p0 =	seq.s32 s7, s2  }
0x1e: {  	s7 =	smul.u32 @!p0 $0xF7A, s2;
	p2 =	seq.s32 @!p0 s5, $0x0  }
0x1f: {  	s9 =	smul.u32 $0xF7A, s1;
	s8 =	simm.s32 @!p0 $0x1BF5;
	p2 =	por !p2, p0  }
0x20: {  	[sflag:s8] =	ssyncset.s32 @!p0 $0xFFFFF086;
	s6 =	sadd.s32 @!p0 s3, s7;
	s7 =	simm.s32 @!p0 $0x108  }
0x21: {  	s3 =	sadd.s32 s3, s9;
	s6 =	sadd.s32 @!p0 $0x88, s6;
	s7 =	simm.s32 @p2 $0x1082  }
0x22: {  	[simem:s7], [sflag:s8] =	dma.local @!p0 [hbm:s6], $0xF7A  }
0x23: {  	s9 =	sor.u32 $0xD0000000, s2;
	s6 =	simm.s32 $0x108;
	_ =	swait.ge @!p0 [sflag:s8], $0x0  }
0x24: {  	s3 =	sadd.s32 $0x88, s3;
	s6 =	simm.s32 @!p1 $0x1082;
	[sflag:s4] =	ssyncset.s32 $0xFFFFF086  }
0x25: {  	[simem:s6], [sflag:s4] =	dma.local [hbm:s3], $0xF7A  }
0x26: {  	[smem:$0x3F99] =	sst s1;
	(tag) =	ssettag s2;
	_ =	strace s9  }
0x27: {  	s1 =	sld [smem:$0x3FA9]  }
0x28: {  	s2 =	sld [smem:$0x3FAA]  }
0x29: {  	s4 =	sld [smem:$0x3FAC]  }
0x2a: {  	p0 =	seq.s32 s5, $0x0;
	s5 =	sld [smem:$0x3FAD]  }
0x2b: {  	s6 =	sld [smem:$0x3FAE]  }
0x2c: {  	s7 =	sld [smem:$0x3FAF]  }
0x2d: {  	s3 =	simm.s32 $0x108;
	s8 =	sld [smem:$0x3FB0]  }
0x2e: {  	s3 =	simm.s32 @!p0 $0x1082;
	s9 =	sld [smem:$0x3FB1]  }
0x2f: {  	lr =	sadd.s32 s0, s3;
	s0 =	sld [smem:$0x3FA8]  }
0x30: {  	s3 =	sld [smem:$0x3FAB]  }
0x31: {  	[smem:$0x3FB4] =	sst s10  }
0x32: {  	s10 =	sld [smem:$0x3FB2];
	_ =	sdelay $0x3  }
0x33: {  	p0 =	seq.s32 s10, $0x1;
	s10 =	sld [smem:$0x3FB4];
	_ =	sdelay $0x3  }
0x34: {  	[smem:$0x3FB4] =	sst s10  }
0x35: {  	s10 =	sld [smem:$0x3FB3];
	_ =	sdelay $0x3  }
0x36: {  	p1 =	seq.s32 s10, $0x1;
	s10 =	sld [smem:$0x3FB4];
	_ =	sdelay $0x3  }
0x37: {  	[smem:$0x3FB4] =	sst s10  }
0x38: {  	s10 =	sld [smem:$0x3FB5]  }
0x39: {  	_ = 	snop;
	(pc) =	sbr.ind lr, $3  }
0x3a: {  	_ = 	snop  }
0x3b: {  	_ = 	snop  }
0x3c: {  	p2 =	seq.s32 s10, $0x1;
	s10 =	sld [smem:$0x3FB4]  }
0x3d: {  	_ =	shalt  }
0x3e: {  	_ =	shalt  }
0x3f: {  	_ =	shalt  }
0x40: {  	_ =	shalt  }
0x41: {  	_ =	shalt  }
0x42: {  	_ =	shalt  }
0x43: {  	_ =	shalt  }
0x44: {  	_ =	shalt  }
0x45: {  	_ =	shalt  }
0x46: {  	_ =	shalt  }
0x47: {  	_ =	shalt  }
0x48: {  	_ =	shalt  }
0x49: {  	_ =	shalt  }
0x4a: {  	_ =	shalt  }
0x4b: {  	_ =	shalt  }
0x4c: {  	_ =	shalt  }
0x4d: {  	_ =	shalt  }
0x4e: {  	_ =	shalt  }
0x4f: {  	_ =	shalt  }
0x50: {  	_ =	shalt  }
0x51: {  	_ =	shalt  }
0x52: {  	_ =	shalt  }
0x53: {  	_ =	shalt  }
0x54: {  	_ =	shalt  }
0x55: {  	_ =	shalt  }
0x56: {  	_ =	shalt  }
0x57: {  	_ =	shalt  }
0x58: {  	_ =	shalt  }
0x59: {  	_ =	shalt  }
0x5a: {  	_ =	shalt  }
0x5b: {  	_ =	shalt  }
0x5c: {  	_ =	shalt  }
0x5d: {  	_ =	shalt  }
0x5e: {  	_ =	shalt  }
0x5f: {  	_ =	shalt  }
0x60: {  	_ =	shalt  }
0x61: {  	_ =	shalt  }
0x62: {  	_ =	shalt  }
0x63: {  	_ =	shalt  }
0x64: {  	_ =	shalt  }
0x65: {  	_ =	shalt  }
0x66: {  	_ =	shalt  }
0x67: {  	_ =	shalt  }
0x68: {  	_ =	shalt  }
0x69: {  	_ =	shalt  }
0x6a: {  	_ =	shalt  }
0x6b: {  	_ =	shalt  }
0x6c: {  	_ =	shalt  }
0x6d: {  	_ =	shalt  }
0x6e: {  	_ =	shalt  }
0x6f: {  	_ =	shalt  }
0x70: {  	_ =	shalt  }
0x71: {  	_ =	shalt  }
0x72: {  	_ =	shalt  }
0x73: {  	_ =	shalt  }
0x74: {  	_ =	shalt  }
0x75: {  	_ =	shalt  }
0x76: {  	_ =	shalt  }
0x77: {  	_ =	shalt  }
0x78: {  	_ =	shalt  }
0x79: {  	_ =	shalt  }
0x7a: {  	_ =	shalt  }
0x7b: {  	_ =	shalt  }
0x7c: {  	_ =	shalt  }
0x7d: {  	_ =	shalt  }
0x7e: {  	_ =	shalt  }
0x7f: {  	_ =	shalt  }
0x80: {  	_ =	shalt  }
0x81: {  	_ =	shalt  }
0x82: {  	_ =	shalt  }
0x83: {  	_ =	shalt  }
0x84: {  	_ =	shalt  }
0x85: {  	_ =	shalt  }
0x86: {  	_ =	shalt  }
0x87: {  	_ =	shalt  }
.Lfunc_end0:
.L_simem_size_0:
called_computation_lowered:
.L_overlay_start_0:
0x88: {  	s2 =	sld [smem:$0x3FD9]  }
0x89: {  	s3 =	sld [smem:$0x3FFE];
	_ =	sdelay $0x1  }
0x8a: {  	s1 =	srdreg.scid  }
0x8b: {  	s0 =	sand.u32 $0x1, s1  }
0x8c: {  	s17 =	sshll.u32 s0, $0xA;
	s2 =	sadd.s32 s3, s2  }
0x8d: {  	s2 =	sadd.s32 s2, s17  }
0x8e: {  	[smem:$0x3FC0] =	sst s2  }
0x8f: {  	_ = 	snop  }
0x90: {  	s2 =	sld [smem:$0x3FD0];
	(tm) =	ssettm $0x1  }
0x91: {  	s18 =	sld [smem:$0x3FFB];
	_ =	sdelay $0x3  }
0x92: {  	_ =	strace s18  }
0x93: {  	s3 =	sld [smem:$0x3FFC];
	_ =	sdelay $0x3  }
0x94: {  	_ =	strace s3  }
0x95: {  	s3 =	sld [smem:$0x3FFD];
	_ =	sdelay $0x3  }
0x96: {  	_ =	strace s3  }
0x97: {  	_ =	strace $0x8FFFFFFF  }
0x98: {  	s19 =	sld [smem:$0x3FDB];
	_ =	sdelay $0x1  }
0x99: {  	s4 =	simm.s32 $_scs_section_size  }
0x9a: {  	s5 =	simm.s32 $_size__tile_overlayer_lowered;
	s6 =	simm.s32 $_tile_overlayer_lowered  }
0x9b: {  	s22 =	simm.s32 $0x1BFF;
	s21 =	sshll.u32 s6, $0x1;
	s3 =	sadd.s32 s4, s19  }
0x9c: {  	s7 =	simm.s32 $0x0;
	s20 =	sshll.u32 s5, $0x1;
	s5 =	sadd.s32 s21, s3  }
0x9d: {  	[timem:s7], [sflag:s22] =	dma.local [hbm:s5], s20  }
0x9e: {  	_ =	swait.ge [sflag:s22], s20  }
0x9f: {  	s4 =	ssub.s32 $0x0, s20;
	[sflag:s22] =	ssyncset.done $0x0  }
0xa0: {  	[sflag:s22] =	ssyncadd.s32 s4;
	_ =	sdelay $0x1  }
0xa1: {  	s23 =	simm.s32 $0x1B8B  }
0xa2: {  	_ =	swait.ge [sflag:s23], $0x1  }
0xa3: {  	[sflag:s23] =	ssyncset.done $0x0  }
0xa4: {  	s25 =	simm.s32 $0x1B8E;
	s24 =	sld [smem:$0x3FFE];
	[sflag:s23] =	ssyncadd.s32 $0xFFFFFFFF  }
0xa5: {  	s26 =	simm.s32 $execute0_lowered;
	[smem:$0x3FD2] =	sst s25  }
0xa6: {  	s5 =	sshll.u32 s26, $0x1;
	_ =	strace $0x80000046;
	[dreg:$0x1] =	wrdreg $0xFFFFFFFF  }
0xa7: {  	s28 =	simm.s32 $_size_execute0_lowered;
	s3 =	sadd.s32 s3, s5;
	[dreg:$0x0] =	wrdreg $0x0  }
0xa8: {  	s5 =	sshll.u32 s28, $0x1;
	[dreg:$0x2] =	wrdreg s3  }
0xa9: {  	[dreg:$0x3] =	wrdreg s5  }
0xaa: {  	[dreg:$0x4] =	wrdreg $0xC0  }
0xab: {  	_ =	task [dreg:s7], $0x5FFFF  }
0xac: {  	[dreg:$0x1] =	wrdreg $0xFFFFFFFF  }
0xad: {  	[dreg:$0x0] =	wrdreg $0x60  }
0xae: {  	[dreg:$0x2] =	wrdreg s24  }
0xaf: {  	[dreg:$0x3] =	wrdreg s2  }
0xb0: {  	[dreg:$0x4] =	wrdreg $0x30000  }
0xb1: {  	[dreg:$0x5] =	wrdreg $0x9  }
0xb2: {  	_ =	task.clear_ibuf [dreg:s7], $0x6FFFF;
	_ =	strace $0x90000046  }
0xb3: {  	s29 =	simm.s32 $0x9;
	_ =	strace $0x80000048  }
0xb4: {  	_ =	swait.ge [sflag:s29], $0x1  }
0xb5: {  	[sflag:s29] =	ssyncadd.s32 $0xFFFFFFFF  }
0xb6: {  	_ =	strace $0x90000048  }
0xb7: {  	_ =	sfence  }
0xb8: {  	s30 =	sld [smem:$0x0];
	_ =	sdelay $0x2  }
0xb9: {  	s31 =	sshll.u32 s1, $0xD;
	s1 =	sshrl.u32 s1, $0x2  }
0xba: {  	s3 =	sand.u32 $0x4000, s31;
	s1 =	sadd.s32 s1, s30  }
0xbb: {  	s0 =	sor.u32 s3, s0;
	s1 =	sshll.u32 s1, $0x11  }
0xbc: {  	s0 =	sor.u32 s1, s0  }
0xbd: {  	s0 =	sadd.s32 $0x8F2B, s0  }
0xbe: {  	[sflag:s0] =	ssyncadd.remote.s32 $0x1  }
0xbf: {  	_ =	sfence.sel $0xFFFF  }
0xc0: {  	[dreg:$0x0] =	wrdreg $0xFFFFFFFF;
	(pc) =	sbr.abs _section_cstart, $3  }
0xc1: {  	[dreg:$0x1] =	wrdreg $0xFFFFFFFF  }
0xc2: {  	_ =	task.clear_ibuf [dreg:s7], $0x2FFFF;
	_ =	strace $0x9FFFFFFF  }
0xc3: {  	(tm) =	ssettm $0x7FFFFFFF  }
tec
execute0_lowered:
.L_overlay_start_1:
0x0: {  	(tag) =	ssettag $0x1  }
0x1: {  	s5 =	rddreg [dreg:$0x0]  }
0x2: {  	s7 =	rddreg [dreg:$0x1]  }
0x3: {  	s2 =	rddreg [dreg:$0x2]  }
0x4: {  	s0 =	rddreg [dreg:$0x3]  }
0x5: {  	s1 =	stileid.u32;
	s4 =	srdreg.scid;
	s3 =	simm.s32 $0x0  }
0x6: {  	s13 =	simm.s32 $0x2;
	s14 =	simm.s32 $0x3;
	s15 =	simm.s32 $0x80  }
0x7: {  	s17 =	simm.s32 $0x4;
	s18 =	simm.s32 $0x0;
	s6 =	smul.u32 $0x2800, s1  }
0x8: {  	s8 =	sand.u32 $0x1, s4;
	[smem:$0x7FF] =	sst s3;
	s4 =	sadd.s32 $0x8200, s5  }
0x9: {  	s16 =	sshll.u32 s1, $0x6;
	s9 =	smul.u32 $0x28000, s8;
	_ =	strace $0x80000047  }
0xa: {  	s11 =	ssub.s32 $0x2, s8;
	s8 =	sshll.u32 s8, $0x4;
	s10 =	sshrl.u32 s6, $0x3  }
0xb: {  	s31 =	sshrl.u32 s11, $0x1;
	s8 =	sor.u32 s1, s8;
	s12 =	sadd.s32 s6, s2  }
0xc: {  	s10 =	sadd.s32 s10, s5;
	s9 =	sadd.s32 s6, s9;
	s11 =	ssub.s32 s11, s31  }
0xd: {  	s8 =	smul.u32 $0x500, s8;
	s6 =	sor.u32 $0x1C01, s16;
	s9 =	sshrl.u32 s9, $0x3  }
0xe: {  	s16 =	sor.u32 $0x1C04, s16;
	s9 =	sadd.s32 s9, s5;
	s5 =	sadd.s32 $0x3200, s10  }
0xf: {  	s7 =	sadd.s32 s7, s8;
	s10 =	sshrl.u32 s12, $0x3;
	s12 =	simm.s32 $0x1  }
0x10: {  	s8 =	sadd.s32 $0x8400, s9;
	s9 =	smax.u32 s11, $0x1;
	s11 =	simm.s32 $0x2800  }
.LBB2_1:
0x11: {  	[spmem:s10], [sflag:s6] =	dma.local [hbm:s5], $0x500  }
0x12: {  	[tilespmem:s3], [sflag:$0x2] =	stream.linear.gather [hbm4b:s7+s3], $0x2800, $0x38;
	[tilespmem:$0x5800] =	vst v63  }
0x13: {  	_ = 	snop  }
0x14: {  	[tilespmem:s11], [sflag:$0x3] =	stream.linear.gather [hbm4b:s4+s3], $0x800, $0x38;
	[tilespmem:$0x5800] =	vst v63  }
0x15: {  	_ =	swait.ge [sflag:s12], $0x500  }
0x16: {  	[sflag:s12] =	ssyncset.done $0x0  }
0x17: {  	[sflag:s12] =	ssyncadd.s32 $0xFFFFFB00  }
0x18: {  	_ =	swait.ge [sflag:s13], $0x2800  }
0x19: {  	[sflag:s13] =	ssyncset.done $0x0  }
0x1a: {  	[sflag:s13] =	ssyncadd.s32 $0xFFFFD800  }
0x1b: {  	_ =	swait.ge [sflag:s14], $0x800  }
0x1c: {  	[sflag:s14] =	ssyncset.done $0x0  }
0x1d: {  	[sflag:s14] =	ssyncadd.s32 $0xFFFFF800  }
0x1e: {  	s19 =	simm.s32 $0x0;
	[bflag:$0x0] =	sbarrier.arrive $0xFFFF  }
.LBB2_2:
0x1f: {  	p0 =	sne.s32 s19, $0x9E00  }
.Ltmp0:
0x20: {  	_ = 	snop;
	(pc) =	sbr.rel @p0 .LBB2_2-.Ltmp0, $3  }
0x21: {  	_ =	sdelay $0x1  }
0x22: {  	s20 =	sshra.s32 s19, $0x2;
	s19 =	sadd.s32 $0x200, s19  }
0x23: {  	[spmem:s2] =	stream.indirect.scatter.add.f32 [tilespmem:s11], [sflag:$0x1], $0x10, s20, s15, $0xb8;
	[tilespmem:$0x5800] =	vst v63  }
0x24: {  	_ =	swait.ge [sflag:s12], $0x800  }
0x25: {  	s19 =	simm.s32 $0x4F;
	[sflag:s12] =	ssyncset.done $0x0  }
.LBB2_4:
0x26: {  	p0 =	sne.s32 s19, $0x1;
	s19 =	sadd.s32 $0xFFFFFFFF, s19;
	[sflag:s12] =	ssyncadd.s32 $0xFFFFF800  }
.Ltmp1:
0x27: {  	(pc) =	sbr.rel @p0 .LBB2_4-.Ltmp1, $3  }
0x28: {  	_ =	sdelay $0x1  }
0x29: {  	_ =	swait.ge [sflag:s12], $0x800  }
0x2a: {  	[sflag:s12] =	ssyncset.done $0x0  }
0x2b: {  	s18 =	sadd.s32 $0x1, s18  }
0x2c: {  	[sflag:s12] =	ssyncadd.s32 $0xFFFFF800;
	p0 =	sne.s32 s18, s9  }
.Ltmp2:
0x2d: {  	[bflag:$0x0] =	sbarrier.arrive $0xFFFF;
	(pc) =	sbr.rel @p0 .LBB2_1-.Ltmp2, $4  }
0x2e: {  	[hbm:s8], [sflag:s16] =	dma.local [spmem:s10], $0x500  }
0x2f: {  	_ =	swait.ge [sflag:s17], $0x500  }
0x30: {  	[sflag:s17] =	ssyncset.done $0x0  }
0x31: {  	[sflag:s17] =	ssyncadd.s32 $0xFFFFFB00  }
0x32: {  	_ =	sfence.sel $0x180000  }
0x33: {  	[bflag:$0x0] =	sbarrier.arrive $0xFFFF  }
0x34: {  	p0 =	sne.s32 s1, $0x0;
	_ =	strace $0x90000047  }
0x35: {  	s0 =	sadd.s32 @!p0 $0x100000, s0;
	[bflag:$0x2] =	sbarrier.arrive $0xFFFF  }
0x36: {  	[sflag:s0] =	ssyncadd.tile.s32 @!p0 $0x1;
	_ =	shalt  }
.Lfunc_end2:
_tile_overlayer_lowered:
.L_overlay_start_2:
0x37: {  	(tag) =	ssettag $0x2  }
0x38: {  	s0 =	rddreg [dreg:$0x0];
	s2 =	stileid.u32  }
0x39: {  	s1 =	rddreg [dreg:$0x1];
	p0 =	sne.s32 s2, $0x0  }
0x3a: {  	s3 =	rddreg [dreg:$0x2];
	[bflag:$0x3] =	sbarrier.arrive $0xFFFF;
	s2 =	simm.s32 @!p0 $0x1C04  }
0x3b: {  	[timem:s3], [sflag:s2] =	dma.local @!p0 [hbm:s0], s1  }
0x3c: {  	s0 =	simm.s32 @!p0 $0x4  }
0x3d: {  	_ =	swait.ge @!p0 [sflag:s0], s1  }
0x3e: {  	s1 =	ssub.s32 @!p0 $0x0, s1;
	[sflag:s0] =	ssyncset.done @!p0 $0x0  }
0x3f: {  	[sflag:s0] =	ssyncadd.s32 @!p0 s1  }
0x40: {  	[bflag:$0x3] =	sbarrier.arrive $0xFFFF  }
0x41: {  	_ =	shalt  }

// kernel: kernel.14.cloned.1.call-start
scs
__scs_entry_jumppad:
0x0: {  	(pc) =	sbr.rel $0x88, $3  }
0x1: {  	(tag) =	ssettag $0x0;
	lr =	simm.s32 $0x1  }
0x2: {  	[smem:$0x3F99] =	sst lr;
	_ =	strace $0xD0000000  }
0x3: {  	_ = 	snop  }
0x4: {  	_ = 	snop  }
0x5: {  	_ = 	snop  }
0x6: {  	_ = 	snop  }
0x7: {  	_ = 	snop  }
__scs_overlays_trampoline_lowered:
0x8: {  	[smem:$0x3FA8] =	sst s0  }
0x9: {  	[smem:$0x3FA9] =	sst s1  }
0xa: {  	[smem:$0x3FAA] =	sst s2  }
0xb: {  	[smem:$0x3FAB] =	sst s3  }
0xc: {  	[smem:$0x3FAC] =	sst s4  }
0xd: {  	[smem:$0x3FAD] =	sst s5  }
0xe: {  	[smem:$0x3FAE] =	sst s6  }
0xf: {  	[smem:$0x3FAF] =	sst s7  }
0x10: {  	[smem:$0x3FB0] =	sst s8  }
0x11: {  	[smem:$0x3FB1] =	sst s9;
	s0 =	simm.s32 @!p0 $0x0  }
0x12: {  	s1 =	sld [smem:$0x3F97];
	s0 =	simm.s32 @p0 $0x1  }
0x13: {  	[smem:$0x3FB2] =	sst s0;
	s0 =	simm.s32 @!p1 $0x0  }
0x14: {  	s2 =	sld [smem:$0x3F96];
	s0 =	simm.s32 @p1 $0x1  }
0x15: {  	[smem:$0x3FB3] =	sst s0;
	s0 =	simm.s32 @!p2 $0x0  }
0x16: {  	s3 =	sld [smem:$0x3FDB];
	s0 =	simm.s32 @p2 $0x1  }
0x17: {  	s4 =	simm.s32 $0x1BF5;
	[smem:$0x3FB5] =	sst s0  }
0x18: {  	s0 =	sld [smem:$0x3F98];
	_ =	swait.ge [sflag:s4], $0x0  }
0x19: {  	s7 =	sld [smem:$0x3F99]  }
0x1a: {  	s8 =	sadd.s32 $0xFFFFE003, lr  }
0x1b: {  	s9 =	sadd.s32 $0xFFFFFEF7, lr;
	s5 =	simm.s32 $0xFFFFFFFF;
	p2 =	slt.u32 s8, $0xFFFFF086  }
0x1c: {  	p1 =	slt.u32 s9, $0xF7A;
	s5 =	simm.s32 @!p2 $0x0  }
0x1d: {  	s5 =	simm.s32 @p1 $0x1;
	p0 =	seq.s32 s7, s2  }
0x1e: {  	s7 =	smul.u32 @!p0 $0xF7A, s2;
	p2 =	seq.s32 @!p0 s5, $0x0  }
0x1f: {  	s9 =	smul.u32 $0xF7A, s1;
	s8 =	simm.s32 @!p0 $0x1BF5;
	p2 =	por !p2, p0  }
0x20: {  	[sflag:s8] =	ssyncset.s32 @!p0 $0xFFFFF086;
	s6 =	sadd.s32 @!p0 s3, s7;
	s7 =	simm.s32 @!p0 $0x108  }
0x21: {  	s3 =	sadd.s32 s3, s9;
	s6 =	sadd.s32 @!p0 $0x88, s6;
	s7 =	simm.s32 @p2 $0x1082  }
0x22: {  	[simem:s7], [sflag:s8] =	dma.local @!p0 [hbm:s6], $0xF7A  }
0x23: {  	s9 =	sor.u32 $0xD0000000, s2;
	s6 =	simm.s32 $0x108;
	_ =	swait.ge @!p0 [sflag:s8], $0x0  }
0x24: {  	s3 =	sadd.s32 $0x88, s3;
	s6 =	simm.s32 @!p1 $0x1082;
	[sflag:s4] =	ssyncset.s32 $0xFFFFF086  }
0x25: {  	[simem:s6], [sflag:s4] =	dma.local [hbm:s3], $0xF7A  }
0x26: {  	[smem:$0x3F99] =	sst s1;
	(tag) =	ssettag s2;
	_ =	strace s9  }
0x27: {  	s1 =	sld [smem:$0x3FA9]  }
0x28: {  	s2 =	sld [smem:$0x3FAA]  }
0x29: {  	s4 =	sld [smem:$0x3FAC]  }
0x2a: {  	p0 =	seq.s32 s5, $0x0;
	s5 =	sld [smem:$0x3FAD]  }
0x2b: {  	s6 =	sld [smem:$0x3FAE]  }
0x2c: {  	s7 =	sld [smem:$0x3FAF]  }
0x2d: {  	s3 =	simm.s32 $0x108;
	s8 =	sld [smem:$0x3FB0]  }
0x2e: {  	s3 =	simm.s32 @!p0 $0x1082;
	s9 =	sld [smem:$0x3FB1]  }
0x2f: {  	lr =	sadd.s32 s0, s3;
	s0 =	sld [smem:$0x3FA8]  }
0x30: {  	s3 =	sld [smem:$0x3FAB]  }
0x31: {  	[smem:$0x3FB4] =	sst s10  }
0x32: {  	s10 =	sld [smem:$0x3FB2];
	_ =	sdelay $0x3  }
0x33: {  	p0 =	seq.s32 s10, $0x1;
	s10 =	sld [smem:$0x3FB4];
	_ =	sdelay $0x3  }
0x34: {  	[smem:$0x3FB4] =	sst s10  }
0x35: {  	s10 =	sld [smem:$0x3FB3];
	_ =	sdelay $0x3  }
0x36: {  	p1 =	seq.s32 s10, $0x1;
	s10 =	sld [smem:$0x3FB4];
	_ =	sdelay $0x3  }
0x37: {  	[smem:$0x3FB4] =	sst s10  }
0x38: {  	s10 =	sld [smem:$0x3FB5]  }
0x39: {  	_ = 	snop;
	(pc) =	sbr.ind lr, $3  }
0x3a: {  	_ = 	snop  }
0x3b: {  	_ = 	snop  }
0x3c: {  	p2 =	seq.s32 s10, $0x1;
	s10 =	sld [smem:$0x3FB4]  }
0x3d: {  	_ =	shalt  }
0x3e: {  	_ =	shalt  }
0x3f: {  	_ =	shalt  }
0x40: {  	_ =	shalt  }
0x41: {  	_ =	shalt  }
0x42: {  	_ =	shalt  }
0x43: {  	_ =	shalt  }
0x44: {  	_ =	shalt  }
0x45: {  	_ =	shalt  }
0x46: {  	_ =	shalt  }
0x47: {  	_ =	shalt  }
0x48: {  	_ =	shalt  }
0x49: {  	_ =	shalt  }
0x4a: {  	_ =	shalt  }
0x4b: {  	_ =	shalt  }
0x4c: {  	_ =	shalt  }
0x4d: {  	_ =	shalt  }
0x4e: {  	_ =	shalt  }
0x4f: {  	_ =	shalt  }
0x50: {  	_ =	shalt  }
0x51: {  	_ =	shalt  }
0x52: {  	_ =	shalt  }
0x53: {  	_ =	shalt  }
0x54: {  	_ =	shalt  }
0x55: {  	_ =	shalt  }
0x56: {  	_ =	shalt  }
0x57: {  	_ =	shalt  }
0x58: {  	_ =	shalt  }
0x59: {  	_ =	shalt  }
0x5a: {  	_ =	shalt  }
0x5b: {  	_ =	shalt  }
0x5c: {  	_ =	shalt  }
0x5d: {  	_ =	shalt  }
0x5e: {  	_ =	shalt  }
0x5f: {  	_ =	shalt  }
0x60: {  	_ =	shalt  }
0x61: {  	_ =	shalt  }
0x62: {  	_ =	shalt  }
0x63: {  	_ =	shalt  }
0x64: {  	_ =	shalt  }
0x65: {  	_ =	shalt  }
0x66: {  	_ =	shalt  }
0x67: {  	_ =	shalt  }
0x68: {  	_ =	shalt  }
0x69: {  	_ =	shalt  }
0x6a: {  	_ =	shalt  }
0x6b: {  	_ =	shalt  }
0x6c: {  	_ =	shalt  }
0x6d: {  	_ =	shalt  }
0x6e: {  	_ =	shalt  }
0x6f: {  	_ =	shalt  }
0x70: {  	_ =	shalt  }
0x71: {  	_ =	shalt  }
0x72: {  	_ =	shalt  }
0x73: {  	_ =	shalt  }
0x74: {  	_ =	shalt  }
0x75: {  	_ =	shalt  }
0x76: {  	_ =	shalt  }
0x77: {  	_ =	shalt  }
0x78: {  	_ =	shalt  }
0x79: {  	_ =	shalt  }
0x7a: {  	_ =	shalt  }
0x7b: {  	_ =	shalt  }
0x7c: {  	_ =	shalt  }
0x7d: {  	_ =	shalt  }
0x7e: {  	_ =	shalt  }
0x7f: {  	_ =	shalt  }
0x80: {  	_ =	shalt  }
0x81: {  	_ =	shalt  }
0x82: {  	_ =	shalt  }
0x83: {  	_ =	shalt  }
0x84: {  	_ =	shalt  }
0x85: {  	_ =	shalt  }
0x86: {  	_ =	shalt  }
0x87: {  	_ =	shalt  }
.Lfunc_end0:
.L_simem_size_0:
called_computation.1_lowered:
.L_overlay_start_0:
0x88: {  	s2 =	sld [smem:$0x3FD9]  }
0x89: {  	s3 =	sld [smem:$0x3FFE];
	_ =	sdelay $0x1  }
0x8a: {  	s1 =	srdreg.scid  }
0x8b: {  	s0 =	sand.u32 $0x1, s1  }
0x8c: {  	s17 =	sshll.u32 s0, $0xA;
	s2 =	sadd.s32 s3, s2  }
0x8d: {  	s2 =	sadd.s32 s2, s17  }
0x8e: {  	[smem:$0x3FC0] =	sst s2  }
0x8f: {  	_ = 	snop  }
0x90: {  	s18 =	sld [smem:$0x3FD0];
	(tm) =	ssettm $0x1  }
0x91: {  	s19 =	sld [smem:$0x3FFB];
	_ =	sdelay $0x3  }
0x92: {  	_ =	strace s19  }
0x93: {  	s2 =	sld [smem:$0x3FFC];
	_ =	sdelay $0x3  }
0x94: {  	_ =	strace s2  }
0x95: {  	s2 =	sld [smem:$0x3FFD];
	_ =	sdelay $0x3  }
0x96: {  	_ =	strace s2  }
0x97: {  	_ =	strace $0x8FFFFFFF  }
0x98: {  	s20 =	sld [smem:$0x3FDB];
	_ =	sdelay $0x1  }
0x99: {  	s4 =	simm.s32 $_scs_section_size  }
0x9a: {  	s5 =	simm.s32 $_size__tile_overlayer_lowered;
	s6 =	simm.s32 $_tile_overlayer_lowered  }
0x9b: {  	s7 =	simm.s32 $0x1BFF;
	s21 =	sshll.u32 s6, $0x1;
	s4 =	sadd.s32 s4, s20  }
0x9c: {  	s22 =	simm.s32 $0x0;
	s5 =	sshll.u32 s5, $0x1;
	s6 =	sadd.s32 s21, s4  }
0x9d: {  	[timem:s22], [sflag:s7] =	dma.local [hbm:s6], s5  }
0x9e: {  	_ =	swait.ge [sflag:s7], s5  }
0x9f: {  	s5 =	ssub.s32 $0x0, s5;
	[sflag:s7] =	ssyncset.done $0x0  }
0xa0: {  	[sflag:s7] =	ssyncadd.s32 s5;
	_ =	sdelay $0x1  }
0xa1: {  	s23 =	simm.s32 $0x1B8B  }
0xa2: {  	_ =	swait.ge [sflag:s23], $0x1  }
0xa3: {  	[sflag:s23] =	ssyncset.done $0x0  }
0xa4: {  	[sflag:s23] =	ssyncadd.s32 $0xFFFFFFFF  }
0xa5: {  	s5 =	sld [smem:$0x0]  }
0xa6: {  	s6 =	sand.u32 $0xFFFFFFFE, s1  }
0xa7: {  	p0 =	sne.s32 s1, s6  }
0xa8: {  	s6 =	sshll.u32 @p0 s6, $0xE  }
0xa9: {  	s6 =	sadd.s32 @p0 $0x11B8D, s6;
	s7 =	sshll.u32 @p0 s5, $0x11  }
0xaa: {  	s6 =	sor.u32 @p0 s7, s6  }
0xab: {  	[sflag:s6] =	ssyncadd.remote.s32 @p0 $0x1;
	_ =	sdelay $0x1  }
0xac: {  	s6 =	simm.s32 @p0 $0x1B8D  }
0xad: {  	_ =	swait.eq @p0 [sflag:s6], $0x1  }
0xae: {  	[sflag:s6] =	ssyncadd.s32 @p0 $0xFFFFFFFF  }
0xaf: {  	s7 =	sshll.u32 @!p0 s1, $0xE  }
0xb0: {  	s7 =	sor.u32 @!p0 $0x4000, s7;
	s6 =	simm.s32 @!p0 $0x1B8D  }
0xb1: {  	s5 =	sshll.u32 @!p0 s5, $0x11;
	s7 =	sadd.s32 @!p0 $0x11B8D, s7;
	_ =	swait.eq @!p0 [sflag:s6], $0x1  }
0xb2: {  	s5 =	sor.u32 @!p0 s5, s7;
	[sflag:s6] =	ssyncadd.s32 @!p0 $0xFFFFFFFF  }
0xb3: {  	s25 =	simm.s32 $0x1B8E;
	s24 =	sld [smem:$0x3FFE];
	[sflag:s5] =	ssyncadd.remote.s32 @!p0 $0x1  }
0xb4: {  	s26 =	simm.s32 $execute0_lowered;
	[smem:$0x3FD2] =	sst s25  }
0xb5: {  	s6 =	sshll.u32 s26, $0x1;
	_ =	strace $0x8000004C;
	[dreg:$0x1] =	wrdreg $0xFFFFFFFF  }
0xb6: {  	s28 =	simm.s32 $_size_execute0_lowered;
	s4 =	sadd.s32 s4, s6;
	[dreg:$0x0] =	wrdreg $0x0  }
0xb7: {  	s6 =	sshll.u32 s28, $0x1;
	[dreg:$0x2] =	wrdreg s4  }
0xb8: {  	[dreg:$0x3] =	wrdreg s6  }
0xb9: {  	[dreg:$0x4] =	wrdreg $0xC0  }
0xba: {  	_ =	task [dreg:s22], $0x5FFFF  }
0xbb: {  	[dreg:$0x1] =	wrdreg $0xFFFFFFFF  }
0xbc: {  	[dreg:$0x0] =	wrdreg $0x60  }
0xbd: {  	[dreg:$0x2] =	wrdreg s24  }
0xbe: {  	[dreg:$0x3] =	wrdreg s18  }
0xbf: {  	[dreg:$0x4] =	wrdreg $0x170000  }
0xc0: {  	[dreg:$0x5] =	wrdreg $0x120000  }
0xc1: {  	[dreg:$0x6] =	wrdreg $0x9  }
0xc2: {  	_ =	task.clear_ibuf [dreg:s22], $0x7FFFF;
	_ =	strace $0x9000004C  }
0xc3: {  	s29 =	simm.s32 $0x9;
	_ =	strace $0x8000004E  }
0xc4: {  	_ =	swait.ge [sflag:s29], $0x1  }
0xc5: {  	[sflag:s29] =	ssyncadd.s32 $0xFFFFFFFF  }
0xc6: {  	_ =	strace $0x9000004E  }
0xc7: {  	_ =	sfence  }
0xc8: {  	s30 =	sld [smem:$0x0];
	_ =	sdelay $0x2  }
0xc9: {  	s31 =	sshll.u32 s1, $0xD;
	s1 =	sshrl.u32 s1, $0x2  }
0xca: {  	s4 =	sand.u32 $0x4000, s31;
	s1 =	sadd.s32 s1, s30  }
0xcb: {  	s0 =	sor.u32 s4, s0;
	s1 =	sshll.u32 s1, $0x11  }
0xcc: {  	s0 =	sor.u32 s1, s0  }
0xcd: {  	s0 =	sadd.s32 $0x8F2B, s0  }
0xce: {  	[sflag:s0] =	ssyncadd.remote.s32 $0x1  }
0xcf: {  	_ =	sfence.sel $0xFFFF  }
0xd0: {  	[dreg:$0x0] =	wrdreg $0xFFFFFFFF;
	(pc) =	sbr.abs _section_cstart, $3  }
0xd1: {  	[dreg:$0x1] =	wrdreg $0xFFFFFFFF  }
0xd2: {  	_ =	task.clear_ibuf [dreg:s22], $0x2FFFF;
	_ =	strace $0x9FFFFFFF  }
0xd3: {  	(tm) =	ssettm $0x7FFFFFFF  }
tec
execute0_lowered:
.L_overlay_start_1:
0x0: {  	(tag) =	ssettag $0x1  }
0x1: {  	s0 =	rddreg [dreg:$0x0]  }
0x2: {  	s1 =	rddreg [dreg:$0x1]  }
0x3: {  	s2 =	rddreg [dreg:$0x2]  }
0x4: {  	s3 =	rddreg [dreg:$0x3];
	s5 =	simm.s32 $0x0;
	s10 =	stileid.u32  }
0x5: {  	s4 =	srdreg.scid;
	s13 =	simm.s32 $0x1;
	s14 =	simm.s32 $0x4  }
0x6: {  	s15 =	simm.s32 $0x8;
	s28 =	simm.s32 $0xD000;
	s30 =	simm.s32 $0xE000  }
0x7: {  	s29 =	simm.s32 $0x5;
	s31 =	simm.s32 $0x6;
	s11 =	simm.s32 $0xE  }
0x8: {  	s12 =	simm.s32 $0xF;
	s16 =	simm.s32 $0x10;
	s17 =	smul.u32 $0xA000, s10  }
0x9: {  	[smem:$0x7FF] =	sst s5;
	s4 =	sand.u32 $0x1, s4;
	s7 =	smul.u32 $0xA00, s10  }
0xa: {  	s8 =	smul.u32 $0x5000, s10;
	s10 =	sshll.u32 s10, $0x6;
	_ =	strace $0x8000004D  }
0xb: {  	s6 =	sshll.u32 s4, $0x5;
	s4 =	ssub.s32 $0x2, s4;
	s21 =	sor.u32 $0x1C01, s10  }
0xc: {  	[dreg:$0x6] =	wrdreg s10;
	s26 =	sor.u32 $0x1C02, s10;
	s10 =	simm.s32 $0xD  }
0xd: {  	s5 =	sor.u32 s6, s17;
	s18 =	sshrl.u32 s4, $0x1;
	s9 =	sadd.s32 s7, s0  }
0xe: {  	s19 =	sadd.s32 s8, s2;
	[dreg:$0x7] =	wrdreg s21;
	s22 =	sadd.s32 s8, s3  }
0xf: {  	s1 =	sadd.s32 s1, s7;
	[dreg:$0xd] =	wrdreg s26;
	s21 =	simm.s32 $0x80  }
0x10: {  	s26 =	simm.s32 $0x11000;
	s7 =	simm.s32 $0xA;
	s8 =	simm.s32 $0xB  }
0x11: {  	s17 =	simm.s32 $0x0;
	s5 =	sshrl.u32 s5, $0x3;
	s4 =	ssub.s32 s4, s18  }
0x12: {  	s23 =	sadd.s32 $0x12400, s9;
	[dreg:$0x9] =	wrdreg s1;
	s25 =	sshrl.u32 s19, $0x3  }
0x13: {  	s6 =	sshrl.u32 s22, $0x3;
	s19 =	simm.s32 $0x2;
	s22 =	simm.s32 $0xA000  }
0x14: {  	s18 =	simm.s32 $0x10000;
	s1 =	simm.s32 $0x7;
	[dreg:$0x8] =	wrdreg s23  }
0x15: {  	s9 =	simm.s32 $0xC;
	s0 =	sadd.s32 s5, s0;
	[dreg:$0xc] =	wrdreg s25  }
0x16: {  	s24 =	smax.u32 s4, $0x1;
	s23 =	simm.s32 $0xB000;
	[dreg:$0xe] =	wrdreg s6  }
0x17: {  	s25 =	simm.s32 $0xC000;
	s20 =	sadd.s32 $0x94400, s0;
	[dreg:$0xb] =	wrdreg s24  }
0x18: {  	s0 =	sadd.s32 $0xA8400, s0;
	s24 =	simm.s32 $0x9;
	[dreg:$0x5] =	wrdreg s20  }
0x19: {  	[dreg:$0xa] =	wrdreg s0;
	s20 =	simm.s32 $0x3;
	s0 =	simm.s32 $0xF000  }
.LBB2_1:
0x1a: {  	[dreg:$0xf] =	wrdreg s17  }
0x1b: {  	s5 =	rddreg [dreg:$0x5]  }
0x1c: {  	s4 =	smov.u32 s6;
	s6 =	rddreg [dreg:$0x7]  }
0x1d: {  	s17 =	rddreg [dreg:$0xc]  }
0x1e: {  	[spmem:s17@s14], [sflag:s6] =	dma.strided [hbm:s5@s15], $0xA00, s13, $0x4   }
0x1f: {  	s6 =	rddreg [dreg:$0xd]  }
0x20: {  	[spmem:s4@s14], [sflag:s6] =	dma.strided [hbm:s5@s15], $0xA00, s13, $0x4   }
0x21: {  	s5 =	simm.s32 $0x0;
	s6 =	rddreg [dreg:$0x8]  }
0x22: {  	[tilespmem:s5], [sflag:$0x3] =	stream.linear.gather [hbm4b:s6+s5], $0x5000, $0x38;
	[tilespmem:$0x1C000] =	vst v63  }
0x23: {  	s17 =	simm.s32 $0x5000;
	s4 =	rddreg [dreg:$0x9]  }
0x24: {  	[tilespmem:s17], [sflag:$0x4] =	stream.linear.gather [hbm4b:s4+s5], $0x5000, $0x38;
	[tilespmem:$0x1C000] =	vst v63  }
0x25: {  	_ =	swait.ge [sflag:s13], $0xA00  }
0x26: {  	[sflag:s13] =	ssyncset.done $0x0  }
0x27: {  	[sflag:s13] =	ssyncadd.s32 $0xFFFFF600  }
0x28: {  	_ =	swait.ge [sflag:s19], $0xA00  }
0x29: {  	[sflag:s19] =	ssyncset.done $0x0  }
0x2a: {  	[sflag:s19] =	ssyncadd.s32 $0xFFFFF600  }
0x2b: {  	_ =	swait.ge [sflag:s20], $0x5000  }
0x2c: {  	[sflag:s20] =	ssyncset.done $0x0  }
0x2d: {  	[sflag:s20] =	ssyncadd.s32 $0xFFFFB000  }
0x2e: {  	_ =	swait.ge [sflag:s14], $0x5000  }
0x2f: {  	[sflag:s14] =	ssyncset.done $0x0  }
0x30: {  	[sflag:s14] =	ssyncadd.s32 $0xFFFFB000  }
0x31: {  	[bflag:$0x0] =	sbarrier.arrive $0xFFFF  }
0x32: {  	[tilespmem:s22], [sflag:$0x1] =	stream.indirect.gather [spmem:s2], $0x20, s5, s21, $0xb8;
	[tilespmem:$0x1C000] =	vst v63  }
0x33: {  	_ = 	snop  }
0x34: {  	[tilespmem:s23], [sflag:$0x2] =	stream.indirect.gather [spmem:s2], $0x20, s21, s21, $0xb8;
	[tilespmem:$0x1C000] =	vst v63  }
0x35: {  	s5 =	simm.s32 $0x100  }
0x36: {  	[tilespmem:s25], [sflag:$0x3] =	stream.indirect.gather [spmem:s2], $0x20, s5, s21, $0xb8;
	[tilespmem:$0x1C000] =	vst v63  }
0x37: {  	s6 =	simm.s32 $0x180  }
0x38: {  	[tilespmem:s28], [sflag:$0x4] =	stream.indirect.gather [spmem:s2], $0x20, s6, s21, $0xb8;
	[tilespmem:$0x1C000] =	vst v63  }
0x39: {  	s17 =	simm.s32 $0x200  }
0x3a: {  	[tilespmem:s30], [sflag:$0x5] =	stream.indirect.gather [spmem:s2], $0x20, s17, s21, $0xb8;
	[tilespmem:$0x1C000] =	vst v63  }
0x3b: {  	s5 =	simm.s32 $0x280  }
0x3c: {  	[tilespmem:s0], [sflag:$0x6] =	stream.indirect.gather [spmem:s2], $0x20, s5, s21, $0xb8;
	[tilespmem:$0x1C000] =	vst v63  }
0x3d: {  	s6 =	simm.s32 $0x300  }
0x3e: {  	[tilespmem:s18], [sflag:$0x7] =	stream.indirect.gather [spmem:s2], $0x20, s6, s21, $0xb8;
	[tilespmem:$0x1C000] =	vst v63  }
0x3f: {  	s17 =	simm.s32 $0x380  }
0x40: {  	[tilespmem:s26], [sflag:$0x8] =	stream.indirect.gather [spmem:s2], $0x20, s17, s21, $0xb8;
	[tilespmem:$0x1C000] =	vst v63  }
0x41: {  	_ =	swait.ge [sflag:s13], $0x1000  }
0x42: {  	[sflag:s13] =	ssyncset.done $0x0  }
0x43: {  	s4 =	simm.s32 $0x5000;
	[sflag:s13] =	ssyncadd.s32 $0xFFFFF000  }
0x44: {  	[spmem:s3] =	stream.indirect.scatter.add.f32 [tilespmem:s22], [sflag:$0x9], $0x20, s4, s21, $0xb8;
	[tilespmem:$0x1C000] =	vst v63  }
0x45: {  	_ =	swait.ge [sflag:s19], $0x1000  }
0x46: {  	[sflag:s19] =	ssyncset.done $0x0  }
0x47: {  	s6 =	simm.s32 $0x5080;
	[sflag:s19] =	ssyncadd.s32 $0xFFFFF000  }
0x48: {  	[spmem:s3] =	stream.indirect.scatter.add.f32 [tilespmem:s23], [sflag:$0xA], $0x20, s6, s21, $0xb8;
	[tilespmem:$0x1C000] =	vst v63  }
0x49: {  	_ =	swait.ge [sflag:s20], $0x1000  }
0x4a: {  	[sflag:s20] =	ssyncset.done $0x0  }
0x4b: {  	s17 =	simm.s32 $0x5100;
	[sflag:s20] =	ssyncadd.s32 $0xFFFFF000  }
0x4c: {  	[spmem:s3] =	stream.indirect.scatter.add.f32 [tilespmem:s25], [sflag:$0xB], $0x20, s17, s21, $0xb8;
	[tilespmem:$0x1C000] =	vst v63  }
0x4d: {  	_ =	swait.ge [sflag:s14], $0x1000  }
0x4e: {  	[sflag:s14] =	ssyncset.done $0x0  }
0x4f: {  	s4 =	simm.s32 $0x5180;
	[sflag:s14] =	ssyncadd.s32 $0xFFFFF000  }
0x50: {  	[spmem:s3] =	stream.indirect.scatter.add.f32 [tilespmem:s28], [sflag:$0xC], $0x20, s4, s21, $0xb8;
	[tilespmem:$0x1C000] =	vst v63  }
0x51: {  	_ =	swait.ge [sflag:s29], $0x1000  }
0x52: {  	[sflag:s29] =	ssyncset.done $0x0  }
0x53: {  	s6 =	simm.s32 $0x5200;
	[sflag:s29] =	ssyncadd.s32 $0xFFFFF000  }
0x54: {  	[spmem:s3] =	stream.indirect.scatter.add.f32 [tilespmem:s30], [sflag:$0xD], $0x20, s6, s21, $0xb8;
	[tilespmem:$0x1C000] =	vst v63  }
0x55: {  	_ =	swait.ge [sflag:s31], $0x1000  }
0x56: {  	[sflag:s31] =	ssyncset.done $0x0  }
0x57: {  	s17 =	simm.s32 $0x5280;
	[sflag:s31] =	ssyncadd.s32 $0xFFFFF000  }
0x58: {  	[spmem:s3] =	stream.indirect.scatter.add.f32 [tilespmem:s0], [sflag:$0xE], $0x20, s17, s21, $0xb8;
	[tilespmem:$0x1C000] =	vst v63  }
0x59: {  	_ =	swait.ge [sflag:s1], $0x1000  }
0x5a: {  	[sflag:s1] =	ssyncset.done $0x0  }
0x5b: {  	s4 =	simm.s32 $0x5300;
	[sflag:s1] =	ssyncadd.s32 $0xFFFFF000  }
0x5c: {  	[spmem:s3] =	stream.indirect.scatter.add.f32 [tilespmem:s18], [sflag:$0xF], $0x20, s4, s21, $0xb8;
	[tilespmem:$0x1C000] =	vst v63  }
0x5d: {  	_ =	swait.ge [sflag:s15], $0x1000  }
0x5e: {  	[sflag:s15] =	ssyncset.done $0x0  }
0x5f: {  	s6 =	simm.s32 $0x5380;
	[sflag:s15] =	ssyncadd.s32 $0xFFFFF000  }
0x60: {  	[spmem:s3] =	stream.indirect.scatter.add.f32 [tilespmem:s26], [sflag:$0x10], $0x20, s6, s21, $0xb8;
	[tilespmem:$0x1C000] =	vst v63  }
0x61: {  	_ =	swait.ge [sflag:s24], $0x1000  }
0x62: {  	[sflag:s24] =	ssyncset.done $0x0  }
0x63: {  	s17 =	simm.s32 $0x400;
	[sflag:s24] =	ssyncadd.s32 $0xFFFFF000  }
0x64: {  	[tilespmem:s22], [sflag:$0x1] =	stream.indirect.gather [spmem:s2], $0x20, s17, s21, $0xb8;
	[tilespmem:$0x1C000] =	vst v63  }
0x65: {  	_ =	swait.ge [sflag:s7], $0x1000  }
0x66: {  	[sflag:s7] =	ssyncset.done $0x0  }
0x67: {  	s4 =	simm.s32 $0x480;
	[sflag:s7] =	ssyncadd.s32 $0xFFFFF000  }
0x68: {  	[tilespmem:s23], [sflag:$0x2] =	stream.indirect.gather [spmem:s2], $0x20, s4, s21, $0xb8;
	[tilespmem:$0x1C000] =	vst v63  }
0x69: {  	_ =	swait.ge [sflag:s8], $0x1000  }
0x6a: {  	[sflag:s8] =	ssyncset.done $0x0  }
0x6b: {  	s6 =	simm.s32 $0x500;
	[sflag:s8] =	ssyncadd.s32 $0xFFFFF000  }
0x6c: {  	[tilespmem:s25], [sflag:$0x3] =	stream.indirect.gather [spmem:s2], $0x20, s6, s21, $0xb8;
	[tilespmem:$0x1C000] =	vst v63  }
0x6d: {  	_ =	swait.ge [sflag:s9], $0x1000  }
0x6e: {  	[sflag:s9] =	ssyncset.done $0x0  }
0x6f: {  	s17 =	simm.s32 $0x580;
	[sflag:s9] =	ssyncadd.s32 $0xFFFFF000  }
0x70: {  	[tilespmem:s28], [sflag:$0x4] =	stream.indirect.gather [spmem:s2], $0x20, s17, s21, $0xb8;
	[tilespmem:$0x1C000] =	vst v63  }
0x71: {  	_ =	swait.ge [sflag:s10], $0x1000  }
0x72: {  	[sflag:s10] =	ssyncset.done $0x0  }
0x73: {  	s4 =	simm.s32 $0x600;
	[sflag:s10] =	ssyncadd.s32 $0xFFFFF000  }
0x74: {  	[tilespmem:s30], [sflag:$0x5] =	stream.indirect.gather [spmem:s2], $0x20, s4, s21, $0xb8;
	[tilespmem:$0x1C000] =	vst v63  }
0x75: {  	_ =	swait.ge [sflag:s11], $0x1000  }
0x76: {  	[sflag:s11] =	ssyncset.done $0x0  }
0x77: {  	s6 =	simm.s32 $0x680;
	[sflag:s11] =	ssyncadd.s32 $0xFFFFF000  }
0x78: {  	[tilespmem:s0], [sflag:$0x6] =	stream.indirect.gather [spmem:s2], $0x20, s6, s21, $0xb8;
	[tilespmem:$0x1C000] =	vst v63  }
0x79: {  	_ =	swait.ge [sflag:s12], $0x1000  }
0x7a: {  	[sflag:s12] =	ssyncset.done $0x0  }
0x7b: {  	s17 =	simm.s32 $0x700;
	[sflag:s12] =	ssyncadd.s32 $0xFFFFF000  }
0x7c: {  	[tilespmem:s18], [sflag:$0x7] =	stream.indirect.gather [spmem:s2], $0x20, s17, s21, $0xb8;
	[tilespmem:$0x1C000] =	vst v63  }
0x7d: {  	_ =	swait.ge [sflag:s16], $0x1000  }
0x7e: {  	[sflag:s16] =	ssyncset.done $0x0  }
0x7f: {  	s5 =	simm.s32 $0x780;
	s6 =	simm.s32 $0x1000;
	[sflag:s16] =	ssyncadd.s32 $0xFFFFF000  }
.LBB2_2:
0x80: {  	[tilespmem:s26], [sflag:$0x8] =	stream.indirect.gather [spmem:s2], $0x20, s5, s21, $0xb8;
	[tilespmem:$0x1C000] =	vst v63  }
0x81: {  	s5 =	smov.u32 s6  }
0x82: {  	p0 =	sne.s32 s6, $0x12000;
	s6 =	sadd.s32 $0x1000, s6;
	_ =	swait.ge [sflag:s13], $0x1000  }
0x83: {  	s5 =	sshra.s32 s5, $0x2;
	[sflag:s13] =	ssyncset.done $0x0  }
0x84: {  	s17 =	sadd.s32 $0x5000, s5;
	[sflag:s13] =	ssyncadd.s32 $0xFFFFF000  }
0x85: {  	[spmem:s3] =	stream.indirect.scatter.add.f32 [tilespmem:s22], [sflag:$0x9], $0x20, s17, s21, $0xb8;
	[tilespmem:$0x1C000] =	vst v63  }
0x86: {  	_ =	swait.ge [sflag:s19], $0x1000  }
0x87: {  	[sflag:s19] =	ssyncset.done $0x0  }
0x88: {  	s17 =	sadd.s32 $0x5080, s5;
	[sflag:s19] =	ssyncadd.s32 $0xFFFFF000  }
0x89: {  	[spmem:s3] =	stream.indirect.scatter.add.f32 [tilespmem:s23], [sflag:$0xA], $0x20, s17, s21, $0xb8;
	[tilespmem:$0x1C000] =	vst v63  }
0x8a: {  	_ =	swait.ge [sflag:s20], $0x1000  }
0x8b: {  	[sflag:s20] =	ssyncset.done $0x0  }
0x8c: {  	s17 =	sadd.s32 $0x5100, s5;
	[sflag:s20] =	ssyncadd.s32 $0xFFFFF000  }
0x8d: {  	[spmem:s3] =	stream.indirect.scatter.add.f32 [tilespmem:s25], [sflag:$0xB], $0x20, s17, s21, $0xb8;
	[tilespmem:$0x1C000] =	vst v63  }
0x8e: {  	_ =	swait.ge [sflag:s14], $0x1000  }
0x8f: {  	[sflag:s14] =	ssyncset.done $0x0  }
0x90: {  	s17 =	sadd.s32 $0x5180, s5;
	[sflag:s14] =	ssyncadd.s32 $0xFFFFF000  }
0x91: {  	[spmem:s3] =	stream.indirect.scatter.add.f32 [tilespmem:s28], [sflag:$0xC], $0x20, s17, s21, $0xb8;
	[tilespmem:$0x1C000] =	vst v63  }
0x92: {  	_ =	swait.ge [sflag:s29], $0x1000  }
0x93: {  	[sflag:s29] =	ssyncset.done $0x0  }
0x94: {  	s17 =	sadd.s32 $0x5200, s5;
	[sflag:s29] =	ssyncadd.s32 $0xFFFFF000  }
0x95: {  	[spmem:s3] =	stream.indirect.scatter.add.f32 [tilespmem:s30], [sflag:$0xD], $0x20, s17, s21, $0xb8;
	[tilespmem:$0x1C000] =	vst v63  }
0x96: {  	_ =	swait.ge [sflag:s31], $0x1000  }
0x97: {  	[sflag:s31] =	ssyncset.done $0x0  }
0x98: {  	s17 =	sadd.s32 $0x5280, s5;
	[sflag:s31] =	ssyncadd.s32 $0xFFFFF000  }
0x99: {  	[spmem:s3] =	stream.indirect.scatter.add.f32 [tilespmem:s0], [sflag:$0xE], $0x20, s17, s21, $0xb8;
	[tilespmem:$0x1C000] =	vst v63  }
0x9a: {  	_ =	swait.ge [sflag:s1], $0x1000  }
0x9b: {  	[sflag:s1] =	ssyncset.done $0x0  }
0x9c: {  	s17 =	sadd.s32 $0x5300, s5;
	[sflag:s1] =	ssyncadd.s32 $0xFFFFF000  }
0x9d: {  	[spmem:s3] =	stream.indirect.scatter.add.f32 [tilespmem:s18], [sflag:$0xF], $0x20, s17, s21, $0xb8;
	[tilespmem:$0x1C000] =	vst v63  }
0x9e: {  	_ =	swait.ge [sflag:s15], $0x1000  }
0x9f: {  	[sflag:s15] =	ssyncset.done $0x0  }
0xa0: {  	s17 =	sadd.s32 $0x5380, s5;
	[sflag:s15] =	ssyncadd.s32 $0xFFFFF000  }
0xa1: {  	[spmem:s3] =	stream.indirect.scatter.add.f32 [tilespmem:s26], [sflag:$0x10], $0x20, s17, s21, $0xb8;
	[tilespmem:$0x1C000] =	vst v63  }
0xa2: {  	_ =	swait.ge [sflag:s24], $0x1000  }
0xa3: {  	[sflag:s24] =	ssyncset.done $0x0  }
0xa4: {  	s17 =	sadd.s32 $0x400, s5;
	[sflag:s24] =	ssyncadd.s32 $0xFFFFF000  }
0xa5: {  	[tilespmem:s22], [sflag:$0x1] =	stream.indirect.gather [spmem:s2], $0x20, s17, s21, $0xb8;
	[tilespmem:$0x1C000] =	vst v63  }
0xa6: {  	_ =	swait.ge [sflag:s7], $0x1000  }
0xa7: {  	[sflag:s7] =	ssyncset.done $0x0  }
0xa8: {  	s17 =	sadd.s32 $0x480, s5;
	[sflag:s7] =	ssyncadd.s32 $0xFFFFF000  }
0xa9: {  	[tilespmem:s23], [sflag:$0x2] =	stream.indirect.gather [spmem:s2], $0x20, s17, s21, $0xb8;
	[tilespmem:$0x1C000] =	vst v63  }
0xaa: {  	_ =	swait.ge [sflag:s8], $0x1000  }
0xab: {  	[sflag:s8] =	ssyncset.done $0x0  }
0xac: {  	s17 =	sadd.s32 $0x500, s5;
	[sflag:s8] =	ssyncadd.s32 $0xFFFFF000  }
0xad: {  	[tilespmem:s25], [sflag:$0x3] =	stream.indirect.gather [spmem:s2], $0x20, s17, s21, $0xb8;
	[tilespmem:$0x1C000] =	vst v63  }
0xae: {  	_ =	swait.ge [sflag:s9], $0x1000  }
0xaf: {  	[sflag:s9] =	ssyncset.done $0x0  }
0xb0: {  	s17 =	sadd.s32 $0x580, s5;
	[sflag:s9] =	ssyncadd.s32 $0xFFFFF000  }
0xb1: {  	[tilespmem:s28], [sflag:$0x4] =	stream.indirect.gather [spmem:s2], $0x20, s17, s21, $0xb8;
	[tilespmem:$0x1C000] =	vst v63  }
0xb2: {  	_ =	swait.ge [sflag:s10], $0x1000  }
0xb3: {  	[sflag:s10] =	ssyncset.done $0x0  }
0xb4: {  	s17 =	sadd.s32 $0x600, s5;
	[sflag:s10] =	ssyncadd.s32 $0xFFFFF000  }
0xb5: {  	[tilespmem:s30], [sflag:$0x5] =	stream.indirect.gather [spmem:s2], $0x20, s17, s21, $0xb8;
	[tilespmem:$0x1C000] =	vst v63  }
0xb6: {  	_ =	swait.ge [sflag:s11], $0x1000  }
0xb7: {  	[sflag:s11] =	ssyncset.done $0x0  }
0xb8: {  	s17 =	sadd.s32 $0x680, s5;
	[sflag:s11] =	ssyncadd.s32 $0xFFFFF000  }
0xb9: {  	[tilespmem:s0], [sflag:$0x6] =	stream.indirect.gather [spmem:s2], $0x20, s17, s21, $0xb8;
	[tilespmem:$0x1C000] =	vst v63  }
0xba: {  	_ =	swait.ge [sflag:s12], $0x1000  }
0xbb: {  	[sflag:s12] =	ssyncset.done $0x0  }
.Ltmp0:
0xbc: {  	s17 =	sadd.s32 $0x700, s5;
	[sflag:s12] =	ssyncadd.s32 $0xFFFFF000;
	(pc) =	sbr.rel @p0 .LBB2_2-.Ltmp0, $4  }
0xbd: {  	[tilespmem:s18], [sflag:$0x7] =	stream.indirect.gather [spmem:s2], $0x20, s17, s21, $0xb8;
	[tilespmem:$0x1C000] =	vst v63  }
0xbe: {  	_ =	swait.ge [sflag:s16], $0x1000  }
0xbf: {  	[sflag:s16] =	ssyncset.done $0x0  }
0xc0: {  	s5 =	sadd.s32 $0x780, s5;
	[sflag:s16] =	ssyncadd.s32 $0xFFFFF000  }
0xc1: {  	[tilespmem:s26], [sflag:$0x8] =	stream.indirect.gather [spmem:s2], $0x20, s5, s21, $0xb8;
	[tilespmem:$0x1C000] =	vst v63  }
0xc2: {  	_ =	swait.ge [sflag:s13], $0x1000  }
0xc3: {  	[sflag:s13] =	ssyncset.done $0x0  }
0xc4: {  	s4 =	simm.s32 $0x9C00;
	[sflag:s13] =	ssyncadd.s32 $0xFFFFF000  }
0xc5: {  	[spmem:s3] =	stream.indirect.scatter.add.f32 [tilespmem:s22], [sflag:$0x9], $0x20, s4, s21, $0xb8;
	[tilespmem:$0x1C000] =	vst v63  }
0xc6: {  	_ =	swait.ge [sflag:s19], $0x1000  }
0xc7: {  	[sflag:s19] =	ssyncset.done $0x0  }
0xc8: {  	s5 =	simm.s32 $0x9C80;
	[sflag:s19] =	ssyncadd.s32 $0xFFFFF000  }
0xc9: {  	[spmem:s3] =	stream.indirect.scatter.add.f32 [tilespmem:s23], [sflag:$0xA], $0x20, s5, s21, $0xb8;
	[tilespmem:$0x1C000] =	vst v63  }
0xca: {  	_ =	swait.ge [sflag:s20], $0x1000  }
0xcb: {  	[sflag:s20] =	ssyncset.done $0x0  }
0xcc: {  	s6 =	simm.s32 $0x9D00;
	[sflag:s20] =	ssyncadd.s32 $0xFFFFF000  }
0xcd: {  	[spmem:s3] =	stream.indirect.scatter.add.f32 [tilespmem:s25], [sflag:$0xB], $0x20, s6, s21, $0xb8;
	[tilespmem:$0x1C000] =	vst v63  }
0xce: {  	_ =	swait.ge [sflag:s14], $0x1000  }
0xcf: {  	[sflag:s14] =	ssyncset.done $0x0  }
0xd0: {  	s17 =	simm.s32 $0x9D80;
	[sflag:s14] =	ssyncadd.s32 $0xFFFFF000  }
0xd1: {  	[spmem:s3] =	stream.indirect.scatter.add.f32 [tilespmem:s28], [sflag:$0xC], $0x20, s17, s21, $0xb8;
	[tilespmem:$0x1C000] =	vst v63  }
0xd2: {  	_ =	swait.ge [sflag:s29], $0x1000  }
0xd3: {  	[sflag:s29] =	ssyncset.done $0x0  }
0xd4: {  	s5 =	simm.s32 $0x9E00;
	[sflag:s29] =	ssyncadd.s32 $0xFFFFF000  }
0xd5: {  	[spmem:s3] =	stream.indirect.scatter.add.f32 [tilespmem:s30], [sflag:$0xD], $0x20, s5, s21, $0xb8;
	[tilespmem:$0x1C000] =	vst v63  }
0xd6: {  	_ =	swait.ge [sflag:s31], $0x1000  }
0xd7: {  	[sflag:s31] =	ssyncset.done $0x0  }
0xd8: {  	s6 =	simm.s32 $0x9E80;
	[sflag:s31] =	ssyncadd.s32 $0xFFFFF000  }
0xd9: {  	[spmem:s3] =	stream.indirect.scatter.add.f32 [tilespmem:s0], [sflag:$0xE], $0x20, s6, s21, $0xb8;
	[tilespmem:$0x1C000] =	vst v63  }
0xda: {  	_ =	swait.ge [sflag:s1], $0x1000  }
0xdb: {  	[sflag:s1] =	ssyncset.done $0x0  }
0xdc: {  	s17 =	simm.s32 $0x9F00;
	[sflag:s1] =	ssyncadd.s32 $0xFFFFF000  }
0xdd: {  	[spmem:s3] =	stream.indirect.scatter.add.f32 [tilespmem:s18], [sflag:$0xF], $0x20, s17, s21, $0xb8;
	[tilespmem:$0x1C000] =	vst v63  }
0xde: {  	_ =	swait.ge [sflag:s15], $0x1000  }
0xdf: {  	[sflag:s15] =	ssyncset.done $0x0  }
0xe0: {  	s5 =	simm.s32 $0x9F80;
	[sflag:s15] =	ssyncadd.s32 $0xFFFFF000  }
0xe1: {  	[spmem:s3] =	stream.indirect.scatter.add.f32 [tilespmem:s26], [sflag:$0x10], $0x20, s5, s21, $0xb8;
	[tilespmem:$0x1C000] =	vst v63  }
0xe2: {  	_ =	swait.ge [sflag:s24], $0x1000  }
0xe3: {  	[sflag:s24] =	ssyncset.done $0x0  }
0xe4: {  	[sflag:s24] =	ssyncadd.s32 $0xFFFFF000  }
0xe5: {  	_ =	swait.ge [sflag:s7], $0x1000  }
0xe6: {  	[sflag:s7] =	ssyncset.done $0x0  }
0xe7: {  	[sflag:s7] =	ssyncadd.s32 $0xFFFFF000  }
0xe8: {  	_ =	swait.ge [sflag:s8], $0x1000  }
0xe9: {  	[sflag:s8] =	ssyncset.done $0x0  }
0xea: {  	[sflag:s8] =	ssyncadd.s32 $0xFFFFF000  }
0xeb: {  	_ =	swait.ge [sflag:s9], $0x1000  }
0xec: {  	[sflag:s9] =	ssyncset.done $0x0  }
0xed: {  	[sflag:s9] =	ssyncadd.s32 $0xFFFFF000  }
0xee: {  	_ =	swait.ge [sflag:s10], $0x1000  }
0xef: {  	[sflag:s10] =	ssyncset.done $0x0  }
0xf0: {  	[sflag:s10] =	ssyncadd.s32 $0xFFFFF000  }
0xf1: {  	_ =	swait.ge [sflag:s11], $0x1000  }
0xf2: {  	[sflag:s11] =	ssyncset.done $0x0  }
0xf3: {  	[sflag:s11] =	ssyncadd.s32 $0xFFFFF000  }
0xf4: {  	_ =	swait.ge [sflag:s12], $0x1000  }
0xf5: {  	[sflag:s12] =	ssyncset.done $0x0  }
0xf6: {  	[sflag:s12] =	ssyncadd.s32 $0xFFFFF000  }
0xf7: {  	_ =	swait.ge [sflag:s16], $0x1000  }
0xf8: {  	[sflag:s16] =	ssyncset.done $0x0  }
0xf9: {  	[sflag:s16] =	ssyncadd.s32 $0xFFFFF000  }
0xfa: {  	[bflag:$0x0] =	sbarrier.arrive $0xFFFF  }
0xfb: {  	s6 =	rddreg [dreg:$0x6]  }
0xfc: {  	s17 =	rddreg [dreg:$0xe]  }
0xfd: {  	s4 =	simm.s32 $0x11;
	s5 =	sor.u32 $0x1C11, s6;
	s6 =	rddreg [dreg:$0xa]  }
0xfe: {  	[hbm:s6@s15], [sflag:s5] =	dma.strided [spmem:s17@s14], $0xA00, s13, $0x4   }
0xff: {  	_ =	swait.ge [sflag:s4], $0xA00  }
0x100: {  	s6 =	smov.u32 s17;
	s17 =	rddreg [dreg:$0xf]  }
0x101: {  	s5 =	rddreg [dreg:$0xb];
	s17 =	sadd.s32 $0x1, s17  }
0x102: {  	p0 =	sne.s32 s17, s5  }
.Ltmp1:
0x103: {  	_ = 	snop;
	(pc) =	sbr.rel @p0 .LBB2_1-.Ltmp1, $3  }
0x104: {  	_ =	sdelay $0x1  }
0x105: {  	[sflag:s4] =	ssyncset.done $0x0  }
0x106: {  	[sflag:s4] =	ssyncadd.s32 $0xFFFFF600  }
0x107: {  	_ =	sfence.sel $0x180000  }
0x108: {  	[bflag:$0x0] =	sbarrier.arrive $0xFFFF  }
0x109: {  	_ =	strace $0x9000004D  }
0x10a: {  	s0 =	stileid.u32;
	[bflag:$0x2] =	sbarrier.arrive $0xFFFF  }
0x10b: {  	p0 =	sne.s32 s0, $0x0;
	s0 =	rddreg [dreg:$0x4]  }
0x10c: {  	s0 =	sadd.s32 @!p0 $0x100000, s0  }
0x10d: {  	[sflag:s0] =	ssyncadd.tile.s32 @!p0 $0x1;
	_ =	shalt  }
.Lfunc_end2:
_tile_overlayer_lowered:
.L_overlay_start_2:
0x10e: {  	(tag) =	ssettag $0x2  }
0x10f: {  	s0 =	rddreg [dreg:$0x0];
	s2 =	stileid.u32  }
0x110: {  	s1 =	rddreg [dreg:$0x1];
	p0 =	sne.s32 s2, $0x0  }
0x111: {  	s3 =	rddreg [dreg:$0x2];
	[bflag:$0x3] =	sbarrier.arrive $0xFFFF;
	s2 =	simm.s32 @!p0 $0x1C11  }
0x112: {  	[timem:s3], [sflag:s2] =	dma.local @!p0 [hbm:s0], s1  }
0x113: {  	s0 =	simm.s32 @!p0 $0x11  }
0x114: {  	_ =	swait.ge @!p0 [sflag:s0], s1  }
0x115: {  	s1 =	ssub.s32 @!p0 $0x0, s1;
	[sflag:s0] =	ssyncset.done @!p0 $0x0  }
0x116: {  	[sflag:s0] =	ssyncadd.s32 @!p0 s1  }
0x117: {  	[bflag:$0x3] =	sbarrier.arrive $0xFFFF  }
0x118: {  	_ =	shalt  }

// kernel: kernel.17.cloned.1.call-start
scs
__scs_entry_jumppad:
0x0: {  	(pc) =	sbr.rel $0x88, $3  }
0x1: {  	(tag) =	ssettag $0x0;
	lr =	simm.s32 $0x1  }
0x2: {  	[smem:$0x3F99] =	sst lr;
	_ =	strace $0xD0000000  }
0x3: {  	_ = 	snop  }
0x4: {  	_ = 	snop  }
0x5: {  	_ = 	snop  }
0x6: {  	_ = 	snop  }
0x7: {  	_ = 	snop  }
__scs_overlays_trampoline_lowered:
0x8: {  	[smem:$0x3FA8] =	sst s0  }
0x9: {  	[smem:$0x3FA9] =	sst s1  }
0xa: {  	[smem:$0x3FAA] =	sst s2  }
0xb: {  	[smem:$0x3FAB] =	sst s3  }
0xc: {  	[smem:$0x3FAC] =	sst s4  }
0xd: {  	[smem:$0x3FAD] =	sst s5  }
0xe: {  	[smem:$0x3FAE] =	sst s6  }
0xf: {  	[smem:$0x3FAF] =	sst s7  }
0x10: {  	[smem:$0x3FB0] =	sst s8  }
0x11: {  	[smem:$0x3FB1] =	sst s9;
	s0 =	simm.s32 @!p0 $0x0  }
0x12: {  	s1 =	sld [smem:$0x3F97];
	s0 =	simm.s32 @p0 $0x1  }
0x13: {  	[smem:$0x3FB2] =	sst s0;
	s0 =	simm.s32 @!p1 $0x0  }
0x14: {  	s2 =	sld [smem:$0x3F96];
	s0 =	simm.s32 @p1 $0x1  }
0x15: {  	[smem:$0x3FB3] =	sst s0;
	s0 =	simm.s32 @!p2 $0x0  }
0x16: {  	s3 =	sld [smem:$0x3FDB];
	s0 =	simm.s32 @p2 $0x1  }
0x17: {  	s4 =	simm.s32 $0x1BF5;
	[smem:$0x3FB5] =	sst s0  }
0x18: {  	s0 =	sld [smem:$0x3F98];
	_ =	swait.ge [sflag:s4], $0x0  }
0x19: {  	s7 =	sld [smem:$0x3F99]  }
0x1a: {  	s8 =	sadd.s32 $0xFFFFE003, lr  }
0x1b: {  	s9 =	sadd.s32 $0xFFFFFEF7, lr;
	s5 =	simm.s32 $0xFFFFFFFF;
	p2 =	slt.u32 s8, $0xFFFFF086  }
0x1c: {  	p1 =	slt.u32 s9, $0xF7A;
	s5 =	simm.s32 @!p2 $0x0  }
0x1d: {  	s5 =	simm.s32 @p1 $0x1;
	p0 =	seq.s32 s7, s2  }
0x1e: {  	s7 =	smul.u32 @!p0 $0xF7A, s2;
	p2 =	seq.s32 @!p0 s5, $0x0  }
0x1f: {  	s9 =	smul.u32 $0xF7A, s1;
	s8 =	simm.s32 @!p0 $0x1BF5;
	p2 =	por !p2, p0  }
0x20: {  	[sflag:s8] =	ssyncset.s32 @!p0 $0xFFFFF086;
	s6 =	sadd.s32 @!p0 s3, s7;
	s7 =	simm.s32 @!p0 $0x108  }
0x21: {  	s3 =	sadd.s32 s3, s9;
	s6 =	sadd.s32 @!p0 $0x88, s6;
	s7 =	simm.s32 @p2 $0x1082  }
0x22: {  	[simem:s7], [sflag:s8] =	dma.local @!p0 [hbm:s6], $0xF7A  }
0x23: {  	s9 =	sor.u32 $0xD0000000, s2;
	s6 =	simm.s32 $0x108;
	_ =	swait.ge @!p0 [sflag:s8], $0x0  }
0x24: {  	s3 =	sadd.s32 $0x88, s3;
	s6 =	simm.s32 @!p1 $0x1082;
	[sflag:s4] =	ssyncset.s32 $0xFFFFF086  }
0x25: {  	[simem:s6], [sflag:s4] =	dma.local [hbm:s3], $0xF7A  }
0x26: {  	[smem:$0x3F99] =	sst s1;
	(tag) =	ssettag s2;
	_ =	strace s9  }
0x27: {  	s1 =	sld [smem:$0x3FA9]  }
0x28: {  	s2 =	sld [smem:$0x3FAA]  }
0x29: {  	s4 =	sld [smem:$0x3FAC]  }
0x2a: {  	p0 =	seq.s32 s5, $0x0;
	s5 =	sld [smem:$0x3FAD]  }
0x2b: {  	s6 =	sld [smem:$0x3FAE]  }
0x2c: {  	s7 =	sld [smem:$0x3FAF]  }
0x2d: {  	s3 =	simm.s32 $0x108;
	s8 =	sld [smem:$0x3FB0]  }
0x2e: {  	s3 =	simm.s32 @!p0 $0x1082;
	s9 =	sld [smem:$0x3FB1]  }
0x2f: {  	lr =	sadd.s32 s0, s3;
	s0 =	sld [smem:$0x3FA8]  }
0x30: {  	s3 =	sld [smem:$0x3FAB]  }
0x31: {  	[smem:$0x3FB4] =	sst s10  }
0x32: {  	s10 =	sld [smem:$0x3FB2];
	_ =	sdelay $0x3  }
0x33: {  	p0 =	seq.s32 s10, $0x1;
	s10 =	sld [smem:$0x3FB4];
	_ =	sdelay $0x3  }
0x34: {  	[smem:$0x3FB4] =	sst s10  }
0x35: {  	s10 =	sld [smem:$0x3FB3];
	_ =	sdelay $0x3  }
0x36: {  	p1 =	seq.s32 s10, $0x1;
	s10 =	sld [smem:$0x3FB4];
	_ =	sdelay $0x3  }
0x37: {  	[smem:$0x3FB4] =	sst s10  }
0x38: {  	s10 =	sld [smem:$0x3FB5]  }
0x39: {  	_ = 	snop;
	(pc) =	sbr.ind lr, $3  }
0x3a: {  	_ = 	snop  }
0x3b: {  	_ = 	snop  }
0x3c: {  	p2 =	seq.s32 s10, $0x1;
	s10 =	sld [smem:$0x3FB4]  }
0x3d: {  	_ =	shalt  }
0x3e: {  	_ =	shalt  }
0x3f: {  	_ =	shalt  }
0x40: {  	_ =	shalt  }
0x41: {  	_ =	shalt  }
0x42: {  	_ =	shalt  }
0x43: {  	_ =	shalt  }
0x44: {  	_ =	shalt  }
0x45: {  	_ =	shalt  }
0x46: {  	_ =	shalt  }
0x47: {  	_ =	shalt  }
0x48: {  	_ =	shalt  }
0x49: {  	_ =	shalt  }
0x4a: {  	_ =	shalt  }
0x4b: {  	_ =	shalt  }
0x4c: {  	_ =	shalt  }
0x4d: {  	_ =	shalt  }
0x4e: {  	_ =	shalt  }
0x4f: {  	_ =	shalt  }
0x50: {  	_ =	shalt  }
0x51: {  	_ =	shalt  }
0x52: {  	_ =	shalt  }
0x53: {  	_ =	shalt  }
0x54: {  	_ =	shalt  }
0x55: {  	_ =	shalt  }
0x56: {  	_ =	shalt  }
0x57: {  	_ =	shalt  }
0x58: {  	_ =	shalt  }
0x59: {  	_ =	shalt  }
0x5a: {  	_ =	shalt  }
0x5b: {  	_ =	shalt  }
0x5c: {  	_ =	shalt  }
0x5d: {  	_ =	shalt  }
0x5e: {  	_ =	shalt  }
0x5f: {  	_ =	shalt  }
0x60: {  	_ =	shalt  }
0x61: {  	_ =	shalt  }
0x62: {  	_ =	shalt  }
0x63: {  	_ =	shalt  }
0x64: {  	_ =	shalt  }
0x65: {  	_ =	shalt  }
0x66: {  	_ =	shalt  }
0x67: {  	_ =	shalt  }
0x68: {  	_ =	shalt  }
0x69: {  	_ =	shalt  }
0x6a: {  	_ =	shalt  }
0x6b: {  	_ =	shalt  }
0x6c: {  	_ =	shalt  }
0x6d: {  	_ =	shalt  }
0x6e: {  	_ =	shalt  }
0x6f: {  	_ =	shalt  }
0x70: {  	_ =	shalt  }
0x71: {  	_ =	shalt  }
0x72: {  	_ =	shalt  }
0x73: {  	_ =	shalt  }
0x74: {  	_ =	shalt  }
0x75: {  	_ =	shalt  }
0x76: {  	_ =	shalt  }
0x77: {  	_ =	shalt  }
0x78: {  	_ =	shalt  }
0x79: {  	_ =	shalt  }
0x7a: {  	_ =	shalt  }
0x7b: {  	_ =	shalt  }
0x7c: {  	_ =	shalt  }
0x7d: {  	_ =	shalt  }
0x7e: {  	_ =	shalt  }
0x7f: {  	_ =	shalt  }
0x80: {  	_ =	shalt  }
0x81: {  	_ =	shalt  }
0x82: {  	_ =	shalt  }
0x83: {  	_ =	shalt  }
0x84: {  	_ =	shalt  }
0x85: {  	_ =	shalt  }
0x86: {  	_ =	shalt  }
0x87: {  	_ =	shalt  }
.Lfunc_end0:
.L_simem_size_0:
called_computation.2_lowered:
.L_overlay_start_0:
0x88: {  	s2 =	sld [smem:$0x3FD9]  }
0x89: {  	s3 =	sld [smem:$0x3FFE];
	_ =	sdelay $0x1  }
0x8a: {  	s1 =	srdreg.scid  }
0x8b: {  	s0 =	sand.u32 $0x1, s1  }
0x8c: {  	s17 =	sshll.u32 s0, $0xA;
	s2 =	sadd.s32 s3, s2  }
0x8d: {  	s2 =	sadd.s32 s2, s17  }
0x8e: {  	[smem:$0x3FC0] =	sst s2  }
0x8f: {  	_ = 	snop  }
0x90: {  	s2 =	sld [smem:$0x3FD0];
	(tm) =	ssettm $0x1  }
0x91: {  	s18 =	sld [smem:$0x3FFB];
	_ =	sdelay $0x3  }
0x92: {  	_ =	strace s18  }
0x93: {  	s3 =	sld [smem:$0x3FFC];
	_ =	sdelay $0x3  }
0x94: {  	_ =	strace s3  }
0x95: {  	s3 =	sld [smem:$0x3FFD];
	_ =	sdelay $0x3  }
0x96: {  	_ =	strace s3  }
0x97: {  	_ =	strace $0x8FFFFFFF  }
0x98: {  	s19 =	sld [smem:$0x3FDB];
	_ =	sdelay $0x1  }
0x99: {  	s4 =	simm.s32 $_scs_section_size  }
0x9a: {  	s5 =	simm.s32 $_size__tile_overlayer_lowered;
	s6 =	simm.s32 $_tile_overlayer_lowered  }
0x9b: {  	s22 =	simm.s32 $0x1BFF;
	s21 =	sshll.u32 s6, $0x1;
	s3 =	sadd.s32 s4, s19  }
0x9c: {  	s7 =	simm.s32 $0x0;
	s20 =	sshll.u32 s5, $0x1;
	s5 =	sadd.s32 s21, s3  }
0x9d: {  	[timem:s7], [sflag:s22] =	dma.local [hbm:s5], s20  }
0x9e: {  	_ =	swait.ge [sflag:s22], s20  }
0x9f: {  	s4 =	ssub.s32 $0x0, s20;
	[sflag:s22] =	ssyncset.done $0x0  }
0xa0: {  	[sflag:s22] =	ssyncadd.s32 s4;
	_ =	sdelay $0x1  }
0xa1: {  	s23 =	simm.s32 $0x1B8B  }
0xa2: {  	_ =	swait.ge [sflag:s23], $0x1  }
0xa3: {  	[sflag:s23] =	ssyncset.done $0x0  }
0xa4: {  	s25 =	simm.s32 $0x1B8E;
	s24 =	sld [smem:$0x3FFE];
	[sflag:s23] =	ssyncadd.s32 $0xFFFFFFFF  }
0xa5: {  	s26 =	simm.s32 $execute0_lowered;
	[smem:$0x3FD2] =	sst s25  }
0xa6: {  	s5 =	sshll.u32 s26, $0x1;
	_ =	strace $0x80000049;
	[dreg:$0x1] =	wrdreg $0xFFFFFFFF  }
0xa7: {  	s28 =	simm.s32 $_size_execute0_lowered;
	s3 =	sadd.s32 s3, s5;
	[dreg:$0x0] =	wrdreg $0x0  }
0xa8: {  	s5 =	sshll.u32 s28, $0x1;
	[dreg:$0x2] =	wrdreg s3  }
0xa9: {  	[dreg:$0x3] =	wrdreg s5  }
0xaa: {  	[dreg:$0x4] =	wrdreg $0xC0  }
0xab: {  	_ =	task [dreg:s7], $0x5FFFF  }
0xac: {  	[dreg:$0x1] =	wrdreg $0xFFFFFFFF  }
0xad: {  	[dreg:$0x0] =	wrdreg $0x60  }
0xae: {  	[dreg:$0x2] =	wrdreg s24  }
0xaf: {  	[dreg:$0x3] =	wrdreg s2  }
0xb0: {  	[dreg:$0x4] =	wrdreg $0x170000  }
0xb1: {  	[dreg:$0x5] =	wrdreg $0x120000  }
0xb2: {  	[dreg:$0x6] =	wrdreg $0xA  }
0xb3: {  	_ =	task.clear_ibuf [dreg:s7], $0x7FFFF;
	_ =	strace $0x90000049  }
0xb4: {  	s29 =	simm.s32 $0xA;
	_ =	strace $0x8000004B  }
0xb5: {  	_ =	swait.ge [sflag:s29], $0x1  }
0xb6: {  	[sflag:s29] =	ssyncadd.s32 $0xFFFFFFFF  }
0xb7: {  	_ =	strace $0x9000004B  }
0xb8: {  	_ =	sfence  }
0xb9: {  	s30 =	sld [smem:$0x0];
	_ =	sdelay $0x2  }
0xba: {  	s31 =	sshll.u32 s1, $0xD;
	s1 =	sshrl.u32 s1, $0x2  }
0xbb: {  	s3 =	sand.u32 $0x4000, s31;
	s1 =	sadd.s32 s1, s30  }
0xbc: {  	s0 =	sor.u32 s3, s0;
	s1 =	sshll.u32 s1, $0x11  }
0xbd: {  	s0 =	sor.u32 s1, s0  }
0xbe: {  	s0 =	sadd.s32 $0x8F2B, s0  }
0xbf: {  	[sflag:s0] =	ssyncadd.remote.s32 $0x1  }
0xc0: {  	_ =	sfence.sel $0xFFFF  }
0xc1: {  	[dreg:$0x0] =	wrdreg $0xFFFFFFFF;
	(pc) =	sbr.abs _section_cstart, $3  }
0xc2: {  	[dreg:$0x1] =	wrdreg $0xFFFFFFFF  }
0xc3: {  	_ =	task.clear_ibuf [dreg:s7], $0x2FFFF;
	_ =	strace $0x9FFFFFFF  }
0xc4: {  	(tm) =	ssettm $0x7FFFFFFF  }
0xc5: {  	_ =	shalt  }
tec
execute0_lowered:
.L_overlay_start_1:
0x0: {  	(tag) =	ssettag $0x1  }
0x1: {  	s0 =	rddreg [dreg:$0x0]  }
0x2: {  	s1 =	rddreg [dreg:$0x1]  }
0x3: {  	s2 =	rddreg [dreg:$0x2]  }
0x4: {  	s3 =	rddreg [dreg:$0x3];
	s5 =	simm.s32 $0x0;
	s10 =	stileid.u32  }
0x5: {  	s4 =	srdreg.scid;
	s13 =	simm.s32 $0x1;
	s14 =	simm.s32 $0x4  }
0x6: {  	s15 =	simm.s32 $0x8;
	s28 =	simm.s32 $0xD000;
	s30 =	simm.s32 $0xE000  }
0x7: {  	s29 =	simm.s32 $0x5;
	s31 =	simm.s32 $0x6;
	s11 =	simm.s32 $0xE  }
0x8: {  	s12 =	simm.s32 $0xF;
	s16 =	simm.s32 $0x10;
	s17 =	smul.u32 $0xA000, s10  }
0x9: {  	[smem:$0x7FF] =	sst s5;
	s4 =	sand.u32 $0x1, s4;
	s7 =	smul.u32 $0xA00, s10  }
0xa: {  	s8 =	smul.u32 $0x5000, s10;
	s10 =	sshll.u32 s10, $0x6;
	_ =	strace $0x8000004A  }
0xb: {  	s6 =	sshll.u32 s4, $0x5;
	s4 =	ssub.s32 $0x2, s4;
	s21 =	sor.u32 $0x1C01, s10  }
0xc: {  	[dreg:$0x6] =	wrdreg s10;
	s26 =	sor.u32 $0x1C02, s10;
	s10 =	simm.s32 $0xD  }
0xd: {  	s5 =	sor.u32 s6, s17;
	s18 =	sshrl.u32 s4, $0x1;
	s9 =	sadd.s32 s7, s0  }
0xe: {  	s19 =	sadd.s32 s8, s2;
	[dreg:$0x7] =	wrdreg s21;
	s22 =	sadd.s32 s8, s3  }
0xf: {  	s1 =	sadd.s32 s1, s7;
	[dreg:$0xd] =	wrdreg s26;
	s21 =	simm.s32 $0x80  }
0x10: {  	s26 =	simm.s32 $0x11000;
	s7 =	simm.s32 $0xA;
	s8 =	simm.s32 $0xB  }
0x11: {  	s17 =	simm.s32 $0x0;
	s5 =	sshrl.u32 s5, $0x3;
	s4 =	ssub.s32 s4, s18  }
0x12: {  	s23 =	sadd.s32 $0x12400, s9;
	[dreg:$0x9] =	wrdreg s1;
	s25 =	sshrl.u32 s19, $0x3  }
0x13: {  	s6 =	sshrl.u32 s22, $0x3;
	s19 =	simm.s32 $0x2;
	s22 =	simm.s32 $0xA000  }
0x14: {  	s18 =	simm.s32 $0x10000;
	s1 =	simm.s32 $0x7;
	[dreg:$0x8] =	wrdreg s23  }
0x15: {  	s9 =	simm.s32 $0xC;
	s0 =	sadd.s32 s5, s0;
	[dreg:$0xc] =	wrdreg s25  }
0x16: {  	s24 =	smax.u32 s4, $0x1;
	s23 =	simm.s32 $0xB000;
	[dreg:$0xe] =	wrdreg s6  }
0x17: {  	s25 =	simm.s32 $0xC000;
	s20 =	sadd.s32 $0x6C400, s0;
	[dreg:$0xb] =	wrdreg s24  }
0x18: {  	s0 =	sadd.s32 $0x80400, s0;
	s24 =	simm.s32 $0x9;
	[dreg:$0x5] =	wrdreg s20  }
0x19: {  	[dreg:$0xa] =	wrdreg s0;
	s20 =	simm.s32 $0x3;
	s0 =	simm.s32 $0xF000  }
.LBB2_1:
0x1a: {  	[dreg:$0xf] =	wrdreg s17  }
0x1b: {  	s5 =	rddreg [dreg:$0x5]  }
0x1c: {  	s4 =	smov.u32 s6;
	s6 =	rddreg [dreg:$0x7]  }
0x1d: {  	s17 =	rddreg [dreg:$0xc]  }
0x1e: {  	[spmem:s17@s14], [sflag:s6] =	dma.strided [hbm:s5@s15], $0xA00, s13, $0x4   }
0x1f: {  	s6 =	rddreg [dreg:$0xd]  }
0x20: {  	[spmem:s4@s14], [sflag:s6] =	dma.strided [hbm:s5@s15], $0xA00, s13, $0x4   }
0x21: {  	s5 =	simm.s32 $0x0;
	s6 =	rddreg [dreg:$0x8]  }
0x22: {  	[tilespmem:s5], [sflag:$0x3] =	stream.linear.gather [hbm4b:s6+s5], $0x5000, $0x38;
	[tilespmem:$0x1C000] =	vst v63  }
0x23: {  	s17 =	simm.s32 $0x5000;
	s4 =	rddreg [dreg:$0x9]  }
0x24: {  	[tilespmem:s17], [sflag:$0x4] =	stream.linear.gather [hbm4b:s4+s5], $0x5000, $0x38;
	[tilespmem:$0x1C000] =	vst v63  }
0x25: {  	_ =	swait.ge [sflag:s13], $0xA00  }
0x26: {  	[sflag:s13] =	ssyncset.done $0x0  }
0x27: {  	[sflag:s13] =	ssyncadd.s32 $0xFFFFF600  }
0x28: {  	_ =	swait.ge [sflag:s19], $0xA00  }
0x29: {  	[sflag:s19] =	ssyncset.done $0x0  }
0x2a: {  	[sflag:s19] =	ssyncadd.s32 $0xFFFFF600  }
0x2b: {  	_ =	swait.ge [sflag:s20], $0x5000  }
0x2c: {  	[sflag:s20] =	ssyncset.done $0x0  }
0x2d: {  	[sflag:s20] =	ssyncadd.s32 $0xFFFFB000  }
0x2e: {  	_ =	swait.ge [sflag:s14], $0x5000  }
0x2f: {  	[sflag:s14] =	ssyncset.done $0x0  }
0x30: {  	[sflag:s14] =	ssyncadd.s32 $0xFFFFB000  }
0x31: {  	[bflag:$0x0] =	sbarrier.arrive $0xFFFF  }
0x32: {  	[tilespmem:s22], [sflag:$0x1] =	stream.indirect.gather [spmem:s2], $0x20, s5, s21, $0xb8;
	[tilespmem:$0x1C000] =	vst v63  }
0x33: {  	_ = 	snop  }
0x34: {  	[tilespmem:s23], [sflag:$0x2] =	stream.indirect.gather [spmem:s2], $0x20, s21, s21, $0xb8;
	[tilespmem:$0x1C000] =	vst v63  }
0x35: {  	s5 =	simm.s32 $0x100  }
0x36: {  	[tilespmem:s25], [sflag:$0x3] =	stream.indirect.gather [spmem:s2], $0x20, s5, s21, $0xb8;
	[tilespmem:$0x1C000] =	vst v63  }
0x37: {  	s6 =	simm.s32 $0x180  }
0x38: {  	[tilespmem:s28], [sflag:$0x4] =	stream.indirect.gather [spmem:s2], $0x20, s6, s21, $0xb8;
	[tilespmem:$0x1C000] =	vst v63  }
0x39: {  	s17 =	simm.s32 $0x200  }
0x3a: {  	[tilespmem:s30], [sflag:$0x5] =	stream.indirect.gather [spmem:s2], $0x20, s17, s21, $0xb8;
	[tilespmem:$0x1C000] =	vst v63  }
0x3b: {  	s5 =	simm.s32 $0x280  }
0x3c: {  	[tilespmem:s0], [sflag:$0x6] =	stream.indirect.gather [spmem:s2], $0x20, s5, s21, $0xb8;
	[tilespmem:$0x1C000] =	vst v63  }
0x3d: {  	s6 =	simm.s32 $0x300  }
0x3e: {  	[tilespmem:s18], [sflag:$0x7] =	stream.indirect.gather [spmem:s2], $0x20, s6, s21, $0xb8;
	[tilespmem:$0x1C000] =	vst v63  }
0x3f: {  	s17 =	simm.s32 $0x380  }
0x40: {  	[tilespmem:s26], [sflag:$0x8] =	stream.indirect.gather [spmem:s2], $0x20, s17, s21, $0xb8;
	[tilespmem:$0x1C000] =	vst v63  }
0x41: {  	_ =	swait.ge [sflag:s13], $0x1000  }
0x42: {  	[sflag:s13] =	ssyncset.done $0x0  }
0x43: {  	s4 =	simm.s32 $0x5000;
	[sflag:s13] =	ssyncadd.s32 $0xFFFFF000  }
0x44: {  	[spmem:s3] =	stream.indirect.scatter.add.f32 [tilespmem:s22], [sflag:$0x9], $0x20, s4, s21, $0xb8;
	[tilespmem:$0x1C000] =	vst v63  }
0x45: {  	_ =	swait.ge [sflag:s19], $0x1000  }
0x46: {  	[sflag:s19] =	ssyncset.done $0x0  }
0x47: {  	s6 =	simm.s32 $0x5080;
	[sflag:s19] =	ssyncadd.s32 $0xFFFFF000  }
0x48: {  	[spmem:s3] =	stream.indirect.scatter.add.f32 [tilespmem:s23], [sflag:$0xA], $0x20, s6, s21, $0xb8;
	[tilespmem:$0x1C000] =	vst v63  }
0x49: {  	_ =	swait.ge [sflag:s20], $0x1000  }
0x4a: {  	[sflag:s20] =	ssyncset.done $0x0  }
0x4b: {  	s17 =	simm.s32 $0x5100;
	[sflag:s20] =	ssyncadd.s32 $0xFFFFF000  }
0x4c: {  	[spmem:s3] =	stream.indirect.scatter.add.f32 [tilespmem:s25], [sflag:$0xB], $0x20, s17, s21, $0xb8;
	[tilespmem:$0x1C000] =	vst v63  }
0x4d: {  	_ =	swait.ge [sflag:s14], $0x1000  }
0x4e: {  	[sflag:s14] =	ssyncset.done $0x0  }
0x4f: {  	s4 =	simm.s32 $0x5180;
	[sflag:s14] =	ssyncadd.s32 $0xFFFFF000  }
0x50: {  	[spmem:s3] =	stream.indirect.scatter.add.f32 [tilespmem:s28], [sflag:$0xC], $0x20, s4, s21, $0xb8;
	[tilespmem:$0x1C000] =	vst v63  }
0x51: {  	_ =	swait.ge [sflag:s29], $0x1000  }
0x52: {  	[sflag:s29] =	ssyncset.done $0x0  }
0x53: {  	s6 =	simm.s32 $0x5200;
	[sflag:s29] =	ssyncadd.s32 $0xFFFFF000  }
0x54: {  	[spmem:s3] =	stream.indirect.scatter.add.f32 [tilespmem:s30], [sflag:$0xD], $0x20, s6, s21, $0xb8;
	[tilespmem:$0x1C000] =	vst v63  }
0x55: {  	_ =	swait.ge [sflag:s31], $0x1000  }
0x56: {  	[sflag:s31] =	ssyncset.done $0x0  }
0x57: {  	s17 =	simm.s32 $0x5280;
	[sflag:s31] =	ssyncadd.s32 $0xFFFFF000  }
0x58: {  	[spmem:s3] =	stream.indirect.scatter.add.f32 [tilespmem:s0], [sflag:$0xE], $0x20, s17, s21, $0xb8;
	[tilespmem:$0x1C000] =	vst v63  }
0x59: {  	_ =	swait.ge [sflag:s1], $0x1000  }
0x5a: {  	[sflag:s1] =	ssyncset.done $0x0  }
0x5b: {  	s4 =	simm.s32 $0x5300;
	[sflag:s1] =	ssyncadd.s32 $0xFFFFF000  }
0x5c: {  	[spmem:s3] =	stream.indirect.scatter.add.f32 [tilespmem:s18], [sflag:$0xF], $0x20, s4, s21, $0xb8;
	[tilespmem:$0x1C000] =	vst v63  }
0x5d: {  	_ =	swait.ge [sflag:s15], $0x1000  }
0x5e: {  	[sflag:s15] =	ssyncset.done $0x0  }
0x5f: {  	s6 =	simm.s32 $0x5380;
	[sflag:s15] =	ssyncadd.s32 $0xFFFFF000  }
0x60: {  	[spmem:s3] =	stream.indirect.scatter.add.f32 [tilespmem:s26], [sflag:$0x10], $0x20, s6, s21, $0xb8;
	[tilespmem:$0x1C000] =	vst v63  }
0x61: {  	_ =	swait.ge [sflag:s24], $0x1000  }
0x62: {  	[sflag:s24] =	ssyncset.done $0x0  }
0x63: {  	s17 =	simm.s32 $0x400;
	[sflag:s24] =	ssyncadd.s32 $0xFFFFF000  }
0x64: {  	[tilespmem:s22], [sflag:$0x1] =	stream.indirect.gather [spmem:s2], $0x20, s17, s21, $0xb8;
	[tilespmem:$0x1C000] =	vst v63  }
0x65: {  	_ =	swait.ge [sflag:s7], $0x1000  }
0x66: {  	[sflag:s7] =	ssyncset.done $0x0  }
0x67: {  	s4 =	simm.s32 $0x480;
	[sflag:s7] =	ssyncadd.s32 $0xFFFFF000  }
0x68: {  	[tilespmem:s23], [sflag:$0x2] =	stream.indirect.gather [spmem:s2], $0x20, s4, s21, $0xb8;
	[tilespmem:$0x1C000] =	vst v63  }
0x69: {  	_ =	swait.ge [sflag:s8], $0x1000  }
0x6a: {  	[sflag:s8] =	ssyncset.done $0x0  }
0x6b: {  	s6 =	simm.s32 $0x500;
	[sflag:s8] =	ssyncadd.s32 $0xFFFFF000  }
0x6c: {  	[tilespmem:s25], [sflag:$0x3] =	stream.indirect.gather [spmem:s2], $0x20, s6, s21, $0xb8;
	[tilespmem:$0x1C000] =	vst v63  }
0x6d: {  	_ =	swait.ge [sflag:s9], $0x1000  }
0x6e: {  	[sflag:s9] =	ssyncset.done $0x0  }
0x6f: {  	s17 =	simm.s32 $0x580;
	[sflag:s9] =	ssyncadd.s32 $0xFFFFF000  }
0x70: {  	[tilespmem:s28], [sflag:$0x4] =	stream.indirect.gather [spmem:s2], $0x20, s17, s21, $0xb8;
	[tilespmem:$0x1C000] =	vst v63  }
0x71: {  	_ =	swait.ge [sflag:s10], $0x1000  }
0x72: {  	[sflag:s10] =	ssyncset.done $0x0  }
0x73: {  	s4 =	simm.s32 $0x600;
	[sflag:s10] =	ssyncadd.s32 $0xFFFFF000  }
0x74: {  	[tilespmem:s30], [sflag:$0x5] =	stream.indirect.gather [spmem:s2], $0x20, s4, s21, $0xb8;
	[tilespmem:$0x1C000] =	vst v63  }
0x75: {  	_ =	swait.ge [sflag:s11], $0x1000  }
0x76: {  	[sflag:s11] =	ssyncset.done $0x0  }
0x77: {  	s6 =	simm.s32 $0x680;
	[sflag:s11] =	ssyncadd.s32 $0xFFFFF000  }
0x78: {  	[tilespmem:s0], [sflag:$0x6] =	stream.indirect.gather [spmem:s2], $0x20, s6, s21, $0xb8;
	[tilespmem:$0x1C000] =	vst v63  }
0x79: {  	_ =	swait.ge [sflag:s12], $0x1000  }
0x7a: {  	[sflag:s12] =	ssyncset.done $0x0  }
0x7b: {  	s17 =	simm.s32 $0x700;
	[sflag:s12] =	ssyncadd.s32 $0xFFFFF000  }
0x7c: {  	[tilespmem:s18], [sflag:$0x7] =	stream.indirect.gather [spmem:s2], $0x20, s17, s21, $0xb8;
	[tilespmem:$0x1C000] =	vst v63  }
0x7d: {  	_ =	swait.ge [sflag:s16], $0x1000  }
0x7e: {  	[sflag:s16] =	ssyncset.done $0x0  }
0x7f: {  	s5 =	simm.s32 $0x780;
	s6 =	simm.s32 $0x1000;
	[sflag:s16] =	ssyncadd.s32 $0xFFFFF000  }
.LBB2_2:
0x80: {  	[tilespmem:s26], [sflag:$0x8] =	stream.indirect.gather [spmem:s2], $0x20, s5, s21, $0xb8;
	[tilespmem:$0x1C000] =	vst v63  }
0x81: {  	s5 =	smov.u32 s6  }
0x82: {  	p0 =	sne.s32 s6, $0x12000;
	s6 =	sadd.s32 $0x1000, s6;
	_ =	swait.ge [sflag:s13], $0x1000  }
0x83: {  	s5 =	sshra.s32 s5, $0x2;
	[sflag:s13] =	ssyncset.done $0x0  }
0x84: {  	s17 =	sadd.s32 $0x5000, s5;
	[sflag:s13] =	ssyncadd.s32 $0xFFFFF000  }
0x85: {  	[spmem:s3] =	stream.indirect.scatter.add.f32 [tilespmem:s22], [sflag:$0x9], $0x20, s17, s21, $0xb8;
	[tilespmem:$0x1C000] =	vst v63  }
0x86: {  	_ =	swait.ge [sflag:s19], $0x1000  }
0x87: {  	[sflag:s19] =	ssyncset.done $0x0  }
0x88: {  	s17 =	sadd.s32 $0x5080, s5;
	[sflag:s19] =	ssyncadd.s32 $0xFFFFF000  }
0x89: {  	[spmem:s3] =	stream.indirect.scatter.add.f32 [tilespmem:s23], [sflag:$0xA], $0x20, s17, s21, $0xb8;
	[tilespmem:$0x1C000] =	vst v63  }
0x8a: {  	_ =	swait.ge [sflag:s20], $0x1000  }
0x8b: {  	[sflag:s20] =	ssyncset.done $0x0  }
0x8c: {  	s17 =	sadd.s32 $0x5100, s5;
	[sflag:s20] =	ssyncadd.s32 $0xFFFFF000  }
0x8d: {  	[spmem:s3] =	stream.indirect.scatter.add.f32 [tilespmem:s25], [sflag:$0xB], $0x20, s17, s21, $0xb8;
	[tilespmem:$0x1C000] =	vst v63  }
0x8e: {  	_ =	swait.ge [sflag:s14], $0x1000  }
0x8f: {  	[sflag:s14] =	ssyncset.done $0x0  }
0x90: {  	s17 =	sadd.s32 $0x5180, s5;
	[sflag:s14] =	ssyncadd.s32 $0xFFFFF000  }
0x91: {  	[spmem:s3] =	stream.indirect.scatter.add.f32 [tilespmem:s28], [sflag:$0xC], $0x20, s17, s21, $0xb8;
	[tilespmem:$0x1C000] =	vst v63  }
0x92: {  	_ =	swait.ge [sflag:s29], $0x1000  }
0x93: {  	[sflag:s29] =	ssyncset.done $0x0  }
0x94: {  	s17 =	sadd.s32 $0x5200, s5;
	[sflag:s29] =	ssyncadd.s32 $0xFFFFF000  }
0x95: {  	[spmem:s3] =	stream.indirect.scatter.add.f32 [tilespmem:s30], [sflag:$0xD], $0x20, s17, s21, $0xb8;
	[tilespmem:$0x1C000] =	vst v63  }
0x96: {  	_ =	swait.ge [sflag:s31], $0x1000  }
0x97: {  	[sflag:s31] =	ssyncset.done $0x0  }
0x98: {  	s17 =	sadd.s32 $0x5280, s5;
	[sflag:s31] =	ssyncadd.s32 $0xFFFFF000  }
0x99: {  	[spmem:s3] =	stream.indirect.scatter.add.f32 [tilespmem:s0], [sflag:$0xE], $0x20, s17, s21, $0xb8;
	[tilespmem:$0x1C000] =	vst v63  }
0x9a: {  	_ =	swait.ge [sflag:s1], $0x1000  }
0x9b: {  	[sflag:s1] =	ssyncset.done $0x0  }
0x9c: {  	s17 =	sadd.s32 $0x5300, s5;
	[sflag:s1] =	ssyncadd.s32 $0xFFFFF000  }
0x9d: {  	[spmem:s3] =	stream.indirect.scatter.add.f32 [tilespmem:s18], [sflag:$0xF], $0x20, s17, s21, $0xb8;
	[tilespmem:$0x1C000] =	vst v63  }
0x9e: {  	_ =	swait.ge [sflag:s15], $0x1000  }
0x9f: {  	[sflag:s15] =	ssyncset.done $0x0  }
0xa0: {  	s17 =	sadd.s32 $0x5380, s5;
	[sflag:s15] =	ssyncadd.s32 $0xFFFFF000  }
0xa1: {  	[spmem:s3] =	stream.indirect.scatter.add.f32 [tilespmem:s26], [sflag:$0x10], $0x20, s17, s21, $0xb8;
	[tilespmem:$0x1C000] =	vst v63  }
0xa2: {  	_ =	swait.ge [sflag:s24], $0x1000  }
0xa3: {  	[sflag:s24] =	ssyncset.done $0x0  }
0xa4: {  	s17 =	sadd.s32 $0x400, s5;
	[sflag:s24] =	ssyncadd.s32 $0xFFFFF000  }
0xa5: {  	[tilespmem:s22], [sflag:$0x1] =	stream.indirect.gather [spmem:s2], $0x20, s17, s21, $0xb8;
	[tilespmem:$0x1C000] =	vst v63  }
0xa6: {  	_ =	swait.ge [sflag:s7], $0x1000  }
0xa7: {  	[sflag:s7] =	ssyncset.done $0x0  }
0xa8: {  	s17 =	sadd.s32 $0x480, s5;
	[sflag:s7] =	ssyncadd.s32 $0xFFFFF000  }
0xa9: {  	[tilespmem:s23], [sflag:$0x2] =	stream.indirect.gather [spmem:s2], $0x20, s17, s21, $0xb8;
	[tilespmem:$0x1C000] =	vst v63  }
0xaa: {  	_ =	swait.ge [sflag:s8], $0x1000  }
0xab: {  	[sflag:s8] =	ssyncset.done $0x0  }
0xac: {  	s17 =	sadd.s32 $0x500, s5;
	[sflag:s8] =	ssyncadd.s32 $0xFFFFF000  }
0xad: {  	[tilespmem:s25], [sflag:$0x3] =	stream.indirect.gather [spmem:s2], $0x20, s17, s21, $0xb8;
	[tilespmem:$0x1C000] =	vst v63  }
0xae: {  	_ =	swait.ge [sflag:s9], $0x1000  }
0xaf: {  	[sflag:s9] =	ssyncset.done $0x0  }
0xb0: {  	s17 =	sadd.s32 $0x580, s5;
	[sflag:s9] =	ssyncadd.s32 $0xFFFFF000  }
0xb1: {  	[tilespmem:s28], [sflag:$0x4] =	stream.indirect.gather [spmem:s2], $0x20, s17, s21, $0xb8;
	[tilespmem:$0x1C000] =	vst v63  }
0xb2: {  	_ =	swait.ge [sflag:s10], $0x1000  }
0xb3: {  	[sflag:s10] =	ssyncset.done $0x0  }
0xb4: {  	s17 =	sadd.s32 $0x600, s5;
	[sflag:s10] =	ssyncadd.s32 $0xFFFFF000  }
0xb5: {  	[tilespmem:s30], [sflag:$0x5] =	stream.indirect.gather [spmem:s2], $0x20, s17, s21, $0xb8;
	[tilespmem:$0x1C000] =	vst v63  }
0xb6: {  	_ =	swait.ge [sflag:s11], $0x1000  }
0xb7: {  	[sflag:s11] =	ssyncset.done $0x0  }
0xb8: {  	s17 =	sadd.s32 $0x680, s5;
	[sflag:s11] =	ssyncadd.s32 $0xFFFFF000  }
0xb9: {  	[tilespmem:s0], [sflag:$0x6] =	stream.indirect.gather [spmem:s2], $0x20, s17, s21, $0xb8;
	[tilespmem:$0x1C000] =	vst v63  }
0xba: {  	_ =	swait.ge [sflag:s12], $0x1000  }
0xbb: {  	[sflag:s12] =	ssyncset.done $0x0  }
.Ltmp0:
0xbc: {  	s17 =	sadd.s32 $0x700, s5;
	[sflag:s12] =	ssyncadd.s32 $0xFFFFF000;
	(pc) =	sbr.rel @p0 .LBB2_2-.Ltmp0, $4  }
0xbd: {  	[tilespmem:s18], [sflag:$0x7] =	stream.indirect.gather [spmem:s2], $0x20, s17, s21, $0xb8;
	[tilespmem:$0x1C000] =	vst v63  }
0xbe: {  	_ =	swait.ge [sflag:s16], $0x1000  }
0xbf: {  	[sflag:s16] =	ssyncset.done $0x0  }
0xc0: {  	s5 =	sadd.s32 $0x780, s5;
	[sflag:s16] =	ssyncadd.s32 $0xFFFFF000  }
0xc1: {  	[tilespmem:s26], [sflag:$0x8] =	stream.indirect.gather [spmem:s2], $0x20, s5, s21, $0xb8;
	[tilespmem:$0x1C000] =	vst v63  }
0xc2: {  	_ =	swait.ge [sflag:s13], $0x1000  }
0xc3: {  	[sflag:s13] =	ssyncset.done $0x0  }
0xc4: {  	s4 =	simm.s32 $0x9C00;
	[sflag:s13] =	ssyncadd.s32 $0xFFFFF000  }
0xc5: {  	[spmem:s3] =	stream.indirect.scatter.add.f32 [tilespmem:s22], [sflag:$0x9], $0x20, s4, s21, $0xb8;
	[tilespmem:$0x1C000] =	vst v63  }
0xc6: {  	_ =	swait.ge [sflag:s19], $0x1000  }
0xc7: {  	[sflag:s19] =	ssyncset.done $0x0  }
0xc8: {  	s5 =	simm.s32 $0x9C80;
	[sflag:s19] =	ssyncadd.s32 $0xFFFFF000  }
0xc9: {  	[spmem:s3] =	stream.indirect.scatter.add.f32 [tilespmem:s23], [sflag:$0xA], $0x20, s5, s21, $0xb8;
	[tilespmem:$0x1C000] =	vst v63  }
0xca: {  	_ =	swait.ge [sflag:s20], $0x1000  }
0xcb: {  	[sflag:s20] =	ssyncset.done $0x0  }
0xcc: {  	s6 =	simm.s32 $0x9D00;
	[sflag:s20] =	ssyncadd.s32 $0xFFFFF000  }
0xcd: {  	[spmem:s3] =	stream.indirect.scatter.add.f32 [tilespmem:s25], [sflag:$0xB], $0x20, s6, s21, $0xb8;
	[tilespmem:$0x1C000] =	vst v63  }
0xce: {  	_ =	swait.ge [sflag:s14], $0x1000  }
0xcf: {  	[sflag:s14] =	ssyncset.done $0x0  }
0xd0: {  	s17 =	simm.s32 $0x9D80;
	[sflag:s14] =	ssyncadd.s32 $0xFFFFF000  }
0xd1: {  	[spmem:s3] =	stream.indirect.scatter.add.f32 [tilespmem:s28], [sflag:$0xC], $0x20, s17, s21, $0xb8;
	[tilespmem:$0x1C000] =	vst v63  }
0xd2: {  	_ =	swait.ge [sflag:s29], $0x1000  }
0xd3: {  	[sflag:s29] =	ssyncset.done $0x0  }
0xd4: {  	s5 =	simm.s32 $0x9E00;
	[sflag:s29] =	ssyncadd.s32 $0xFFFFF000  }
0xd5: {  	[spmem:s3] =	stream.indirect.scatter.add.f32 [tilespmem:s30], [sflag:$0xD], $0x20, s5, s21, $0xb8;
	[tilespmem:$0x1C000] =	vst v63  }
0xd6: {  	_ =	swait.ge [sflag:s31], $0x1000  }
0xd7: {  	[sflag:s31] =	ssyncset.done $0x0  }
0xd8: {  	s6 =	simm.s32 $0x9E80;
	[sflag:s31] =	ssyncadd.s32 $0xFFFFF000  }
0xd9: {  	[spmem:s3] =	stream.indirect.scatter.add.f32 [tilespmem:s0], [sflag:$0xE], $0x20, s6, s21, $0xb8;
	[tilespmem:$0x1C000] =	vst v63  }
0xda: {  	_ =	swait.ge [sflag:s1], $0x1000  }
0xdb: {  	[sflag:s1] =	ssyncset.done $0x0  }
0xdc: {  	s17 =	simm.s32 $0x9F00;
	[sflag:s1] =	ssyncadd.s32 $0xFFFFF000  }
0xdd: {  	[spmem:s3] =	stream.indirect.scatter.add.f32 [tilespmem:s18], [sflag:$0xF], $0x20, s17, s21, $0xb8;
	[tilespmem:$0x1C000] =	vst v63  }
0xde: {  	_ =	swait.ge [sflag:s15], $0x1000  }
0xdf: {  	[sflag:s15] =	ssyncset.done $0x0  }
0xe0: {  	s5 =	simm.s32 $0x9F80;
	[sflag:s15] =	ssyncadd.s32 $0xFFFFF000  }
0xe1: {  	[spmem:s3] =	stream.indirect.scatter.add.f32 [tilespmem:s26], [sflag:$0x10], $0x20, s5, s21, $0xb8;
	[tilespmem:$0x1C000] =	vst v63  }
0xe2: {  	_ =	swait.ge [sflag:s24], $0x1000  }
0xe3: {  	[sflag:s24] =	ssyncset.done $0x0  }
0xe4: {  	[sflag:s24] =	ssyncadd.s32 $0xFFFFF000  }
0xe5: {  	_ =	swait.ge [sflag:s7], $0x1000  }
0xe6: {  	[sflag:s7] =	ssyncset.done $0x0  }
0xe7: {  	[sflag:s7] =	ssyncadd.s32 $0xFFFFF000  }
0xe8: {  	_ =	swait.ge [sflag:s8], $0x1000  }
0xe9: {  	[sflag:s8] =	ssyncset.done $0x0  }
0xea: {  	[sflag:s8] =	ssyncadd.s32 $0xFFFFF000  }
0xeb: {  	_ =	swait.ge [sflag:s9], $0x1000  }
0xec: {  	[sflag:s9] =	ssyncset.done $0x0  }
0xed: {  	[sflag:s9] =	ssyncadd.s32 $0xFFFFF000  }
0xee: {  	_ =	swait.ge [sflag:s10], $0x1000  }
0xef: {  	[sflag:s10] =	ssyncset.done $0x0  }
0xf0: {  	[sflag:s10] =	ssyncadd.s32 $0xFFFFF000  }
0xf1: {  	_ =	swait.ge [sflag:s11], $0x1000  }
0xf2: {  	[sflag:s11] =	ssyncset.done $0x0  }
0xf3: {  	[sflag:s11] =	ssyncadd.s32 $0xFFFFF000  }
0xf4: {  	_ =	swait.ge [sflag:s12], $0x1000  }
0xf5: {  	[sflag:s12] =	ssyncset.done $0x0  }
0xf6: {  	[sflag:s12] =	ssyncadd.s32 $0xFFFFF000  }
0xf7: {  	_ =	swait.ge [sflag:s16], $0x1000  }
0xf8: {  	[sflag:s16] =	ssyncset.done $0x0  }
0xf9: {  	[sflag:s16] =	ssyncadd.s32 $0xFFFFF000  }
0xfa: {  	[bflag:$0x0] =	sbarrier.arrive $0xFFFF  }
0xfb: {  	s6 =	rddreg [dreg:$0x6]  }
0xfc: {  	s17 =	rddreg [dreg:$0xe]  }
0xfd: {  	s4 =	simm.s32 $0x11;
	s5 =	sor.u32 $0x1C11, s6;
	s6 =	rddreg [dreg:$0xa]  }
0xfe: {  	[hbm:s6@s15], [sflag:s5] =	dma.strided [spmem:s17@s14], $0xA00, s13, $0x4   }
0xff: {  	_ =	swait.ge [sflag:s4], $0xA00  }
0x100: {  	s6 =	smov.u32 s17;
	s17 =	rddreg [dreg:$0xf]  }
0x101: {  	s5 =	rddreg [dreg:$0xb];
	s17 =	sadd.s32 $0x1, s17  }
0x102: {  	p0 =	sne.s32 s17, s5  }
.Ltmp1:
0x103: {  	_ = 	snop;
	(pc) =	sbr.rel @p0 .LBB2_1-.Ltmp1, $3  }
0x104: {  	_ =	sdelay $0x1  }
0x105: {  	[sflag:s4] =	ssyncset.done $0x0  }
0x106: {  	[sflag:s4] =	ssyncadd.s32 $0xFFFFF600  }
0x107: {  	_ =	sfence.sel $0x180000  }
0x108: {  	[bflag:$0x0] =	sbarrier.arrive $0xFFFF  }
0x109: {  	_ =	strace $0x9000004A  }
0x10a: {  	s0 =	stileid.u32;
	[bflag:$0x2] =	sbarrier.arrive $0xFFFF  }
0x10b: {  	p0 =	sne.s32 s0, $0x0;
	s0 =	rddreg [dreg:$0x4]  }
0x10c: {  	s0 =	sadd.s32 @!p0 $0x100000, s0  }
0x10d: {  	[sflag:s0] =	ssyncadd.tile.s32 @!p0 $0x1;
	_ =	shalt  }
.Lfunc_end2:
_tile_overlayer_lowered:
.L_overlay_start_2:
0x10e: {  	(tag) =	ssettag $0x2  }
0x10f: {  	s0 =	rddreg [dreg:$0x0];
	s2 =	stileid.u32  }
0x110: {  	s1 =	rddreg [dreg:$0x1];
	p0 =	sne.s32 s2, $0x0  }
0x111: {  	s3 =	rddreg [dreg:$0x2];
	[bflag:$0x3] =	sbarrier.arrive $0xFFFF;
	s2 =	simm.s32 @!p0 $0x1C11  }
0x112: {  	[timem:s3], [sflag:s2] =	dma.local @!p0 [hbm:s0], s1  }
0x113: {  	s0 =	simm.s32 @!p0 $0x11  }
0x114: {  	_ =	swait.ge @!p0 [sflag:s0], s1  }
0x115: {  	s1 =	ssub.s32 @!p0 $0x0, s1;
	[sflag:s0] =	ssyncset.done @!p0 $0x0  }
0x116: {  	[sflag:s0] =	ssyncadd.s32 @!p0 s1  }
0x117: {  	[bflag:$0x3] =	sbarrier.arrive $0xFFFF  }
0x118: {  	_ =	shalt  }

// kernel: kernel.20.cloned.1.call-start
scs
__scs_entry_jumppad:
0x0: {  	(pc) =	sbr.rel $0x88, $3  }
0x1: {  	(tag) =	ssettag $0x0;
	lr =	simm.s32 $0x1  }
0x2: {  	[smem:$0x3F99] =	sst lr;
	_ =	strace $0xD0000000  }
0x3: {  	_ = 	snop  }
0x4: {  	_ = 	snop  }
0x5: {  	_ = 	snop  }
0x6: {  	_ = 	snop  }
0x7: {  	_ = 	snop  }
__scs_overlays_trampoline_lowered:
0x8: {  	[smem:$0x3FA8] =	sst s0  }
0x9: {  	[smem:$0x3FA9] =	sst s1  }
0xa: {  	[smem:$0x3FAA] =	sst s2  }
0xb: {  	[smem:$0x3FAB] =	sst s3  }
0xc: {  	[smem:$0x3FAC] =	sst s4  }
0xd: {  	[smem:$0x3FAD] =	sst s5  }
0xe: {  	[smem:$0x3FAE] =	sst s6  }
0xf: {  	[smem:$0x3FAF] =	sst s7  }
0x10: {  	[smem:$0x3FB0] =	sst s8  }
0x11: {  	[smem:$0x3FB1] =	sst s9;
	s0 =	simm.s32 @!p0 $0x0  }
0x12: {  	s1 =	sld [smem:$0x3F97];
	s0 =	simm.s32 @p0 $0x1  }
0x13: {  	[smem:$0x3FB2] =	sst s0;
	s0 =	simm.s32 @!p1 $0x0  }
0x14: {  	s2 =	sld [smem:$0x3F96];
	s0 =	simm.s32 @p1 $0x1  }
0x15: {  	[smem:$0x3FB3] =	sst s0;
	s0 =	simm.s32 @!p2 $0x0  }
0x16: {  	s3 =	sld [smem:$0x3FDB];
	s0 =	simm.s32 @p2 $0x1  }
0x17: {  	s4 =	simm.s32 $0x1BF5;
	[smem:$0x3FB5] =	sst s0  }
0x18: {  	s0 =	sld [smem:$0x3F98];
	_ =	swait.ge [sflag:s4], $0x0  }
0x19: {  	s7 =	sld [smem:$0x3F99]  }
0x1a: {  	s8 =	sadd.s32 $0xFFFFE003, lr  }
0x1b: {  	s9 =	sadd.s32 $0xFFFFFEF7, lr;
	s5 =	simm.s32 $0xFFFFFFFF;
	p2 =	slt.u32 s8, $0xFFFFF086  }
0x1c: {  	p1 =	slt.u32 s9, $0xF7A;
	s5 =	simm.s32 @!p2 $0x0  }
0x1d: {  	s5 =	simm.s32 @p1 $0x1;
	p0 =	seq.s32 s7, s2  }
0x1e: {  	s7 =	smul.u32 @!p0 $0xF7A, s2;
	p2 =	seq.s32 @!p0 s5, $0x0  }
0x1f: {  	s9 =	smul.u32 $0xF7A, s1;
	s8 =	simm.s32 @!p0 $0x1BF5;
	p2 =	por !p2, p0  }
0x20: {  	[sflag:s8] =	ssyncset.s32 @!p0 $0xFFFFF086;
	s6 =	sadd.s32 @!p0 s3, s7;
	s7 =	simm.s32 @!p0 $0x108  }
0x21: {  	s3 =	sadd.s32 s3, s9;
	s6 =	sadd.s32 @!p0 $0x88, s6;
	s7 =	simm.s32 @p2 $0x1082  }
0x22: {  	[simem:s7], [sflag:s8] =	dma.local @!p0 [hbm:s6], $0xF7A  }
0x23: {  	s9 =	sor.u32 $0xD0000000, s2;
	s6 =	simm.s32 $0x108;
	_ =	swait.ge @!p0 [sflag:s8], $0x0  }
0x24: {  	s3 =	sadd.s32 $0x88, s3;
	s6 =	simm.s32 @!p1 $0x1082;
	[sflag:s4] =	ssyncset.s32 $0xFFFFF086  }
0x25: {  	[simem:s6], [sflag:s4] =	dma.local [hbm:s3], $0xF7A  }
0x26: {  	[smem:$0x3F99] =	sst s1;
	(tag) =	ssettag s2;
	_ =	strace s9  }
0x27: {  	s1 =	sld [smem:$0x3FA9]  }
0x28: {  	s2 =	sld [smem:$0x3FAA]  }
0x29: {  	s4 =	sld [smem:$0x3FAC]  }
0x2a: {  	p0 =	seq.s32 s5, $0x0;
	s5 =	sld [smem:$0x3FAD]  }
0x2b: {  	s6 =	sld [smem:$0x3FAE]  }
0x2c: {  	s7 =	sld [smem:$0x3FAF]  }
0x2d: {  	s3 =	simm.s32 $0x108;
	s8 =	sld [smem:$0x3FB0]  }
0x2e: {  	s3 =	simm.s32 @!p0 $0x1082;
	s9 =	sld [smem:$0x3FB1]  }
0x2f: {  	lr =	sadd.s32 s0, s3;
	s0 =	sld [smem:$0x3FA8]  }
0x30: {  	s3 =	sld [smem:$0x3FAB]  }
0x31: {  	[smem:$0x3FB4] =	sst s10  }
0x32: {  	s10 =	sld [smem:$0x3FB2];
	_ =	sdelay $0x3  }
0x33: {  	p0 =	seq.s32 s10, $0x1;
	s10 =	sld [smem:$0x3FB4];
	_ =	sdelay $0x3  }
0x34: {  	[smem:$0x3FB4] =	sst s10  }
0x35: {  	s10 =	sld [smem:$0x3FB3];
	_ =	sdelay $0x3  }
0x36: {  	p1 =	seq.s32 s10, $0x1;
	s10 =	sld [smem:$0x3FB4];
	_ =	sdelay $0x3  }
0x37: {  	[smem:$0x3FB4] =	sst s10  }
0x38: {  	s10 =	sld [smem:$0x3FB5]  }
0x39: {  	_ = 	snop;
	(pc) =	sbr.ind lr, $3  }
0x3a: {  	_ = 	snop  }
0x3b: {  	_ = 	snop  }
0x3c: {  	p2 =	seq.s32 s10, $0x1;
	s10 =	sld [smem:$0x3FB4]  }
0x3d: {  	_ =	shalt  }
0x3e: {  	_ =	shalt  }
0x3f: {  	_ =	shalt  }
0x40: {  	_ =	shalt  }
0x41: {  	_ =	shalt  }
0x42: {  	_ =	shalt  }
0x43: {  	_ =	shalt  }
0x44: {  	_ =	shalt  }
0x45: {  	_ =	shalt  }
0x46: {  	_ =	shalt  }
0x47: {  	_ =	shalt  }
0x48: {  	_ =	shalt  }
0x49: {  	_ =	shalt  }
0x4a: {  	_ =	shalt  }
0x4b: {  	_ =	shalt  }
0x4c: {  	_ =	shalt  }
0x4d: {  	_ =	shalt  }
0x4e: {  	_ =	shalt  }
0x4f: {  	_ =	shalt  }
0x50: {  	_ =	shalt  }
0x51: {  	_ =	shalt  }
0x52: {  	_ =	shalt  }
0x53: {  	_ =	shalt  }
0x54: {  	_ =	shalt  }
0x55: {  	_ =	shalt  }
0x56: {  	_ =	shalt  }
0x57: {  	_ =	shalt  }
0x58: {  	_ =	shalt  }
0x59: {  	_ =	shalt  }
0x5a: {  	_ =	shalt  }
0x5b: {  	_ =	shalt  }
0x5c: {  	_ =	shalt  }
0x5d: {  	_ =	shalt  }
0x5e: {  	_ =	shalt  }
0x5f: {  	_ =	shalt  }
0x60: {  	_ =	shalt  }
0x61: {  	_ =	shalt  }
0x62: {  	_ =	shalt  }
0x63: {  	_ =	shalt  }
0x64: {  	_ =	shalt  }
0x65: {  	_ =	shalt  }
0x66: {  	_ =	shalt  }
0x67: {  	_ =	shalt  }
0x68: {  	_ =	shalt  }
0x69: {  	_ =	shalt  }
0x6a: {  	_ =	shalt  }
0x6b: {  	_ =	shalt  }
0x6c: {  	_ =	shalt  }
0x6d: {  	_ =	shalt  }
0x6e: {  	_ =	shalt  }
0x6f: {  	_ =	shalt  }
0x70: {  	_ =	shalt  }
0x71: {  	_ =	shalt  }
0x72: {  	_ =	shalt  }
0x73: {  	_ =	shalt  }
0x74: {  	_ =	shalt  }
0x75: {  	_ =	shalt  }
0x76: {  	_ =	shalt  }
0x77: {  	_ =	shalt  }
0x78: {  	_ =	shalt  }
0x79: {  	_ =	shalt  }
0x7a: {  	_ =	shalt  }
0x7b: {  	_ =	shalt  }
0x7c: {  	_ =	shalt  }
0x7d: {  	_ =	shalt  }
0x7e: {  	_ =	shalt  }
0x7f: {  	_ =	shalt  }
0x80: {  	_ =	shalt  }
0x81: {  	_ =	shalt  }
0x82: {  	_ =	shalt  }
0x83: {  	_ =	shalt  }
0x84: {  	_ =	shalt  }
0x85: {  	_ =	shalt  }
0x86: {  	_ =	shalt  }
0x87: {  	_ =	shalt  }
.Lfunc_end0:
.L_simem_size_0:
called_computation.3_lowered:
.L_overlay_start_0:
0x88: {  	s2 =	sld [smem:$0x3FD9]  }
0x89: {  	s3 =	sld [smem:$0x3FFE];
	_ =	sdelay $0x1  }
0x8a: {  	s1 =	srdreg.scid  }
0x8b: {  	s0 =	sand.u32 $0x1, s1  }
0x8c: {  	s17 =	sshll.u32 s0, $0xA;
	s2 =	sadd.s32 s3, s2  }
0x8d: {  	s2 =	sadd.s32 s2, s17  }
0x8e: {  	[smem:$0x3FC0] =	sst s2  }
0x8f: {  	_ = 	snop  }
0x90: {  	s2 =	sld [smem:$0x3FD0];
	(tm) =	ssettm $0x1  }
0x91: {  	s18 =	sld [smem:$0x3FFB];
	_ =	sdelay $0x3  }
0x92: {  	_ =	strace s18  }
0x93: {  	s3 =	sld [smem:$0x3FFC];
	_ =	sdelay $0x3  }
0x94: {  	_ =	strace s3  }
0x95: {  	s3 =	sld [smem:$0x3FFD];
	_ =	sdelay $0x3  }
0x96: {  	_ =	strace s3  }
0x97: {  	_ =	strace $0x8FFFFFFF  }
0x98: {  	s19 =	sld [smem:$0x3FDB];
	_ =	sdelay $0x1  }
0x99: {  	s4 =	simm.s32 $_scs_section_size  }
0x9a: {  	s5 =	simm.s32 $_size__tile_overlayer_lowered;
	s6 =	simm.s32 $_tile_overlayer_lowered  }
0x9b: {  	s22 =	simm.s32 $0x1BFF;
	s21 =	sshll.u32 s6, $0x1;
	s3 =	sadd.s32 s4, s19  }
0x9c: {  	s7 =	simm.s32 $0x0;
	s20 =	sshll.u32 s5, $0x1;
	s5 =	sadd.s32 s21, s3  }
0x9d: {  	[timem:s7], [sflag:s22] =	dma.local [hbm:s5], s20  }
0x9e: {  	_ =	swait.ge [sflag:s22], s20  }
0x9f: {  	s4 =	ssub.s32 $0x0, s20;
	[sflag:s22] =	ssyncset.done $0x0  }
0xa0: {  	[sflag:s22] =	ssyncadd.s32 s4;
	_ =	sdelay $0x1  }
0xa1: {  	s23 =	simm.s32 $0x1B8B  }
0xa2: {  	_ =	swait.ge [sflag:s23], $0x1  }
0xa3: {  	[sflag:s23] =	ssyncset.done $0x0  }
0xa4: {  	s25 =	simm.s32 $0x1B8E;
	s24 =	sld [smem:$0x3FFE];
	[sflag:s23] =	ssyncadd.s32 $0xFFFFFFFF  }
0xa5: {  	s26 =	simm.s32 $execute0_lowered;
	[smem:$0x3FD2] =	sst s25  }
0xa6: {  	s5 =	sshll.u32 s26, $0x1;
	_ =	strace $0x8000004F;
	[dreg:$0x1] =	wrdreg $0xFFFFFFFF  }
0xa7: {  	s28 =	simm.s32 $_size_execute0_lowered;
	s3 =	sadd.s32 s3, s5;
	[dreg:$0x0] =	wrdreg $0x0  }
0xa8: {  	s5 =	sshll.u32 s28, $0x1;
	[dreg:$0x2] =	wrdreg s3  }
0xa9: {  	[dreg:$0x3] =	wrdreg s5  }
0xaa: {  	[dreg:$0x4] =	wrdreg $0xC0  }
0xab: {  	_ =	task [dreg:s7], $0x5FFFF  }
0xac: {  	[dreg:$0x1] =	wrdreg $0xFFFFFFFF  }
0xad: {  	[dreg:$0x0] =	wrdreg $0x60  }
0xae: {  	[dreg:$0x2] =	wrdreg s24  }
0xaf: {  	[dreg:$0x3] =	wrdreg s2  }
0xb0: {  	[dreg:$0x4] =	wrdreg $0x170000  }
0xb1: {  	[dreg:$0x5] =	wrdreg $0x120000  }
0xb2: {  	[dreg:$0x6] =	wrdreg $0x9  }
0xb3: {  	_ =	task.clear_ibuf [dreg:s7], $0x7FFFF;
	_ =	strace $0x9000004F  }
0xb4: {  	s29 =	simm.s32 $0x9;
	_ =	strace $0x80000051  }
0xb5: {  	_ =	swait.ge [sflag:s29], $0x1  }
0xb6: {  	[sflag:s29] =	ssyncadd.s32 $0xFFFFFFFF  }
0xb7: {  	_ =	strace $0x90000051  }
0xb8: {  	_ =	sfence  }
0xb9: {  	s30 =	sld [smem:$0x0];
	_ =	sdelay $0x2  }
0xba: {  	s31 =	sshll.u32 s1, $0xD;
	s1 =	sshrl.u32 s1, $0x2  }
0xbb: {  	s3 =	sand.u32 $0x4000, s31;
	s1 =	sadd.s32 s1, s30  }
0xbc: {  	s0 =	sor.u32 s3, s0;
	s1 =	sshll.u32 s1, $0x11  }
0xbd: {  	s0 =	sor.u32 s1, s0  }
0xbe: {  	s0 =	sadd.s32 $0x8F2B, s0  }
0xbf: {  	[sflag:s0] =	ssyncadd.remote.s32 $0x1  }
0xc0: {  	_ =	sfence.sel $0xFFFF  }
0xc1: {  	[dreg:$0x0] =	wrdreg $0xFFFFFFFF;
	(pc) =	sbr.abs _section_cstart, $3  }
0xc2: {  	[dreg:$0x1] =	wrdreg $0xFFFFFFFF  }
0xc3: {  	_ =	task.clear_ibuf [dreg:s7], $0x2FFFF;
	_ =	strace $0x9FFFFFFF  }
0xc4: {  	(tm) =	ssettm $0x7FFFFFFF  }
0xc5: {  	_ =	shalt  }
tec
execute0_lowered:
.L_overlay_start_1:
0x0: {  	(tag) =	ssettag $0x1  }
0x1: {  	s0 =	rddreg [dreg:$0x0]  }
0x2: {  	s1 =	rddreg [dreg:$0x1]  }
0x3: {  	s2 =	rddreg [dreg:$0x2]  }
0x4: {  	s3 =	rddreg [dreg:$0x3];
	s5 =	simm.s32 $0x0;
	s10 =	stileid.u32  }
0x5: {  	s4 =	srdreg.scid;
	s13 =	simm.s32 $0x1;
	s14 =	simm.s32 $0x4  }
0x6: {  	s15 =	simm.s32 $0x8;
	s28 =	simm.s32 $0xD000;
	s30 =	simm.s32 $0xE000  }
0x7: {  	s29 =	simm.s32 $0x5;
	s31 =	simm.s32 $0x6;
	s11 =	simm.s32 $0xE  }
0x8: {  	s12 =	simm.s32 $0xF;
	s16 =	simm.s32 $0x10;
	s17 =	smul.u32 $0xA000, s10  }
0x9: {  	[smem:$0x7FF] =	sst s5;
	s4 =	sand.u32 $0x1, s4;
	s7 =	smul.u32 $0xA00, s10  }
0xa: {  	s8 =	smul.u32 $0x5000, s10;
	s10 =	sshll.u32 s10, $0x6;
	_ =	strace $0x80000050  }
0xb: {  	s6 =	sshll.u32 s4, $0x5;
	s4 =	ssub.s32 $0x2, s4;
	s21 =	sor.u32 $0x1C01, s10  }
0xc: {  	[dreg:$0x6] =	wrdreg s10;
	s26 =	sor.u32 $0x1C02, s10;
	s10 =	simm.s32 $0xD  }
0xd: {  	s5 =	sor.u32 s6, s17;
	s18 =	sshrl.u32 s4, $0x1;
	s9 =	sadd.s32 s7, s0  }
0xe: {  	s19 =	sadd.s32 s8, s2;
	[dreg:$0x7] =	wrdreg s21;
	s22 =	sadd.s32 s8, s3  }
0xf: {  	s1 =	sadd.s32 s1, s7;
	[dreg:$0xd] =	wrdreg s26;
	s21 =	simm.s32 $0x80  }
0x10: {  	s26 =	simm.s32 $0x11000;
	s7 =	simm.s32 $0xA;
	s8 =	simm.s32 $0xB  }
0x11: {  	s17 =	simm.s32 $0x0;
	s5 =	sshrl.u32 s5, $0x3;
	s4 =	ssub.s32 s4, s18  }
0x12: {  	s23 =	sadd.s32 $0x12400, s9;
	[dreg:$0x9] =	wrdreg s1;
	s25 =	sshrl.u32 s19, $0x3  }
0x13: {  	s6 =	sshrl.u32 s22, $0x3;
	s19 =	simm.s32 $0x2;
	s22 =	simm.s32 $0xA000  }
0x14: {  	s18 =	simm.s32 $0x10000;
	s1 =	simm.s32 $0x7;
	[dreg:$0x8] =	wrdreg s23  }
0x15: {  	s9 =	simm.s32 $0xC;
	s0 =	sadd.s32 s5, s0;
	[dreg:$0xc] =	wrdreg s25  }
0x16: {  	s24 =	smax.u32 s4, $0x1;
	s23 =	simm.s32 $0xB000;
	[dreg:$0xe] =	wrdreg s6  }
0x17: {  	s25 =	simm.s32 $0xC000;
	s20 =	sadd.s32 $0x6C400, s0;
	[dreg:$0xb] =	wrdreg s24  }
0x18: {  	s0 =	sadd.s32 $0x80400, s0;
	s24 =	simm.s32 $0x9;
	[dreg:$0x5] =	wrdreg s20  }
0x19: {  	[dreg:$0xa] =	wrdreg s0;
	s20 =	simm.s32 $0x3;
	s0 =	simm.s32 $0xF000  }
.LBB2_1:
0x1a: {  	[dreg:$0xf] =	wrdreg s17  }
0x1b: {  	s5 =	rddreg [dreg:$0x5]  }
0x1c: {  	s4 =	smov.u32 s6;
	s6 =	rddreg [dreg:$0x7]  }
0x1d: {  	s17 =	rddreg [dreg:$0xc]  }
0x1e: {  	[spmem:s17@s14], [sflag:s6] =	dma.strided [hbm:s5@s15], $0xA00, s13, $0x4   }
0x1f: {  	s6 =	rddreg [dreg:$0xd]  }
0x20: {  	[spmem:s4@s14], [sflag:s6] =	dma.strided [hbm:s5@s15], $0xA00, s13, $0x4   }
0x21: {  	s5 =	simm.s32 $0x0;
	s6 =	rddreg [dreg:$0x8]  }
0x22: {  	[tilespmem:s5], [sflag:$0x3] =	stream.linear.gather [hbm4b:s6+s5], $0x5000, $0x38;
	[tilespmem:$0x1C000] =	vst v63  }
0x23: {  	s17 =	simm.s32 $0x5000;
	s4 =	rddreg [dreg:$0x9]  }
0x24: {  	[tilespmem:s17], [sflag:$0x4] =	stream.linear.gather [hbm4b:s4+s5], $0x5000, $0x38;
	[tilespmem:$0x1C000] =	vst v63  }
0x25: {  	_ =	swait.ge [sflag:s13], $0xA00  }
0x26: {  	[sflag:s13] =	ssyncset.done $0x0  }
0x27: {  	[sflag:s13] =	ssyncadd.s32 $0xFFFFF600  }
0x28: {  	_ =	swait.ge [sflag:s19], $0xA00  }
0x29: {  	[sflag:s19] =	ssyncset.done $0x0  }
0x2a: {  	[sflag:s19] =	ssyncadd.s32 $0xFFFFF600  }
0x2b: {  	_ =	swait.ge [sflag:s20], $0x5000  }
0x2c: {  	[sflag:s20] =	ssyncset.done $0x0  }
0x2d: {  	[sflag:s20] =	ssyncadd.s32 $0xFFFFB000  }
0x2e: {  	_ =	swait.ge [sflag:s14], $0x5000  }
0x2f: {  	[sflag:s14] =	ssyncset.done $0x0  }
0x30: {  	[sflag:s14] =	ssyncadd.s32 $0xFFFFB000  }
0x31: {  	[bflag:$0x0] =	sbarrier.arrive $0xFFFF  }
0x32: {  	[tilespmem:s22], [sflag:$0x1] =	stream.indirect.gather [spmem:s2], $0x20, s5, s21, $0xb8;
	[tilespmem:$0x1C000] =	vst v63  }
0x33: {  	_ = 	snop  }
0x34: {  	[tilespmem:s23], [sflag:$0x2] =	stream.indirect.gather [spmem:s2], $0x20, s21, s21, $0xb8;
	[tilespmem:$0x1C000] =	vst v63  }
0x35: {  	s5 =	simm.s32 $0x100  }
0x36: {  	[tilespmem:s25], [sflag:$0x3] =	stream.indirect.gather [spmem:s2], $0x20, s5, s21, $0xb8;
	[tilespmem:$0x1C000] =	vst v63  }
0x37: {  	s6 =	simm.s32 $0x180  }
0x38: {  	[tilespmem:s28], [sflag:$0x4] =	stream.indirect.gather [spmem:s2], $0x20, s6, s21, $0xb8;
	[tilespmem:$0x1C000] =	vst v63  }
0x39: {  	s17 =	simm.s32 $0x200  }
0x3a: {  	[tilespmem:s30], [sflag:$0x5] =	stream.indirect.gather [spmem:s2], $0x20, s17, s21, $0xb8;
	[tilespmem:$0x1C000] =	vst v63  }
0x3b: {  	s5 =	simm.s32 $0x280  }
0x3c: {  	[tilespmem:s0], [sflag:$0x6] =	stream.indirect.gather [spmem:s2], $0x20, s5, s21, $0xb8;
	[tilespmem:$0x1C000] =	vst v63  }
0x3d: {  	s6 =	simm.s32 $0x300  }
0x3e: {  	[tilespmem:s18], [sflag:$0x7] =	stream.indirect.gather [spmem:s2], $0x20, s6, s21, $0xb8;
	[tilespmem:$0x1C000] =	vst v63  }
0x3f: {  	s17 =	simm.s32 $0x380  }
0x40: {  	[tilespmem:s26], [sflag:$0x8] =	stream.indirect.gather [spmem:s2], $0x20, s17, s21, $0xb8;
	[tilespmem:$0x1C000] =	vst v63  }
0x41: {  	_ =	swait.ge [sflag:s13], $0x1000  }
0x42: {  	[sflag:s13] =	ssyncset.done $0x0  }
0x43: {  	s4 =	simm.s32 $0x5000;
	[sflag:s13] =	ssyncadd.s32 $0xFFFFF000  }
0x44: {  	[spmem:s3] =	stream.indirect.scatter.add.f32 [tilespmem:s22], [sflag:$0x9], $0x20, s4, s21, $0xb8;
	[tilespmem:$0x1C000] =	vst v63  }
0x45: {  	_ =	swait.ge [sflag:s19], $0x1000  }
0x46: {  	[sflag:s19] =	ssyncset.done $0x0  }
0x47: {  	s6 =	simm.s32 $0x5080;
	[sflag:s19] =	ssyncadd.s32 $0xFFFFF000  }
0x48: {  	[spmem:s3] =	stream.indirect.scatter.add.f32 [tilespmem:s23], [sflag:$0xA], $0x20, s6, s21, $0xb8;
	[tilespmem:$0x1C000] =	vst v63  }
0x49: {  	_ =	swait.ge [sflag:s20], $0x1000  }
0x4a: {  	[sflag:s20] =	ssyncset.done $0x0  }
0x4b: {  	s17 =	simm.s32 $0x5100;
	[sflag:s20] =	ssyncadd.s32 $0xFFFFF000  }
0x4c: {  	[spmem:s3] =	stream.indirect.scatter.add.f32 [tilespmem:s25], [sflag:$0xB], $0x20, s17, s21, $0xb8;
	[tilespmem:$0x1C000] =	vst v63  }
0x4d: {  	_ =	swait.ge [sflag:s14], $0x1000  }
0x4e: {  	[sflag:s14] =	ssyncset.done $0x0  }
0x4f: {  	s4 =	simm.s32 $0x5180;
	[sflag:s14] =	ssyncadd.s32 $0xFFFFF000  }
0x50: {  	[spmem:s3] =	stream.indirect.scatter.add.f32 [tilespmem:s28], [sflag:$0xC], $0x20, s4, s21, $0xb8;
	[tilespmem:$0x1C000] =	vst v63  }
0x51: {  	_ =	swait.ge [sflag:s29], $0x1000  }
0x52: {  	[sflag:s29] =	ssyncset.done $0x0  }
0x53: {  	s6 =	simm.s32 $0x5200;
	[sflag:s29] =	ssyncadd.s32 $0xFFFFF000  }
0x54: {  	[spmem:s3] =	stream.indirect.scatter.add.f32 [tilespmem:s30], [sflag:$0xD], $0x20, s6, s21, $0xb8;
	[tilespmem:$0x1C000] =	vst v63  }
0x55: {  	_ =	swait.ge [sflag:s31], $0x1000  }
0x56: {  	[sflag:s31] =	ssyncset.done $0x0  }
0x57: {  	s17 =	simm.s32 $0x5280;
	[sflag:s31] =	ssyncadd.s32 $0xFFFFF000  }
0x58: {  	[spmem:s3] =	stream.indirect.scatter.add.f32 [tilespmem:s0], [sflag:$0xE], $0x20, s17, s21, $0xb8;
	[tilespmem:$0x1C000] =	vst v63  }
0x59: {  	_ =	swait.ge [sflag:s1], $0x1000  }
0x5a: {  	[sflag:s1] =	ssyncset.done $0x0  }
0x5b: {  	s4 =	simm.s32 $0x5300;
	[sflag:s1] =	ssyncadd.s32 $0xFFFFF000  }
0x5c: {  	[spmem:s3] =	stream.indirect.scatter.add.f32 [tilespmem:s18], [sflag:$0xF], $0x20, s4, s21, $0xb8;
	[tilespmem:$0x1C000] =	vst v63  }
0x5d: {  	_ =	swait.ge [sflag:s15], $0x1000  }
0x5e: {  	[sflag:s15] =	ssyncset.done $0x0  }
0x5f: {  	s6 =	simm.s32 $0x5380;
	[sflag:s15] =	ssyncadd.s32 $0xFFFFF000  }
0x60: {  	[spmem:s3] =	stream.indirect.scatter.add.f32 [tilespmem:s26], [sflag:$0x10], $0x20, s6, s21, $0xb8;
	[tilespmem:$0x1C000] =	vst v63  }
0x61: {  	_ =	swait.ge [sflag:s24], $0x1000  }
0x62: {  	[sflag:s24] =	ssyncset.done $0x0  }
0x63: {  	s17 =	simm.s32 $0x400;
	[sflag:s24] =	ssyncadd.s32 $0xFFFFF000  }
0x64: {  	[tilespmem:s22], [sflag:$0x1] =	stream.indirect.gather [spmem:s2], $0x20, s17, s21, $0xb8;
	[tilespmem:$0x1C000] =	vst v63  }
0x65: {  	_ =	swait.ge [sflag:s7], $0x1000  }
0x66: {  	[sflag:s7] =	ssyncset.done $0x0  }
0x67: {  	s4 =	simm.s32 $0x480;
	[sflag:s7] =	ssyncadd.s32 $0xFFFFF000  }
0x68: {  	[tilespmem:s23], [sflag:$0x2] =	stream.indirect.gather [spmem:s2], $0x20, s4, s21, $0xb8;
	[tilespmem:$0x1C000] =	vst v63  }
0x69: {  	_ =	swait.ge [sflag:s8], $0x1000  }
0x6a: {  	[sflag:s8] =	ssyncset.done $0x0  }
0x6b: {  	s6 =	simm.s32 $0x500;
	[sflag:s8] =	ssyncadd.s32 $0xFFFFF000  }
0x6c: {  	[tilespmem:s25], [sflag:$0x3] =	stream.indirect.gather [spmem:s2], $0x20, s6, s21, $0xb8;
	[tilespmem:$0x1C000] =	vst v63  }
0x6d: {  	_ =	swait.ge [sflag:s9], $0x1000  }
0x6e: {  	[sflag:s9] =	ssyncset.done $0x0  }
0x6f: {  	s17 =	simm.s32 $0x580;
	[sflag:s9] =	ssyncadd.s32 $0xFFFFF000  }
0x70: {  	[tilespmem:s28], [sflag:$0x4] =	stream.indirect.gather [spmem:s2], $0x20, s17, s21, $0xb8;
	[tilespmem:$0x1C000] =	vst v63  }
0x71: {  	_ =	swait.ge [sflag:s10], $0x1000  }
0x72: {  	[sflag:s10] =	ssyncset.done $0x0  }
0x73: {  	s4 =	simm.s32 $0x600;
	[sflag:s10] =	ssyncadd.s32 $0xFFFFF000  }
0x74: {  	[tilespmem:s30], [sflag:$0x5] =	stream.indirect.gather [spmem:s2], $0x20, s4, s21, $0xb8;
	[tilespmem:$0x1C000] =	vst v63  }
0x75: {  	_ =	swait.ge [sflag:s11], $0x1000  }
0x76: {  	[sflag:s11] =	ssyncset.done $0x0  }
0x77: {  	s6 =	simm.s32 $0x680;
	[sflag:s11] =	ssyncadd.s32 $0xFFFFF000  }
0x78: {  	[tilespmem:s0], [sflag:$0x6] =	stream.indirect.gather [spmem:s2], $0x20, s6, s21, $0xb8;
	[tilespmem:$0x1C000] =	vst v63  }
0x79: {  	_ =	swait.ge [sflag:s12], $0x1000  }
0x7a: {  	[sflag:s12] =	ssyncset.done $0x0  }
0x7b: {  	s17 =	simm.s32 $0x700;
	[sflag:s12] =	ssyncadd.s32 $0xFFFFF000  }
0x7c: {  	[tilespmem:s18], [sflag:$0x7] =	stream.indirect.gather [spmem:s2], $0x20, s17, s21, $0xb8;
	[tilespmem:$0x1C000] =	vst v63  }
0x7d: {  	_ =	swait.ge [sflag:s16], $0x1000  }
0x7e: {  	[sflag:s16] =	ssyncset.done $0x0  }
0x7f: {  	s5 =	simm.s32 $0x780;
	s6 =	simm.s32 $0x1000;
	[sflag:s16] =	ssyncadd.s32 $0xFFFFF000  }
.LBB2_2:
0x80: {  	[tilespmem:s26], [sflag:$0x8] =	stream.indirect.gather [spmem:s2], $0x20, s5, s21, $0xb8;
	[tilespmem:$0x1C000] =	vst v63  }
0x81: {  	s5 =	smov.u32 s6  }
0x82: {  	p0 =	sne.s32 s6, $0x12000;
	s6 =	sadd.s32 $0x1000, s6;
	_ =	swait.ge [sflag:s13], $0x1000  }
0x83: {  	s5 =	sshra.s32 s5, $0x2;
	[sflag:s13] =	ssyncset.done $0x0  }
0x84: {  	s17 =	sadd.s32 $0x5000, s5;
	[sflag:s13] =	ssyncadd.s32 $0xFFFFF000  }
0x85: {  	[spmem:s3] =	stream.indirect.scatter.add.f32 [tilespmem:s22], [sflag:$0x9], $0x20, s17, s21, $0xb8;
	[tilespmem:$0x1C000] =	vst v63  }
0x86: {  	_ =	swait.ge [sflag:s19], $0x1000  }
0x87: {  	[sflag:s19] =	ssyncset.done $0x0  }
0x88: {  	s17 =	sadd.s32 $0x5080, s5;
	[sflag:s19] =	ssyncadd.s32 $0xFFFFF000  }
0x89: {  	[spmem:s3] =	stream.indirect.scatter.add.f32 [tilespmem:s23], [sflag:$0xA], $0x20, s17, s21, $0xb8;
	[tilespmem:$0x1C000] =	vst v63  }
0x8a: {  	_ =	swait.ge [sflag:s20], $0x1000  }
0x8b: {  	[sflag:s20] =	ssyncset.done $0x0  }
0x8c: {  	s17 =	sadd.s32 $0x5100, s5;
	[sflag:s20] =	ssyncadd.s32 $0xFFFFF000  }
0x8d: {  	[spmem:s3] =	stream.indirect.scatter.add.f32 [tilespmem:s25], [sflag:$0xB], $0x20, s17, s21, $0xb8;
	[tilespmem:$0x1C000] =	vst v63  }
0x8e: {  	_ =	swait.ge [sflag:s14], $0x1000  }
0x8f: {  	[sflag:s14] =	ssyncset.done $0x0  }
0x90: {  	s17 =	sadd.s32 $0x5180, s5;
	[sflag:s14] =	ssyncadd.s32 $0xFFFFF000  }
0x91: {  	[spmem:s3] =	stream.indirect.scatter.add.f32 [tilespmem:s28], [sflag:$0xC], $0x20, s17, s21, $0xb8;
	[tilespmem:$0x1C000] =	vst v63  }
0x92: {  	_ =	swait.ge [sflag:s29], $0x1000  }
0x93: {  	[sflag:s29] =	ssyncset.done $0x0  }
0x94: {  	s17 =	sadd.s32 $0x5200, s5;
	[sflag:s29] =	ssyncadd.s32 $0xFFFFF000  }
0x95: {  	[spmem:s3] =	stream.indirect.scatter.add.f32 [tilespmem:s30], [sflag:$0xD], $0x20, s17, s21, $0xb8;
	[tilespmem:$0x1C000] =	vst v63  }
0x96: {  	_ =	swait.ge [sflag:s31], $0x1000  }
0x97: {  	[sflag:s31] =	ssyncset.done $0x0  }
0x98: {  	s17 =	sadd.s32 $0x5280, s5;
	[sflag:s31] =	ssyncadd.s32 $0xFFFFF000  }
0x99: {  	[spmem:s3] =	stream.indirect.scatter.add.f32 [tilespmem:s0], [sflag:$0xE], $0x20, s17, s21, $0xb8;
	[tilespmem:$0x1C000] =	vst v63  }
0x9a: {  	_ =	swait.ge [sflag:s1], $0x1000  }
0x9b: {  	[sflag:s1] =	ssyncset.done $0x0  }
0x9c: {  	s17 =	sadd.s32 $0x5300, s5;
	[sflag:s1] =	ssyncadd.s32 $0xFFFFF000  }
0x9d: {  	[spmem:s3] =	stream.indirect.scatter.add.f32 [tilespmem:s18], [sflag:$0xF], $0x20, s17, s21, $0xb8;
	[tilespmem:$0x1C000] =	vst v63  }
0x9e: {  	_ =	swait.ge [sflag:s15], $0x1000  }
0x9f: {  	[sflag:s15] =	ssyncset.done $0x0  }
0xa0: {  	s17 =	sadd.s32 $0x5380, s5;
	[sflag:s15] =	ssyncadd.s32 $0xFFFFF000  }
0xa1: {  	[spmem:s3] =	stream.indirect.scatter.add.f32 [tilespmem:s26], [sflag:$0x10], $0x20, s17, s21, $0xb8;
	[tilespmem:$0x1C000] =	vst v63  }
0xa2: {  	_ =	swait.ge [sflag:s24], $0x1000  }
0xa3: {  	[sflag:s24] =	ssyncset.done $0x0  }
0xa4: {  	s17 =	sadd.s32 $0x400, s5;
	[sflag:s24] =	ssyncadd.s32 $0xFFFFF000  }
0xa5: {  	[tilespmem:s22], [sflag:$0x1] =	stream.indirect.gather [spmem:s2], $0x20, s17, s21, $0xb8;
	[tilespmem:$0x1C000] =	vst v63  }
0xa6: {  	_ =	swait.ge [sflag:s7], $0x1000  }
0xa7: {  	[sflag:s7] =	ssyncset.done $0x0  }
0xa8: {  	s17 =	sadd.s32 $0x480, s5;
	[sflag:s7] =	ssyncadd.s32 $0xFFFFF000  }
0xa9: {  	[tilespmem:s23], [sflag:$0x2] =	stream.indirect.gather [spmem:s2], $0x20, s17, s21, $0xb8;
	[tilespmem:$0x1C000] =	vst v63  }
0xaa: {  	_ =	swait.ge [sflag:s8], $0x1000  }
0xab: {  	[sflag:s8] =	ssyncset.done $0x0  }
0xac: {  	s17 =	sadd.s32 $0x500, s5;
	[sflag:s8] =	ssyncadd.s32 $0xFFFFF000  }
0xad: {  	[tilespmem:s25], [sflag:$0x3] =	stream.indirect.gather [spmem:s2], $0x20, s17, s21, $0xb8;
	[tilespmem:$0x1C000] =	vst v63  }
0xae: {  	_ =	swait.ge [sflag:s9], $0x1000  }
0xaf: {  	[sflag:s9] =	ssyncset.done $0x0  }
0xb0: {  	s17 =	sadd.s32 $0x580, s5;
	[sflag:s9] =	ssyncadd.s32 $0xFFFFF000  }
0xb1: {  	[tilespmem:s28], [sflag:$0x4] =	stream.indirect.gather [spmem:s2], $0x20, s17, s21, $0xb8;
	[tilespmem:$0x1C000] =	vst v63  }
0xb2: {  	_ =	swait.ge [sflag:s10], $0x1000  }
0xb3: {  	[sflag:s10] =	ssyncset.done $0x0  }
0xb4: {  	s17 =	sadd.s32 $0x600, s5;
	[sflag:s10] =	ssyncadd.s32 $0xFFFFF000  }
0xb5: {  	[tilespmem:s30], [sflag:$0x5] =	stream.indirect.gather [spmem:s2], $0x20, s17, s21, $0xb8;
	[tilespmem:$0x1C000] =	vst v63  }
0xb6: {  	_ =	swait.ge [sflag:s11], $0x1000  }
0xb7: {  	[sflag:s11] =	ssyncset.done $0x0  }
0xb8: {  	s17 =	sadd.s32 $0x680, s5;
	[sflag:s11] =	ssyncadd.s32 $0xFFFFF000  }
0xb9: {  	[tilespmem:s0], [sflag:$0x6] =	stream.indirect.gather [spmem:s2], $0x20, s17, s21, $0xb8;
	[tilespmem:$0x1C000] =	vst v63  }
0xba: {  	_ =	swait.ge [sflag:s12], $0x1000  }
0xbb: {  	[sflag:s12] =	ssyncset.done $0x0  }
.Ltmp0:
0xbc: {  	s17 =	sadd.s32 $0x700, s5;
	[sflag:s12] =	ssyncadd.s32 $0xFFFFF000;
	(pc) =	sbr.rel @p0 .LBB2_2-.Ltmp0, $4  }
0xbd: {  	[tilespmem:s18], [sflag:$0x7] =	stream.indirect.gather [spmem:s2], $0x20, s17, s21, $0xb8;
	[tilespmem:$0x1C000] =	vst v63  }
0xbe: {  	_ =	swait.ge [sflag:s16], $0x1000  }
0xbf: {  	[sflag:s16] =	ssyncset.done $0x0  }
0xc0: {  	s5 =	sadd.s32 $0x780, s5;
	[sflag:s16] =	ssyncadd.s32 $0xFFFFF000  }
0xc1: {  	[tilespmem:s26], [sflag:$0x8] =	stream.indirect.gather [spmem:s2], $0x20, s5, s21, $0xb8;
	[tilespmem:$0x1C000] =	vst v63  }
0xc2: {  	_ =	swait.ge [sflag:s13], $0x1000  }
0xc3: {  	[sflag:s13] =	ssyncset.done $0x0  }
0xc4: {  	s4 =	simm.s32 $0x9C00;
	[sflag:s13] =	ssyncadd.s32 $0xFFFFF000  }
0xc5: {  	[spmem:s3] =	stream.indirect.scatter.add.f32 [tilespmem:s22], [sflag:$0x9], $0x20, s4, s21, $0xb8;
	[tilespmem:$0x1C000] =	vst v63  }
0xc6: {  	_ =	swait.ge [sflag:s19], $0x1000  }
0xc7: {  	[sflag:s19] =	ssyncset.done $0x0  }
0xc8: {  	s5 =	simm.s32 $0x9C80;
	[sflag:s19] =	ssyncadd.s32 $0xFFFFF000  }
0xc9: {  	[spmem:s3] =	stream.indirect.scatter.add.f32 [tilespmem:s23], [sflag:$0xA], $0x20, s5, s21, $0xb8;
	[tilespmem:$0x1C000] =	vst v63  }
0xca: {  	_ =	swait.ge [sflag:s20], $0x1000  }
0xcb: {  	[sflag:s20] =	ssyncset.done $0x0  }
0xcc: {  	s6 =	simm.s32 $0x9D00;
	[sflag:s20] =	ssyncadd.s32 $0xFFFFF000  }
0xcd: {  	[spmem:s3] =	stream.indirect.scatter.add.f32 [tilespmem:s25], [sflag:$0xB], $0x20, s6, s21, $0xb8;
	[tilespmem:$0x1C000] =	vst v63  }
0xce: {  	_ =	swait.ge [sflag:s14], $0x1000  }
0xcf: {  	[sflag:s14] =	ssyncset.done $0x0  }
0xd0: {  	s17 =	simm.s32 $0x9D80;
	[sflag:s14] =	ssyncadd.s32 $0xFFFFF000  }
0xd1: {  	[spmem:s3] =	stream.indirect.scatter.add.f32 [tilespmem:s28], [sflag:$0xC], $0x20, s17, s21, $0xb8;
	[tilespmem:$0x1C000] =	vst v63  }
0xd2: {  	_ =	swait.ge [sflag:s29], $0x1000  }
0xd3: {  	[sflag:s29] =	ssyncset.done $0x0  }
0xd4: {  	s5 =	simm.s32 $0x9E00;
	[sflag:s29] =	ssyncadd.s32 $0xFFFFF000  }
0xd5: {  	[spmem:s3] =	stream.indirect.scatter.add.f32 [tilespmem:s30], [sflag:$0xD], $0x20, s5, s21, $0xb8;
	[tilespmem:$0x1C000] =	vst v63  }
0xd6: {  	_ =	swait.ge [sflag:s31], $0x1000  }
0xd7: {  	[sflag:s31] =	ssyncset.done $0x0  }
0xd8: {  	s6 =	simm.s32 $0x9E80;
	[sflag:s31] =	ssyncadd.s32 $0xFFFFF000  }
0xd9: {  	[spmem:s3] =	stream.indirect.scatter.add.f32 [tilespmem:s0], [sflag:$0xE], $0x20, s6, s21, $0xb8;
	[tilespmem:$0x1C000] =	vst v63  }
0xda: {  	_ =	swait.ge [sflag:s1], $0x1000  }
0xdb: {  	[sflag:s1] =	ssyncset.done $0x0  }
0xdc: {  	s17 =	simm.s32 $0x9F00;
	[sflag:s1] =	ssyncadd.s32 $0xFFFFF000  }
0xdd: {  	[spmem:s3] =	stream.indirect.scatter.add.f32 [tilespmem:s18], [sflag:$0xF], $0x20, s17, s21, $0xb8;
	[tilespmem:$0x1C000] =	vst v63  }
0xde: {  	_ =	swait.ge [sflag:s15], $0x1000  }
0xdf: {  	[sflag:s15] =	ssyncset.done $0x0  }
0xe0: {  	s5 =	simm.s32 $0x9F80;
	[sflag:s15] =	ssyncadd.s32 $0xFFFFF000  }
0xe1: {  	[spmem:s3] =	stream.indirect.scatter.add.f32 [tilespmem:s26], [sflag:$0x10], $0x20, s5, s21, $0xb8;
	[tilespmem:$0x1C000] =	vst v63  }
0xe2: {  	_ =	swait.ge [sflag:s24], $0x1000  }
0xe3: {  	[sflag:s24] =	ssyncset.done $0x0  }
0xe4: {  	[sflag:s24] =	ssyncadd.s32 $0xFFFFF000  }
0xe5: {  	_ =	swait.ge [sflag:s7], $0x1000  }
0xe6: {  	[sflag:s7] =	ssyncset.done $0x0  }
0xe7: {  	[sflag:s7] =	ssyncadd.s32 $0xFFFFF000  }
0xe8: {  	_ =	swait.ge [sflag:s8], $0x1000  }
0xe9: {  	[sflag:s8] =	ssyncset.done $0x0  }
0xea: {  	[sflag:s8] =	ssyncadd.s32 $0xFFFFF000  }
0xeb: {  	_ =	swait.ge [sflag:s9], $0x1000  }
0xec: {  	[sflag:s9] =	ssyncset.done $0x0  }
0xed: {  	[sflag:s9] =	ssyncadd.s32 $0xFFFFF000  }
0xee: {  	_ =	swait.ge [sflag:s10], $0x1000  }
0xef: {  	[sflag:s10] =	ssyncset.done $0x0  }
0xf0: {  	[sflag:s10] =	ssyncadd.s32 $0xFFFFF000  }
0xf1: {  	_ =	swait.ge [sflag:s11], $0x1000  }
0xf2: {  	[sflag:s11] =	ssyncset.done $0x0  }
0xf3: {  	[sflag:s11] =	ssyncadd.s32 $0xFFFFF000  }
0xf4: {  	_ =	swait.ge [sflag:s12], $0x1000  }
0xf5: {  	[sflag:s12] =	ssyncset.done $0x0  }
0xf6: {  	[sflag:s12] =	ssyncadd.s32 $0xFFFFF000  }
0xf7: {  	_ =	swait.ge [sflag:s16], $0x1000  }
0xf8: {  	[sflag:s16] =	ssyncset.done $0x0  }
0xf9: {  	[sflag:s16] =	ssyncadd.s32 $0xFFFFF000  }
0xfa: {  	[bflag:$0x0] =	sbarrier.arrive $0xFFFF  }
0xfb: {  	s6 =	rddreg [dreg:$0x6]  }
0xfc: {  	s17 =	rddreg [dreg:$0xe]  }
0xfd: {  	s4 =	simm.s32 $0x11;
	s5 =	sor.u32 $0x1C11, s6;
	s6 =	rddreg [dreg:$0xa]  }
0xfe: {  	[hbm:s6@s15], [sflag:s5] =	dma.strided [spmem:s17@s14], $0xA00, s13, $0x4   }
0xff: {  	_ =	swait.ge [sflag:s4], $0xA00  }
0x100: {  	s6 =	smov.u32 s17;
	s17 =	rddreg [dreg:$0xf]  }
0x101: {  	s5 =	rddreg [dreg:$0xb];
	s17 =	sadd.s32 $0x1, s17  }
0x102: {  	p0 =	sne.s32 s17, s5  }
.Ltmp1:
0x103: {  	_ = 	snop;
	(pc) =	sbr.rel @p0 .LBB2_1-.Ltmp1, $3  }
0x104: {  	_ =	sdelay $0x1  }
0x105: {  	[sflag:s4] =	ssyncset.done $0x0  }
0x106: {  	[sflag:s4] =	ssyncadd.s32 $0xFFFFF600  }
0x107: {  	_ =	sfence.sel $0x180000  }
0x108: {  	[bflag:$0x0] =	sbarrier.arrive $0xFFFF  }
0x109: {  	_ =	strace $0x90000050  }
0x10a: {  	s0 =	stileid.u32;
	[bflag:$0x2] =	sbarrier.arrive $0xFFFF  }
0x10b: {  	p0 =	sne.s32 s0, $0x0;
	s0 =	rddreg [dreg:$0x4]  }
0x10c: {  	s0 =	sadd.s32 @!p0 $0x100000, s0  }
0x10d: {  	[sflag:s0] =	ssyncadd.tile.s32 @!p0 $0x1;
	_ =	shalt  }
.Lfunc_end2:
_tile_overlayer_lowered:
.L_overlay_start_2:
0x10e: {  	(tag) =	ssettag $0x2  }
0x10f: {  	s0 =	rddreg [dreg:$0x0];
	s2 =	stileid.u32  }
0x110: {  	s1 =	rddreg [dreg:$0x1];
	p0 =	sne.s32 s2, $0x0  }
0x111: {  	s3 =	rddreg [dreg:$0x2];
	[bflag:$0x3] =	sbarrier.arrive $0xFFFF;
	s2 =	simm.s32 @!p0 $0x1C11  }
0x112: {  	[timem:s3], [sflag:s2] =	dma.local @!p0 [hbm:s0], s1  }
0x113: {  	s0 =	simm.s32 @!p0 $0x11  }
0x114: {  	_ =	swait.ge @!p0 [sflag:s0], s1  }
0x115: {  	s1 =	ssub.s32 @!p0 $0x0, s1;
	[sflag:s0] =	ssyncset.done @!p0 $0x0  }
0x116: {  	[sflag:s0] =	ssyncadd.s32 @!p0 s1  }
0x117: {  	[bflag:$0x3] =	sbarrier.arrive $0xFFFF  }
0x118: {  	_ =	shalt  }

// kernel: kernel.23.cloned.1.call-start
scs
__scs_entry_jumppad:
0x0: {  	(pc) =	sbr.rel $0x88, $3  }
0x1: {  	(tag) =	ssettag $0x0;
	lr =	simm.s32 $0x1  }
0x2: {  	[smem:$0x3F99] =	sst lr;
	_ =	strace $0xD0000000  }
0x3: {  	_ = 	snop  }
0x4: {  	_ = 	snop  }
0x5: {  	_ = 	snop  }
0x6: {  	_ = 	snop  }
0x7: {  	_ = 	snop  }
__scs_overlays_trampoline_lowered:
0x8: {  	[smem:$0x3FA8] =	sst s0  }
0x9: {  	[smem:$0x3FA9] =	sst s1  }
0xa: {  	[smem:$0x3FAA] =	sst s2  }
0xb: {  	[smem:$0x3FAB] =	sst s3  }
0xc: {  	[smem:$0x3FAC] =	sst s4  }
0xd: {  	[smem:$0x3FAD] =	sst s5  }
0xe: {  	[smem:$0x3FAE] =	sst s6  }
0xf: {  	[smem:$0x3FAF] =	sst s7  }
0x10: {  	[smem:$0x3FB0] =	sst s8  }
0x11: {  	[smem:$0x3FB1] =	sst s9;
	s0 =	simm.s32 @!p0 $0x0  }
0x12: {  	s1 =	sld [smem:$0x3F97];
	s0 =	simm.s32 @p0 $0x1  }
0x13: {  	[smem:$0x3FB2] =	sst s0;
	s0 =	simm.s32 @!p1 $0x0  }
0x14: {  	s2 =	sld [smem:$0x3F96];
	s0 =	simm.s32 @p1 $0x1  }
0x15: {  	[smem:$0x3FB3] =	sst s0;
	s0 =	simm.s32 @!p2 $0x0  }
0x16: {  	s3 =	sld [smem:$0x3FDB];
	s0 =	simm.s32 @p2 $0x1  }
0x17: {  	s4 =	simm.s32 $0x1BF5;
	[smem:$0x3FB5] =	sst s0  }
0x18: {  	s0 =	sld [smem:$0x3F98];
	_ =	swait.ge [sflag:s4], $0x0  }
0x19: {  	s7 =	sld [smem:$0x3F99]  }
0x1a: {  	s8 =	sadd.s32 $0xFFFFE003, lr  }
0x1b: {  	s9 =	sadd.s32 $0xFFFFFEF7, lr;
	s5 =	simm.s32 $0xFFFFFFFF;
	p2 =	slt.u32 s8, $0xFFFFF086  }
0x1c: {  	p1 =	slt.u32 s9, $0xF7A;
	s5 =	simm.s32 @!p2 $0x0  }
0x1d: {  	s5 =	simm.s32 @p1 $0x1;
	p0 =	seq.s32 s7, s2  }
0x1e: {  	s7 =	smul.u32 @!p0 $0xF7A, s2;
	p2 =	seq.s32 @!p0 s5, $0x0  }
0x1f: {  	s9 =	smul.u32 $0xF7A, s1;
	s8 =	simm.s32 @!p0 $0x1BF5;
	p2 =	por !p2, p0  }
0x20: {  	[sflag:s8] =	ssyncset.s32 @!p0 $0xFFFFF086;
	s6 =	sadd.s32 @!p0 s3, s7;
	s7 =	simm.s32 @!p0 $0x108  }
0x21: {  	s3 =	sadd.s32 s3, s9;
	s6 =	sadd.s32 @!p0 $0x88, s6;
	s7 =	simm.s32 @p2 $0x1082  }
0x22: {  	[simem:s7], [sflag:s8] =	dma.local @!p0 [hbm:s6], $0xF7A  }
0x23: {  	s9 =	sor.u32 $0xD0000000, s2;
	s6 =	simm.s32 $0x108;
	_ =	swait.ge @!p0 [sflag:s8], $0x0  }
0x24: {  	s3 =	sadd.s32 $0x88, s3;
	s6 =	simm.s32 @!p1 $0x1082;
	[sflag:s4] =	ssyncset.s32 $0xFFFFF086  }
0x25: {  	[simem:s6], [sflag:s4] =	dma.local [hbm:s3], $0xF7A  }
0x26: {  	[smem:$0x3F99] =	sst s1;
	(tag) =	ssettag s2;
	_ =	strace s9  }
0x27: {  	s1 =	sld [smem:$0x3FA9]  }
0x28: {  	s2 =	sld [smem:$0x3FAA]  }
0x29: {  	s4 =	sld [smem:$0x3FAC]  }
0x2a: {  	p0 =	seq.s32 s5, $0x0;
	s5 =	sld [smem:$0x3FAD]  }
0x2b: {  	s6 =	sld [smem:$0x3FAE]  }
0x2c: {  	s7 =	sld [smem:$0x3FAF]  }
0x2d: {  	s3 =	simm.s32 $0x108;
	s8 =	sld [smem:$0x3FB0]  }
0x2e: {  	s3 =	simm.s32 @!p0 $0x1082;
	s9 =	sld [smem:$0x3FB1]  }
0x2f: {  	lr =	sadd.s32 s0, s3;
	s0 =	sld [smem:$0x3FA8]  }
0x30: {  	s3 =	sld [smem:$0x3FAB]  }
0x31: {  	[smem:$0x3FB4] =	sst s10  }
0x32: {  	s10 =	sld [smem:$0x3FB2];
	_ =	sdelay $0x3  }
0x33: {  	p0 =	seq.s32 s10, $0x1;
	s10 =	sld [smem:$0x3FB4];
	_ =	sdelay $0x3  }
0x34: {  	[smem:$0x3FB4] =	sst s10  }
0x35: {  	s10 =	sld [smem:$0x3FB3];
	_ =	sdelay $0x3  }
0x36: {  	p1 =	seq.s32 s10, $0x1;
	s10 =	sld [smem:$0x3FB4];
	_ =	sdelay $0x3  }
0x37: {  	[smem:$0x3FB4] =	sst s10  }
0x38: {  	s10 =	sld [smem:$0x3FB5]  }
0x39: {  	_ = 	snop;
	(pc) =	sbr.ind lr, $3  }
0x3a: {  	_ = 	snop  }
0x3b: {  	_ = 	snop  }
0x3c: {  	p2 =	seq.s32 s10, $0x1;
	s10 =	sld [smem:$0x3FB4]  }
0x3d: {  	_ =	shalt  }
0x3e: {  	_ =	shalt  }
0x3f: {  	_ =	shalt  }
0x40: {  	_ =	shalt  }
0x41: {  	_ =	shalt  }
0x42: {  	_ =	shalt  }
0x43: {  	_ =	shalt  }
0x44: {  	_ =	shalt  }
0x45: {  	_ =	shalt  }
0x46: {  	_ =	shalt  }
0x47: {  	_ =	shalt  }
0x48: {  	_ =	shalt  }
0x49: {  	_ =	shalt  }
0x4a: {  	_ =	shalt  }
0x4b: {  	_ =	shalt  }
0x4c: {  	_ =	shalt  }
0x4d: {  	_ =	shalt  }
0x4e: {  	_ =	shalt  }
0x4f: {  	_ =	shalt  }
0x50: {  	_ =	shalt  }
0x51: {  	_ =	shalt  }
0x52: {  	_ =	shalt  }
0x53: {  	_ =	shalt  }
0x54: {  	_ =	shalt  }
0x55: {  	_ =	shalt  }
0x56: {  	_ =	shalt  }
0x57: {  	_ =	shalt  }
0x58: {  	_ =	shalt  }
0x59: {  	_ =	shalt  }
0x5a: {  	_ =	shalt  }
0x5b: {  	_ =	shalt  }
0x5c: {  	_ =	shalt  }
0x5d: {  	_ =	shalt  }
0x5e: {  	_ =	shalt  }
0x5f: {  	_ =	shalt  }
0x60: {  	_ =	shalt  }
0x61: {  	_ =	shalt  }
0x62: {  	_ =	shalt  }
0x63: {  	_ =	shalt  }
0x64: {  	_ =	shalt  }
0x65: {  	_ =	shalt  }
0x66: {  	_ =	shalt  }
0x67: {  	_ =	shalt  }
0x68: {  	_ =	shalt  }
0x69: {  	_ =	shalt  }
0x6a: {  	_ =	shalt  }
0x6b: {  	_ =	shalt  }
0x6c: {  	_ =	shalt  }
0x6d: {  	_ =	shalt  }
0x6e: {  	_ =	shalt  }
0x6f: {  	_ =	shalt  }
0x70: {  	_ =	shalt  }
0x71: {  	_ =	shalt  }
0x72: {  	_ =	shalt  }
0x73: {  	_ =	shalt  }
0x74: {  	_ =	shalt  }
0x75: {  	_ =	shalt  }
0x76: {  	_ =	shalt  }
0x77: {  	_ =	shalt  }
0x78: {  	_ =	shalt  }
0x79: {  	_ =	shalt  }
0x7a: {  	_ =	shalt  }
0x7b: {  	_ =	shalt  }
0x7c: {  	_ =	shalt  }
0x7d: {  	_ =	shalt  }
0x7e: {  	_ =	shalt  }
0x7f: {  	_ =	shalt  }
0x80: {  	_ =	shalt  }
0x81: {  	_ =	shalt  }
0x82: {  	_ =	shalt  }
0x83: {  	_ =	shalt  }
0x84: {  	_ =	shalt  }
0x85: {  	_ =	shalt  }
0x86: {  	_ =	shalt  }
0x87: {  	_ =	shalt  }
.Lfunc_end0:
.L_simem_size_0:
called_computation.4_lowered:
.L_overlay_start_0:
0x88: {  	s2 =	sld [smem:$0x3FD9]  }
0x89: {  	s3 =	sld [smem:$0x3FFE];
	_ =	sdelay $0x1  }
0x8a: {  	s1 =	srdreg.scid  }
0x8b: {  	s0 =	sand.u32 $0x1, s1  }
0x8c: {  	s17 =	sshll.u32 s0, $0xA;
	s2 =	sadd.s32 s3, s2  }
0x8d: {  	s2 =	sadd.s32 s2, s17  }
0x8e: {  	[smem:$0x3FC0] =	sst s2  }
0x8f: {  	_ = 	snop  }
0x90: {  	s2 =	sld [smem:$0x3FD0];
	(tm) =	ssettm $0x1  }
0x91: {  	s18 =	sld [smem:$0x3FFB];
	_ =	sdelay $0x3  }
0x92: {  	_ =	strace s18  }
0x93: {  	s3 =	sld [smem:$0x3FFC];
	_ =	sdelay $0x3  }
0x94: {  	_ =	strace s3  }
0x95: {  	s3 =	sld [smem:$0x3FFD];
	_ =	sdelay $0x3  }
0x96: {  	_ =	strace s3  }
0x97: {  	_ =	strace $0x8FFFFFFF  }
0x98: {  	s19 =	sld [smem:$0x3FDB];
	_ =	sdelay $0x1  }
0x99: {  	s4 =	simm.s32 $_scs_section_size  }
0x9a: {  	s5 =	simm.s32 $_size__tile_overlayer_lowered;
	s6 =	simm.s32 $_tile_overlayer_lowered  }
0x9b: {  	s22 =	simm.s32 $0x1BFF;
	s21 =	sshll.u32 s6, $0x1;
	s3 =	sadd.s32 s4, s19  }
0x9c: {  	s7 =	simm.s32 $0x0;
	s20 =	sshll.u32 s5, $0x1;
	s5 =	sadd.s32 s21, s3  }
0x9d: {  	[timem:s7], [sflag:s22] =	dma.local [hbm:s5], s20  }
0x9e: {  	_ =	swait.ge [sflag:s22], s20  }
0x9f: {  	s4 =	ssub.s32 $0x0, s20;
	[sflag:s22] =	ssyncset.done $0x0  }
0xa0: {  	[sflag:s22] =	ssyncadd.s32 s4;
	_ =	sdelay $0x1  }
0xa1: {  	s23 =	simm.s32 $0x1B8B  }
0xa2: {  	_ =	swait.ge [sflag:s23], $0x1  }
0xa3: {  	[sflag:s23] =	ssyncset.done $0x0  }
0xa4: {  	s25 =	simm.s32 $0x1B8E;
	s24 =	sld [smem:$0x3FFE];
	[sflag:s23] =	ssyncadd.s32 $0xFFFFFFFF  }
0xa5: {  	s26 =	simm.s32 $execute0_lowered;
	[smem:$0x3FD2] =	sst s25  }
0xa6: {  	s5 =	sshll.u32 s26, $0x1;
	_ =	strace $0x80000052;
	[dreg:$0x1] =	wrdreg $0xFFFFFFFF  }
0xa7: {  	s28 =	simm.s32 $_size_execute0_lowered;
	s3 =	sadd.s32 s3, s5;
	[dreg:$0x0] =	wrdreg $0x0  }
0xa8: {  	s5 =	sshll.u32 s28, $0x1;
	[dreg:$0x2] =	wrdreg s3  }
0xa9: {  	[dreg:$0x3] =	wrdreg s5  }
0xaa: {  	[dreg:$0x4] =	wrdreg $0xC0  }
0xab: {  	_ =	task [dreg:s7], $0x5FFFF  }
0xac: {  	[dreg:$0x1] =	wrdreg $0xFFFFFFFF  }
0xad: {  	[dreg:$0x0] =	wrdreg $0x60  }
0xae: {  	[dreg:$0x2] =	wrdreg s24  }
0xaf: {  	[dreg:$0x3] =	wrdreg s2  }
0xb0: {  	[dreg:$0x4] =	wrdreg $0x170000  }
0xb1: {  	[dreg:$0x5] =	wrdreg $0x120000  }
0xb2: {  	[dreg:$0x6] =	wrdreg $0x9  }
0xb3: {  	_ =	task.clear_ibuf [dreg:s7], $0x7FFFF;
	_ =	strace $0x90000052  }
0xb4: {  	s29 =	simm.s32 $0x9;
	_ =	strace $0x80000054  }
0xb5: {  	_ =	swait.ge [sflag:s29], $0x1  }
0xb6: {  	[sflag:s29] =	ssyncadd.s32 $0xFFFFFFFF  }
0xb7: {  	_ =	strace $0x90000054  }
0xb8: {  	_ =	sfence  }
0xb9: {  	s30 =	sld [smem:$0x0];
	_ =	sdelay $0x2  }
0xba: {  	s31 =	sshll.u32 s1, $0xD;
	s1 =	sshrl.u32 s1, $0x2  }
0xbb: {  	s3 =	sand.u32 $0x4000, s31;
	s1 =	sadd.s32 s1, s30  }
0xbc: {  	s0 =	sor.u32 s3, s0;
	s1 =	sshll.u32 s1, $0x11  }
0xbd: {  	s0 =	sor.u32 s1, s0  }
0xbe: {  	s0 =	sadd.s32 $0x8F2B, s0  }
0xbf: {  	[sflag:s0] =	ssyncadd.remote.s32 $0x1  }
0xc0: {  	_ =	sfence.sel $0xFFFF  }
0xc1: {  	[dreg:$0x0] =	wrdreg $0xFFFFFFFF;
	(pc) =	sbr.abs _section_cstart, $3  }
0xc2: {  	[dreg:$0x1] =	wrdreg $0xFFFFFFFF  }
0xc3: {  	_ =	task.clear_ibuf [dreg:s7], $0x2FFFF;
	_ =	strace $0x9FFFFFFF  }
0xc4: {  	(tm) =	ssettm $0x7FFFFFFF  }
0xc5: {  	_ =	shalt  }
tec
execute0_lowered:
.L_overlay_start_1:
0x0: {  	(tag) =	ssettag $0x1  }
0x1: {  	s0 =	rddreg [dreg:$0x0]  }
0x2: {  	s1 =	rddreg [dreg:$0x1]  }
0x3: {  	s2 =	rddreg [dreg:$0x2]  }
0x4: {  	s3 =	rddreg [dreg:$0x3];
	s5 =	simm.s32 $0x0;
	s10 =	stileid.u32  }
0x5: {  	s4 =	srdreg.scid;
	s13 =	simm.s32 $0x1;
	s14 =	simm.s32 $0x4  }
0x6: {  	s15 =	simm.s32 $0x8;
	s28 =	simm.s32 $0xD000;
	s30 =	simm.s32 $0xE000  }
0x7: {  	s29 =	simm.s32 $0x5;
	s31 =	simm.s32 $0x6;
	s11 =	simm.s32 $0xE  }
0x8: {  	s12 =	simm.s32 $0xF;
	s16 =	simm.s32 $0x10;
	s17 =	smul.u32 $0xA000, s10  }
0x9: {  	[smem:$0x7FF] =	sst s5;
	s4 =	sand.u32 $0x1, s4;
	s7 =	smul.u32 $0xA00, s10  }
0xa: {  	s8 =	smul.u32 $0x5000, s10;
	s10 =	sshll.u32 s10, $0x6;
	_ =	strace $0x80000053  }
0xb: {  	s6 =	sshll.u32 s4, $0x5;
	s4 =	ssub.s32 $0x2, s4;
	s21 =	sor.u32 $0x1C01, s10  }
0xc: {  	[dreg:$0x6] =	wrdreg s10;
	s26 =	sor.u32 $0x1C02, s10;
	s10 =	simm.s32 $0xD  }
0xd: {  	s5 =	sor.u32 s6, s17;
	s18 =	sshrl.u32 s4, $0x1;
	s9 =	sadd.s32 s7, s0  }
0xe: {  	s19 =	sadd.s32 s8, s2;
	[dreg:$0x7] =	wrdreg s21;
	s22 =	sadd.s32 s8, s3  }
0xf: {  	s1 =	sadd.s32 s1, s7;
	[dreg:$0xd] =	wrdreg s26;
	s21 =	simm.s32 $0x80  }
0x10: {  	s26 =	simm.s32 $0x11000;
	s7 =	simm.s32 $0xA;
	s8 =	simm.s32 $0xB  }
0x11: {  	s17 =	simm.s32 $0x0;
	s5 =	sshrl.u32 s5, $0x3;
	s4 =	ssub.s32 s4, s18  }
0x12: {  	s23 =	sadd.s32 $0x12400, s9;
	[dreg:$0x9] =	wrdreg s1;
	s25 =	sshrl.u32 s19, $0x3  }
0x13: {  	s6 =	sshrl.u32 s22, $0x3;
	s19 =	simm.s32 $0x2;
	s22 =	simm.s32 $0xA000  }
0x14: {  	s18 =	simm.s32 $0x10000;
	s1 =	simm.s32 $0x7;
	[dreg:$0x8] =	wrdreg s23  }
0x15: {  	s9 =	simm.s32 $0xC;
	s0 =	sadd.s32 s5, s0;
	[dreg:$0xc] =	wrdreg s25  }
0x16: {  	s24 =	smax.u32 s4, $0x1;
	s23 =	simm.s32 $0xB000;
	[dreg:$0xe] =	wrdreg s6  }
0x17: {  	s25 =	simm.s32 $0xC000;
	s20 =	sadd.s32 $0x1C400, s0;
	[dreg:$0xb] =	wrdreg s24  }
0x18: {  	s0 =	sadd.s32 $0x30400, s0;
	s24 =	simm.s32 $0x9;
	[dreg:$0x5] =	wrdreg s20  }
0x19: {  	[dreg:$0xa] =	wrdreg s0;
	s20 =	simm.s32 $0x3;
	s0 =	simm.s32 $0xF000  }
.LBB2_1:
0x1a: {  	[dreg:$0xf] =	wrdreg s17  }
0x1b: {  	s5 =	rddreg [dreg:$0x5]  }
0x1c: {  	s4 =	smov.u32 s6;
	s6 =	rddreg [dreg:$0x7]  }
0x1d: {  	s17 =	rddreg [dreg:$0xc]  }
0x1e: {  	[spmem:s17@s14], [sflag:s6] =	dma.strided [hbm:s5@s15], $0xA00, s13, $0x4   }
0x1f: {  	s6 =	rddreg [dreg:$0xd]  }
0x20: {  	[spmem:s4@s14], [sflag:s6] =	dma.strided [hbm:s5@s15], $0xA00, s13, $0x4   }
0x21: {  	s5 =	simm.s32 $0x0;
	s6 =	rddreg [dreg:$0x8]  }
0x22: {  	[tilespmem:s5], [sflag:$0x3] =	stream.linear.gather [hbm4b:s6+s5], $0x5000, $0x38;
	[tilespmem:$0x1C000] =	vst v63  }
0x23: {  	s17 =	simm.s32 $0x5000;
	s4 =	rddreg [dreg:$0x9]  }
0x24: {  	[tilespmem:s17], [sflag:$0x4] =	stream.linear.gather [hbm4b:s4+s5], $0x5000, $0x38;
	[tilespmem:$0x1C000] =	vst v63  }
0x25: {  	_ =	swait.ge [sflag:s13], $0xA00  }
0x26: {  	[sflag:s13] =	ssyncset.done $0x0  }
0x27: {  	[sflag:s13] =	ssyncadd.s32 $0xFFFFF600  }
0x28: {  	_ =	swait.ge [sflag:s19], $0xA00  }
0x29: {  	[sflag:s19] =	ssyncset.done $0x0  }
0x2a: {  	[sflag:s19] =	ssyncadd.s32 $0xFFFFF600  }
0x2b: {  	_ =	swait.ge [sflag:s20], $0x5000  }
0x2c: {  	[sflag:s20] =	ssyncset.done $0x0  }
0x2d: {  	[sflag:s20] =	ssyncadd.s32 $0xFFFFB000  }
0x2e: {  	_ =	swait.ge [sflag:s14], $0x5000  }
0x2f: {  	[sflag:s14] =	ssyncset.done $0x0  }
0x30: {  	[sflag:s14] =	ssyncadd.s32 $0xFFFFB000  }
0x31: {  	[bflag:$0x0] =	sbarrier.arrive $0xFFFF  }
0x32: {  	[tilespmem:s22], [sflag:$0x1] =	stream.indirect.gather [spmem:s2], $0x20, s5, s21, $0xb8;
	[tilespmem:$0x1C000] =	vst v63  }
0x33: {  	_ = 	snop  }
0x34: {  	[tilespmem:s23], [sflag:$0x2] =	stream.indirect.gather [spmem:s2], $0x20, s21, s21, $0xb8;
	[tilespmem:$0x1C000] =	vst v63  }
0x35: {  	s5 =	simm.s32 $0x100  }
0x36: {  	[tilespmem:s25], [sflag:$0x3] =	stream.indirect.gather [spmem:s2], $0x20, s5, s21, $0xb8;
	[tilespmem:$0x1C000] =	vst v63  }
0x37: {  	s6 =	simm.s32 $0x180  }
0x38: {  	[tilespmem:s28], [sflag:$0x4] =	stream.indirect.gather [spmem:s2], $0x20, s6, s21, $0xb8;
	[tilespmem:$0x1C000] =	vst v63  }
0x39: {  	s17 =	simm.s32 $0x200  }
0x3a: {  	[tilespmem:s30], [sflag:$0x5] =	stream.indirect.gather [spmem:s2], $0x20, s17, s21, $0xb8;
	[tilespmem:$0x1C000] =	vst v63  }
0x3b: {  	s5 =	simm.s32 $0x280  }
0x3c: {  	[tilespmem:s0], [sflag:$0x6] =	stream.indirect.gather [spmem:s2], $0x20, s5, s21, $0xb8;
	[tilespmem:$0x1C000] =	vst v63  }
0x3d: {  	s6 =	simm.s32 $0x300  }
0x3e: {  	[tilespmem:s18], [sflag:$0x7] =	stream.indirect.gather [spmem:s2], $0x20, s6, s21, $0xb8;
	[tilespmem:$0x1C000] =	vst v63  }
0x3f: {  	s17 =	simm.s32 $0x380  }
0x40: {  	[tilespmem:s26], [sflag:$0x8] =	stream.indirect.gather [spmem:s2], $0x20, s17, s21, $0xb8;
	[tilespmem:$0x1C000] =	vst v63  }
0x41: {  	_ =	swait.ge [sflag:s13], $0x1000  }
0x42: {  	[sflag:s13] =	ssyncset.done $0x0  }
0x43: {  	s4 =	simm.s32 $0x5000;
	[sflag:s13] =	ssyncadd.s32 $0xFFFFF000  }
0x44: {  	[spmem:s3] =	stream.indirect.scatter.add.f32 [tilespmem:s22], [sflag:$0x9], $0x20, s4, s21, $0xb8;
	[tilespmem:$0x1C000] =	vst v63  }
0x45: {  	_ =	swait.ge [sflag:s19], $0x1000  }
0x46: {  	[sflag:s19] =	ssyncset.done $0x0  }
0x47: {  	s6 =	simm.s32 $0x5080;
	[sflag:s19] =	ssyncadd.s32 $0xFFFFF000  }
0x48: {  	[spmem:s3] =	stream.indirect.scatter.add.f32 [tilespmem:s23], [sflag:$0xA], $0x20, s6, s21, $0xb8;
	[tilespmem:$0x1C000] =	vst v63  }
0x49: {  	_ =	swait.ge [sflag:s20], $0x1000  }
0x4a: {  	[sflag:s20] =	ssyncset.done $0x0  }
0x4b: {  	s17 =	simm.s32 $0x5100;
	[sflag:s20] =	ssyncadd.s32 $0xFFFFF000  }
0x4c: {  	[spmem:s3] =	stream.indirect.scatter.add.f32 [tilespmem:s25], [sflag:$0xB], $0x20, s17, s21, $0xb8;
	[tilespmem:$0x1C000] =	vst v63  }
0x4d: {  	_ =	swait.ge [sflag:s14], $0x1000  }
0x4e: {  	[sflag:s14] =	ssyncset.done $0x0  }
0x4f: {  	s4 =	simm.s32 $0x5180;
	[sflag:s14] =	ssyncadd.s32 $0xFFFFF000  }
0x50: {  	[spmem:s3] =	stream.indirect.scatter.add.f32 [tilespmem:s28], [sflag:$0xC], $0x20, s4, s21, $0xb8;
	[tilespmem:$0x1C000] =	vst v63  }
0x51: {  	_ =	swait.ge [sflag:s29], $0x1000  }
0x52: {  	[sflag:s29] =	ssyncset.done $0x0  }
0x53: {  	s6 =	simm.s32 $0x5200;
	[sflag:s29] =	ssyncadd.s32 $0xFFFFF000  }
0x54: {  	[spmem:s3] =	stream.indirect.scatter.add.f32 [tilespmem:s30], [sflag:$0xD], $0x20, s6, s21, $0xb8;
	[tilespmem:$0x1C000] =	vst v63  }
0x55: {  	_ =	swait.ge [sflag:s31], $0x1000  }
0x56: {  	[sflag:s31] =	ssyncset.done $0x0  }
0x57: {  	s17 =	simm.s32 $0x5280;
	[sflag:s31] =	ssyncadd.s32 $0xFFFFF000  }
0x58: {  	[spmem:s3] =	stream.indirect.scatter.add.f32 [tilespmem:s0], [sflag:$0xE], $0x20, s17, s21, $0xb8;
	[tilespmem:$0x1C000] =	vst v63  }
0x59: {  	_ =	swait.ge [sflag:s1], $0x1000  }
0x5a: {  	[sflag:s1] =	ssyncset.done $0x0  }
0x5b: {  	s4 =	simm.s32 $0x5300;
	[sflag:s1] =	ssyncadd.s32 $0xFFFFF000  }
0x5c: {  	[spmem:s3] =	stream.indirect.scatter.add.f32 [tilespmem:s18], [sflag:$0xF], $0x20, s4, s21, $0xb8;
	[tilespmem:$0x1C000] =	vst v63  }
0x5d: {  	_ =	swait.ge [sflag:s15], $0x1000  }
0x5e: {  	[sflag:s15] =	ssyncset.done $0x0  }
0x5f: {  	s6 =	simm.s32 $0x5380;
	[sflag:s15] =	ssyncadd.s32 $0xFFFFF000  }
0x60: {  	[spmem:s3] =	stream.indirect.scatter.add.f32 [tilespmem:s26], [sflag:$0x10], $0x20, s6, s21, $0xb8;
	[tilespmem:$0x1C000] =	vst v63  }
0x61: {  	_ =	swait.ge [sflag:s24], $0x1000  }
0x62: {  	[sflag:s24] =	ssyncset.done $0x0  }
0x63: {  	s17 =	simm.s32 $0x400;
	[sflag:s24] =	ssyncadd.s32 $0xFFFFF000  }
0x64: {  	[tilespmem:s22], [sflag:$0x1] =	stream.indirect.gather [spmem:s2], $0x20, s17, s21, $0xb8;
	[tilespmem:$0x1C000] =	vst v63  }
0x65: {  	_ =	swait.ge [sflag:s7], $0x1000  }
0x66: {  	[sflag:s7] =	ssyncset.done $0x0  }
0x67: {  	s4 =	simm.s32 $0x480;
	[sflag:s7] =	ssyncadd.s32 $0xFFFFF000  }
0x68: {  	[tilespmem:s23], [sflag:$0x2] =	stream.indirect.gather [spmem:s2], $0x20, s4, s21, $0xb8;
	[tilespmem:$0x1C000] =	vst v63  }
0x69: {  	_ =	swait.ge [sflag:s8], $0x1000  }
0x6a: {  	[sflag:s8] =	ssyncset.done $0x0  }
0x6b: {  	s6 =	simm.s32 $0x500;
	[sflag:s8] =	ssyncadd.s32 $0xFFFFF000  }
0x6c: {  	[tilespmem:s25], [sflag:$0x3] =	stream.indirect.gather [spmem:s2], $0x20, s6, s21, $0xb8;
	[tilespmem:$0x1C000] =	vst v63  }
0x6d: {  	_ =	swait.ge [sflag:s9], $0x1000  }
0x6e: {  	[sflag:s9] =	ssyncset.done $0x0  }
0x6f: {  	s17 =	simm.s32 $0x580;
	[sflag:s9] =	ssyncadd.s32 $0xFFFFF000  }
0x70: {  	[tilespmem:s28], [sflag:$0x4] =	stream.indirect.gather [spmem:s2], $0x20, s17, s21, $0xb8;
	[tilespmem:$0x1C000] =	vst v63  }
0x71: {  	_ =	swait.ge [sflag:s10], $0x1000  }
0x72: {  	[sflag:s10] =	ssyncset.done $0x0  }
0x73: {  	s4 =	simm.s32 $0x600;
	[sflag:s10] =	ssyncadd.s32 $0xFFFFF000  }
0x74: {  	[tilespmem:s30], [sflag:$0x5] =	stream.indirect.gather [spmem:s2], $0x20, s4, s21, $0xb8;
	[tilespmem:$0x1C000] =	vst v63  }
0x75: {  	_ =	swait.ge [sflag:s11], $0x1000  }
0x76: {  	[sflag:s11] =	ssyncset.done $0x0  }
0x77: {  	s6 =	simm.s32 $0x680;
	[sflag:s11] =	ssyncadd.s32 $0xFFFFF000  }
0x78: {  	[tilespmem:s0], [sflag:$0x6] =	stream.indirect.gather [spmem:s2], $0x20, s6, s21, $0xb8;
	[tilespmem:$0x1C000] =	vst v63  }
0x79: {  	_ =	swait.ge [sflag:s12], $0x1000  }
0x7a: {  	[sflag:s12] =	ssyncset.done $0x0  }
0x7b: {  	s17 =	simm.s32 $0x700;
	[sflag:s12] =	ssyncadd.s32 $0xFFFFF000  }
0x7c: {  	[tilespmem:s18], [sflag:$0x7] =	stream.indirect.gather [spmem:s2], $0x20, s17, s21, $0xb8;
	[tilespmem:$0x1C000] =	vst v63  }
0x7d: {  	_ =	swait.ge [sflag:s16], $0x1000  }
0x7e: {  	[sflag:s16] =	ssyncset.done $0x0  }
0x7f: {  	s5 =	simm.s32 $0x780;
	s6 =	simm.s32 $0x1000;
	[sflag:s16] =	ssyncadd.s32 $0xFFFFF000  }
.LBB2_2:
0x80: {  	[tilespmem:s26], [sflag:$0x8] =	stream.indirect.gather [spmem:s2], $0x20, s5, s21, $0xb8;
	[tilespmem:$0x1C000] =	vst v63  }
0x81: {  	s5 =	smov.u32 s6  }
0x82: {  	p0 =	sne.s32 s6, $0x12000;
	s6 =	sadd.s32 $0x1000, s6;
	_ =	swait.ge [sflag:s13], $0x1000  }
0x83: {  	s5 =	sshra.s32 s5, $0x2;
	[sflag:s13] =	ssyncset.done $0x0  }
0x84: {  	s17 =	sadd.s32 $0x5000, s5;
	[sflag:s13] =	ssyncadd.s32 $0xFFFFF000  }
0x85: {  	[spmem:s3] =	stream.indirect.scatter.add.f32 [tilespmem:s22], [sflag:$0x9], $0x20, s17, s21, $0xb8;
	[tilespmem:$0x1C000] =	vst v63  }
0x86: {  	_ =	swait.ge [sflag:s19], $0x1000  }
0x87: {  	[sflag:s19] =	ssyncset.done $0x0  }
0x88: {  	s17 =	sadd.s32 $0x5080, s5;
	[sflag:s19] =	ssyncadd.s32 $0xFFFFF000  }
0x89: {  	[spmem:s3] =	stream.indirect.scatter.add.f32 [tilespmem:s23], [sflag:$0xA], $0x20, s17, s21, $0xb8;
	[tilespmem:$0x1C000] =	vst v63  }
0x8a: {  	_ =	swait.ge [sflag:s20], $0x1000  }
0x8b: {  	[sflag:s20] =	ssyncset.done $0x0  }
0x8c: {  	s17 =	sadd.s32 $0x5100, s5;
	[sflag:s20] =	ssyncadd.s32 $0xFFFFF000  }
0x8d: {  	[spmem:s3] =	stream.indirect.scatter.add.f32 [tilespmem:s25], [sflag:$0xB], $0x20, s17, s21, $0xb8;
	[tilespmem:$0x1C000] =	vst v63  }
0x8e: {  	_ =	swait.ge [sflag:s14], $0x1000  }
0x8f: {  	[sflag:s14] =	ssyncset.done $0x0  }
0x90: {  	s17 =	sadd.s32 $0x5180, s5;
	[sflag:s14] =	ssyncadd.s32 $0xFFFFF000  }
0x91: {  	[spmem:s3] =	stream.indirect.scatter.add.f32 [tilespmem:s28], [sflag:$0xC], $0x20, s17, s21, $0xb8;
	[tilespmem:$0x1C000] =	vst v63  }
0x92: {  	_ =	swait.ge [sflag:s29], $0x1000  }
0x93: {  	[sflag:s29] =	ssyncset.done $0x0  }
0x94: {  	s17 =	sadd.s32 $0x5200, s5;
	[sflag:s29] =	ssyncadd.s32 $0xFFFFF000  }
0x95: {  	[spmem:s3] =	stream.indirect.scatter.add.f32 [tilespmem:s30], [sflag:$0xD], $0x20, s17, s21, $0xb8;
	[tilespmem:$0x1C000] =	vst v63  }
0x96: {  	_ =	swait.ge [sflag:s31], $0x1000  }
0x97: {  	[sflag:s31] =	ssyncset.done $0x0  }
0x98: {  	s17 =	sadd.s32 $0x5280, s5;
	[sflag:s31] =	ssyncadd.s32 $0xFFFFF000  }
0x99: {  	[spmem:s3] =	stream.indirect.scatter.add.f32 [tilespmem:s0], [sflag:$0xE], $0x20, s17, s21, $0xb8;
	[tilespmem:$0x1C000] =	vst v63  }
0x9a: {  	_ =	swait.ge [sflag:s1], $0x1000  }
0x9b: {  	[sflag:s1] =	ssyncset.done $0x0  }
0x9c: {  	s17 =	sadd.s32 $0x5300, s5;
	[sflag:s1] =	ssyncadd.s32 $0xFFFFF000  }
0x9d: {  	[spmem:s3] =	stream.indirect.scatter.add.f32 [tilespmem:s18], [sflag:$0xF], $0x20, s17, s21, $0xb8;
	[tilespmem:$0x1C000] =	vst v63  }
0x9e: {  	_ =	swait.ge [sflag:s15], $0x1000  }
0x9f: {  	[sflag:s15] =	ssyncset.done $0x0  }
0xa0: {  	s17 =	sadd.s32 $0x5380, s5;
	[sflag:s15] =	ssyncadd.s32 $0xFFFFF000  }
0xa1: {  	[spmem:s3] =	stream.indirect.scatter.add.f32 [tilespmem:s26], [sflag:$0x10], $0x20, s17, s21, $0xb8;
	[tilespmem:$0x1C000] =	vst v63  }
0xa2: {  	_ =	swait.ge [sflag:s24], $0x1000  }
0xa3: {  	[sflag:s24] =	ssyncset.done $0x0  }
0xa4: {  	s17 =	sadd.s32 $0x400, s5;
	[sflag:s24] =	ssyncadd.s32 $0xFFFFF000  }
0xa5: {  	[tilespmem:s22], [sflag:$0x1] =	stream.indirect.gather [spmem:s2], $0x20, s17, s21, $0xb8;
	[tilespmem:$0x1C000] =	vst v63  }
0xa6: {  	_ =	swait.ge [sflag:s7], $0x1000  }
0xa7: {  	[sflag:s7] =	ssyncset.done $0x0  }
0xa8: {  	s17 =	sadd.s32 $0x480, s5;
	[sflag:s7] =	ssyncadd.s32 $0xFFFFF000  }
0xa9: {  	[tilespmem:s23], [sflag:$0x2] =	stream.indirect.gather [spmem:s2], $0x20, s17, s21, $0xb8;
	[tilespmem:$0x1C000] =	vst v63  }
0xaa: {  	_ =	swait.ge [sflag:s8], $0x1000  }
0xab: {  	[sflag:s8] =	ssyncset.done $0x0  }
0xac: {  	s17 =	sadd.s32 $0x500, s5;
	[sflag:s8] =	ssyncadd.s32 $0xFFFFF000  }
0xad: {  	[tilespmem:s25], [sflag:$0x3] =	stream.indirect.gather [spmem:s2], $0x20, s17, s21, $0xb8;
	[tilespmem:$0x1C000] =	vst v63  }
0xae: {  	_ =	swait.ge [sflag:s9], $0x1000  }
0xaf: {  	[sflag:s9] =	ssyncset.done $0x0  }
0xb0: {  	s17 =	sadd.s32 $0x580, s5;
	[sflag:s9] =	ssyncadd.s32 $0xFFFFF000  }
0xb1: {  	[tilespmem:s28], [sflag:$0x4] =	stream.indirect.gather [spmem:s2], $0x20, s17, s21, $0xb8;
	[tilespmem:$0x1C000] =	vst v63  }
0xb2: {  	_ =	swait.ge [sflag:s10], $0x1000  }
0xb3: {  	[sflag:s10] =	ssyncset.done $0x0  }
0xb4: {  	s17 =	sadd.s32 $0x600, s5;
	[sflag:s10] =	ssyncadd.s32 $0xFFFFF000  }
0xb5: {  	[tilespmem:s30], [sflag:$0x5] =	stream.indirect.gather [spmem:s2], $0x20, s17, s21, $0xb8;
	[tilespmem:$0x1C000] =	vst v63  }
0xb6: {  	_ =	swait.ge [sflag:s11], $0x1000  }
0xb7: {  	[sflag:s11] =	ssyncset.done $0x0  }
0xb8: {  	s17 =	sadd.s32 $0x680, s5;
	[sflag:s11] =	ssyncadd.s32 $0xFFFFF000  }
0xb9: {  	[tilespmem:s0], [sflag:$0x6] =	stream.indirect.gather [spmem:s2], $0x20, s17, s21, $0xb8;
	[tilespmem:$0x1C000] =	vst v63  }
0xba: {  	_ =	swait.ge [sflag:s12], $0x1000  }
0xbb: {  	[sflag:s12] =	ssyncset.done $0x0  }
.Ltmp0:
0xbc: {  	s17 =	sadd.s32 $0x700, s5;
	[sflag:s12] =	ssyncadd.s32 $0xFFFFF000;
	(pc) =	sbr.rel @p0 .LBB2_2-.Ltmp0, $4  }
0xbd: {  	[tilespmem:s18], [sflag:$0x7] =	stream.indirect.gather [spmem:s2], $0x20, s17, s21, $0xb8;
	[tilespmem:$0x1C000] =	vst v63  }
0xbe: {  	_ =	swait.ge [sflag:s16], $0x1000  }
0xbf: {  	[sflag:s16] =	ssyncset.done $0x0  }
0xc0: {  	s5 =	sadd.s32 $0x780, s5;
	[sflag:s16] =	ssyncadd.s32 $0xFFFFF000  }
0xc1: {  	[tilespmem:s26], [sflag:$0x8] =	stream.indirect.gather [spmem:s2], $0x20, s5, s21, $0xb8;
	[tilespmem:$0x1C000] =	vst v63  }
0xc2: {  	_ =	swait.ge [sflag:s13], $0x1000  }
0xc3: {  	[sflag:s13] =	ssyncset.done $0x0  }
0xc4: {  	s4 =	simm.s32 $0x9C00;
	[sflag:s13] =	ssyncadd.s32 $0xFFFFF000  }
0xc5: {  	[spmem:s3] =	stream.indirect.scatter.add.f32 [tilespmem:s22], [sflag:$0x9], $0x20, s4, s21, $0xb8;
	[tilespmem:$0x1C000] =	vst v63  }
0xc6: {  	_ =	swait.ge [sflag:s19], $0x1000  }
0xc7: {  	[sflag:s19] =	ssyncset.done $0x0  }
0xc8: {  	s5 =	simm.s32 $0x9C80;
	[sflag:s19] =	ssyncadd.s32 $0xFFFFF000  }
0xc9: {  	[spmem:s3] =	stream.indirect.scatter.add.f32 [tilespmem:s23], [sflag:$0xA], $0x20, s5, s21, $0xb8;
	[tilespmem:$0x1C000] =	vst v63  }
0xca: {  	_ =	swait.ge [sflag:s20], $0x1000  }
0xcb: {  	[sflag:s20] =	ssyncset.done $0x0  }
0xcc: {  	s6 =	simm.s32 $0x9D00;
	[sflag:s20] =	ssyncadd.s32 $0xFFFFF000  }
0xcd: {  	[spmem:s3] =	stream.indirect.scatter.add.f32 [tilespmem:s25], [sflag:$0xB], $0x20, s6, s21, $0xb8;
	[tilespmem:$0x1C000] =	vst v63  }
0xce: {  	_ =	swait.ge [sflag:s14], $0x1000  }
0xcf: {  	[sflag:s14] =	ssyncset.done $0x0  }
0xd0: {  	s17 =	simm.s32 $0x9D80;
	[sflag:s14] =	ssyncadd.s32 $0xFFFFF000  }
0xd1: {  	[spmem:s3] =	stream.indirect.scatter.add.f32 [tilespmem:s28], [sflag:$0xC], $0x20, s17, s21, $0xb8;
	[tilespmem:$0x1C000] =	vst v63  }
0xd2: {  	_ =	swait.ge [sflag:s29], $0x1000  }
0xd3: {  	[sflag:s29] =	ssyncset.done $0x0  }
0xd4: {  	s5 =	simm.s32 $0x9E00;
	[sflag:s29] =	ssyncadd.s32 $0xFFFFF000  }
0xd5: {  	[spmem:s3] =	stream.indirect.scatter.add.f32 [tilespmem:s30], [sflag:$0xD], $0x20, s5, s21, $0xb8;
	[tilespmem:$0x1C000] =	vst v63  }
0xd6: {  	_ =	swait.ge [sflag:s31], $0x1000  }
0xd7: {  	[sflag:s31] =	ssyncset.done $0x0  }
0xd8: {  	s6 =	simm.s32 $0x9E80;
	[sflag:s31] =	ssyncadd.s32 $0xFFFFF000  }
0xd9: {  	[spmem:s3] =	stream.indirect.scatter.add.f32 [tilespmem:s0], [sflag:$0xE], $0x20, s6, s21, $0xb8;
	[tilespmem:$0x1C000] =	vst v63  }
0xda: {  	_ =	swait.ge [sflag:s1], $0x1000  }
0xdb: {  	[sflag:s1] =	ssyncset.done $0x0  }
0xdc: {  	s17 =	simm.s32 $0x9F00;
	[sflag:s1] =	ssyncadd.s32 $0xFFFFF000  }
0xdd: {  	[spmem:s3] =	stream.indirect.scatter.add.f32 [tilespmem:s18], [sflag:$0xF], $0x20, s17, s21, $0xb8;
	[tilespmem:$0x1C000] =	vst v63  }
0xde: {  	_ =	swait.ge [sflag:s15], $0x1000  }
0xdf: {  	[sflag:s15] =	ssyncset.done $0x0  }
0xe0: {  	s5 =	simm.s32 $0x9F80;
	[sflag:s15] =	ssyncadd.s32 $0xFFFFF000  }
0xe1: {  	[spmem:s3] =	stream.indirect.scatter.add.f32 [tilespmem:s26], [sflag:$0x10], $0x20, s5, s21, $0xb8;
	[tilespmem:$0x1C000] =	vst v63  }
0xe2: {  	_ =	swait.ge [sflag:s24], $0x1000  }
0xe3: {  	[sflag:s24] =	ssyncset.done $0x0  }
0xe4: {  	[sflag:s24] =	ssyncadd.s32 $0xFFFFF000  }
0xe5: {  	_ =	swait.ge [sflag:s7], $0x1000  }
0xe6: {  	[sflag:s7] =	ssyncset.done $0x0  }
0xe7: {  	[sflag:s7] =	ssyncadd.s32 $0xFFFFF000  }
0xe8: {  	_ =	swait.ge [sflag:s8], $0x1000  }
0xe9: {  	[sflag:s8] =	ssyncset.done $0x0  }
0xea: {  	[sflag:s8] =	ssyncadd.s32 $0xFFFFF000  }
0xeb: {  	_ =	swait.ge [sflag:s9], $0x1000  }
0xec: {  	[sflag:s9] =	ssyncset.done $0x0  }
0xed: {  	[sflag:s9] =	ssyncadd.s32 $0xFFFFF000  }
0xee: {  	_ =	swait.ge [sflag:s10], $0x1000  }
0xef: {  	[sflag:s10] =	ssyncset.done $0x0  }
0xf0: {  	[sflag:s10] =	ssyncadd.s32 $0xFFFFF000  }
0xf1: {  	_ =	swait.ge [sflag:s11], $0x1000  }
0xf2: {  	[sflag:s11] =	ssyncset.done $0x0  }
0xf3: {  	[sflag:s11] =	ssyncadd.s32 $0xFFFFF000  }
0xf4: {  	_ =	swait.ge [sflag:s12], $0x1000  }
0xf5: {  	[sflag:s12] =	ssyncset.done $0x0  }
0xf6: {  	[sflag:s12] =	ssyncadd.s32 $0xFFFFF000  }
0xf7: {  	_ =	swait.ge [sflag:s16], $0x1000  }
0xf8: {  	[sflag:s16] =	ssyncset.done $0x0  }
0xf9: {  	[sflag:s16] =	ssyncadd.s32 $0xFFFFF000  }
0xfa: {  	[bflag:$0x0] =	sbarrier.arrive $0xFFFF  }
0xfb: {  	s6 =	rddreg [dreg:$0x6]  }
0xfc: {  	s17 =	rddreg [dreg:$0xe]  }
0xfd: {  	s4 =	simm.s32 $0x11;
	s5 =	sor.u32 $0x1C11, s6;
	s6 =	rddreg [dreg:$0xa]  }
0xfe: {  	[hbm:s6@s15], [sflag:s5] =	dma.strided [spmem:s17@s14], $0xA00, s13, $0x4   }
0xff: {  	_ =	swait.ge [sflag:s4], $0xA00  }
0x100: {  	s6 =	smov.u32 s17;
	s17 =	rddreg [dreg:$0xf]  }
0x101: {  	s5 =	rddreg [dreg:$0xb];
	s17 =	sadd.s32 $0x1, s17  }
0x102: {  	p0 =	sne.s32 s17, s5  }
.Ltmp1:
0x103: {  	_ = 	snop;
	(pc) =	sbr.rel @p0 .LBB2_1-.Ltmp1, $3  }
0x104: {  	_ =	sdelay $0x1  }
0x105: {  	[sflag:s4] =	ssyncset.done $0x0  }
0x106: {  	[sflag:s4] =	ssyncadd.s32 $0xFFFFF600  }
0x107: {  	_ =	sfence.sel $0x180000  }
0x108: {  	[bflag:$0x0] =	sbarrier.arrive $0xFFFF  }
0x109: {  	_ =	strace $0x90000053  }
0x10a: {  	s0 =	stileid.u32;
	[bflag:$0x2] =	sbarrier.arrive $0xFFFF  }
0x10b: {  	p0 =	sne.s32 s0, $0x0;
	s0 =	rddreg [dreg:$0x4]  }
0x10c: {  	s0 =	sadd.s32 @!p0 $0x100000, s0  }
0x10d: {  	[sflag:s0] =	ssyncadd.tile.s32 @!p0 $0x1;
	_ =	shalt  }
.Lfunc_end2:
_tile_overlayer_lowered:
.L_overlay_start_2:
0x10e: {  	(tag) =	ssettag $0x2  }
0x10f: {  	s0 =	rddreg [dreg:$0x0];
	s2 =	stileid.u32  }
0x110: {  	s1 =	rddreg [dreg:$0x1];
	p0 =	sne.s32 s2, $0x0  }
0x111: {  	s3 =	rddreg [dreg:$0x2];
	[bflag:$0x3] =	sbarrier.arrive $0xFFFF;
	s2 =	simm.s32 @!p0 $0x1C11  }
0x112: {  	[timem:s3], [sflag:s2] =	dma.local @!p0 [hbm:s0], s1  }
0x113: {  	s0 =	simm.s32 @!p0 $0x11  }
0x114: {  	_ =	swait.ge @!p0 [sflag:s0], s1  }
0x115: {  	s1 =	ssub.s32 @!p0 $0x0, s1;
	[sflag:s0] =	ssyncset.done @!p0 $0x0  }
0x116: {  	[sflag:s0] =	ssyncadd.s32 @!p0 s1  }
0x117: {  	[bflag:$0x3] =	sbarrier.arrive $0xFFFF  }
0x118: {  	_ =	shalt  }

</sc_bundles>
